<compile_context>
chip_gen: v7x
topology: tpu7x:2x2x1
jax: 0.10.2.dev20260603
libtpu: 0.0.44.dev20260713+nightly
codegen_flags: <defaults>
</compile_context>

<pallas_src>
import functools

import jax
import jax.numpy as jnp
from jax import lax
from jax.experimental import pallas as pl
from jax.experimental.pallas import tpu as pltpu
from jax.experimental.pallas import tpu_sc as plsc

B = 16384
D = 64
NC = 2
NS = 16
NW = NC * NS
BPW = B // NW
CHUNK = 32
NCHUNK = BPW // CHUNK


def _body(h_hbm, r_hbm, t_hbm, ent_hbm, rel_hbm, out_hbm,
          hi, ti, ri, hb, tb, rbuf, ob, sem, sem_r):
    c = lax.axis_index("c")
    s = lax.axis_index("s")
    lid = c * NS + s
    base = lid * BPW
    pltpu.sync_copy(h_hbm.at[pl.ds(base, BPW)], hi)
    pltpu.sync_copy(t_hbm.at[pl.ds(base, BPW)], ti)
    pltpu.sync_copy(r_hbm.at[pl.ds(lid * NCHUNK, NCHUNK)], ri)

    def chunk(ci, _):
        rel_cp = pltpu.async_copy(rel_hbm.at[ri.at[ci]], rbuf, sem_r)

        def fire(g, _):
            hv = (hi[pl.ds(ci * CHUNK + g * 16, 16)] >> 3) << 3
            tv = (ti[pl.ds(ci * CHUNK + g * 16, 16)] >> 3) << 3
            for l in range(16):
                bh = pl.multiple_of(hv[l], 8)
                bt = pl.multiple_of(tv[l], 8)
                pltpu.async_copy(ent_hbm.at[pl.ds(bh, 8), :],
                                 hb.at[g * 16 + l], sem)
                pltpu.async_copy(ent_hbm.at[pl.ds(bt, 8), :],
                                 tb.at[g * 16 + l], sem)
            return _

        lax.fori_loop(0, CHUNK // 16, fire, None)

        def drain(g, _):
            for l in range(16):
                pltpu.make_async_copy(ent_hbm.at[pl.ds(0, 8), :],
                                      hb.at[g * 16 + l], sem).wait()
                pltpu.make_async_copy(ent_hbm.at[pl.ds(0, 8), :],
                                      tb.at[g * 16 + l], sem).wait()
            return _

        lax.fori_loop(0, CHUNK // 16, drain, None)
        rel_cp.wait()

        def comb(g, _):
            hv = hi[pl.ds(ci * CHUNK + g * 16, 16)]
            tv = ti[pl.ds(ci * CHUNK + g * 16, 16)]
            for l in range(16):
                i = g * 16 + l
                rh = hv[l] & 7
                rt = tv[l] & 7
                for k in range(D // 16):
                    sl = pl.ds(k * 16, 16)
                    ob[i, sl] = hb[i, rh, sl] + rbuf[i, sl] - tb[i, rt, sl]
            return _

        lax.fori_loop(0, CHUNK // 16, comb, None)
        pltpu.sync_copy(ob, out_hbm.at[pl.ds(base + ci * CHUNK, CHUNK)])
        return _

    lax.fori_loop(0, NCHUNK, chunk, None)


@jax.jit
def kernel(h, r, t, entity_table, relation_table):
    mesh = plsc.VectorSubcoreMesh(core_axis_name="c", subcore_axis_name="s")
    k = functools.partial(
        pl.kernel,
        mesh=mesh,
        out_type=jax.ShapeDtypeStruct((B, D), jnp.float32),
        scratch_types=[
            pltpu.VMEM((BPW,), jnp.int32),
            pltpu.VMEM((BPW,), jnp.int32),
            pltpu.VMEM((NCHUNK, CHUNK), jnp.int32),
            pltpu.VMEM((CHUNK, 8, D), jnp.float32),
            pltpu.VMEM((CHUNK, 8, D), jnp.float32),
            pltpu.VMEM((CHUNK, 2 * D), jnp.float32),
            pltpu.VMEM((CHUNK, D), jnp.float32),
            pltpu.SemaphoreType.DMA,
            pltpu.SemaphoreType.DMA,
        ],
    )(_body)
    rel2 = jnp.pad(relation_table, ((0, 0), (0, D)))
    r2 = r.reshape(B // CHUNK, CHUNK)
    return k(h, r2, t, entity_table, rel2)

# --- scband reference (transcript-rebuilt; emitter-appended) ---
"""Pipeline reference for scband-trans-euncertainty-52484500357711 (READ-ONLY COPY).

The authoritative reference and input builder live on the scoring server;
editing this copy changes nothing except your own understanding.
"""

import jax, jax.numpy as jnp
import numpy as np

NUM_ENTITIES = 1000000
NUM_RELATIONS = 1000
EMBED_DIM = 64
BATCH = 16384


def setup_inputs(seed: int = 0) -> dict:
    key = jax.random.key(seed)
    k1, k2, k3, k4, k5 = jax.random.split(key, 5)
    h = jax.random.randint(k1, (BATCH,), 0, NUM_ENTITIES, dtype=jnp.int32)
    r = jax.random.randint(k2, (BATCH,), 0, NUM_RELATIONS, dtype=jnp.int32)
    t = jax.random.randint(k3, (BATCH,), 0, NUM_ENTITIES, dtype=jnp.int32)
    entity_table = jax.random.normal(k4, (NUM_ENTITIES, EMBED_DIM), dtype=jnp.float32)
    relation_table = jax.random.normal(k5, (NUM_RELATIONS, EMBED_DIM), dtype=jnp.float32)
    return {"h": h, "r": r, "t": t, "entity_table": entity_table, "relation_table": relation_table}


def reference(h, r, t, entity_table, relation_table):
    # TransE score vector: E[h] + R[r] - E[t]
    h_emb = jnp.take(entity_table, h, axis=0)
    r_emb = jnp.take(relation_table, r, axis=0)
    t_emb = jnp.take(entity_table, t, axis=0)
    return h_emb + r_emb - t_emb

if __name__ == "__main__":
    import jax
    _d = setup_inputs()
    print(jax.jit(kernel)(*tuple(_d.values())))

</pallas_src>

<mosaic_0001>
#map = affine_map<(d0, d1) -> (0)>
#map1 = affine_map<(d0, d1) -> (0, 0)>
module attributes {stable_mosaic.version = 14 : i64} {
  func.func @_body(%arg0: i32, %arg1: i32, %arg2: memref<16384xi32, #tpu.memory_space<hbm>>, %arg3: memref<512x32xi32, #tpu.memory_space<hbm>>, %arg4: memref<16384xi32, #tpu.memory_space<hbm>>, %arg5: memref<1000000x64xf32, #tpu.memory_space<hbm>>, %arg6: memref<1000x128xf32, #tpu.memory_space<hbm>>, %arg7: memref<16384x64xf32, #tpu.memory_space<hbm>>, %arg8: memref<512xi32, #tpu.memory_space<vmem>>, %arg9: memref<512xi32, #tpu.memory_space<vmem>>, %arg10: memref<16x32xi32, #tpu.memory_space<vmem>>, %arg11: memref<32x8x64xf32, #tpu.memory_space<vmem>>, %arg12: memref<32x8x64xf32, #tpu.memory_space<vmem>>, %arg13: memref<32x128xf32, #tpu.memory_space<vmem>>, %arg14: memref<32x64xf32, #tpu.memory_space<vmem>>, %arg15: memref<!tpu.dma_semaphore, #tpu.memory_space<semaphore_mem>>, %arg16: memref<!tpu.dma_semaphore, #tpu.memory_space<semaphore_mem>>) attributes {dimension_semantics = [#tpu.dimension_semantics<core_parallel>, #tpu.dimension_semantics<subcore_parallel>], iteration_bounds = array<i64: 2, 16>, scalar_prefetch = 0 : i64, scratch_operands = 9 : i64, tpu.core_type = #tpu.core_type<sc_vector_subcore>, window_params = [{transform_indices = #map}, {transform_indices = #map1}, {transform_indices = #map}, {transform_indices = #map1}, {transform_indices = #map1}, {transform_indices = #map1}]} {
    %mul3A = arith.constant 16 : i32
    %mul3A_0 = arith.muli %arg0, %mul3A : i32
    %add3A = arith.addi %mul3A_0, %arg1 : i32
    %mul3A_1 = arith.constant 512 : i32
    %mul3A_2 = arith.muli %add3A, %mul3A_1 : i32
    "tpu.region"() ({
      %run_scoped3A = tpu.sem_alloc : memref<!tpu.dma_semaphore, #tpu.memory_space<semaphore_mem>>
      %dma_start3A = tpu.memref_slice %arg2[%mul3A_2] : memref<16384xi32, #tpu.memory_space<hbm>> -> memref<512xi32, #tpu.memory_space<hbm>>
      %dma_start3A_9 = tpu.memref_slice %arg2[%mul3A_2] : memref<16384xi32, #tpu.memory_space<hbm>> -> memref<512xi32, #tpu.memory_space<hbm>>
      tpu.enqueue_dma source(%dma_start3A_9 : memref<512xi32, #tpu.memory_space<hbm>>) target(%arg8 : memref<512xi32, #tpu.memory_space<vmem>>) target_semaphore(%run_scoped3A : memref<!tpu.dma_semaphore, #tpu.memory_space<semaphore_mem>>)
      %dma_wait3A = tpu.memref_slice %arg2[%mul3A_2] : memref<16384xi32, #tpu.memory_space<hbm>> -> memref<512xi32, #tpu.memory_space<hbm>>
      %dma_wait3A_10 = tpu.memref_slice %arg2[%mul3A_2] : memref<16384xi32, #tpu.memory_space<hbm>> -> memref<512xi32, #tpu.memory_space<hbm>>
      tpu.wait_dma2 semaphore(%run_scoped3A : memref<!tpu.dma_semaphore, #tpu.memory_space<semaphore_mem>>) src(%dma_wait3A_10 : memref<512xi32, #tpu.memory_space<hbm>>) dst(%arg8 : memref<512xi32, #tpu.memory_space<vmem>>)
      tpu.yield
    }) : () -> ()
    "tpu.region"() ({
      %run_scoped3A = tpu.sem_alloc : memref<!tpu.dma_semaphore, #tpu.memory_space<semaphore_mem>>
      %dma_start3A = tpu.memref_slice %arg4[%mul3A_2] : memref<16384xi32, #tpu.memory_space<hbm>> -> memref<512xi32, #tpu.memory_space<hbm>>
      %dma_start3A_9 = tpu.memref_slice %arg4[%mul3A_2] : memref<16384xi32, #tpu.memory_space<hbm>> -> memref<512xi32, #tpu.memory_space<hbm>>
      tpu.enqueue_dma source(%dma_start3A_9 : memref<512xi32, #tpu.memory_space<hbm>>) target(%arg9 : memref<512xi32, #tpu.memory_space<vmem>>) target_semaphore(%run_scoped3A : memref<!tpu.dma_semaphore, #tpu.memory_space<semaphore_mem>>)
      %dma_wait3A = tpu.memref_slice %arg4[%mul3A_2] : memref<16384xi32, #tpu.memory_space<hbm>> -> memref<512xi32, #tpu.memory_space<hbm>>
      %dma_wait3A_10 = tpu.memref_slice %arg4[%mul3A_2] : memref<16384xi32, #tpu.memory_space<hbm>> -> memref<512xi32, #tpu.memory_space<hbm>>
      tpu.wait_dma2 semaphore(%run_scoped3A : memref<!tpu.dma_semaphore, #tpu.memory_space<semaphore_mem>>) src(%dma_wait3A_10 : memref<512xi32, #tpu.memory_space<hbm>>) dst(%arg9 : memref<512xi32, #tpu.memory_space<vmem>>)
      tpu.yield
    }) : () -> ()
    %mul3A_3 = arith.constant 16 : i32
    %mul3A_4 = arith.muli %add3A, %mul3A_3 : i32
    "tpu.region"() ({
      %run_scoped3A = tpu.sem_alloc : memref<!tpu.dma_semaphore, #tpu.memory_space<semaphore_mem>>
      %dma_start3A = arith.constant 0 : i32
      %dma_start3A_9 = tpu.memref_slice %arg3[%mul3A_4, %dma_start3A] : memref<512x32xi32, #tpu.memory_space<hbm>> -> memref<16x32xi32, #tpu.memory_space<hbm>>
      %dma_start3A_10 = arith.constant 0 : i32
      %dma_start3A_11 = tpu.memref_slice %arg3[%mul3A_4, %dma_start3A_10] : memref<512x32xi32, #tpu.memory_space<hbm>> -> memref<16x32xi32, #tpu.memory_space<hbm>>
      tpu.enqueue_dma source(%dma_start3A_11 : memref<16x32xi32, #tpu.memory_space<hbm>>) target(%arg10 : memref<16x32xi32, #tpu.memory_space<vmem>>) target_semaphore(%run_scoped3A : memref<!tpu.dma_semaphore, #tpu.memory_space<semaphore_mem>>)
      %dma_wait3A = arith.constant 0 : i32
      %dma_wait3A_12 = tpu.memref_slice %arg3[%mul3A_4, %dma_wait3A] : memref<512x32xi32, #tpu.memory_space<hbm>> -> memref<16x32xi32, #tpu.memory_space<hbm>>
      %dma_wait3A_13 = arith.constant 0 : i32
      %dma_wait3A_14 = tpu.memref_slice %arg3[%mul3A_4, %dma_wait3A_13] : memref<512x32xi32, #tpu.memory_space<hbm>> -> memref<16x32xi32, #tpu.memory_space<hbm>>
      tpu.wait_dma2 semaphore(%run_scoped3A : memref<!tpu.dma_semaphore, #tpu.memory_space<semaphore_mem>>) src(%dma_wait3A_14 : memref<16x32xi32, #tpu.memory_space<hbm>>) dst(%arg10 : memref<16x32xi32, #tpu.memory_space<vmem>>)
      tpu.yield
    }) : () -> ()
    %scan3A = arith.constant 0 : i32
    %scan3A_5 = arith.constant 16 : i32
    %scan3A_6 = arith.addi %scan3A, %scan3A_5 : i32
    %scan3A_7 = arith.constant 1 : i32
    scf.for %scan3A_9 = %scan3A to %scan3A_6 step %scan3A_7  : i32 {
      %dma_start3A = arith.constant 0 : i32
      %dma_start3A_10 = tpu.memref_slice %arg10[%scan3A_9, %dma_start3A] : memref<16x32xi32, #tpu.memory_space<vmem>> -> memref<1x32xi32, #tpu.memory_space<vmem>>
      %dma_start3A_11 = tpu.memref_squeeze %dma_start3A_10 : memref<1x32xi32, #tpu.memory_space<vmem>> -> memref<32xi32, #tpu.memory_space<vmem>>
      %dma_start3A_12 = arith.constant 0 : i32
      %dma_start3A_13 = arith.constant 0 : i32
      %dma_start3A_14 = tpu.memref_slice %arg6[%dma_start3A_12, %dma_start3A_13] : memref<1000x128xf32, #tpu.memory_space<hbm>> -> memref<1000x128xf32, #tpu.memory_space<hbm>>
      tpu.enqueue_indirect_dma source(%dma_start3A_14 : memref<1000x128xf32, #tpu.memory_space<hbm>>) target(%arg13 : memref<32x128xf32, #tpu.memory_space<vmem>>) offsets(%dma_start3A_11 : memref<32xi32, #tpu.memory_space<vmem>>) semaphore(%arg16 : memref<!tpu.dma_semaphore, #tpu.memory_space<semaphore_mem>>)
      %scan3A_15 = arith.constant 0 : i32
      %scan3A_16 = arith.constant 2 : i32
      %scan3A_17 = arith.addi %scan3A_15, %scan3A_16 : i32
      %scan3A_18 = arith.constant 1 : i32
      scf.for %scan3A_38 = %scan3A_15 to %scan3A_17 step %scan3A_18  : i32 {
        %mul3A_39 = arith.constant 32 : i32
        %mul3A_40 = arith.muli %scan3A_9, %mul3A_39 : i32
        %mul3A_41 = arith.constant 16 : i32
        %mul3A_42 = arith.muli %scan3A_38, %mul3A_41 : i32
        %add3A_43 = arith.addi %mul3A_40, %mul3A_42 : i32
        %get3A = arith.index_cast %add3A_43 : i32 to index
        %get3A_44 = tpu.vector_load %arg8[%get3A] {strides = array<i32>} : memref<512xi32, #tpu.memory_space<vmem>>, vector<16xi32>,
        %get3A_45 = vector.shape_cast %get3A_44 : vector<16xi32> to vector<16xi32>
        %shift_right_arithmetic3A = arith.constant 3 : i32
        %shift_right_arithmetic3A_46 = vector.broadcast %shift_right_arithmetic3A : i32 to vector<16xi32>
        %shift_right_arithmetic3A_47 = arith.shrsi %get3A_45, %shift_right_arithmetic3A_46 : vector<16xi32>
        %shift_left3A = arith.constant 3 : i32
        %shift_left3A_48 = vector.broadcast %shift_left3A : i32 to vector<16xi32>
        %shift_left3A_49 = arith.shli %shift_right_arithmetic3A_47, %shift_left3A_48 : vector<16xi32>
        %mul3A_50 = arith.constant 32 : i32
        %mul3A_51 = arith.muli %scan3A_9, %mul3A_50 : i32
        %mul3A_52 = arith.constant 16 : i32
        %mul3A_53 = arith.muli %scan3A_38, %mul3A_52 : i32
        %add3A_54 = arith.addi %mul3A_51, %mul3A_53 : i32
        %get3A_55 = arith.index_cast %add3A_54 : i32 to index
        %get3A_56 = tpu.vector_load %arg9[%get3A_55] {strides = array<i32>} : memref<512xi32, #tpu.memory_space<vmem>>, vector<16xi32>,
        %get3A_57 = vector.shape_cast %get3A_56 : vector<16xi32> to vector<16xi32>
        %shift_right_arithmetic3A_58 = arith.constant 3 : i32
        %shift_right_arithmetic3A_59 = vector.broadcast %shift_right_arithmetic3A_58 : i32 to vector<16xi32>
        %shift_right_arithmetic3A_60 = arith.shrsi %get3A_57, %shift_right_arithmetic3A_59 : vector<16xi32>
        %shift_left3A_61 = arith.constant 3 : i32
        %shift_left3A_62 = vector.broadcast %shift_left3A_61 : i32 to vector<16xi32>
        %shift_left3A_63 = arith.shli %shift_right_arithmetic3A_60, %shift_left3A_62 : vector<16xi32>
        %slice3A = vector.extract_strided_slice %shift_left3A_49 {offsets = [0], sizes = [1], strides = [1]} : vector<16xi32> to vector<1xi32>
        %squeeze3A = vector.extract %slice3A[0] : i32 from vector<1xi32>
        %multiple_of3A = tpu.assume_multiple %squeeze3A, 8 : i32
        %slice3A_64 = vector.extract_strided_slice %shift_left3A_63 {offsets = [0], sizes = [1], strides = [1]} : vector<16xi32> to vector<1xi32>
        %squeeze3A_65 = vector.extract %slice3A_64[0] : i32 from vector<1xi32>
        %multiple_of3A_66 = tpu.assume_multiple %squeeze3A_65, 8 : i32
        %mul3A_67 = arith.constant 16 : i32
        %mul3A_68 = arith.muli %scan3A_38, %mul3A_67 : i32
        %add3A_69 = arith.constant 0 : i32
        %add3A_70 = arith.addi %mul3A_68, %add3A_69 : i32
        %dma_start3A_71 = arith.constant 0 : i32
        %dma_start3A_72 = arith.constant 0 : i32
        %dma_start3A_73 = tpu.memref_slice %arg11[%add3A_70, %dma_start3A_71, %dma_start3A_72] : memref<32x8x64xf32, #tpu.memory_space<vmem>> -> memref<1x8x64xf32, #tpu.memory_space<vmem>>
        %dma_start3A_74 = tpu.memref_squeeze %dma_start3A_73 : memref<1x8x64xf32, #tpu.memory_space<vmem>> -> memref<8x64xf32, #tpu.memory_space<vmem>>
        %dma_start3A_75 = arith.constant 0 : i32
        %dma_start3A_76 = tpu.memref_slice %arg5[%multiple_of3A, %dma_start3A_75] : memref<1000000x64xf32, #tpu.memory_space<hbm>> -> memref<8x64xf32, #tpu.memory_space<hbm>>
        %dma_start3A_77 = arith.constant 0 : i32
        %dma_start3A_78 = arith.constant 0 : i32
        %dma_start3A_79 = tpu.memref_slice %arg11[%add3A_70, %dma_start3A_77, %dma_start3A_78] : memref<32x8x64xf32, #tpu.memory_space<vmem>> -> memref<1x8x64xf32, #tpu.memory_space<vmem>>
        %dma_start3A_80 = tpu.memref_squeeze %dma_start3A_79 : memref<1x8x64xf32, #tpu.memory_space<vmem>> -> memref<8x64xf32, #tpu.memory_space<vmem>>
        %dma_start3A_81 = arith.constant 0 : i32
        %dma_start3A_82 = tpu.memref_slice %arg5[%multiple_of3A, %dma_start3A_81] : memref<1000000x64xf32, #tpu.memory_space<hbm>> -> memref<8x64xf32, #tpu.memory_space<hbm>>
        tpu.enqueue_dma source(%dma_start3A_82 : memref<8x64xf32, #tpu.memory_space<hbm>>) target(%dma_start3A_80 : memref<8x64xf32, #tpu.memory_space<vmem>>) target_semaphore(%arg15 : memref<!tpu.dma_semaphore, #tpu.memory_space<semaphore_mem>>)
        %mul3A_83 = arith.constant 16 : i32
        %mul3A_84 = arith.muli %scan3A_38, %mul3A_83 : i32
        %add3A_85 = arith.constant 0 : i32
        %add3A_86 = arith.addi %mul3A_84, %add3A_85 : i32
        %dma_start3A_87 = arith.constant 0 : i32
        %dma_start3A_88 = arith.constant 0 : i32
        %dma_start3A_89 = tpu.memref_slice %arg12[%add3A_86, %dma_start3A_87, %dma_start3A_88] : memref<32x8x64xf32, #tpu.memory_space<vmem>> -> memref<1x8x64xf32, #tpu.memory_space<vmem>>
        %dma_start3A_90 = tpu.memref_squeeze %dma_start3A_89 : memref<1x8x64xf32, #tpu.memory_space<vmem>> -> memref<8x64xf32, #tpu.memory_space<vmem>>
        %dma_start3A_91 = arith.constant 0 : i32
        %dma_start3A_92 = tpu.memref_slice %arg5[%multiple_of3A_66, %dma_start3A_91] : memref<1000000x64xf32, #tpu.memory_space<hbm>> -> memref<8x64xf32, #tpu.memory_space<hbm>>
        %dma_start3A_93 = arith.constant 0 : i32
        %dma_start3A_94 = arith.constant 0 : i32
        %dma_start3A_95 = tpu.memref_slice %arg12[%add3A_86, %dma_start3A_93, %dma_start3A_94] : memref<32x8x64xf32, #tpu.memory_space<vmem>> -> memref<1x8x64xf32, #tpu.memory_space<vmem>>
        %dma_start3A_96 = tpu.memref_squeeze %dma_start3A_95 : memref<1x8x64xf32, #tpu.memory_space<vmem>> -> memref<8x64xf32, #tpu.memory_space<vmem>>
        %dma_start3A_97 = arith.constant 0 : i32
        %dma_start3A_98 = tpu.memref_slice %arg5[%multiple_of3A_66, %dma_start3A_97] : memref<1000000x64xf32, #tpu.memory_space<hbm>> -> memref<8x64xf32, #tpu.memory_space<hbm>>
        tpu.enqueue_dma source(%dma_start3A_98 : memref<8x64xf32, #tpu.memory_space<hbm>>) target(%dma_start3A_96 : memref<8x64xf32, #tpu.memory_space<vmem>>) target_semaphore(%arg15 : memref<!tpu.dma_semaphore, #tpu.memory_space<semaphore_mem>>)
        %slice3A_99 = vector.extract_strided_slice %shift_left3A_49 {offsets = [1], sizes = [1], strides = [1]} : vector<16xi32> to vector<1xi32>
        %squeeze3A_100 = vector.extract %slice3A_99[0] : i32 from vector<1xi32>
        %multiple_of3A_101 = tpu.assume_multiple %squeeze3A_100, 8 : i32
        %slice3A_102 = vector.extract_strided_slice %shift_left3A_63 {offsets = [1], sizes = [1], strides = [1]} : vector<16xi32> to vector<1xi32>
        %squeeze3A_103 = vector.extract %slice3A_102[0] : i32 from vector<1xi32>
        %multiple_of3A_104 = tpu.assume_multiple %squeeze3A_103, 8 : i32
        %mul3A_105 = arith.constant 16 : i32
        %mul3A_106 = arith.muli %scan3A_38, %mul3A_105 : i32
        %add3A_107 = arith.constant 1 : i32
        %add3A_108 = arith.addi %mul3A_106, %add3A_107 : i32
        %dma_start3A_109 = arith.constant 0 : i32
        %dma_start3A_110 = arith.constant 0 : i32
        %dma_start3A_111 = tpu.memref_slice %arg11[%add3A_108, %dma_start3A_109, %dma_start3A_110] : memref<32x8x64xf32, #tpu.memory_space<vmem>> -> memref<1x8x64xf32, #tpu.memory_space<vmem>>
        %dma_start3A_112 = tpu.memref_squeeze %dma_start3A_111 : memref<1x8x64xf32, #tpu.memory_space<vmem>> -> memref<8x64xf32, #tpu.memory_space<vmem>>
        %dma_start3A_113 = arith.constant 0 : i32
        %dma_start3A_114 = tpu.memref_slice %arg5[%multiple_of3A_101, %dma_start3A_113] : memref<1000000x64xf32, #tpu.memory_space<hbm>> -> memref<8x64xf32, #tpu.memory_space<hbm>>
        %dma_start3A_115 = arith.constant 0 : i32
        %dma_start3A_116 = arith.constant 0 : i32
        %dma_start3A_117 = tpu.memref_slice %arg11[%add3A_108, %dma_start3A_115, %dma_start3A_116] : memref<32x8x64xf32, #tpu.memory_space<vmem>> -> memref<1x8x64xf32, #tpu.memory_space<vmem>>
        %dma_start3A_118 = tpu.memref_squeeze %dma_start3A_117 : memref<1x8x64xf32, #tpu.memory_space<vmem>> -> memref<8x64xf32, #tpu.memory_space<vmem>>
        %dma_start3A_119 = arith.constant 0 : i32
        %dma_start3A_120 = tpu.memref_slice %arg5[%multiple_of3A_101, %dma_start3A_119] : memref<1000000x64xf32, #tpu.memory_space<hbm>> -> memref<8x64xf32, #tpu.memory_space<hbm>>
        tpu.enqueue_dma source(%dma_start3A_120 : memref<8x64xf32, #tpu.memory_space<hbm>>) target(%dma_start3A_118 : memref<8x64xf32, #tpu.memory_space<vmem>>) target_semaphore(%arg15 : memref<!tpu.dma_semaphore, #tpu.memory_space<semaphore_mem>>)
        %mul3A_121 = arith.constant 16 : i32
        %mul3A_122 = arith.muli %scan3A_38, %mul3A_121 : i32
        %add3A_123 = arith.constant 1 : i32
        %add3A_124 = arith.addi %mul3A_122, %add3A_123 : i32
        %dma_start3A_125 = arith.constant 0 : i32
        %dma_start3A_126 = arith.constant 0 : i32
        %dma_start3A_127 = tpu.memref_slice %arg12[%add3A_124, %dma_start3A_125, %dma_start3A_126] : memref<32x8x64xf32, #tpu.memory_space<vmem>> -> memref<1x8x64xf32, #tpu.memory_space<vmem>>
        %dma_start3A_128 = tpu.memref_squeeze %dma_start3A_127 : memref<1x8x64xf32, #tpu.memory_space<vmem>> -> memref<8x64xf32, #tpu.memory_space<vmem>>
        %dma_start3A_129 = arith.constant 0 : i32
        %dma_start3A_130 = tpu.memref_slice %arg5[%multiple_of3A_104, %dma_start3A_129] : memref<1000000x64xf32, #tpu.memory_space<hbm>> -> memref<8x64xf32, #tpu.memory_space<hbm>>
        %dma_start3A_131 = arith.constant 0 : i32
        %dma_start3A_132 = arith.constant 0 : i32
        %dma_start3A_133 = tpu.memref_slice %arg12[%add3A_124, %dma_start3A_131, %dma_start3A_132] : memref<32x8x64xf32, #tpu.memory_space<vmem>> -> memref<1x8x64xf32, #tpu.memory_space<vmem>>
        %dma_start3A_134 = tpu.memref_squeeze %dma_start3A_133 : memref<1x8x64xf32, #tpu.memory_space<vmem>> -> memref<8x64xf32, #tpu.memory_space<vmem>>
        %dma_start3A_135 = arith.constant 0 : i32
        %dma_start3A_136 = tpu.memref_slice %arg5[%multiple_of3A_104, %dma_start3A_135] : memref<1000000x64xf32, #tpu.memory_space<hbm>> -> memref<8x64xf32, #tpu.memory_space<hbm>>
        tpu.enqueue_dma source(%dma_start3A_136 : memref<8x64xf32, #tpu.memory_space<hbm>>) target(%dma_start3A_134 : memref<8x64xf32, #tpu.memory_space<vmem>>) target_semaphore(%arg15 : memref<!tpu.dma_semaphore, #tpu.memory_space<semaphore_mem>>)
        %slice3A_137 = vector.extract_strided_slice %shift_left3A_49 {offsets = [2], sizes = [1], strides = [1]} : vector<16xi32> to vector<1xi32>
        %squeeze3A_138 = vector.extract %slice3A_137[0] : i32 from vector<1xi32>
        %multiple_of3A_139 = tpu.assume_multiple %squeeze3A_138, 8 : i32
        %slice3A_140 = vector.extract_strided_slice %shift_left3A_63 {offsets = [2], sizes = [1], strides = [1]} : vector<16xi32> to vector<1xi32>
        %squeeze3A_141 = vector.extract %slice3A_140[0] : i32 from vector<1xi32>
        %multiple_of3A_142 = tpu.assume_multiple %squeeze3A_141, 8 : i32
        %mul3A_143 = arith.constant 16 : i32
        %mul3A_144 = arith.muli %scan3A_38, %mul3A_143 : i32
        %add3A_145 = arith.constant 2 : i32
        %add3A_146 = arith.addi %mul3A_144, %add3A_145 : i32
        %dma_start3A_147 = arith.constant 0 : i32
        %dma_start3A_148 = arith.constant 0 : i32
        %dma_start3A_149 = tpu.memref_slice %arg11[%add3A_146, %dma_start3A_147, %dma_start3A_148] : memref<32x8x64xf32, #tpu.memory_space<vmem>> -> memref<1x8x64xf32, #tpu.memory_space<vmem>>
        %dma_start3A_150 = tpu.memref_squeeze %dma_start3A_149 : memref<1x8x64xf32, #tpu.memory_space<vmem>> -> memref<8x64xf32, #tpu.memory_space<vmem>>
        %dma_start3A_151 = arith.constant 0 : i32
        %dma_start3A_152 = tpu.memref_slice %arg5[%multiple_of3A_139, %dma_start3A_151] : memref<1000000x64xf32, #tpu.memory_space<hbm>> -> memref<8x64xf32, #tpu.memory_space<hbm>>
        %dma_start3A_153 = arith.constant 0 : i32
        %dma_start3A_154 = arith.constant 0 : i32
        %dma_start3A_155 = tpu.memref_slice %arg11[%add3A_146, %dma_start3A_153, %dma_start3A_154] : memref<32x8x64xf32, #tpu.memory_space<vmem>> -> memref<1x8x64xf32, #tpu.memory_space<vmem>>
        %dma_start3A_156 = tpu.memref_squeeze %dma_start3A_155 : memref<1x8x64xf32, #tpu.memory_space<vmem>> -> memref<8x64xf32, #tpu.memory_space<vmem>>
        %dma_start3A_157 = arith.constant 0 : i32
        %dma_start3A_158 = tpu.memref_slice %arg5[%multiple_of3A_139, %dma_start3A_157] : memref<1000000x64xf32, #tpu.memory_space<hbm>> -> memref<8x64xf32, #tpu.memory_space<hbm>>
        tpu.enqueue_dma source(%dma_start3A_158 : memref<8x64xf32, #tpu.memory_space<hbm>>) target(%dma_start3A_156 : memref<8x64xf32, #tpu.memory_space<vmem>>) target_semaphore(%arg15 : memref<!tpu.dma_semaphore, #tpu.memory_space<semaphore_mem>>)
        %mul3A_159 = arith.constant 16 : i32
        %mul3A_160 = arith.muli %scan3A_38, %mul3A_159 : i32
        %add3A_161 = arith.constant 2 : i32
        %add3A_162 = arith.addi %mul3A_160, %add3A_161 : i32
        %dma_start3A_163 = arith.constant 0 : i32
        %dma_start3A_164 = arith.constant 0 : i32
        %dma_start3A_165 = tpu.memref_slice %arg12[%add3A_162, %dma_start3A_163, %dma_start3A_164] : memref<32x8x64xf32, #tpu.memory_space<vmem>> -> memref<1x8x64xf32, #tpu.memory_space<vmem>>
        %dma_start3A_166 = tpu.memref_squeeze %dma_start3A_165 : memref<1x8x64xf32, #tpu.memory_space<vmem>> -> memref<8x64xf32, #tpu.memory_space<vmem>>
        %dma_start3A_167 = arith.constant 0 : i32
        %dma_start3A_168 = tpu.memref_slice %arg5[%multiple_of3A_142, %dma_start3A_167] : memref<1000000x64xf32, #tpu.memory_space<hbm>> -> memref<8x64xf32, #tpu.memory_space<hbm>>
        %dma_start3A_169 = arith.constant 0 : i32
        %dma_start3A_170 = arith.constant 0 : i32
        %dma_start3A_171 = tpu.memref_slice %arg12[%add3A_162, %dma_start3A_169, %dma_start3A_170] : memref<32x8x64xf32, #tpu.memory_space<vmem>> -> memref<1x8x64xf32, #tpu.memory_space<vmem>>
        %dma_start3A_172 = tpu.memref_squeeze %dma_start3A_171 : memref<1x8x64xf32, #tpu.memory_space<vmem>> -> memref<8x64xf32, #tpu.memory_space<vmem>>
        %dma_start3A_173 = arith.constant 0 : i32
        %dma_start3A_174 = tpu.memref_slice %arg5[%multiple_of3A_142, %dma_start3A_173] : memref<1000000x64xf32, #tpu.memory_space<hbm>> -> memref<8x64xf32, #tpu.memory_space<hbm>>
        tpu.enqueue_dma source(%dma_start3A_174 : memref<8x64xf32, #tpu.memory_space<hbm>>) target(%dma_start3A_172 : memref<8x64xf32, #tpu.memory_space<vmem>>) target_semaphore(%arg15 : memref<!tpu.dma_semaphore, #tpu.memory_space<semaphore_mem>>)
        %slice3A_175 = vector.extract_strided_slice %shift_left3A_49 {offsets = [3], sizes = [1], strides = [1]} : vector<16xi32> to vector<1xi32>
        %squeeze3A_176 = vector.extract %slice3A_175[0] : i32 from vector<1xi32>
        %multiple_of3A_177 = tpu.assume_multiple %squeeze3A_176, 8 : i32
        %slice3A_178 = vector.extract_strided_slice %shift_left3A_63 {offsets = [3], sizes = [1], strides = [1]} : vector<16xi32> to vector<1xi32>
        %squeeze3A_179 = vector.extract %slice3A_178[0] : i32 from vector<1xi32>
        %multiple_of3A_180 = tpu.assume_multiple %squeeze3A_179, 8 : i32
        %mul3A_181 = arith.constant 16 : i32
        %mul3A_182 = arith.muli %scan3A_38, %mul3A_181 : i32
        %add3A_183 = arith.constant 3 : i32
        %add3A_184 = arith.addi %mul3A_182, %add3A_183 : i32
        %dma_start3A_185 = arith.constant 0 : i32
        %dma_start3A_186 = arith.constant 0 : i32
        %dma_start3A_187 = tpu.memref_slice %arg11[%add3A_184, %dma_start3A_185, %dma_start3A_186] : memref<32x8x64xf32, #tpu.memory_space<vmem>> -> memref<1x8x64xf32, #tpu.memory_space<vmem>>
        %dma_start3A_188 = tpu.memref_squeeze %dma_start3A_187 : memref<1x8x64xf32, #tpu.memory_space<vmem>> -> memref<8x64xf32, #tpu.memory_space<vmem>>
        %dma_start3A_189 = arith.constant 0 : i32
        %dma_start3A_190 = tpu.memref_slice %arg5[%multiple_of3A_177, %dma_start3A_189] : memref<1000000x64xf32, #tpu.memory_space<hbm>> -> memref<8x64xf32, #tpu.memory_space<hbm>>
        %dma_start3A_191 = arith.constant 0 : i32
        %dma_start3A_192 = arith.constant 0 : i32
        %dma_start3A_193 = tpu.memref_slice %arg11[%add3A_184, %dma_start3A_191, %dma_start3A_192] : memref<32x8x64xf32, #tpu.memory_space<vmem>> -> memref<1x8x64xf32, #tpu.memory_space<vmem>>
        %dma_start3A_194 = tpu.memref_squeeze %dma_start3A_193 : memref<1x8x64xf32, #tpu.memory_space<vmem>> -> memref<8x64xf32, #tpu.memory_space<vmem>>
        %dma_start3A_195 = arith.constant 0 : i32
        %dma_start3A_196 = tpu.memref_slice %arg5[%multiple_of3A_177, %dma_start3A_195] : memref<1000000x64xf32, #tpu.memory_space<hbm>> -> memref<8x64xf32, #tpu.memory_space<hbm>>
        tpu.enqueue_dma source(%dma_start3A_196 : memref<8x64xf32, #tpu.memory_space<hbm>>) target(%dma_start3A_194 : memref<8x64xf32, #tpu.memory_space<vmem>>) target_semaphore(%arg15 : memref<!tpu.dma_semaphore, #tpu.memory_space<semaphore_mem>>)
        %mul3A_197 = arith.constant 16 : i32
        %mul3A_198 = arith.muli %scan3A_38, %mul3A_197 : i32
        %add3A_199 = arith.constant 3 : i32
        %add3A_200 = arith.addi %mul3A_198, %add3A_199 : i32
        %dma_start3A_201 = arith.constant 0 : i32
        %dma_start3A_202 = arith.constant 0 : i32
        %dma_start3A_203 = tpu.memref_slice %arg12[%add3A_200, %dma_start3A_201, %dma_start3A_202] : memref<32x8x64xf32, #tpu.memory_space<vmem>> -> memref<1x8x64xf32, #tpu.memory_space<vmem>>
        %dma_start3A_204 = tpu.memref_squeeze %dma_start3A_203 : memref<1x8x64xf32, #tpu.memory_space<vmem>> -> memref<8x64xf32, #tpu.memory_space<vmem>>
        %dma_start3A_205 = arith.constant 0 : i32
        %dma_start3A_206 = tpu.memref_slice %arg5[%multiple_of3A_180, %dma_start3A_205] : memref<1000000x64xf32, #tpu.memory_space<hbm>> -> memref<8x64xf32, #tpu.memory_space<hbm>>
        %dma_start3A_207 = arith.constant 0 : i32
        %dma_start3A_208 = arith.constant 0 : i32
        %dma_start3A_209 = tpu.memref_slice %arg12[%add3A_200, %dma_start3A_207, %dma_start3A_208] : memref<32x8x64xf32, #tpu.memory_space<vmem>> -> memref<1x8x64xf32, #tpu.memory_space<vmem>>
        %dma_start3A_210 = tpu.memref_squeeze %dma_start3A_209 : memref<1x8x64xf32, #tpu.memory_space<vmem>> -> memref<8x64xf32, #tpu.memory_space<vmem>>
        %dma_start3A_211 = arith.constant 0 : i32
        %dma_start3A_212 = tpu.memref_slice %arg5[%multiple_of3A_180, %dma_start3A_211] : memref<1000000x64xf32, #tpu.memory_space<hbm>> -> memref<8x64xf32, #tpu.memory_space<hbm>>
        tpu.enqueue_dma source(%dma_start3A_212 : memref<8x64xf32, #tpu.memory_space<hbm>>) target(%dma_start3A_210 : memref<8x64xf32, #tpu.memory_space<vmem>>) target_semaphore(%arg15 : memref<!tpu.dma_semaphore, #tpu.memory_space<semaphore_mem>>)
        %slice3A_213 = vector.extract_strided_slice %shift_left3A_49 {offsets = [4], sizes = [1], strides = [1]} : vector<16xi32> to vector<1xi32>
        %squeeze3A_214 = vector.extract %slice3A_213[0] : i32 from vector<1xi32>
        %multiple_of3A_215 = tpu.assume_multiple %squeeze3A_214, 8 : i32
        %slice3A_216 = vector.extract_strided_slice %shift_left3A_63 {offsets = [4], sizes = [1], strides = [1]} : vector<16xi32> to vector<1xi32>
        %squeeze3A_217 = vector.extract %slice3A_216[0] : i32 from vector<1xi32>
        %multiple_of3A_218 = tpu.assume_multiple %squeeze3A_217, 8 : i32
        %mul3A_219 = arith.constant 16 : i32
        %mul3A_220 = arith.muli %scan3A_38, %mul3A_219 : i32
        %add3A_221 = arith.constant 4 : i32
        %add3A_222 = arith.addi %mul3A_220, %add3A_221 : i32
        %dma_start3A_223 = arith.constant 0 : i32
        %dma_start3A_224 = arith.constant 0 : i32
        %dma_start3A_225 = tpu.memref_slice %arg11[%add3A_222, %dma_start3A_223, %dma_start3A_224] : memref<32x8x64xf32, #tpu.memory_space<vmem>> -> memref<1x8x64xf32, #tpu.memory_space<vmem>>
        %dma_start3A_226 = tpu.memref_squeeze %dma_start3A_225 : memref<1x8x64xf32, #tpu.memory_space<vmem>> -> memref<8x64xf32, #tpu.memory_space<vmem>>
        %dma_start3A_227 = arith.constant 0 : i32
        %dma_start3A_228 = tpu.memref_slice %arg5[%multiple_of3A_215, %dma_start3A_227] : memref<1000000x64xf32, #tpu.memory_space<hbm>> -> memref<8x64xf32, #tpu.memory_space<hbm>>
        %dma_start3A_229 = arith.constant 0 : i32
        %dma_start3A_230 = arith.constant 0 : i32
        %dma_start3A_231 = tpu.memref_slice %arg11[%add3A_222, %dma_start3A_229, %dma_start3A_230] : memref<32x8x64xf32, #tpu.memory_space<vmem>> -> memref<1x8x64xf32, #tpu.memory_space<vmem>>
        %dma_start3A_232 = tpu.memref_squeeze %dma_start3A_231 : memref<1x8x64xf32, #tpu.memory_space<vmem>> -> memref<8x64xf32, #tpu.memory_space<vmem>>
        %dma_start3A_233 = arith.constant 0 : i32
        %dma_start3A_234 = tpu.memref_slice %arg5[%multiple_of3A_215, %dma_start3A_233] : memref<1000000x64xf32, #tpu.memory_space<hbm>> -> memref<8x64xf32, #tpu.memory_space<hbm>>
        tpu.enqueue_dma source(%dma_start3A_234 : memref<8x64xf32, #tpu.memory_space<hbm>>) target(%dma_start3A_232 : memref<8x64xf32, #tpu.memory_space<vmem>>) target_semaphore(%arg15 : memref<!tpu.dma_semaphore, #tpu.memory_space<semaphore_mem>>)
        %mul3A_235 = arith.constant 16 : i32
        %mul3A_236 = arith.muli %scan3A_38, %mul3A_235 : i32
        %add3A_237 = arith.constant 4 : i32
        %add3A_238 = arith.addi %mul3A_236, %add3A_237 : i32
        %dma_start3A_239 = arith.constant 0 : i32
        %dma_start3A_240 = arith.constant 0 : i32
        %dma_start3A_241 = tpu.memref_slice %arg12[%add3A_238, %dma_start3A_239, %dma_start3A_240] : memref<32x8x64xf32, #tpu.memory_space<vmem>> -> memref<1x8x64xf32, #tpu.memory_space<vmem>>
        %dma_start3A_242 = tpu.memref_squeeze %dma_start3A_241 : memref<1x8x64xf32, #tpu.memory_space<vmem>> -> memref<8x64xf32, #tpu.memory_space<vmem>>
        %dma_start3A_243 = arith.constant 0 : i32
        %dma_start3A_244 = tpu.memref_slice %arg5[%multiple_of3A_218, %dma_start3A_243] : memref<1000000x64xf32, #tpu.memory_space<hbm>> -> memref<8x64xf32, #tpu.memory_space<hbm>>
        %dma_start3A_245 = arith.constant 0 : i32
        %dma_start3A_246 = arith.constant 0 : i32
        %dma_start3A_247 = tpu.memref_slice %arg12[%add3A_238, %dma_start3A_245, %dma_start3A_246] : memref<32x8x64xf32, #tpu.memory_space<vmem>> -> memref<1x8x64xf32, #tpu.memory_space<vmem>>
        %dma_start3A_248 = tpu.memref_squeeze %dma_start3A_247 : memref<1x8x64xf32, #tpu.memory_space<vmem>> -> memref<8x64xf32, #tpu.memory_space<vmem>>
        %dma_start3A_249 = arith.constant 0 : i32
        %dma_start3A_250 = tpu.memref_slice %arg5[%multiple_of3A_218, %dma_start3A_249] : memref<1000000x64xf32, #tpu.memory_space<hbm>> -> memref<8x64xf32, #tpu.memory_space<hbm>>
        tpu.enqueue_dma source(%dma_start3A_250 : memref<8x64xf32, #tpu.memory_space<hbm>>) target(%dma_start3A_248 : memref<8x64xf32, #tpu.memory_space<vmem>>) target_semaphore(%arg15 : memref<!tpu.dma_semaphore, #tpu.memory_space<semaphore_mem>>)
        %slice3A_251 = vector.extract_strided_slice %shift_left3A_49 {offsets = [5], sizes = [1], strides = [1]} : vector<16xi32> to vector<1xi32>
        %squeeze3A_252 = vector.extract %slice3A_251[0] : i32 from vector<1xi32>
        %multiple_of3A_253 = tpu.assume_multiple %squeeze3A_252, 8 : i32
        %slice3A_254 = vector.extract_strided_slice %shift_left3A_63 {offsets = [5], sizes = [1], strides = [1]} : vector<16xi32> to vector<1xi32>
        %squeeze3A_255 = vector.extract %slice3A_254[0] : i32 from vector<1xi32>
        %multiple_of3A_256 = tpu.assume_multiple %squeeze3A_255, 8 : i32
        %mul3A_257 = arith.constant 16 : i32
        %mul3A_258 = arith.muli %scan3A_38, %mul3A_257 : i32
        %add3A_259 = arith.constant 5 : i32
        %add3A_260 = arith.addi %mul3A_258, %add3A_259 : i32
        %dma_start3A_261 = arith.constant 0 : i32
        %dma_start3A_262 = arith.constant 0 : i32
        %dma_start3A_263 = tpu.memref_slice %arg11[%add3A_260, %dma_start3A_261, %dma_start3A_262] : memref<32x8x64xf32, #tpu.memory_space<vmem>> -> memref<1x8x64xf32, #tpu.memory_space<vmem>>
        %dma_start3A_264 = tpu.memref_squeeze %dma_start3A_263 : memref<1x8x64xf32, #tpu.memory_space<vmem>> -> memref<8x64xf32, #tpu.memory_space<vmem>>
        %dma_start3A_265 = arith.constant 0 : i32
        %dma_start3A_266 = tpu.memref_slice %arg5[%multiple_of3A_253, %dma_start3A_265] : memref<1000000x64xf32, #tpu.memory_space<hbm>> -> memref<8x64xf32, #tpu.memory_space<hbm>>
        %dma_start3A_267 = arith.constant 0 : i32
        %dma_start3A_268 = arith.constant 0 : i32
        %dma_start3A_269 = tpu.memref_slice %arg11[%add3A_260, %dma_start3A_267, %dma_start3A_268] : memref<32x8x64xf32, #tpu.memory_space<vmem>> -> memref<1x8x64xf32, #tpu.memory_space<vmem>>
        %dma_start3A_270 = tpu.memref_squeeze %dma_start3A_269 : memref<1x8x64xf32, #tpu.memory_space<vmem>> -> memref<8x64xf32, #tpu.memory_space<vmem>>
        %dma_start3A_271 = arith.constant 0 : i32
        %dma_start3A_272 = tpu.memref_slice %arg5[%multiple_of3A_253, %dma_start3A_271] : memref<1000000x64xf32, #tpu.memory_space<hbm>> -> memref<8x64xf32, #tpu.memory_space<hbm>>
        tpu.enqueue_dma source(%dma_start3A_272 : memref<8x64xf32, #tpu.memory_space<hbm>>) target(%dma_start3A_270 : memref<8x64xf32, #tpu.memory_space<vmem>>) target_semaphore(%arg15 : memref<!tpu.dma_semaphore, #tpu.memory_space<semaphore_mem>>)
        %mul3A_273 = arith.constant 16 : i32
        %mul3A_274 = arith.muli %scan3A_38, %mul3A_273 : i32
        %add3A_275 = arith.constant 5 : i32
        %add3A_276 = arith.addi %mul3A_274, %add3A_275 : i32
        %dma_start3A_277 = arith.constant 0 : i32
        %dma_start3A_278 = arith.constant 0 : i32
        %dma_start3A_279 = tpu.memref_slice %arg12[%add3A_276, %dma_start3A_277, %dma_start3A_278] : memref<32x8x64xf32, #tpu.memory_space<vmem>> -> memref<1x8x64xf32, #tpu.memory_space<vmem>>
        %dma_start3A_280 = tpu.memref_squeeze %dma_start3A_279 : memref<1x8x64xf32, #tpu.memory_space<vmem>> -> memref<8x64xf32, #tpu.memory_space<vmem>>
        %dma_start3A_281 = arith.constant 0 : i32
        %dma_start3A_282 = tpu.memref_slice %arg5[%multiple_of3A_256, %dma_start3A_281] : memref<1000000x64xf32, #tpu.memory_space<hbm>> -> memref<8x64xf32, #tpu.memory_space<hbm>>
        %dma_start3A_283 = arith.constant 0 : i32
        %dma_start3A_284 = arith.constant 0 : i32
        %dma_start3A_285 = tpu.memref_slice %arg12[%add3A_276, %dma_start3A_283, %dma_start3A_284] : memref<32x8x64xf32, #tpu.memory_space<vmem>> -> memref<1x8x64xf32, #tpu.memory_space<vmem>>
        %dma_start3A_286 = tpu.memref_squeeze %dma_start3A_285 : memref<1x8x64xf32, #tpu.memory_space<vmem>> -> memref<8x64xf32, #tpu.memory_space<vmem>>
        %dma_start3A_287 = arith.constant 0 : i32
        %dma_start3A_288 = tpu.memref_slice %arg5[%multiple_of3A_256, %dma_start3A_287] : memref<1000000x64xf32, #tpu.memory_space<hbm>> -> memref<8x64xf32, #tpu.memory_space<hbm>>
        tpu.enqueue_dma source(%dma_start3A_288 : memref<8x64xf32, #tpu.memory_space<hbm>>) target(%dma_start3A_286 : memref<8x64xf32, #tpu.memory_space<vmem>>) target_semaphore(%arg15 : memref<!tpu.dma_semaphore, #tpu.memory_space<semaphore_mem>>)
        %slice3A_289 = vector.extract_strided_slice %shift_left3A_49 {offsets = [6], sizes = [1], strides = [1]} : vector<16xi32> to vector<1xi32>
        %squeeze3A_290 = vector.extract %slice3A_289[0] : i32 from vector<1xi32>
        %multiple_of3A_291 = tpu.assume_multiple %squeeze3A_290, 8 : i32
        %slice3A_292 = vector.extract_strided_slice %shift_left3A_63 {offsets = [6], sizes = [1], strides = [1]} : vector<16xi32> to vector<1xi32>
        %squeeze3A_293 = vector.extract %slice3A_292[0] : i32 from vector<1xi32>
        %multiple_of3A_294 = tpu.assume_multiple %squeeze3A_293, 8 : i32
        %mul3A_295 = arith.constant 16 : i32
        %mul3A_296 = arith.muli %scan3A_38, %mul3A_295 : i32
        %add3A_297 = arith.constant 6 : i32
        %add3A_298 = arith.addi %mul3A_296, %add3A_297 : i32
        %dma_start3A_299 = arith.constant 0 : i32
        %dma_start3A_300 = arith.constant 0 : i32
        %dma_start3A_301 = tpu.memref_slice %arg11[%add3A_298, %dma_start3A_299, %dma_start3A_300] : memref<32x8x64xf32, #tpu.memory_space<vmem>> -> memref<1x8x64xf32, #tpu.memory_space<vmem>>
        %dma_start3A_302 = tpu.memref_squeeze %dma_start3A_301 : memref<1x8x64xf32, #tpu.memory_space<vmem>> -> memref<8x64xf32, #tpu.memory_space<vmem>>
        %dma_start3A_303 = arith.constant 0 : i32
        %dma_start3A_304 = tpu.memref_slice %arg5[%multiple_of3A_291, %dma_start3A_303] : memref<1000000x64xf32, #tpu.memory_space<hbm>> -> memref<8x64xf32, #tpu.memory_space<hbm>>
        %dma_start3A_305 = arith.constant 0 : i32
        %dma_start3A_306 = arith.constant 0 : i32
        %dma_start3A_307 = tpu.memref_slice %arg11[%add3A_298, %dma_start3A_305, %dma_start3A_306] : memref<32x8x64xf32, #tpu.memory_space<vmem>> -> memref<1x8x64xf32, #tpu.memory_space<vmem>>
        %dma_start3A_308 = tpu.memref_squeeze %dma_start3A_307 : memref<1x8x64xf32, #tpu.memory_space<vmem>> -> memref<8x64xf32, #tpu.memory_space<vmem>>
        %dma_start3A_309 = arith.constant 0 : i32
        %dma_start3A_310 = tpu.memref_slice %arg5[%multiple_of3A_291, %dma_start3A_309] : memref<1000000x64xf32, #tpu.memory_space<hbm>> -> memref<8x64xf32, #tpu.memory_space<hbm>>
        tpu.enqueue_dma source(%dma_start3A_310 : memref<8x64xf32, #tpu.memory_space<hbm>>) target(%dma_start3A_308 : memref<8x64xf32, #tpu.memory_space<vmem>>) target_semaphore(%arg15 : memref<!tpu.dma_semaphore, #tpu.memory_space<semaphore_mem>>)
        %mul3A_311 = arith.constant 16 : i32
        %mul3A_312 = arith.muli %scan3A_38, %mul3A_311 : i32
        %add3A_313 = arith.constant 6 : i32
        %add3A_314 = arith.addi %mul3A_312, %add3A_313 : i32
        %dma_start3A_315 = arith.constant 0 : i32
        %dma_start3A_316 = arith.constant 0 : i32
        %dma_start3A_317 = tpu.memref_slice %arg12[%add3A_314, %dma_start3A_315, %dma_start3A_316] : memref<32x8x64xf32, #tpu.memory_space<vmem>> -> memref<1x8x64xf32, #tpu.memory_space<vmem>>
        %dma_start3A_318 = tpu.memref_squeeze %dma_start3A_317 : memref<1x8x64xf32, #tpu.memory_space<vmem>> -> memref<8x64xf32, #tpu.memory_space<vmem>>
        %dma_start3A_319 = arith.constant 0 : i32
        %dma_start3A_320 = tpu.memref_slice %arg5[%multiple_of3A_294, %dma_start3A_319] : memref<1000000x64xf32, #tpu.memory_space<hbm>> -> memref<8x64xf32, #tpu.memory_space<hbm>>
        %dma_start3A_321 = arith.constant 0 : i32
        %dma_start3A_322 = arith.constant 0 : i32
        %dma_start3A_323 = tpu.memref_slice %arg12[%add3A_314, %dma_start3A_321, %dma_start3A_322] : memref<32x8x64xf32, #tpu.memory_space<vmem>> -> memref<1x8x64xf32, #tpu.memory_space<vmem>>
        %dma_start3A_324 = tpu.memref_squeeze %dma_start3A_323 : memref<1x8x64xf32, #tpu.memory_space<vmem>> -> memref<8x64xf32, #tpu.memory_space<vmem>>
        %dma_start3A_325 = arith.constant 0 : i32
        %dma_start3A_326 = tpu.memref_slice %arg5[%multiple_of3A_294, %dma_start3A_325] : memref<1000000x64xf32, #tpu.memory_space<hbm>> -> memref<8x64xf32, #tpu.memory_space<hbm>>
        tpu.enqueue_dma source(%dma_start3A_326 : memref<8x64xf32, #tpu.memory_space<hbm>>) target(%dma_start3A_324 : memref<8x64xf32, #tpu.memory_space<vmem>>) target_semaphore(%arg15 : memref<!tpu.dma_semaphore, #tpu.memory_space<semaphore_mem>>)
        %slice3A_327 = vector.extract_strided_slice %shift_left3A_49 {offsets = [7], sizes = [1], strides = [1]} : vector<16xi32> to vector<1xi32>
        %squeeze3A_328 = vector.extract %slice3A_327[0] : i32 from vector<1xi32>
        %multiple_of3A_329 = tpu.assume_multiple %squeeze3A_328, 8 : i32
        %slice3A_330 = vector.extract_strided_slice %shift_left3A_63 {offsets = [7], sizes = [1], strides = [1]} : vector<16xi32> to vector<1xi32>
        %squeeze3A_331 = vector.extract %slice3A_330[0] : i32 from vector<1xi32>
        %multiple_of3A_332 = tpu.assume_multiple %squeeze3A_331, 8 : i32
        %mul3A_333 = arith.constant 16 : i32
        %mul3A_334 = arith.muli %scan3A_38, %mul3A_333 : i32
        %add3A_335 = arith.constant 7 : i32
        %add3A_336 = arith.addi %mul3A_334, %add3A_335 : i32
        %dma_start3A_337 = arith.constant 0 : i32
        %dma_start3A_338 = arith.constant 0 : i32
        %dma_start3A_339 = tpu.memref_slice %arg11[%add3A_336, %dma_start3A_337, %dma_start3A_338] : memref<32x8x64xf32, #tpu.memory_space<vmem>> -> memref<1x8x64xf32, #tpu.memory_space<vmem>>
        %dma_start3A_340 = tpu.memref_squeeze %dma_start3A_339 : memref<1x8x64xf32, #tpu.memory_space<vmem>> -> memref<8x64xf32, #tpu.memory_space<vmem>>
        %dma_start3A_341 = arith.constant 0 : i32
        %dma_start3A_342 = tpu.memref_slice %arg5[%multiple_of3A_329, %dma_start3A_341] : memref<1000000x64xf32, #tpu.memory_space<hbm>> -> memref<8x64xf32, #tpu.memory_space<hbm>>
        %dma_start3A_343 = arith.constant 0 : i32
        %dma_start3A_344 = arith.constant 0 : i32
        %dma_start3A_345 = tpu.memref_slice %arg11[%add3A_336, %dma_start3A_343, %dma_start3A_344] : memref<32x8x64xf32, #tpu.memory_space<vmem>> -> memref<1x8x64xf32, #tpu.memory_space<vmem>>
        %dma_start3A_346 = tpu.memref_squeeze %dma_start3A_345 : memref<1x8x64xf32, #tpu.memory_space<vmem>> -> memref<8x64xf32, #tpu.memory_space<vmem>>
        %dma_start3A_347 = arith.constant 0 : i32
        %dma_start3A_348 = tpu.memref_slice %arg5[%multiple_of3A_329, %dma_start3A_347] : memref<1000000x64xf32, #tpu.memory_space<hbm>> -> memref<8x64xf32, #tpu.memory_space<hbm>>
        tpu.enqueue_dma source(%dma_start3A_348 : memref<8x64xf32, #tpu.memory_space<hbm>>) target(%dma_start3A_346 : memref<8x64xf32, #tpu.memory_space<vmem>>) target_semaphore(%arg15 : memref<!tpu.dma_semaphore, #tpu.memory_space<semaphore_mem>>)
        %mul3A_349 = arith.constant 16 : i32
        %mul3A_350 = arith.muli %scan3A_38, %mul3A_349 : i32
        %add3A_351 = arith.constant 7 : i32
        %add3A_352 = arith.addi %mul3A_350, %add3A_351 : i32
        %dma_start3A_353 = arith.constant 0 : i32
        %dma_start3A_354 = arith.constant 0 : i32
        %dma_start3A_355 = tpu.memref_slice %arg12[%add3A_352, %dma_start3A_353, %dma_start3A_354] : memref<32x8x64xf32, #tpu.memory_space<vmem>> -> memref<1x8x64xf32, #tpu.memory_space<vmem>>
        %dma_start3A_356 = tpu.memref_squeeze %dma_start3A_355 : memref<1x8x64xf32, #tpu.memory_space<vmem>> -> memref<8x64xf32, #tpu.memory_space<vmem>>
        %dma_start3A_357 = arith.constant 0 : i32
        %dma_start3A_358 = tpu.memref_slice %arg5[%multiple_of3A_332, %dma_start3A_357] : memref<1000000x64xf32, #tpu.memory_space<hbm>> -> memref<8x64xf32, #tpu.memory_space<hbm>>
        %dma_start3A_359 = arith.constant 0 : i32
        %dma_start3A_360 = arith.constant 0 : i32
        %dma_start3A_361 = tpu.memref_slice %arg12[%add3A_352, %dma_start3A_359, %dma_start3A_360] : memref<32x8x64xf32, #tpu.memory_space<vmem>> -> memref<1x8x64xf32, #tpu.memory_space<vmem>>
        %dma_start3A_362 = tpu.memref_squeeze %dma_start3A_361 : memref<1x8x64xf32, #tpu.memory_space<vmem>> -> memref<8x64xf32, #tpu.memory_space<vmem>>
        %dma_start3A_363 = arith.constant 0 : i32
        %dma_start3A_364 = tpu.memref_slice %arg5[%multiple_of3A_332, %dma_start3A_363] : memref<1000000x64xf32, #tpu.memory_space<hbm>> -> memref<8x64xf32, #tpu.memory_space<hbm>>
        tpu.enqueue_dma source(%dma_start3A_364 : memref<8x64xf32, #tpu.memory_space<hbm>>) target(%dma_start3A_362 : memref<8x64xf32, #tpu.memory_space<vmem>>) target_semaphore(%arg15 : memref<!tpu.dma_semaphore, #tpu.memory_space<semaphore_mem>>)
        %slice3A_365 = vector.extract_strided_slice %shift_left3A_49 {offsets = [8], sizes = [1], strides = [1]} : vector<16xi32> to vector<1xi32>
        %squeeze3A_366 = vector.extract %slice3A_365[0] : i32 from vector<1xi32>
        %multiple_of3A_367 = tpu.assume_multiple %squeeze3A_366, 8 : i32
        %slice3A_368 = vector.extract_strided_slice %shift_left3A_63 {offsets = [8], sizes = [1], strides = [1]} : vector<16xi32> to vector<1xi32>
        %squeeze3A_369 = vector.extract %slice3A_368[0] : i32 from vector<1xi32>
        %multiple_of3A_370 = tpu.assume_multiple %squeeze3A_369, 8 : i32
        %mul3A_371 = arith.constant 16 : i32
        %mul3A_372 = arith.muli %scan3A_38, %mul3A_371 : i32
        %add3A_373 = arith.constant 8 : i32
        %add3A_374 = arith.addi %mul3A_372, %add3A_373 : i32
        %dma_start3A_375 = arith.constant 0 : i32
        %dma_start3A_376 = arith.constant 0 : i32
        %dma_start3A_377 = tpu.memref_slice %arg11[%add3A_374, %dma_start3A_375, %dma_start3A_376] : memref<32x8x64xf32, #tpu.memory_space<vmem>> -> memref<1x8x64xf32, #tpu.memory_space<vmem>>
        %dma_start3A_378 = tpu.memref_squeeze %dma_start3A_377 : memref<1x8x64xf32, #tpu.memory_space<vmem>> -> memref<8x64xf32, #tpu.memory_space<vmem>>
        %dma_start3A_379 = arith.constant 0 : i32
        %dma_start3A_380 = tpu.memref_slice %arg5[%multiple_of3A_367, %dma_start3A_379] : memref<1000000x64xf32, #tpu.memory_space<hbm>> -> memref<8x64xf32, #tpu.memory_space<hbm>>
        %dma_start3A_381 = arith.constant 0 : i32
        %dma_start3A_382 = arith.constant 0 : i32
        %dma_start3A_383 = tpu.memref_slice %arg11[%add3A_374, %dma_start3A_381, %dma_start3A_382] : memref<32x8x64xf32, #tpu.memory_space<vmem>> -> memref<1x8x64xf32, #tpu.memory_space<vmem>>
        %dma_start3A_384 = tpu.memref_squeeze %dma_start3A_383 : memref<1x8x64xf32, #tpu.memory_space<vmem>> -> memref<8x64xf32, #tpu.memory_space<vmem>>
        %dma_start3A_385 = arith.constant 0 : i32
        %dma_start3A_386 = tpu.memref_slice %arg5[%multiple_of3A_367, %dma_start3A_385] : memref<1000000x64xf32, #tpu.memory_space<hbm>> -> memref<8x64xf32, #tpu.memory_space<hbm>>
        tpu.enqueue_dma source(%dma_start3A_386 : memref<8x64xf32, #tpu.memory_space<hbm>>) target(%dma_start3A_384 : memref<8x64xf32, #tpu.memory_space<vmem>>) target_semaphore(%arg15 : memref<!tpu.dma_semaphore, #tpu.memory_space<semaphore_mem>>)
        %mul3A_387 = arith.constant 16 : i32
        %mul3A_388 = arith.muli %scan3A_38, %mul3A_387 : i32
        %add3A_389 = arith.constant 8 : i32
        %add3A_390 = arith.addi %mul3A_388, %add3A_389 : i32
        %dma_start3A_391 = arith.constant 0 : i32
        %dma_start3A_392 = arith.constant 0 : i32
        %dma_start3A_393 = tpu.memref_slice %arg12[%add3A_390, %dma_start3A_391, %dma_start3A_392] : memref<32x8x64xf32, #tpu.memory_space<vmem>> -> memref<1x8x64xf32, #tpu.memory_space<vmem>>
        %dma_start3A_394 = tpu.memref_squeeze %dma_start3A_393 : memref<1x8x64xf32, #tpu.memory_space<vmem>> -> memref<8x64xf32, #tpu.memory_space<vmem>>
        %dma_start3A_395 = arith.constant 0 : i32
        %dma_start3A_396 = tpu.memref_slice %arg5[%multiple_of3A_370, %dma_start3A_395] : memref<1000000x64xf32, #tpu.memory_space<hbm>> -> memref<8x64xf32, #tpu.memory_space<hbm>>
        %dma_start3A_397 = arith.constant 0 : i32
        %dma_start3A_398 = arith.constant 0 : i32
        %dma_start3A_399 = tpu.memref_slice %arg12[%add3A_390, %dma_start3A_397, %dma_start3A_398] : memref<32x8x64xf32, #tpu.memory_space<vmem>> -> memref<1x8x64xf32, #tpu.memory_space<vmem>>
        %dma_start3A_400 = tpu.memref_squeeze %dma_start3A_399 : memref<1x8x64xf32, #tpu.memory_space<vmem>> -> memref<8x64xf32, #tpu.memory_space<vmem>>
        %dma_start3A_401 = arith.constant 0 : i32
        %dma_start3A_402 = tpu.memref_slice %arg5[%multiple_of3A_370, %dma_start3A_401] : memref<1000000x64xf32, #tpu.memory_space<hbm>> -> memref<8x64xf32, #tpu.memory_space<hbm>>
        tpu.enqueue_dma source(%dma_start3A_402 : memref<8x64xf32, #tpu.memory_space<hbm>>) target(%dma_start3A_400 : memref<8x64xf32, #tpu.memory_space<vmem>>) target_semaphore(%arg15 : memref<!tpu.dma_semaphore, #tpu.memory_space<semaphore_mem>>)
        %slice3A_403 = vector.extract_strided_slice %shift_left3A_49 {offsets = [9], sizes = [1], strides = [1]} : vector<16xi32> to vector<1xi32>
        %squeeze3A_404 = vector.extract %slice3A_403[0] : i32 from vector<1xi32>
        %multiple_of3A_405 = tpu.assume_multiple %squeeze3A_404, 8 : i32
        %slice3A_406 = vector.extract_strided_slice %shift_left3A_63 {offsets = [9], sizes = [1], strides = [1]} : vector<16xi32> to vector<1xi32>
        %squeeze3A_407 = vector.extract %slice3A_406[0] : i32 from vector<1xi32>
        %multiple_of3A_408 = tpu.assume_multiple %squeeze3A_407, 8 : i32
        %mul3A_409 = arith.constant 16 : i32
        %mul3A_410 = arith.muli %scan3A_38, %mul3A_409 : i32
        %add3A_411 = arith.constant 9 : i32
        %add3A_412 = arith.addi %mul3A_410, %add3A_411 : i32
        %dma_start3A_413 = arith.constant 0 : i32
        %dma_start3A_414 = arith.constant 0 : i32
        %dma_start3A_415 = tpu.memref_slice %arg11[%add3A_412, %dma_start3A_413, %dma_start3A_414] : memref<32x8x64xf32, #tpu.memory_space<vmem>> -> memref<1x8x64xf32, #tpu.memory_space<vmem>>
        %dma_start3A_416 = tpu.memref_squeeze %dma_start3A_415 : memref<1x8x64xf32, #tpu.memory_space<vmem>> -> memref<8x64xf32, #tpu.memory_space<vmem>>
        %dma_start3A_417 = arith.constant 0 : i32
        %dma_start3A_418 = tpu.memref_slice %arg5[%multiple_of3A_405, %dma_start3A_417] : memref<1000000x64xf32, #tpu.memory_space<hbm>> -> memref<8x64xf32, #tpu.memory_space<hbm>>
        %dma_start3A_419 = arith.constant 0 : i32
        %dma_start3A_420 = arith.constant 0 : i32
        %dma_start3A_421 = tpu.memref_slice %arg11[%add3A_412, %dma_start3A_419, %dma_start3A_420] : memref<32x8x64xf32, #tpu.memory_space<vmem>> -> memref<1x8x64xf32, #tpu.memory_space<vmem>>
        %dma_start3A_422 = tpu.memref_squeeze %dma_start3A_421 : memref<1x8x64xf32, #tpu.memory_space<vmem>> -> memref<8x64xf32, #tpu.memory_space<vmem>>
        %dma_start3A_423 = arith.constant 0 : i32
        %dma_start3A_424 = tpu.memref_slice %arg5[%multiple_of3A_405, %dma_start3A_423] : memref<1000000x64xf32, #tpu.memory_space<hbm>> -> memref<8x64xf32, #tpu.memory_space<hbm>>
        tpu.enqueue_dma source(%dma_start3A_424 : memref<8x64xf32, #tpu.memory_space<hbm>>) target(%dma_start3A_422 : memref<8x64xf32, #tpu.memory_space<vmem>>) target_semaphore(%arg15 : memref<!tpu.dma_semaphore, #tpu.memory_space<semaphore_mem>>)
        %mul3A_425 = arith.constant 16 : i32
        %mul3A_426 = arith.muli %scan3A_38, %mul3A_425 : i32
        %add3A_427 = arith.constant 9 : i32
        %add3A_428 = arith.addi %mul3A_426, %add3A_427 : i32
        %dma_start3A_429 = arith.constant 0 : i32
        %dma_start3A_430 = arith.constant 0 : i32
        %dma_start3A_431 = tpu.memref_slice %arg12[%add3A_428, %dma_start3A_429, %dma_start3A_430] : memref<32x8x64xf32, #tpu.memory_space<vmem>> -> memref<1x8x64xf32, #tpu.memory_space<vmem>>
        %dma_start3A_432 = tpu.memref_squeeze %dma_start3A_431 : memref<1x8x64xf32, #tpu.memory_space<vmem>> -> memref<8x64xf32, #tpu.memory_space<vmem>>
        %dma_start3A_433 = arith.constant 0 : i32
        %dma_start3A_434 = tpu.memref_slice %arg5[%multiple_of3A_408, %dma_start3A_433] : memref<1000000x64xf32, #tpu.memory_space<hbm>> -> memref<8x64xf32, #tpu.memory_space<hbm>>
        %dma_start3A_435 = arith.constant 0 : i32
        %dma_start3A_436 = arith.constant 0 : i32
        %dma_start3A_437 = tpu.memref_slice %arg12[%add3A_428, %dma_start3A_435, %dma_start3A_436] : memref<32x8x64xf32, #tpu.memory_space<vmem>> -> memref<1x8x64xf32, #tpu.memory_space<vmem>>
        %dma_start3A_438 = tpu.memref_squeeze %dma_start3A_437 : memref<1x8x64xf32, #tpu.memory_space<vmem>> -> memref<8x64xf32, #tpu.memory_space<vmem>>
        %dma_start3A_439 = arith.constant 0 : i32
        %dma_start3A_440 = tpu.memref_slice %arg5[%multiple_of3A_408, %dma_start3A_439] : memref<1000000x64xf32, #tpu.memory_space<hbm>> -> memref<8x64xf32, #tpu.memory_space<hbm>>
        tpu.enqueue_dma source(%dma_start3A_440 : memref<8x64xf32, #tpu.memory_space<hbm>>) target(%dma_start3A_438 : memref<8x64xf32, #tpu.memory_space<vmem>>) target_semaphore(%arg15 : memref<!tpu.dma_semaphore, #tpu.memory_space<semaphore_mem>>)
        %slice3A_441 = vector.extract_strided_slice %shift_left3A_49 {offsets = [10], sizes = [1], strides = [1]} : vector<16xi32> to vector<1xi32>
        %squeeze3A_442 = vector.extract %slice3A_441[0] : i32 from vector<1xi32>
        %multiple_of3A_443 = tpu.assume_multiple %squeeze3A_442, 8 : i32
        %slice3A_444 = vector.extract_strided_slice %shift_left3A_63 {offsets = [10], sizes = [1], strides = [1]} : vector<16xi32> to vector<1xi32>
        %squeeze3A_445 = vector.extract %slice3A_444[0] : i32 from vector<1xi32>
        %multiple_of3A_446 = tpu.assume_multiple %squeeze3A_445, 8 : i32
        %mul3A_447 = arith.constant 16 : i32
        %mul3A_448 = arith.muli %scan3A_38, %mul3A_447 : i32
        %add3A_449 = arith.constant 10 : i32
        %add3A_450 = arith.addi %mul3A_448, %add3A_449 : i32
        %dma_start3A_451 = arith.constant 0 : i32
        %dma_start3A_452 = arith.constant 0 : i32
        %dma_start3A_453 = tpu.memref_slice %arg11[%add3A_450, %dma_start3A_451, %dma_start3A_452] : memref<32x8x64xf32, #tpu.memory_space<vmem>> -> memref<1x8x64xf32, #tpu.memory_space<vmem>>
        %dma_start3A_454 = tpu.memref_squeeze %dma_start3A_453 : memref<1x8x64xf32, #tpu.memory_space<vmem>> -> memref<8x64xf32, #tpu.memory_space<vmem>>
        %dma_start3A_455 = arith.constant 0 : i32
        %dma_start3A_456 = tpu.memref_slice %arg5[%multiple_of3A_443, %dma_start3A_455] : memref<1000000x64xf32, #tpu.memory_space<hbm>> -> memref<8x64xf32, #tpu.memory_space<hbm>>
        %dma_start3A_457 = arith.constant 0 : i32
        %dma_start3A_458 = arith.constant 0 : i32
        %dma_start3A_459 = tpu.memref_slice %arg11[%add3A_450, %dma_start3A_457, %dma_start3A_458] : memref<32x8x64xf32, #tpu.memory_space<vmem>> -> memref<1x8x64xf32, #tpu.memory_space<vmem>>
        %dma_start3A_460 = tpu.memref_squeeze %dma_start3A_459 : memref<1x8x64xf32, #tpu.memory_space<vmem>> -> memref<8x64xf32, #tpu.memory_space<vmem>>
        %dma_start3A_461 = arith.constant 0 : i32
        %dma_start3A_462 = tpu.memref_slice %arg5[%multiple_of3A_443, %dma_start3A_461] : memref<1000000x64xf32, #tpu.memory_space<hbm>> -> memref<8x64xf32, #tpu.memory_space<hbm>>
        tpu.enqueue_dma source(%dma_start3A_462 : memref<8x64xf32, #tpu.memory_space<hbm>>) target(%dma_start3A_460 : memref<8x64xf32, #tpu.memory_space<vmem>>) target_semaphore(%arg15 : memref<!tpu.dma_semaphore, #tpu.memory_space<semaphore_mem>>)
        %mul3A_463 = arith.constant 16 : i32
        %mul3A_464 = arith.muli %scan3A_38, %mul3A_463 : i32
        %add3A_465 = arith.constant 10 : i32
        %add3A_466 = arith.addi %mul3A_464, %add3A_465 : i32
        %dma_start3A_467 = arith.constant 0 : i32
        %dma_start3A_468 = arith.constant 0 : i32
        %dma_start3A_469 = tpu.memref_slice %arg12[%add3A_466, %dma_start3A_467, %dma_start3A_468] : memref<32x8x64xf32, #tpu.memory_space<vmem>> -> memref<1x8x64xf32, #tpu.memory_space<vmem>>
        %dma_start3A_470 = tpu.memref_squeeze %dma_start3A_469 : memref<1x8x64xf32, #tpu.memory_space<vmem>> -> memref<8x64xf32, #tpu.memory_space<vmem>>
        %dma_start3A_471 = arith.constant 0 : i32
        %dma_start3A_472 = tpu.memref_slice %arg5[%multiple_of3A_446, %dma_start3A_471] : memref<1000000x64xf32, #tpu.memory_space<hbm>> -> memref<8x64xf32, #tpu.memory_space<hbm>>
        %dma_start3A_473 = arith.constant 0 : i32
        %dma_start3A_474 = arith.constant 0 : i32
        %dma_start3A_475 = tpu.memref_slice %arg12[%add3A_466, %dma_start3A_473, %dma_start3A_474] : memref<32x8x64xf32, #tpu.memory_space<vmem>> -> memref<1x8x64xf32, #tpu.memory_space<vmem>>
        %dma_start3A_476 = tpu.memref_squeeze %dma_start3A_475 : memref<1x8x64xf32, #tpu.memory_space<vmem>> -> memref<8x64xf32, #tpu.memory_space<vmem>>
        %dma_start3A_477 = arith.constant 0 : i32
        %dma_start3A_478 = tpu.memref_slice %arg5[%multiple_of3A_446, %dma_start3A_477] : memref<1000000x64xf32, #tpu.memory_space<hbm>> -> memref<8x64xf32, #tpu.memory_space<hbm>>
        tpu.enqueue_dma source(%dma_start3A_478 : memref<8x64xf32, #tpu.memory_space<hbm>>) target(%dma_start3A_476 : memref<8x64xf32, #tpu.memory_space<vmem>>) target_semaphore(%arg15 : memref<!tpu.dma_semaphore, #tpu.memory_space<semaphore_mem>>)
        %slice3A_479 = vector.extract_strided_slice %shift_left3A_49 {offsets = [11], sizes = [1], strides = [1]} : vector<16xi32> to vector<1xi32>
        %squeeze3A_480 = vector.extract %slice3A_479[0] : i32 from vector<1xi32>
        %multiple_of3A_481 = tpu.assume_multiple %squeeze3A_480, 8 : i32
        %slice3A_482 = vector.extract_strided_slice %shift_left3A_63 {offsets = [11], sizes = [1], strides = [1]} : vector<16xi32> to vector<1xi32>
        %squeeze3A_483 = vector.extract %slice3A_482[0] : i32 from vector<1xi32>
        %multiple_of3A_484 = tpu.assume_multiple %squeeze3A_483, 8 : i32
        %mul3A_485 = arith.constant 16 : i32
        %mul3A_486 = arith.muli %scan3A_38, %mul3A_485 : i32
        %add3A_487 = arith.constant 11 : i32
        %add3A_488 = arith.addi %mul3A_486, %add3A_487 : i32
        %dma_start3A_489 = arith.constant 0 : i32
        %dma_start3A_490 = arith.constant 0 : i32
        %dma_start3A_491 = tpu.memref_slice %arg11[%add3A_488, %dma_start3A_489, %dma_start3A_490] : memref<32x8x64xf32, #tpu.memory_space<vmem>> -> memref<1x8x64xf32, #tpu.memory_space<vmem>>
        %dma_start3A_492 = tpu.memref_squeeze %dma_start3A_491 : memref<1x8x64xf32, #tpu.memory_space<vmem>> -> memref<8x64xf32, #tpu.memory_space<vmem>>
        %dma_start3A_493 = arith.constant 0 : i32
        %dma_start3A_494 = tpu.memref_slice %arg5[%multiple_of3A_481, %dma_start3A_493] : memref<1000000x64xf32, #tpu.memory_space<hbm>> -> memref<8x64xf32, #tpu.memory_space<hbm>>
        %dma_start3A_495 = arith.constant 0 : i32
        %dma_start3A_496 = arith.constant 0 : i32
        %dma_start3A_497 = tpu.memref_slice %arg11[%add3A_488, %dma_start3A_495, %dma_start3A_496] : memref<32x8x64xf32, #tpu.memory_space<vmem>> -> memref<1x8x64xf32, #tpu.memory_space<vmem>>
        %dma_start3A_498 = tpu.memref_squeeze %dma_start3A_497 : memref<1x8x64xf32, #tpu.memory_space<vmem>> -> memref<8x64xf32, #tpu.memory_space<vmem>>
        %dma_start3A_499 = arith.constant 0 : i32
        %dma_start3A_500 = tpu.memref_slice %arg5[%multiple_of3A_481, %dma_start3A_499] : memref<1000000x64xf32, #tpu.memory_space<hbm>> -> memref<8x64xf32, #tpu.memory_space<hbm>>
        tpu.enqueue_dma source(%dma_start3A_500 : memref<8x64xf32, #tpu.memory_space<hbm>>) target(%dma_start3A_498 : memref<8x64xf32, #tpu.memory_space<vmem>>) target_semaphore(%arg15 : memref<!tpu.dma_semaphore, #tpu.memory_space<semaphore_mem>>)
        %mul3A_501 = arith.constant 16 : i32
        %mul3A_502 = arith.muli %scan3A_38, %mul3A_501 : i32
        %add3A_503 = arith.constant 11 : i32
        %add3A_504 = arith.addi %mul3A_502, %add3A_503 : i32
        %dma_start3A_505 = arith.constant 0 : i32
        %dma_start3A_506 = arith.constant 0 : i32
        %dma_start3A_507 = tpu.memref_slice %arg12[%add3A_504, %dma_start3A_505, %dma_start3A_506] : memref<32x8x64xf32, #tpu.memory_space<vmem>> -> memref<1x8x64xf32, #tpu.memory_space<vmem>>
        %dma_start3A_508 = tpu.memref_squeeze %dma_start3A_507 : memref<1x8x64xf32, #tpu.memory_space<vmem>> -> memref<8x64xf32, #tpu.memory_space<vmem>>
        %dma_start3A_509 = arith.constant 0 : i32
        %dma_start3A_510 = tpu.memref_slice %arg5[%multiple_of3A_484, %dma_start3A_509] : memref<1000000x64xf32, #tpu.memory_space<hbm>> -> memref<8x64xf32, #tpu.memory_space<hbm>>
        %dma_start3A_511 = arith.constant 0 : i32
        %dma_start3A_512 = arith.constant 0 : i32
        %dma_start3A_513 = tpu.memref_slice %arg12[%add3A_504, %dma_start3A_511, %dma_start3A_512] : memref<32x8x64xf32, #tpu.memory_space<vmem>> -> memref<1x8x64xf32, #tpu.memory_space<vmem>>
        %dma_start3A_514 = tpu.memref_squeeze %dma_start3A_513 : memref<1x8x64xf32, #tpu.memory_space<vmem>> -> memref<8x64xf32, #tpu.memory_space<vmem>>
        %dma_start3A_515 = arith.constant 0 : i32
        %dma_start3A_516 = tpu.memref_slice %arg5[%multiple_of3A_484, %dma_start3A_515] : memref<1000000x64xf32, #tpu.memory_space<hbm>> -> memref<8x64xf32, #tpu.memory_space<hbm>>
        tpu.enqueue_dma source(%dma_start3A_516 : memref<8x64xf32, #tpu.memory_space<hbm>>) target(%dma_start3A_514 : memref<8x64xf32, #tpu.memory_space<vmem>>) target_semaphore(%arg15 : memref<!tpu.dma_semaphore, #tpu.memory_space<semaphore_mem>>)
        %slice3A_517 = vector.extract_strided_slice %shift_left3A_49 {offsets = [12], sizes = [1], strides = [1]} : vector<16xi32> to vector<1xi32>
        %squeeze3A_518 = vector.extract %slice3A_517[0] : i32 from vector<1xi32>
        %multiple_of3A_519 = tpu.assume_multiple %squeeze3A_518, 8 : i32
        %slice3A_520 = vector.extract_strided_slice %shift_left3A_63 {offsets = [12], sizes = [1], strides = [1]} : vector<16xi32> to vector<1xi32>
        %squeeze3A_521 = vector.extract %slice3A_520[0] : i32 from vector<1xi32>
        %multiple_of3A_522 = tpu.assume_multiple %squeeze3A_521, 8 : i32
        %mul3A_523 = arith.constant 16 : i32
        %mul3A_524 = arith.muli %scan3A_38, %mul3A_523 : i32
        %add3A_525 = arith.constant 12 : i32
        %add3A_526 = arith.addi %mul3A_524, %add3A_525 : i32
        %dma_start3A_527 = arith.constant 0 : i32
        %dma_start3A_528 = arith.constant 0 : i32
        %dma_start3A_529 = tpu.memref_slice %arg11[%add3A_526, %dma_start3A_527, %dma_start3A_528] : memref<32x8x64xf32, #tpu.memory_space<vmem>> -> memref<1x8x64xf32, #tpu.memory_space<vmem>>
        %dma_start3A_530 = tpu.memref_squeeze %dma_start3A_529 : memref<1x8x64xf32, #tpu.memory_space<vmem>> -> memref<8x64xf32, #tpu.memory_space<vmem>>
        %dma_start3A_531 = arith.constant 0 : i32
        %dma_start3A_532 = tpu.memref_slice %arg5[%multiple_of3A_519, %dma_start3A_531] : memref<1000000x64xf32, #tpu.memory_space<hbm>> -> memref<8x64xf32, #tpu.memory_space<hbm>>
        %dma_start3A_533 = arith.constant 0 : i32
        %dma_start3A_534 = arith.constant 0 : i32
        %dma_start3A_535 = tpu.memref_slice %arg11[%add3A_526, %dma_start3A_533, %dma_start3A_534] : memref<32x8x64xf32, #tpu.memory_space<vmem>> -> memref<1x8x64xf32, #tpu.memory_space<vmem>>
        %dma_start3A_536 = tpu.memref_squeeze %dma_start3A_535 : memref<1x8x64xf32, #tpu.memory_space<vmem>> -> memref<8x64xf32, #tpu.memory_space<vmem>>
        %dma_start3A_537 = arith.constant 0 : i32
        %dma_start3A_538 = tpu.memref_slice %arg5[%multiple_of3A_519, %dma_start3A_537] : memref<1000000x64xf32, #tpu.memory_space<hbm>> -> memref<8x64xf32, #tpu.memory_space<hbm>>
        tpu.enqueue_dma source(%dma_start3A_538 : memref<8x64xf32, #tpu.memory_space<hbm>>) target(%dma_start3A_536 : memref<8x64xf32, #tpu.memory_space<vmem>>) target_semaphore(%arg15 : memref<!tpu.dma_semaphore, #tpu.memory_space<semaphore_mem>>)
        %mul3A_539 = arith.constant 16 : i32
        %mul3A_540 = arith.muli %scan3A_38, %mul3A_539 : i32
        %add3A_541 = arith.constant 12 : i32
        %add3A_542 = arith.addi %mul3A_540, %add3A_541 : i32
        %dma_start3A_543 = arith.constant 0 : i32
        %dma_start3A_544 = arith.constant 0 : i32
        %dma_start3A_545 = tpu.memref_slice %arg12[%add3A_542, %dma_start3A_543, %dma_start3A_544] : memref<32x8x64xf32, #tpu.memory_space<vmem>> -> memref<1x8x64xf32, #tpu.memory_space<vmem>>
        %dma_start3A_546 = tpu.memref_squeeze %dma_start3A_545 : memref<1x8x64xf32, #tpu.memory_space<vmem>> -> memref<8x64xf32, #tpu.memory_space<vmem>>
        %dma_start3A_547 = arith.constant 0 : i32
        %dma_start3A_548 = tpu.memref_slice %arg5[%multiple_of3A_522, %dma_start3A_547] : memref<1000000x64xf32, #tpu.memory_space<hbm>> -> memref<8x64xf32, #tpu.memory_space<hbm>>
        %dma_start3A_549 = arith.constant 0 : i32
        %dma_start3A_550 = arith.constant 0 : i32
        %dma_start3A_551 = tpu.memref_slice %arg12[%add3A_542, %dma_start3A_549, %dma_start3A_550] : memref<32x8x64xf32, #tpu.memory_space<vmem>> -> memref<1x8x64xf32, #tpu.memory_space<vmem>>
        %dma_start3A_552 = tpu.memref_squeeze %dma_start3A_551 : memref<1x8x64xf32, #tpu.memory_space<vmem>> -> memref<8x64xf32, #tpu.memory_space<vmem>>
        %dma_start3A_553 = arith.constant 0 : i32
        %dma_start3A_554 = tpu.memref_slice %arg5[%multiple_of3A_522, %dma_start3A_553] : memref<1000000x64xf32, #tpu.memory_space<hbm>> -> memref<8x64xf32, #tpu.memory_space<hbm>>
        tpu.enqueue_dma source(%dma_start3A_554 : memref<8x64xf32, #tpu.memory_space<hbm>>) target(%dma_start3A_552 : memref<8x64xf32, #tpu.memory_space<vmem>>) target_semaphore(%arg15 : memref<!tpu.dma_semaphore, #tpu.memory_space<semaphore_mem>>)
        %slice3A_555 = vector.extract_strided_slice %shift_left3A_49 {offsets = [13], sizes = [1], strides = [1]} : vector<16xi32> to vector<1xi32>
        %squeeze3A_556 = vector.extract %slice3A_555[0] : i32 from vector<1xi32>
        %multiple_of3A_557 = tpu.assume_multiple %squeeze3A_556, 8 : i32
        %slice3A_558 = vector.extract_strided_slice %shift_left3A_63 {offsets = [13], sizes = [1], strides = [1]} : vector<16xi32> to vector<1xi32>
        %squeeze3A_559 = vector.extract %slice3A_558[0] : i32 from vector<1xi32>
        %multiple_of3A_560 = tpu.assume_multiple %squeeze3A_559, 8 : i32
        %mul3A_561 = arith.constant 16 : i32
        %mul3A_562 = arith.muli %scan3A_38, %mul3A_561 : i32
        %add3A_563 = arith.constant 13 : i32
        %add3A_564 = arith.addi %mul3A_562, %add3A_563 : i32
        %dma_start3A_565 = arith.constant 0 : i32
        %dma_start3A_566 = arith.constant 0 : i32
        %dma_start3A_567 = tpu.memref_slice %arg11[%add3A_564, %dma_start3A_565, %dma_start3A_566] : memref<32x8x64xf32, #tpu.memory_space<vmem>> -> memref<1x8x64xf32, #tpu.memory_space<vmem>>
        %dma_start3A_568 = tpu.memref_squeeze %dma_start3A_567 : memref<1x8x64xf32, #tpu.memory_space<vmem>> -> memref<8x64xf32, #tpu.memory_space<vmem>>
        %dma_start3A_569 = arith.constant 0 : i32
        %dma_start3A_570 = tpu.memref_slice %arg5[%multiple_of3A_557, %dma_start3A_569] : memref<1000000x64xf32, #tpu.memory_space<hbm>> -> memref<8x64xf32, #tpu.memory_space<hbm>>
        %dma_start3A_571 = arith.constant 0 : i32
        %dma_start3A_572 = arith.constant 0 : i32
        %dma_start3A_573 = tpu.memref_slice %arg11[%add3A_564, %dma_start3A_571, %dma_start3A_572] : memref<32x8x64xf32, #tpu.memory_space<vmem>> -> memref<1x8x64xf32, #tpu.memory_space<vmem>>
        %dma_start3A_574 = tpu.memref_squeeze %dma_start3A_573 : memref<1x8x64xf32, #tpu.memory_space<vmem>> -> memref<8x64xf32, #tpu.memory_space<vmem>>
        %dma_start3A_575 = arith.constant 0 : i32
        %dma_start3A_576 = tpu.memref_slice %arg5[%multiple_of3A_557, %dma_start3A_575] : memref<1000000x64xf32, #tpu.memory_space<hbm>> -> memref<8x64xf32, #tpu.memory_space<hbm>>
        tpu.enqueue_dma source(%dma_start3A_576 : memref<8x64xf32, #tpu.memory_space<hbm>>) target(%dma_start3A_574 : memref<8x64xf32, #tpu.memory_space<vmem>>) target_semaphore(%arg15 : memref<!tpu.dma_semaphore, #tpu.memory_space<semaphore_mem>>)
        %mul3A_577 = arith.constant 16 : i32
        %mul3A_578 = arith.muli %scan3A_38, %mul3A_577 : i32
        %add3A_579 = arith.constant 13 : i32
        %add3A_580 = arith.addi %mul3A_578, %add3A_579 : i32
        %dma_start3A_581 = arith.constant 0 : i32
        %dma_start3A_582 = arith.constant 0 : i32
        %dma_start3A_583 = tpu.memref_slice %arg12[%add3A_580, %dma_start3A_581, %dma_start3A_582] : memref<32x8x64xf32, #tpu.memory_space<vmem>> -> memref<1x8x64xf32, #tpu.memory_space<vmem>>
        %dma_start3A_584 = tpu.memref_squeeze %dma_start3A_583 : memref<1x8x64xf32, #tpu.memory_space<vmem>> -> memref<8x64xf32, #tpu.memory_space<vmem>>
        %dma_start3A_585 = arith.constant 0 : i32
        %dma_start3A_586 = tpu.memref_slice %arg5[%multiple_of3A_560, %dma_start3A_585] : memref<1000000x64xf32, #tpu.memory_space<hbm>> -> memref<8x64xf32, #tpu.memory_space<hbm>>
        %dma_start3A_587 = arith.constant 0 : i32
        %dma_start3A_588 = arith.constant 0 : i32
        %dma_start3A_589 = tpu.memref_slice %arg12[%add3A_580, %dma_start3A_587, %dma_start3A_588] : memref<32x8x64xf32, #tpu.memory_space<vmem>> -> memref<1x8x64xf32, #tpu.memory_space<vmem>>
        %dma_start3A_590 = tpu.memref_squeeze %dma_start3A_589 : memref<1x8x64xf32, #tpu.memory_space<vmem>> -> memref<8x64xf32, #tpu.memory_space<vmem>>
        %dma_start3A_591 = arith.constant 0 : i32
        %dma_start3A_592 = tpu.memref_slice %arg5[%multiple_of3A_560, %dma_start3A_591] : memref<1000000x64xf32, #tpu.memory_space<hbm>> -> memref<8x64xf32, #tpu.memory_space<hbm>>
        tpu.enqueue_dma source(%dma_start3A_592 : memref<8x64xf32, #tpu.memory_space<hbm>>) target(%dma_start3A_590 : memref<8x64xf32, #tpu.memory_space<vmem>>) target_semaphore(%arg15 : memref<!tpu.dma_semaphore, #tpu.memory_space<semaphore_mem>>)
        %slice3A_593 = vector.extract_strided_slice %shift_left3A_49 {offsets = [14], sizes = [1], strides = [1]} : vector<16xi32> to vector<1xi32>
        %squeeze3A_594 = vector.extract %slice3A_593[0] : i32 from vector<1xi32>
        %multiple_of3A_595 = tpu.assume_multiple %squeeze3A_594, 8 : i32
        %slice3A_596 = vector.extract_strided_slice %shift_left3A_63 {offsets = [14], sizes = [1], strides = [1]} : vector<16xi32> to vector<1xi32>
        %squeeze3A_597 = vector.extract %slice3A_596[0] : i32 from vector<1xi32>
        %multiple_of3A_598 = tpu.assume_multiple %squeeze3A_597, 8 : i32
        %mul3A_599 = arith.constant 16 : i32
        %mul3A_600 = arith.muli %scan3A_38, %mul3A_599 : i32
        %add3A_601 = arith.constant 14 : i32
        %add3A_602 = arith.addi %mul3A_600, %add3A_601 : i32
        %dma_start3A_603 = arith.constant 0 : i32
        %dma_start3A_604 = arith.constant 0 : i32
        %dma_start3A_605 = tpu.memref_slice %arg11[%add3A_602, %dma_start3A_603, %dma_start3A_604] : memref<32x8x64xf32, #tpu.memory_space<vmem>> -> memref<1x8x64xf32, #tpu.memory_space<vmem>>
        %dma_start3A_606 = tpu.memref_squeeze %dma_start3A_605 : memref<1x8x64xf32, #tpu.memory_space<vmem>> -> memref<8x64xf32, #tpu.memory_space<vmem>>
        %dma_start3A_607 = arith.constant 0 : i32
        %dma_start3A_608 = tpu.memref_slice %arg5[%multiple_of3A_595, %dma_start3A_607] : memref<1000000x64xf32, #tpu.memory_space<hbm>> -> memref<8x64xf32, #tpu.memory_space<hbm>>
        %dma_start3A_609 = arith.constant 0 : i32
        %dma_start3A_610 = arith.constant 0 : i32
        %dma_start3A_611 = tpu.memref_slice %arg11[%add3A_602, %dma_start3A_609, %dma_start3A_610] : memref<32x8x64xf32, #tpu.memory_space<vmem>> -> memref<1x8x64xf32, #tpu.memory_space<vmem>>
        %dma_start3A_612 = tpu.memref_squeeze %dma_start3A_611 : memref<1x8x64xf32, #tpu.memory_space<vmem>> -> memref<8x64xf32, #tpu.memory_space<vmem>>
        %dma_start3A_613 = arith.constant 0 : i32
        %dma_start3A_614 = tpu.memref_slice %arg5[%multiple_of3A_595, %dma_start3A_613] : memref<1000000x64xf32, #tpu.memory_space<hbm>> -> memref<8x64xf32, #tpu.memory_space<hbm>>
        tpu.enqueue_dma source(%dma_start3A_614 : memref<8x64xf32, #tpu.memory_space<hbm>>) target(%dma_start3A_612 : memref<8x64xf32, #tpu.memory_space<vmem>>) target_semaphore(%arg15 : memref<!tpu.dma_semaphore, #tpu.memory_space<semaphore_mem>>)
        %mul3A_615 = arith.constant 16 : i32
        %mul3A_616 = arith.muli %scan3A_38, %mul3A_615 : i32
        %add3A_617 = arith.constant 14 : i32
        %add3A_618 = arith.addi %mul3A_616, %add3A_617 : i32
        %dma_start3A_619 = arith.constant 0 : i32
        %dma_start3A_620 = arith.constant 0 : i32
        %dma_start3A_621 = tpu.memref_slice %arg12[%add3A_618, %dma_start3A_619, %dma_start3A_620] : memref<32x8x64xf32, #tpu.memory_space<vmem>> -> memref<1x8x64xf32, #tpu.memory_space<vmem>>
        %dma_start3A_622 = tpu.memref_squeeze %dma_start3A_621 : memref<1x8x64xf32, #tpu.memory_space<vmem>> -> memref<8x64xf32, #tpu.memory_space<vmem>>
        %dma_start3A_623 = arith.constant 0 : i32
        %dma_start3A_624 = tpu.memref_slice %arg5[%multiple_of3A_598, %dma_start3A_623] : memref<1000000x64xf32, #tpu.memory_space<hbm>> -> memref<8x64xf32, #tpu.memory_space<hbm>>
        %dma_start3A_625 = arith.constant 0 : i32
        %dma_start3A_626 = arith.constant 0 : i32
        %dma_start3A_627 = tpu.memref_slice %arg12[%add3A_618, %dma_start3A_625, %dma_start3A_626] : memref<32x8x64xf32, #tpu.memory_space<vmem>> -> memref<1x8x64xf32, #tpu.memory_space<vmem>>
        %dma_start3A_628 = tpu.memref_squeeze %dma_start3A_627 : memref<1x8x64xf32, #tpu.memory_space<vmem>> -> memref<8x64xf32, #tpu.memory_space<vmem>>
        %dma_start3A_629 = arith.constant 0 : i32
        %dma_start3A_630 = tpu.memref_slice %arg5[%multiple_of3A_598, %dma_start3A_629] : memref<1000000x64xf32, #tpu.memory_space<hbm>> -> memref<8x64xf32, #tpu.memory_space<hbm>>
        tpu.enqueue_dma source(%dma_start3A_630 : memref<8x64xf32, #tpu.memory_space<hbm>>) target(%dma_start3A_628 : memref<8x64xf32, #tpu.memory_space<vmem>>) target_semaphore(%arg15 : memref<!tpu.dma_semaphore, #tpu.memory_space<semaphore_mem>>)
        %slice3A_631 = vector.extract_strided_slice %shift_left3A_49 {offsets = [15], sizes = [1], strides = [1]} : vector<16xi32> to vector<1xi32>
        %squeeze3A_632 = vector.extract %slice3A_631[0] : i32 from vector<1xi32>
        %multiple_of3A_633 = tpu.assume_multiple %squeeze3A_632, 8 : i32
        %slice3A_634 = vector.extract_strided_slice %shift_left3A_63 {offsets = [15], sizes = [1], strides = [1]} : vector<16xi32> to vector<1xi32>
        %squeeze3A_635 = vector.extract %slice3A_634[0] : i32 from vector<1xi32>
        %multiple_of3A_636 = tpu.assume_multiple %squeeze3A_635, 8 : i32
        %mul3A_637 = arith.constant 16 : i32
        %mul3A_638 = arith.muli %scan3A_38, %mul3A_637 : i32
        %add3A_639 = arith.constant 15 : i32
        %add3A_640 = arith.addi %mul3A_638, %add3A_639 : i32
        %dma_start3A_641 = arith.constant 0 : i32
        %dma_start3A_642 = arith.constant 0 : i32
        %dma_start3A_643 = tpu.memref_slice %arg11[%add3A_640, %dma_start3A_641, %dma_start3A_642] : memref<32x8x64xf32, #tpu.memory_space<vmem>> -> memref<1x8x64xf32, #tpu.memory_space<vmem>>
        %dma_start3A_644 = tpu.memref_squeeze %dma_start3A_643 : memref<1x8x64xf32, #tpu.memory_space<vmem>> -> memref<8x64xf32, #tpu.memory_space<vmem>>
        %dma_start3A_645 = arith.constant 0 : i32
        %dma_start3A_646 = tpu.memref_slice %arg5[%multiple_of3A_633, %dma_start3A_645] : memref<1000000x64xf32, #tpu.memory_space<hbm>> -> memref<8x64xf32, #tpu.memory_space<hbm>>
        %dma_start3A_647 = arith.constant 0 : i32
        %dma_start3A_648 = arith.constant 0 : i32
        %dma_start3A_649 = tpu.memref_slice %arg11[%add3A_640, %dma_start3A_647, %dma_start3A_648] : memref<32x8x64xf32, #tpu.memory_space<vmem>> -> memref<1x8x64xf32, #tpu.memory_space<vmem>>
        %dma_start3A_650 = tpu.memref_squeeze %dma_start3A_649 : memref<1x8x64xf32, #tpu.memory_space<vmem>> -> memref<8x64xf32, #tpu.memory_space<vmem>>
        %dma_start3A_651 = arith.constant 0 : i32
        %dma_start3A_652 = tpu.memref_slice %arg5[%multiple_of3A_633, %dma_start3A_651] : memref<1000000x64xf32, #tpu.memory_space<hbm>> -> memref<8x64xf32, #tpu.memory_space<hbm>>
        tpu.enqueue_dma source(%dma_start3A_652 : memref<8x64xf32, #tpu.memory_space<hbm>>) target(%dma_start3A_650 : memref<8x64xf32, #tpu.memory_space<vmem>>) target_semaphore(%arg15 : memref<!tpu.dma_semaphore, #tpu.memory_space<semaphore_mem>>)
        %mul3A_653 = arith.constant 16 : i32
        %mul3A_654 = arith.muli %scan3A_38, %mul3A_653 : i32
        %add3A_655 = arith.constant 15 : i32
        %add3A_656 = arith.addi %mul3A_654, %add3A_655 : i32
        %dma_start3A_657 = arith.constant 0 : i32
        %dma_start3A_658 = arith.constant 0 : i32
        %dma_start3A_659 = tpu.memref_slice %arg12[%add3A_656, %dma_start3A_657, %dma_start3A_658] : memref<32x8x64xf32, #tpu.memory_space<vmem>> -> memref<1x8x64xf32, #tpu.memory_space<vmem>>
        %dma_start3A_660 = tpu.memref_squeeze %dma_start3A_659 : memref<1x8x64xf32, #tpu.memory_space<vmem>> -> memref<8x64xf32, #tpu.memory_space<vmem>>
        %dma_start3A_661 = arith.constant 0 : i32
        %dma_start3A_662 = tpu.memref_slice %arg5[%multiple_of3A_636, %dma_start3A_661] : memref<1000000x64xf32, #tpu.memory_space<hbm>> -> memref<8x64xf32, #tpu.memory_space<hbm>>
        %dma_start3A_663 = arith.constant 0 : i32
        %dma_start3A_664 = arith.constant 0 : i32
        %dma_start3A_665 = tpu.memref_slice %arg12[%add3A_656, %dma_start3A_663, %dma_start3A_664] : memref<32x8x64xf32, #tpu.memory_space<vmem>> -> memref<1x8x64xf32, #tpu.memory_space<vmem>>
        %dma_start3A_666 = tpu.memref_squeeze %dma_start3A_665 : memref<1x8x64xf32, #tpu.memory_space<vmem>> -> memref<8x64xf32, #tpu.memory_space<vmem>>
        %dma_start3A_667 = arith.constant 0 : i32
        %dma_start3A_668 = tpu.memref_slice %arg5[%multiple_of3A_636, %dma_start3A_667] : memref<1000000x64xf32, #tpu.memory_space<hbm>> -> memref<8x64xf32, #tpu.memory_space<hbm>>
        tpu.enqueue_dma source(%dma_start3A_668 : memref<8x64xf32, #tpu.memory_space<hbm>>) target(%dma_start3A_666 : memref<8x64xf32, #tpu.memory_space<vmem>>) target_semaphore(%arg15 : memref<!tpu.dma_semaphore, #tpu.memory_space<semaphore_mem>>)
      }
      %scan3A_19 = arith.constant 2 : i32
      %scan3A_20 = arith.constant 0 : i32
      %scan3A_21 = arith.constant 2 : i32
      %scan3A_22 = arith.addi %scan3A_20, %scan3A_21 : i32
      %scan3A_23 = arith.constant 1 : i32
      scf.for %scan3A_38 = %scan3A_20 to %scan3A_22 step %scan3A_23  : i32 {
        %mul3A_39 = arith.constant 16 : i32
        %mul3A_40 = arith.muli %scan3A_38, %mul3A_39 : i32
        %add3A_41 = arith.constant 0 : i32
        %add3A_42 = arith.addi %mul3A_40, %add3A_41 : i32
        %dma_wait3A_43 = arith.constant 0 : i32
        %dma_wait3A_44 = arith.constant 0 : i32
        %dma_wait3A_45 = tpu.memref_slice %arg11[%add3A_42, %dma_wait3A_43, %dma_wait3A_44] : memref<32x8x64xf32, #tpu.memory_space<vmem>> -> memref<1x8x64xf32, #tpu.memory_space<vmem>>
        %dma_wait3A_46 = tpu.memref_squeeze %dma_wait3A_45 : memref<1x8x64xf32, #tpu.memory_space<vmem>> -> memref<8x64xf32, #tpu.memory_space<vmem>>
        %dma_wait3A_47 = arith.constant 0 : i32
        %dma_wait3A_48 = arith.constant 0 : i32
        %dma_wait3A_49 = tpu.memref_slice %arg5[%dma_wait3A_47, %dma_wait3A_48] : memref<1000000x64xf32, #tpu.memory_space<hbm>> -> memref<8x64xf32, #tpu.memory_space<hbm>>
        %dma_wait3A_50 = arith.constant 0 : i32
        %dma_wait3A_51 = arith.constant 0 : i32
        %dma_wait3A_52 = tpu.memref_slice %arg11[%add3A_42, %dma_wait3A_50, %dma_wait3A_51] : memref<32x8x64xf32, #tpu.memory_space<vmem>> -> memref<1x8x64xf32, #tpu.memory_space<vmem>>
        %dma_wait3A_53 = tpu.memref_squeeze %dma_wait3A_52 : memref<1x8x64xf32, #tpu.memory_space<vmem>> -> memref<8x64xf32, #tpu.memory_space<vmem>>
        %dma_wait3A_54 = arith.constant 0 : i32
        %dma_wait3A_55 = arith.constant 0 : i32
        %dma_wait3A_56 = tpu.memref_slice %arg5[%dma_wait3A_54, %dma_wait3A_55] : memref<1000000x64xf32, #tpu.memory_space<hbm>> -> memref<8x64xf32, #tpu.memory_space<hbm>>
        tpu.wait_dma2 semaphore(%arg15 : memref<!tpu.dma_semaphore, #tpu.memory_space<semaphore_mem>>) src(%dma_wait3A_56 : memref<8x64xf32, #tpu.memory_space<hbm>>) dst(%dma_wait3A_53 : memref<8x64xf32, #tpu.memory_space<vmem>>)
        %mul3A_57 = arith.constant 16 : i32
        %mul3A_58 = arith.muli %scan3A_38, %mul3A_57 : i32
        %add3A_59 = arith.constant 0 : i32
        %add3A_60 = arith.addi %mul3A_58, %add3A_59 : i32
        %dma_wait3A_61 = arith.constant 0 : i32
        %dma_wait3A_62 = arith.constant 0 : i32
        %dma_wait3A_63 = tpu.memref_slice %arg12[%add3A_60, %dma_wait3A_61, %dma_wait3A_62] : memref<32x8x64xf32, #tpu.memory_space<vmem>> -> memref<1x8x64xf32, #tpu.memory_space<vmem>>
        %dma_wait3A_64 = tpu.memref_squeeze %dma_wait3A_63 : memref<1x8x64xf32, #tpu.memory_space<vmem>> -> memref<8x64xf32, #tpu.memory_space<vmem>>
        %dma_wait3A_65 = arith.constant 0 : i32
        %dma_wait3A_66 = arith.constant 0 : i32
        %dma_wait3A_67 = tpu.memref_slice %arg5[%dma_wait3A_65, %dma_wait3A_66] : memref<1000000x64xf32, #tpu.memory_space<hbm>> -> memref<8x64xf32, #tpu.memory_space<hbm>>
        %dma_wait3A_68 = arith.constant 0 : i32
        %dma_wait3A_69 = arith.constant 0 : i32
        %dma_wait3A_70 = tpu.memref_slice %arg12[%add3A_60, %dma_wait3A_68, %dma_wait3A_69] : memref<32x8x64xf32, #tpu.memory_space<vmem>> -> memref<1x8x64xf32, #tpu.memory_space<vmem>>
        %dma_wait3A_71 = tpu.memref_squeeze %dma_wait3A_70 : memref<1x8x64xf32, #tpu.memory_space<vmem>> -> memref<8x64xf32, #tpu.memory_space<vmem>>
        %dma_wait3A_72 = arith.constant 0 : i32
        %dma_wait3A_73 = arith.constant 0 : i32
        %dma_wait3A_74 = tpu.memref_slice %arg5[%dma_wait3A_72, %dma_wait3A_73] : memref<1000000x64xf32, #tpu.memory_space<hbm>> -> memref<8x64xf32, #tpu.memory_space<hbm>>
        tpu.wait_dma2 semaphore(%arg15 : memref<!tpu.dma_semaphore, #tpu.memory_space<semaphore_mem>>) src(%dma_wait3A_74 : memref<8x64xf32, #tpu.memory_space<hbm>>) dst(%dma_wait3A_71 : memref<8x64xf32, #tpu.memory_space<vmem>>)
        %mul3A_75 = arith.constant 16 : i32
        %mul3A_76 = arith.muli %scan3A_38, %mul3A_75 : i32
        %add3A_77 = arith.constant 1 : i32
        %add3A_78 = arith.addi %mul3A_76, %add3A_77 : i32
        %dma_wait3A_79 = arith.constant 0 : i32
        %dma_wait3A_80 = arith.constant 0 : i32
        %dma_wait3A_81 = tpu.memref_slice %arg11[%add3A_78, %dma_wait3A_79, %dma_wait3A_80] : memref<32x8x64xf32, #tpu.memory_space<vmem>> -> memref<1x8x64xf32, #tpu.memory_space<vmem>>
        %dma_wait3A_82 = tpu.memref_squeeze %dma_wait3A_81 : memref<1x8x64xf32, #tpu.memory_space<vmem>> -> memref<8x64xf32, #tpu.memory_space<vmem>>
        %dma_wait3A_83 = arith.constant 0 : i32
        %dma_wait3A_84 = arith.constant 0 : i32
        %dma_wait3A_85 = tpu.memref_slice %arg5[%dma_wait3A_83, %dma_wait3A_84] : memref<1000000x64xf32, #tpu.memory_space<hbm>> -> memref<8x64xf32, #tpu.memory_space<hbm>>
        %dma_wait3A_86 = arith.constant 0 : i32
        %dma_wait3A_87 = arith.constant 0 : i32
        %dma_wait3A_88 = tpu.memref_slice %arg11[%add3A_78, %dma_wait3A_86, %dma_wait3A_87] : memref<32x8x64xf32, #tpu.memory_space<vmem>> -> memref<1x8x64xf32, #tpu.memory_space<vmem>>
        %dma_wait3A_89 = tpu.memref_squeeze %dma_wait3A_88 : memref<1x8x64xf32, #tpu.memory_space<vmem>> -> memref<8x64xf32, #tpu.memory_space<vmem>>
        %dma_wait3A_90 = arith.constant 0 : i32
        %dma_wait3A_91 = arith.constant 0 : i32
        %dma_wait3A_92 = tpu.memref_slice %arg5[%dma_wait3A_90, %dma_wait3A_91] : memref<1000000x64xf32, #tpu.memory_space<hbm>> -> memref<8x64xf32, #tpu.memory_space<hbm>>
        tpu.wait_dma2 semaphore(%arg15 : memref<!tpu.dma_semaphore, #tpu.memory_space<semaphore_mem>>) src(%dma_wait3A_92 : memref<8x64xf32, #tpu.memory_space<hbm>>) dst(%dma_wait3A_89 : memref<8x64xf32, #tpu.memory_space<vmem>>)
        %mul3A_93 = arith.constant 16 : i32
        %mul3A_94 = arith.muli %scan3A_38, %mul3A_93 : i32
        %add3A_95 = arith.constant 1 : i32
        %add3A_96 = arith.addi %mul3A_94, %add3A_95 : i32
        %dma_wait3A_97 = arith.constant 0 : i32
        %dma_wait3A_98 = arith.constant 0 : i32
        %dma_wait3A_99 = tpu.memref_slice %arg12[%add3A_96, %dma_wait3A_97, %dma_wait3A_98] : memref<32x8x64xf32, #tpu.memory_space<vmem>> -> memref<1x8x64xf32, #tpu.memory_space<vmem>>
        %dma_wait3A_100 = tpu.memref_squeeze %dma_wait3A_99 : memref<1x8x64xf32, #tpu.memory_space<vmem>> -> memref<8x64xf32, #tpu.memory_space<vmem>>
        %dma_wait3A_101 = arith.constant 0 : i32
        %dma_wait3A_102 = arith.constant 0 : i32
        %dma_wait3A_103 = tpu.memref_slice %arg5[%dma_wait3A_101, %dma_wait3A_102] : memref<1000000x64xf32, #tpu.memory_space<hbm>> -> memref<8x64xf32, #tpu.memory_space<hbm>>
        %dma_wait3A_104 = arith.constant 0 : i32
        %dma_wait3A_105 = arith.constant 0 : i32
        %dma_wait3A_106 = tpu.memref_slice %arg12[%add3A_96, %dma_wait3A_104, %dma_wait3A_105] : memref<32x8x64xf32, #tpu.memory_space<vmem>> -> memref<1x8x64xf32, #tpu.memory_space<vmem>>
        %dma_wait3A_107 = tpu.memref_squeeze %dma_wait3A_106 : memref<1x8x64xf32, #tpu.memory_space<vmem>> -> memref<8x64xf32, #tpu.memory_space<vmem>>
        %dma_wait3A_108 = arith.constant 0 : i32
        %dma_wait3A_109 = arith.constant 0 : i32
        %dma_wait3A_110 = tpu.memref_slice %arg5[%dma_wait3A_108, %dma_wait3A_109] : memref<1000000x64xf32, #tpu.memory_space<hbm>> -> memref<8x64xf32, #tpu.memory_space<hbm>>
        tpu.wait_dma2 semaphore(%arg15 : memref<!tpu.dma_semaphore, #tpu.memory_space<semaphore_mem>>) src(%dma_wait3A_110 : memref<8x64xf32, #tpu.memory_space<hbm>>) dst(%dma_wait3A_107 : memref<8x64xf32, #tpu.memory_space<vmem>>)
        %mul3A_111 = arith.constant 16 : i32
        %mul3A_112 = arith.muli %scan3A_38, %mul3A_111 : i32
        %add3A_113 = arith.constant 2 : i32
        %add3A_114 = arith.addi %mul3A_112, %add3A_113 : i32
        %dma_wait3A_115 = arith.constant 0 : i32
        %dma_wait3A_116 = arith.constant 0 : i32
        %dma_wait3A_117 = tpu.memref_slice %arg11[%add3A_114, %dma_wait3A_115, %dma_wait3A_116] : memref<32x8x64xf32, #tpu.memory_space<vmem>> -> memref<1x8x64xf32, #tpu.memory_space<vmem>>
        %dma_wait3A_118 = tpu.memref_squeeze %dma_wait3A_117 : memref<1x8x64xf32, #tpu.memory_space<vmem>> -> memref<8x64xf32, #tpu.memory_space<vmem>>
        %dma_wait3A_119 = arith.constant 0 : i32
        %dma_wait3A_120 = arith.constant 0 : i32
        %dma_wait3A_121 = tpu.memref_slice %arg5[%dma_wait3A_119, %dma_wait3A_120] : memref<1000000x64xf32, #tpu.memory_space<hbm>> -> memref<8x64xf32, #tpu.memory_space<hbm>>
        %dma_wait3A_122 = arith.constant 0 : i32
        %dma_wait3A_123 = arith.constant 0 : i32
        %dma_wait3A_124 = tpu.memref_slice %arg11[%add3A_114, %dma_wait3A_122, %dma_wait3A_123] : memref<32x8x64xf32, #tpu.memory_space<vmem>> -> memref<1x8x64xf32, #tpu.memory_space<vmem>>
        %dma_wait3A_125 = tpu.memref_squeeze %dma_wait3A_124 : memref<1x8x64xf32, #tpu.memory_space<vmem>> -> memref<8x64xf32, #tpu.memory_space<vmem>>
        %dma_wait3A_126 = arith.constant 0 : i32
        %dma_wait3A_127 = arith.constant 0 : i32
        %dma_wait3A_128 = tpu.memref_slice %arg5[%dma_wait3A_126, %dma_wait3A_127] : memref<1000000x64xf32, #tpu.memory_space<hbm>> -> memref<8x64xf32, #tpu.memory_space<hbm>>
        tpu.wait_dma2 semaphore(%arg15 : memref<!tpu.dma_semaphore, #tpu.memory_space<semaphore_mem>>) src(%dma_wait3A_128 : memref<8x64xf32, #tpu.memory_space<hbm>>) dst(%dma_wait3A_125 : memref<8x64xf32, #tpu.memory_space<vmem>>)
        %mul3A_129 = arith.constant 16 : i32
        %mul3A_130 = arith.muli %scan3A_38, %mul3A_129 : i32
        %add3A_131 = arith.constant 2 : i32
        %add3A_132 = arith.addi %mul3A_130, %add3A_131 : i32
        %dma_wait3A_133 = arith.constant 0 : i32
        %dma_wait3A_134 = arith.constant 0 : i32
        %dma_wait3A_135 = tpu.memref_slice %arg12[%add3A_132, %dma_wait3A_133, %dma_wait3A_134] : memref<32x8x64xf32, #tpu.memory_space<vmem>> -> memref<1x8x64xf32, #tpu.memory_space<vmem>>
        %dma_wait3A_136 = tpu.memref_squeeze %dma_wait3A_135 : memref<1x8x64xf32, #tpu.memory_space<vmem>> -> memref<8x64xf32, #tpu.memory_space<vmem>>
        %dma_wait3A_137 = arith.constant 0 : i32
        %dma_wait3A_138 = arith.constant 0 : i32
        %dma_wait3A_139 = tpu.memref_slice %arg5[%dma_wait3A_137, %dma_wait3A_138] : memref<1000000x64xf32, #tpu.memory_space<hbm>> -> memref<8x64xf32, #tpu.memory_space<hbm>>
        %dma_wait3A_140 = arith.constant 0 : i32
        %dma_wait3A_141 = arith.constant 0 : i32
        %dma_wait3A_142 = tpu.memref_slice %arg12[%add3A_132, %dma_wait3A_140, %dma_wait3A_141] : memref<32x8x64xf32, #tpu.memory_space<vmem>> -> memref<1x8x64xf32, #tpu.memory_space<vmem>>
        %dma_wait3A_143 = tpu.memref_squeeze %dma_wait3A_142 : memref<1x8x64xf32, #tpu.memory_space<vmem>> -> memref<8x64xf32, #tpu.memory_space<vmem>>
        %dma_wait3A_144 = arith.constant 0 : i32
        %dma_wait3A_145 = arith.constant 0 : i32
        %dma_wait3A_146 = tpu.memref_slice %arg5[%dma_wait3A_144, %dma_wait3A_145] : memref<1000000x64xf32, #tpu.memory_space<hbm>> -> memref<8x64xf32, #tpu.memory_space<hbm>>
        tpu.wait_dma2 semaphore(%arg15 : memref<!tpu.dma_semaphore, #tpu.memory_space<semaphore_mem>>) src(%dma_wait3A_146 : memref<8x64xf32, #tpu.memory_space<hbm>>) dst(%dma_wait3A_143 : memref<8x64xf32, #tpu.memory_space<vmem>>)
        %mul3A_147 = arith.constant 16 : i32
        %mul3A_148 = arith.muli %scan3A_38, %mul3A_147 : i32
        %add3A_149 = arith.constant 3 : i32
        %add3A_150 = arith.addi %mul3A_148, %add3A_149 : i32
        %dma_wait3A_151 = arith.constant 0 : i32
        %dma_wait3A_152 = arith.constant 0 : i32
        %dma_wait3A_153 = tpu.memref_slice %arg11[%add3A_150, %dma_wait3A_151, %dma_wait3A_152] : memref<32x8x64xf32, #tpu.memory_space<vmem>> -> memref<1x8x64xf32, #tpu.memory_space<vmem>>
        %dma_wait3A_154 = tpu.memref_squeeze %dma_wait3A_153 : memref<1x8x64xf32, #tpu.memory_space<vmem>> -> memref<8x64xf32, #tpu.memory_space<vmem>>
        %dma_wait3A_155 = arith.constant 0 : i32
        %dma_wait3A_156 = arith.constant 0 : i32
        %dma_wait3A_157 = tpu.memref_slice %arg5[%dma_wait3A_155, %dma_wait3A_156] : memref<1000000x64xf32, #tpu.memory_space<hbm>> -> memref<8x64xf32, #tpu.memory_space<hbm>>
        %dma_wait3A_158 = arith.constant 0 : i32
        %dma_wait3A_159 = arith.constant 0 : i32
        %dma_wait3A_160 = tpu.memref_slice %arg11[%add3A_150, %dma_wait3A_158, %dma_wait3A_159] : memref<32x8x64xf32, #tpu.memory_space<vmem>> -> memref<1x8x64xf32, #tpu.memory_space<vmem>>
        %dma_wait3A_161 = tpu.memref_squeeze %dma_wait3A_160 : memref<1x8x64xf32, #tpu.memory_space<vmem>> -> memref<8x64xf32, #tpu.memory_space<vmem>>
        %dma_wait3A_162 = arith.constant 0 : i32
        %dma_wait3A_163 = arith.constant 0 : i32
        %dma_wait3A_164 = tpu.memref_slice %arg5[%dma_wait3A_162, %dma_wait3A_163] : memref<1000000x64xf32, #tpu.memory_space<hbm>> -> memref<8x64xf32, #tpu.memory_space<hbm>>
        tpu.wait_dma2 semaphore(%arg15 : memref<!tpu.dma_semaphore, #tpu.memory_space<semaphore_mem>>) src(%dma_wait3A_164 : memref<8x64xf32, #tpu.memory_space<hbm>>) dst(%dma_wait3A_161 : memref<8x64xf32, #tpu.memory_space<vmem>>)
        %mul3A_165 = arith.constant 16 : i32
        %mul3A_166 = arith.muli %scan3A_38, %mul3A_165 : i32
        %add3A_167 = arith.constant 3 : i32
        %add3A_168 = arith.addi %mul3A_166, %add3A_167 : i32
        %dma_wait3A_169 = arith.constant 0 : i32
        %dma_wait3A_170 = arith.constant 0 : i32
        %dma_wait3A_171 = tpu.memref_slice %arg12[%add3A_168, %dma_wait3A_169, %dma_wait3A_170] : memref<32x8x64xf32, #tpu.memory_space<vmem>> -> memref<1x8x64xf32, #tpu.memory_space<vmem>>
        %dma_wait3A_172 = tpu.memref_squeeze %dma_wait3A_171 : memref<1x8x64xf32, #tpu.memory_space<vmem>> -> memref<8x64xf32, #tpu.memory_space<vmem>>
        %dma_wait3A_173 = arith.constant 0 : i32
        %dma_wait3A_174 = arith.constant 0 : i32
        %dma_wait3A_175 = tpu.memref_slice %arg5[%dma_wait3A_173, %dma_wait3A_174] : memref<1000000x64xf32, #tpu.memory_space<hbm>> -> memref<8x64xf32, #tpu.memory_space<hbm>>
        %dma_wait3A_176 = arith.constant 0 : i32
        %dma_wait3A_177 = arith.constant 0 : i32
        %dma_wait3A_178 = tpu.memref_slice %arg12[%add3A_168, %dma_wait3A_176, %dma_wait3A_177] : memref<32x8x64xf32, #tpu.memory_space<vmem>> -> memref<1x8x64xf32, #tpu.memory_space<vmem>>
        %dma_wait3A_179 = tpu.memref_squeeze %dma_wait3A_178 : memref<1x8x64xf32, #tpu.memory_space<vmem>> -> memref<8x64xf32, #tpu.memory_space<vmem>>
        %dma_wait3A_180 = arith.constant 0 : i32
        %dma_wait3A_181 = arith.constant 0 : i32
        %dma_wait3A_182 = tpu.memref_slice %arg5[%dma_wait3A_180, %dma_wait3A_181] : memref<1000000x64xf32, #tpu.memory_space<hbm>> -> memref<8x64xf32, #tpu.memory_space<hbm>>
        tpu.wait_dma2 semaphore(%arg15 : memref<!tpu.dma_semaphore, #tpu.memory_space<semaphore_mem>>) src(%dma_wait3A_182 : memref<8x64xf32, #tpu.memory_space<hbm>>) dst(%dma_wait3A_179 : memref<8x64xf32, #tpu.memory_space<vmem>>)
        %mul3A_183 = arith.constant 16 : i32
        %mul3A_184 = arith.muli %scan3A_38, %mul3A_183 : i32
        %add3A_185 = arith.constant 4 : i32
        %add3A_186 = arith.addi %mul3A_184, %add3A_185 : i32
        %dma_wait3A_187 = arith.constant 0 : i32
        %dma_wait3A_188 = arith.constant 0 : i32
        %dma_wait3A_189 = tpu.memref_slice %arg11[%add3A_186, %dma_wait3A_187, %dma_wait3A_188] : memref<32x8x64xf32, #tpu.memory_space<vmem>> -> memref<1x8x64xf32, #tpu.memory_space<vmem>>
        %dma_wait3A_190 = tpu.memref_squeeze %dma_wait3A_189 : memref<1x8x64xf32, #tpu.memory_space<vmem>> -> memref<8x64xf32, #tpu.memory_space<vmem>>
        %dma_wait3A_191 = arith.constant 0 : i32
        %dma_wait3A_192 = arith.constant 0 : i32
        %dma_wait3A_193 = tpu.memref_slice %arg5[%dma_wait3A_191, %dma_wait3A_192] : memref<1000000x64xf32, #tpu.memory_space<hbm>> -> memref<8x64xf32, #tpu.memory_space<hbm>>
        %dma_wait3A_194 = arith.constant 0 : i32
        %dma_wait3A_195 = arith.constant 0 : i32
        %dma_wait3A_196 = tpu.memref_slice %arg11[%add3A_186, %dma_wait3A_194, %dma_wait3A_195] : memref<32x8x64xf32, #tpu.memory_space<vmem>> -> memref<1x8x64xf32, #tpu.memory_space<vmem>>
        %dma_wait3A_197 = tpu.memref_squeeze %dma_wait3A_196 : memref<1x8x64xf32, #tpu.memory_space<vmem>> -> memref<8x64xf32, #tpu.memory_space<vmem>>
        %dma_wait3A_198 = arith.constant 0 : i32
        %dma_wait3A_199 = arith.constant 0 : i32
        %dma_wait3A_200 = tpu.memref_slice %arg5[%dma_wait3A_198, %dma_wait3A_199] : memref<1000000x64xf32, #tpu.memory_space<hbm>> -> memref<8x64xf32, #tpu.memory_space<hbm>>
        tpu.wait_dma2 semaphore(%arg15 : memref<!tpu.dma_semaphore, #tpu.memory_space<semaphore_mem>>) src(%dma_wait3A_200 : memref<8x64xf32, #tpu.memory_space<hbm>>) dst(%dma_wait3A_197 : memref<8x64xf32, #tpu.memory_space<vmem>>)
        %mul3A_201 = arith.constant 16 : i32
        %mul3A_202 = arith.muli %scan3A_38, %mul3A_201 : i32
        %add3A_203 = arith.constant 4 : i32
        %add3A_204 = arith.addi %mul3A_202, %add3A_203 : i32
        %dma_wait3A_205 = arith.constant 0 : i32
        %dma_wait3A_206 = arith.constant 0 : i32
        %dma_wait3A_207 = tpu.memref_slice %arg12[%add3A_204, %dma_wait3A_205, %dma_wait3A_206] : memref<32x8x64xf32, #tpu.memory_space<vmem>> -> memref<1x8x64xf32, #tpu.memory_space<vmem>>
        %dma_wait3A_208 = tpu.memref_squeeze %dma_wait3A_207 : memref<1x8x64xf32, #tpu.memory_space<vmem>> -> memref<8x64xf32, #tpu.memory_space<vmem>>
        %dma_wait3A_209 = arith.constant 0 : i32
        %dma_wait3A_210 = arith.constant 0 : i32
        %dma_wait3A_211 = tpu.memref_slice %arg5[%dma_wait3A_209, %dma_wait3A_210] : memref<1000000x64xf32, #tpu.memory_space<hbm>> -> memref<8x64xf32, #tpu.memory_space<hbm>>
        %dma_wait3A_212 = arith.constant 0 : i32
        %dma_wait3A_213 = arith.constant 0 : i32
        %dma_wait3A_214 = tpu.memref_slice %arg12[%add3A_204, %dma_wait3A_212, %dma_wait3A_213] : memref<32x8x64xf32, #tpu.memory_space<vmem>> -> memref<1x8x64xf32, #tpu.memory_space<vmem>>
        %dma_wait3A_215 = tpu.memref_squeeze %dma_wait3A_214 : memref<1x8x64xf32, #tpu.memory_space<vmem>> -> memref<8x64xf32, #tpu.memory_space<vmem>>
        %dma_wait3A_216 = arith.constant 0 : i32
        %dma_wait3A_217 = arith.constant 0 : i32
        %dma_wait3A_218 = tpu.memref_slice %arg5[%dma_wait3A_216, %dma_wait3A_217] : memref<1000000x64xf32, #tpu.memory_space<hbm>> -> memref<8x64xf32, #tpu.memory_space<hbm>>
        tpu.wait_dma2 semaphore(%arg15 : memref<!tpu.dma_semaphore, #tpu.memory_space<semaphore_mem>>) src(%dma_wait3A_218 : memref<8x64xf32, #tpu.memory_space<hbm>>) dst(%dma_wait3A_215 : memref<8x64xf32, #tpu.memory_space<vmem>>)
        %mul3A_219 = arith.constant 16 : i32
        %mul3A_220 = arith.muli %scan3A_38, %mul3A_219 : i32
        %add3A_221 = arith.constant 5 : i32
        %add3A_222 = arith.addi %mul3A_220, %add3A_221 : i32
        %dma_wait3A_223 = arith.constant 0 : i32
        %dma_wait3A_224 = arith.constant 0 : i32
        %dma_wait3A_225 = tpu.memref_slice %arg11[%add3A_222, %dma_wait3A_223, %dma_wait3A_224] : memref<32x8x64xf32, #tpu.memory_space<vmem>> -> memref<1x8x64xf32, #tpu.memory_space<vmem>>
        %dma_wait3A_226 = tpu.memref_squeeze %dma_wait3A_225 : memref<1x8x64xf32, #tpu.memory_space<vmem>> -> memref<8x64xf32, #tpu.memory_space<vmem>>
        %dma_wait3A_227 = arith.constant 0 : i32
        %dma_wait3A_228 = arith.constant 0 : i32
        %dma_wait3A_229 = tpu.memref_slice %arg5[%dma_wait3A_227, %dma_wait3A_228] : memref<1000000x64xf32, #tpu.memory_space<hbm>> -> memref<8x64xf32, #tpu.memory_space<hbm>>
        %dma_wait3A_230 = arith.constant 0 : i32
        %dma_wait3A_231 = arith.constant 0 : i32
        %dma_wait3A_232 = tpu.memref_slice %arg11[%add3A_222, %dma_wait3A_230, %dma_wait3A_231] : memref<32x8x64xf32, #tpu.memory_space<vmem>> -> memref<1x8x64xf32, #tpu.memory_space<vmem>>
        %dma_wait3A_233 = tpu.memref_squeeze %dma_wait3A_232 : memref<1x8x64xf32, #tpu.memory_space<vmem>> -> memref<8x64xf32, #tpu.memory_space<vmem>>
        %dma_wait3A_234 = arith.constant 0 : i32
        %dma_wait3A_235 = arith.constant 0 : i32
        %dma_wait3A_236 = tpu.memref_slice %arg5[%dma_wait3A_234, %dma_wait3A_235] : memref<1000000x64xf32, #tpu.memory_space<hbm>> -> memref<8x64xf32, #tpu.memory_space<hbm>>
        tpu.wait_dma2 semaphore(%arg15 : memref<!tpu.dma_semaphore, #tpu.memory_space<semaphore_mem>>) src(%dma_wait3A_236 : memref<8x64xf32, #tpu.memory_space<hbm>>) dst(%dma_wait3A_233 : memref<8x64xf32, #tpu.memory_space<vmem>>)
        %mul3A_237 = arith.constant 16 : i32
        %mul3A_238 = arith.muli %scan3A_38, %mul3A_237 : i32
        %add3A_239 = arith.constant 5 : i32
        %add3A_240 = arith.addi %mul3A_238, %add3A_239 : i32
        %dma_wait3A_241 = arith.constant 0 : i32
        %dma_wait3A_242 = arith.constant 0 : i32
        %dma_wait3A_243 = tpu.memref_slice %arg12[%add3A_240, %dma_wait3A_241, %dma_wait3A_242] : memref<32x8x64xf32, #tpu.memory_space<vmem>> -> memref<1x8x64xf32, #tpu.memory_space<vmem>>
        %dma_wait3A_244 = tpu.memref_squeeze %dma_wait3A_243 : memref<1x8x64xf32, #tpu.memory_space<vmem>> -> memref<8x64xf32, #tpu.memory_space<vmem>>
        %dma_wait3A_245 = arith.constant 0 : i32
        %dma_wait3A_246 = arith.constant 0 : i32
        %dma_wait3A_247 = tpu.memref_slice %arg5[%dma_wait3A_245, %dma_wait3A_246] : memref<1000000x64xf32, #tpu.memory_space<hbm>> -> memref<8x64xf32, #tpu.memory_space<hbm>>
        %dma_wait3A_248 = arith.constant 0 : i32
        %dma_wait3A_249 = arith.constant 0 : i32
        %dma_wait3A_250 = tpu.memref_slice %arg12[%add3A_240, %dma_wait3A_248, %dma_wait3A_249] : memref<32x8x64xf32, #tpu.memory_space<vmem>> -> memref<1x8x64xf32, #tpu.memory_space<vmem>>
        %dma_wait3A_251 = tpu.memref_squeeze %dma_wait3A_250 : memref<1x8x64xf32, #tpu.memory_space<vmem>> -> memref<8x64xf32, #tpu.memory_space<vmem>>
        %dma_wait3A_252 = arith.constant 0 : i32
        %dma_wait3A_253 = arith.constant 0 : i32
        %dma_wait3A_254 = tpu.memref_slice %arg5[%dma_wait3A_252, %dma_wait3A_253] : memref<1000000x64xf32, #tpu.memory_space<hbm>> -> memref<8x64xf32, #tpu.memory_space<hbm>>
        tpu.wait_dma2 semaphore(%arg15 : memref<!tpu.dma_semaphore, #tpu.memory_space<semaphore_mem>>) src(%dma_wait3A_254 : memref<8x64xf32, #tpu.memory_space<hbm>>) dst(%dma_wait3A_251 : memref<8x64xf32, #tpu.memory_space<vmem>>)
        %mul3A_255 = arith.constant 16 : i32
        %mul3A_256 = arith.muli %scan3A_38, %mul3A_255 : i32
        %add3A_257 = arith.constant 6 : i32
        %add3A_258 = arith.addi %mul3A_256, %add3A_257 : i32
        %dma_wait3A_259 = arith.constant 0 : i32
        %dma_wait3A_260 = arith.constant 0 : i32
        %dma_wait3A_261 = tpu.memref_slice %arg11[%add3A_258, %dma_wait3A_259, %dma_wait3A_260] : memref<32x8x64xf32, #tpu.memory_space<vmem>> -> memref<1x8x64xf32, #tpu.memory_space<vmem>>
        %dma_wait3A_262 = tpu.memref_squeeze %dma_wait3A_261 : memref<1x8x64xf32, #tpu.memory_space<vmem>> -> memref<8x64xf32, #tpu.memory_space<vmem>>
        %dma_wait3A_263 = arith.constant 0 : i32
        %dma_wait3A_264 = arith.constant 0 : i32
        %dma_wait3A_265 = tpu.memref_slice %arg5[%dma_wait3A_263, %dma_wait3A_264] : memref<1000000x64xf32, #tpu.memory_space<hbm>> -> memref<8x64xf32, #tpu.memory_space<hbm>>
        %dma_wait3A_266 = arith.constant 0 : i32
        %dma_wait3A_267 = arith.constant 0 : i32
        %dma_wait3A_268 = tpu.memref_slice %arg11[%add3A_258, %dma_wait3A_266, %dma_wait3A_267] : memref<32x8x64xf32, #tpu.memory_space<vmem>> -> memref<1x8x64xf32, #tpu.memory_space<vmem>>
        %dma_wait3A_269 = tpu.memref_squeeze %dma_wait3A_268 : memref<1x8x64xf32, #tpu.memory_space<vmem>> -> memref<8x64xf32, #tpu.memory_space<vmem>>
        %dma_wait3A_270 = arith.constant 0 : i32
        %dma_wait3A_271 = arith.constant 0 : i32
        %dma_wait3A_272 = tpu.memref_slice %arg5[%dma_wait3A_270, %dma_wait3A_271] : memref<1000000x64xf32, #tpu.memory_space<hbm>> -> memref<8x64xf32, #tpu.memory_space<hbm>>
        tpu.wait_dma2 semaphore(%arg15 : memref<!tpu.dma_semaphore, #tpu.memory_space<semaphore_mem>>) src(%dma_wait3A_272 : memref<8x64xf32, #tpu.memory_space<hbm>>) dst(%dma_wait3A_269 : memref<8x64xf32, #tpu.memory_space<vmem>>)
        %mul3A_273 = arith.constant 16 : i32
        %mul3A_274 = arith.muli %scan3A_38, %mul3A_273 : i32
        %add3A_275 = arith.constant 6 : i32
        %add3A_276 = arith.addi %mul3A_274, %add3A_275 : i32
        %dma_wait3A_277 = arith.constant 0 : i32
        %dma_wait3A_278 = arith.constant 0 : i32
        %dma_wait3A_279 = tpu.memref_slice %arg12[%add3A_276, %dma_wait3A_277, %dma_wait3A_278] : memref<32x8x64xf32, #tpu.memory_space<vmem>> -> memref<1x8x64xf32, #tpu.memory_space<vmem>>
        %dma_wait3A_280 = tpu.memref_squeeze %dma_wait3A_279 : memref<1x8x64xf32, #tpu.memory_space<vmem>> -> memref<8x64xf32, #tpu.memory_space<vmem>>
        %dma_wait3A_281 = arith.constant 0 : i32
        %dma_wait3A_282 = arith.constant 0 : i32
        %dma_wait3A_283 = tpu.memref_slice %arg5[%dma_wait3A_281, %dma_wait3A_282] : memref<1000000x64xf32, #tpu.memory_space<hbm>> -> memref<8x64xf32, #tpu.memory_space<hbm>>
        %dma_wait3A_284 = arith.constant 0 : i32
        %dma_wait3A_285 = arith.constant 0 : i32
        %dma_wait3A_286 = tpu.memref_slice %arg12[%add3A_276, %dma_wait3A_284, %dma_wait3A_285] : memref<32x8x64xf32, #tpu.memory_space<vmem>> -> memref<1x8x64xf32, #tpu.memory_space<vmem>>
        %dma_wait3A_287 = tpu.memref_squeeze %dma_wait3A_286 : memref<1x8x64xf32, #tpu.memory_space<vmem>> -> memref<8x64xf32, #tpu.memory_space<vmem>>
        %dma_wait3A_288 = arith.constant 0 : i32
        %dma_wait3A_289 = arith.constant 0 : i32
        %dma_wait3A_290 = tpu.memref_slice %arg5[%dma_wait3A_288, %dma_wait3A_289] : memref<1000000x64xf32, #tpu.memory_space<hbm>> -> memref<8x64xf32, #tpu.memory_space<hbm>>
        tpu.wait_dma2 semaphore(%arg15 : memref<!tpu.dma_semaphore, #tpu.memory_space<semaphore_mem>>) src(%dma_wait3A_290 : memref<8x64xf32, #tpu.memory_space<hbm>>) dst(%dma_wait3A_287 : memref<8x64xf32, #tpu.memory_space<vmem>>)
        %mul3A_291 = arith.constant 16 : i32
        %mul3A_292 = arith.muli %scan3A_38, %mul3A_291 : i32
        %add3A_293 = arith.constant 7 : i32
        %add3A_294 = arith.addi %mul3A_292, %add3A_293 : i32
        %dma_wait3A_295 = arith.constant 0 : i32
        %dma_wait3A_296 = arith.constant 0 : i32
        %dma_wait3A_297 = tpu.memref_slice %arg11[%add3A_294, %dma_wait3A_295, %dma_wait3A_296] : memref<32x8x64xf32, #tpu.memory_space<vmem>> -> memref<1x8x64xf32, #tpu.memory_space<vmem>>
        %dma_wait3A_298 = tpu.memref_squeeze %dma_wait3A_297 : memref<1x8x64xf32, #tpu.memory_space<vmem>> -> memref<8x64xf32, #tpu.memory_space<vmem>>
        %dma_wait3A_299 = arith.constant 0 : i32
        %dma_wait3A_300 = arith.constant 0 : i32
        %dma_wait3A_301 = tpu.memref_slice %arg5[%dma_wait3A_299, %dma_wait3A_300] : memref<1000000x64xf32, #tpu.memory_space<hbm>> -> memref<8x64xf32, #tpu.memory_space<hbm>>
        %dma_wait3A_302 = arith.constant 0 : i32
        %dma_wait3A_303 = arith.constant 0 : i32
        %dma_wait3A_304 = tpu.memref_slice %arg11[%add3A_294, %dma_wait3A_302, %dma_wait3A_303] : memref<32x8x64xf32, #tpu.memory_space<vmem>> -> memref<1x8x64xf32, #tpu.memory_space<vmem>>
        %dma_wait3A_305 = tpu.memref_squeeze %dma_wait3A_304 : memref<1x8x64xf32, #tpu.memory_space<vmem>> -> memref<8x64xf32, #tpu.memory_space<vmem>>
        %dma_wait3A_306 = arith.constant 0 : i32
        %dma_wait3A_307 = arith.constant 0 : i32
        %dma_wait3A_308 = tpu.memref_slice %arg5[%dma_wait3A_306, %dma_wait3A_307] : memref<1000000x64xf32, #tpu.memory_space<hbm>> -> memref<8x64xf32, #tpu.memory_space<hbm>>
        tpu.wait_dma2 semaphore(%arg15 : memref<!tpu.dma_semaphore, #tpu.memory_space<semaphore_mem>>) src(%dma_wait3A_308 : memref<8x64xf32, #tpu.memory_space<hbm>>) dst(%dma_wait3A_305 : memref<8x64xf32, #tpu.memory_space<vmem>>)
        %mul3A_309 = arith.constant 16 : i32
        %mul3A_310 = arith.muli %scan3A_38, %mul3A_309 : i32
        %add3A_311 = arith.constant 7 : i32
        %add3A_312 = arith.addi %mul3A_310, %add3A_311 : i32
        %dma_wait3A_313 = arith.constant 0 : i32
        %dma_wait3A_314 = arith.constant 0 : i32
        %dma_wait3A_315 = tpu.memref_slice %arg12[%add3A_312, %dma_wait3A_313, %dma_wait3A_314] : memref<32x8x64xf32, #tpu.memory_space<vmem>> -> memref<1x8x64xf32, #tpu.memory_space<vmem>>
        %dma_wait3A_316 = tpu.memref_squeeze %dma_wait3A_315 : memref<1x8x64xf32, #tpu.memory_space<vmem>> -> memref<8x64xf32, #tpu.memory_space<vmem>>
        %dma_wait3A_317 = arith.constant 0 : i32
        %dma_wait3A_318 = arith.constant 0 : i32
        %dma_wait3A_319 = tpu.memref_slice %arg5[%dma_wait3A_317, %dma_wait3A_318] : memref<1000000x64xf32, #tpu.memory_space<hbm>> -> memref<8x64xf32, #tpu.memory_space<hbm>>
        %dma_wait3A_320 = arith.constant 0 : i32
        %dma_wait3A_321 = arith.constant 0 : i32
        %dma_wait3A_322 = tpu.memref_slice %arg12[%add3A_312, %dma_wait3A_320, %dma_wait3A_321] : memref<32x8x64xf32, #tpu.memory_space<vmem>> -> memref<1x8x64xf32, #tpu.memory_space<vmem>>
        %dma_wait3A_323 = tpu.memref_squeeze %dma_wait3A_322 : memref<1x8x64xf32, #tpu.memory_space<vmem>> -> memref<8x64xf32, #tpu.memory_space<vmem>>
        %dma_wait3A_324 = arith.constant 0 : i32
        %dma_wait3A_325 = arith.constant 0 : i32
        %dma_wait3A_326 = tpu.memref_slice %arg5[%dma_wait3A_324, %dma_wait3A_325] : memref<1000000x64xf32, #tpu.memory_space<hbm>> -> memref<8x64xf32, #tpu.memory_space<hbm>>
        tpu.wait_dma2 semaphore(%arg15 : memref<!tpu.dma_semaphore, #tpu.memory_space<semaphore_mem>>) src(%dma_wait3A_326 : memref<8x64xf32, #tpu.memory_space<hbm>>) dst(%dma_wait3A_323 : memref<8x64xf32, #tpu.memory_space<vmem>>)
        %mul3A_327 = arith.constant 16 : i32
        %mul3A_328 = arith.muli %scan3A_38, %mul3A_327 : i32
        %add3A_329 = arith.constant 8 : i32
        %add3A_330 = arith.addi %mul3A_328, %add3A_329 : i32
        %dma_wait3A_331 = arith.constant 0 : i32
        %dma_wait3A_332 = arith.constant 0 : i32
        %dma_wait3A_333 = tpu.memref_slice %arg11[%add3A_330, %dma_wait3A_331, %dma_wait3A_332] : memref<32x8x64xf32, #tpu.memory_space<vmem>> -> memref<1x8x64xf32, #tpu.memory_space<vmem>>
        %dma_wait3A_334 = tpu.memref_squeeze %dma_wait3A_333 : memref<1x8x64xf32, #tpu.memory_space<vmem>> -> memref<8x64xf32, #tpu.memory_space<vmem>>
        %dma_wait3A_335 = arith.constant 0 : i32
        %dma_wait3A_336 = arith.constant 0 : i32
        %dma_wait3A_337 = tpu.memref_slice %arg5[%dma_wait3A_335, %dma_wait3A_336] : memref<1000000x64xf32, #tpu.memory_space<hbm>> -> memref<8x64xf32, #tpu.memory_space<hbm>>
        %dma_wait3A_338 = arith.constant 0 : i32
        %dma_wait3A_339 = arith.constant 0 : i32
        %dma_wait3A_340 = tpu.memref_slice %arg11[%add3A_330, %dma_wait3A_338, %dma_wait3A_339] : memref<32x8x64xf32, #tpu.memory_space<vmem>> -> memref<1x8x64xf32, #tpu.memory_space<vmem>>
        %dma_wait3A_341 = tpu.memref_squeeze %dma_wait3A_340 : memref<1x8x64xf32, #tpu.memory_space<vmem>> -> memref<8x64xf32, #tpu.memory_space<vmem>>
        %dma_wait3A_342 = arith.constant 0 : i32
        %dma_wait3A_343 = arith.constant 0 : i32
        %dma_wait3A_344 = tpu.memref_slice %arg5[%dma_wait3A_342, %dma_wait3A_343] : memref<1000000x64xf32, #tpu.memory_space<hbm>> -> memref<8x64xf32, #tpu.memory_space<hbm>>
        tpu.wait_dma2 semaphore(%arg15 : memref<!tpu.dma_semaphore, #tpu.memory_space<semaphore_mem>>) src(%dma_wait3A_344 : memref<8x64xf32, #tpu.memory_space<hbm>>) dst(%dma_wait3A_341 : memref<8x64xf32, #tpu.memory_space<vmem>>)
        %mul3A_345 = arith.constant 16 : i32
        %mul3A_346 = arith.muli %scan3A_38, %mul3A_345 : i32
        %add3A_347 = arith.constant 8 : i32
        %add3A_348 = arith.addi %mul3A_346, %add3A_347 : i32
        %dma_wait3A_349 = arith.constant 0 : i32
        %dma_wait3A_350 = arith.constant 0 : i32
        %dma_wait3A_351 = tpu.memref_slice %arg12[%add3A_348, %dma_wait3A_349, %dma_wait3A_350] : memref<32x8x64xf32, #tpu.memory_space<vmem>> -> memref<1x8x64xf32, #tpu.memory_space<vmem>>
        %dma_wait3A_352 = tpu.memref_squeeze %dma_wait3A_351 : memref<1x8x64xf32, #tpu.memory_space<vmem>> -> memref<8x64xf32, #tpu.memory_space<vmem>>
        %dma_wait3A_353 = arith.constant 0 : i32
        %dma_wait3A_354 = arith.constant 0 : i32
        %dma_wait3A_355 = tpu.memref_slice %arg5[%dma_wait3A_353, %dma_wait3A_354] : memref<1000000x64xf32, #tpu.memory_space<hbm>> -> memref<8x64xf32, #tpu.memory_space<hbm>>
        %dma_wait3A_356 = arith.constant 0 : i32
        %dma_wait3A_357 = arith.constant 0 : i32
        %dma_wait3A_358 = tpu.memref_slice %arg12[%add3A_348, %dma_wait3A_356, %dma_wait3A_357] : memref<32x8x64xf32, #tpu.memory_space<vmem>> -> memref<1x8x64xf32, #tpu.memory_space<vmem>>
        %dma_wait3A_359 = tpu.memref_squeeze %dma_wait3A_358 : memref<1x8x64xf32, #tpu.memory_space<vmem>> -> memref<8x64xf32, #tpu.memory_space<vmem>>
        %dma_wait3A_360 = arith.constant 0 : i32
        %dma_wait3A_361 = arith.constant 0 : i32
        %dma_wait3A_362 = tpu.memref_slice %arg5[%dma_wait3A_360, %dma_wait3A_361] : memref<1000000x64xf32, #tpu.memory_space<hbm>> -> memref<8x64xf32, #tpu.memory_space<hbm>>
        tpu.wait_dma2 semaphore(%arg15 : memref<!tpu.dma_semaphore, #tpu.memory_space<semaphore_mem>>) src(%dma_wait3A_362 : memref<8x64xf32, #tpu.memory_space<hbm>>) dst(%dma_wait3A_359 : memref<8x64xf32, #tpu.memory_space<vmem>>)
        %mul3A_363 = arith.constant 16 : i32
        %mul3A_364 = arith.muli %scan3A_38, %mul3A_363 : i32
        %add3A_365 = arith.constant 9 : i32
        %add3A_366 = arith.addi %mul3A_364, %add3A_365 : i32
        %dma_wait3A_367 = arith.constant 0 : i32
        %dma_wait3A_368 = arith.constant 0 : i32
        %dma_wait3A_369 = tpu.memref_slice %arg11[%add3A_366, %dma_wait3A_367, %dma_wait3A_368] : memref<32x8x64xf32, #tpu.memory_space<vmem>> -> memref<1x8x64xf32, #tpu.memory_space<vmem>>
        %dma_wait3A_370 = tpu.memref_squeeze %dma_wait3A_369 : memref<1x8x64xf32, #tpu.memory_space<vmem>> -> memref<8x64xf32, #tpu.memory_space<vmem>>
        %dma_wait3A_371 = arith.constant 0 : i32
        %dma_wait3A_372 = arith.constant 0 : i32
        %dma_wait3A_373 = tpu.memref_slice %arg5[%dma_wait3A_371, %dma_wait3A_372] : memref<1000000x64xf32, #tpu.memory_space<hbm>> -> memref<8x64xf32, #tpu.memory_space<hbm>>
        %dma_wait3A_374 = arith.constant 0 : i32
        %dma_wait3A_375 = arith.constant 0 : i32
        %dma_wait3A_376 = tpu.memref_slice %arg11[%add3A_366, %dma_wait3A_374, %dma_wait3A_375] : memref<32x8x64xf32, #tpu.memory_space<vmem>> -> memref<1x8x64xf32, #tpu.memory_space<vmem>>
        %dma_wait3A_377 = tpu.memref_squeeze %dma_wait3A_376 : memref<1x8x64xf32, #tpu.memory_space<vmem>> -> memref<8x64xf32, #tpu.memory_space<vmem>>
        %dma_wait3A_378 = arith.constant 0 : i32
        %dma_wait3A_379 = arith.constant 0 : i32
        %dma_wait3A_380 = tpu.memref_slice %arg5[%dma_wait3A_378, %dma_wait3A_379] : memref<1000000x64xf32, #tpu.memory_space<hbm>> -> memref<8x64xf32, #tpu.memory_space<hbm>>
        tpu.wait_dma2 semaphore(%arg15 : memref<!tpu.dma_semaphore, #tpu.memory_space<semaphore_mem>>) src(%dma_wait3A_380 : memref<8x64xf32, #tpu.memory_space<hbm>>) dst(%dma_wait3A_377 : memref<8x64xf32, #tpu.memory_space<vmem>>)
        %mul3A_381 = arith.constant 16 : i32
        %mul3A_382 = arith.muli %scan3A_38, %mul3A_381 : i32
        %add3A_383 = arith.constant 9 : i32
        %add3A_384 = arith.addi %mul3A_382, %add3A_383 : i32
        %dma_wait3A_385 = arith.constant 0 : i32
        %dma_wait3A_386 = arith.constant 0 : i32
        %dma_wait3A_387 = tpu.memref_slice %arg12[%add3A_384, %dma_wait3A_385, %dma_wait3A_386] : memref<32x8x64xf32, #tpu.memory_space<vmem>> -> memref<1x8x64xf32, #tpu.memory_space<vmem>>
        %dma_wait3A_388 = tpu.memref_squeeze %dma_wait3A_387 : memref<1x8x64xf32, #tpu.memory_space<vmem>> -> memref<8x64xf32, #tpu.memory_space<vmem>>
        %dma_wait3A_389 = arith.constant 0 : i32
        %dma_wait3A_390 = arith.constant 0 : i32
        %dma_wait3A_391 = tpu.memref_slice %arg5[%dma_wait3A_389, %dma_wait3A_390] : memref<1000000x64xf32, #tpu.memory_space<hbm>> -> memref<8x64xf32, #tpu.memory_space<hbm>>
        %dma_wait3A_392 = arith.constant 0 : i32
        %dma_wait3A_393 = arith.constant 0 : i32
        %dma_wait3A_394 = tpu.memref_slice %arg12[%add3A_384, %dma_wait3A_392, %dma_wait3A_393] : memref<32x8x64xf32, #tpu.memory_space<vmem>> -> memref<1x8x64xf32, #tpu.memory_space<vmem>>
        %dma_wait3A_395 = tpu.memref_squeeze %dma_wait3A_394 : memref<1x8x64xf32, #tpu.memory_space<vmem>> -> memref<8x64xf32, #tpu.memory_space<vmem>>
        %dma_wait3A_396 = arith.constant 0 : i32
        %dma_wait3A_397 = arith.constant 0 : i32
        %dma_wait3A_398 = tpu.memref_slice %arg5[%dma_wait3A_396, %dma_wait3A_397] : memref<1000000x64xf32, #tpu.memory_space<hbm>> -> memref<8x64xf32, #tpu.memory_space<hbm>>
        tpu.wait_dma2 semaphore(%arg15 : memref<!tpu.dma_semaphore, #tpu.memory_space<semaphore_mem>>) src(%dma_wait3A_398 : memref<8x64xf32, #tpu.memory_space<hbm>>) dst(%dma_wait3A_395 : memref<8x64xf32, #tpu.memory_space<vmem>>)
        %mul3A_399 = arith.constant 16 : i32
        %mul3A_400 = arith.muli %scan3A_38, %mul3A_399 : i32
        %add3A_401 = arith.constant 10 : i32
        %add3A_402 = arith.addi %mul3A_400, %add3A_401 : i32
        %dma_wait3A_403 = arith.constant 0 : i32
        %dma_wait3A_404 = arith.constant 0 : i32
        %dma_wait3A_405 = tpu.memref_slice %arg11[%add3A_402, %dma_wait3A_403, %dma_wait3A_404] : memref<32x8x64xf32, #tpu.memory_space<vmem>> -> memref<1x8x64xf32, #tpu.memory_space<vmem>>
        %dma_wait3A_406 = tpu.memref_squeeze %dma_wait3A_405 : memref<1x8x64xf32, #tpu.memory_space<vmem>> -> memref<8x64xf32, #tpu.memory_space<vmem>>
        %dma_wait3A_407 = arith.constant 0 : i32
        %dma_wait3A_408 = arith.constant 0 : i32
        %dma_wait3A_409 = tpu.memref_slice %arg5[%dma_wait3A_407, %dma_wait3A_408] : memref<1000000x64xf32, #tpu.memory_space<hbm>> -> memref<8x64xf32, #tpu.memory_space<hbm>>
        %dma_wait3A_410 = arith.constant 0 : i32
        %dma_wait3A_411 = arith.constant 0 : i32
        %dma_wait3A_412 = tpu.memref_slice %arg11[%add3A_402, %dma_wait3A_410, %dma_wait3A_411] : memref<32x8x64xf32, #tpu.memory_space<vmem>> -> memref<1x8x64xf32, #tpu.memory_space<vmem>>
        %dma_wait3A_413 = tpu.memref_squeeze %dma_wait3A_412 : memref<1x8x64xf32, #tpu.memory_space<vmem>> -> memref<8x64xf32, #tpu.memory_space<vmem>>
        %dma_wait3A_414 = arith.constant 0 : i32
        %dma_wait3A_415 = arith.constant 0 : i32
        %dma_wait3A_416 = tpu.memref_slice %arg5[%dma_wait3A_414, %dma_wait3A_415] : memref<1000000x64xf32, #tpu.memory_space<hbm>> -> memref<8x64xf32, #tpu.memory_space<hbm>>
        tpu.wait_dma2 semaphore(%arg15 : memref<!tpu.dma_semaphore, #tpu.memory_space<semaphore_mem>>) src(%dma_wait3A_416 : memref<8x64xf32, #tpu.memory_space<hbm>>) dst(%dma_wait3A_413 : memref<8x64xf32, #tpu.memory_space<vmem>>)
        %mul3A_417 = arith.constant 16 : i32
        %mul3A_418 = arith.muli %scan3A_38, %mul3A_417 : i32
        %add3A_419 = arith.constant 10 : i32
        %add3A_420 = arith.addi %mul3A_418, %add3A_419 : i32
        %dma_wait3A_421 = arith.constant 0 : i32
        %dma_wait3A_422 = arith.constant 0 : i32
        %dma_wait3A_423 = tpu.memref_slice %arg12[%add3A_420, %dma_wait3A_421, %dma_wait3A_422] : memref<32x8x64xf32, #tpu.memory_space<vmem>> -> memref<1x8x64xf32, #tpu.memory_space<vmem>>
        %dma_wait3A_424 = tpu.memref_squeeze %dma_wait3A_423 : memref<1x8x64xf32, #tpu.memory_space<vmem>> -> memref<8x64xf32, #tpu.memory_space<vmem>>
        %dma_wait3A_425 = arith.constant 0 : i32
        %dma_wait3A_426 = arith.constant 0 : i32
        %dma_wait3A_427 = tpu.memref_slice %arg5[%dma_wait3A_425, %dma_wait3A_426] : memref<1000000x64xf32, #tpu.memory_space<hbm>> -> memref<8x64xf32, #tpu.memory_space<hbm>>
        %dma_wait3A_428 = arith.constant 0 : i32
        %dma_wait3A_429 = arith.constant 0 : i32
        %dma_wait3A_430 = tpu.memref_slice %arg12[%add3A_420, %dma_wait3A_428, %dma_wait3A_429] : memref<32x8x64xf32, #tpu.memory_space<vmem>> -> memref<1x8x64xf32, #tpu.memory_space<vmem>>
        %dma_wait3A_431 = tpu.memref_squeeze %dma_wait3A_430 : memref<1x8x64xf32, #tpu.memory_space<vmem>> -> memref<8x64xf32, #tpu.memory_space<vmem>>
        %dma_wait3A_432 = arith.constant 0 : i32
        %dma_wait3A_433 = arith.constant 0 : i32
        %dma_wait3A_434 = tpu.memref_slice %arg5[%dma_wait3A_432, %dma_wait3A_433] : memref<1000000x64xf32, #tpu.memory_space<hbm>> -> memref<8x64xf32, #tpu.memory_space<hbm>>
        tpu.wait_dma2 semaphore(%arg15 : memref<!tpu.dma_semaphore, #tpu.memory_space<semaphore_mem>>) src(%dma_wait3A_434 : memref<8x64xf32, #tpu.memory_space<hbm>>) dst(%dma_wait3A_431 : memref<8x64xf32, #tpu.memory_space<vmem>>)
        %mul3A_435 = arith.constant 16 : i32
        %mul3A_436 = arith.muli %scan3A_38, %mul3A_435 : i32
        %add3A_437 = arith.constant 11 : i32
        %add3A_438 = arith.addi %mul3A_436, %add3A_437 : i32
        %dma_wait3A_439 = arith.constant 0 : i32
        %dma_wait3A_440 = arith.constant 0 : i32
        %dma_wait3A_441 = tpu.memref_slice %arg11[%add3A_438, %dma_wait3A_439, %dma_wait3A_440] : memref<32x8x64xf32, #tpu.memory_space<vmem>> -> memref<1x8x64xf32, #tpu.memory_space<vmem>>
        %dma_wait3A_442 = tpu.memref_squeeze %dma_wait3A_441 : memref<1x8x64xf32, #tpu.memory_space<vmem>> -> memref<8x64xf32, #tpu.memory_space<vmem>>
        %dma_wait3A_443 = arith.constant 0 : i32
        %dma_wait3A_444 = arith.constant 0 : i32
        %dma_wait3A_445 = tpu.memref_slice %arg5[%dma_wait3A_443, %dma_wait3A_444] : memref<1000000x64xf32, #tpu.memory_space<hbm>> -> memref<8x64xf32, #tpu.memory_space<hbm>>
        %dma_wait3A_446 = arith.constant 0 : i32
        %dma_wait3A_447 = arith.constant 0 : i32
        %dma_wait3A_448 = tpu.memref_slice %arg11[%add3A_438, %dma_wait3A_446, %dma_wait3A_447] : memref<32x8x64xf32, #tpu.memory_space<vmem>> -> memref<1x8x64xf32, #tpu.memory_space<vmem>>
        %dma_wait3A_449 = tpu.memref_squeeze %dma_wait3A_448 : memref<1x8x64xf32, #tpu.memory_space<vmem>> -> memref<8x64xf32, #tpu.memory_space<vmem>>
        %dma_wait3A_450 = arith.constant 0 : i32
        %dma_wait3A_451 = arith.constant 0 : i32
        %dma_wait3A_452 = tpu.memref_slice %arg5[%dma_wait3A_450, %dma_wait3A_451] : memref<1000000x64xf32, #tpu.memory_space<hbm>> -> memref<8x64xf32, #tpu.memory_space<hbm>>
        tpu.wait_dma2 semaphore(%arg15 : memref<!tpu.dma_semaphore, #tpu.memory_space<semaphore_mem>>) src(%dma_wait3A_452 : memref<8x64xf32, #tpu.memory_space<hbm>>) dst(%dma_wait3A_449 : memref<8x64xf32, #tpu.memory_space<vmem>>)
        %mul3A_453 = arith.constant 16 : i32
        %mul3A_454 = arith.muli %scan3A_38, %mul3A_453 : i32
        %add3A_455 = arith.constant 11 : i32
        %add3A_456 = arith.addi %mul3A_454, %add3A_455 : i32
        %dma_wait3A_457 = arith.constant 0 : i32
        %dma_wait3A_458 = arith.constant 0 : i32
        %dma_wait3A_459 = tpu.memref_slice %arg12[%add3A_456, %dma_wait3A_457, %dma_wait3A_458] : memref<32x8x64xf32, #tpu.memory_space<vmem>> -> memref<1x8x64xf32, #tpu.memory_space<vmem>>
        %dma_wait3A_460 = tpu.memref_squeeze %dma_wait3A_459 : memref<1x8x64xf32, #tpu.memory_space<vmem>> -> memref<8x64xf32, #tpu.memory_space<vmem>>
        %dma_wait3A_461 = arith.constant 0 : i32
        %dma_wait3A_462 = arith.constant 0 : i32
        %dma_wait3A_463 = tpu.memref_slice %arg5[%dma_wait3A_461, %dma_wait3A_462] : memref<1000000x64xf32, #tpu.memory_space<hbm>> -> memref<8x64xf32, #tpu.memory_space<hbm>>
        %dma_wait3A_464 = arith.constant 0 : i32
        %dma_wait3A_465 = arith.constant 0 : i32
        %dma_wait3A_466 = tpu.memref_slice %arg12[%add3A_456, %dma_wait3A_464, %dma_wait3A_465] : memref<32x8x64xf32, #tpu.memory_space<vmem>> -> memref<1x8x64xf32, #tpu.memory_space<vmem>>
        %dma_wait3A_467 = tpu.memref_squeeze %dma_wait3A_466 : memref<1x8x64xf32, #tpu.memory_space<vmem>> -> memref<8x64xf32, #tpu.memory_space<vmem>>
        %dma_wait3A_468 = arith.constant 0 : i32
        %dma_wait3A_469 = arith.constant 0 : i32
        %dma_wait3A_470 = tpu.memref_slice %arg5[%dma_wait3A_468, %dma_wait3A_469] : memref<1000000x64xf32, #tpu.memory_space<hbm>> -> memref<8x64xf32, #tpu.memory_space<hbm>>
        tpu.wait_dma2 semaphore(%arg15 : memref<!tpu.dma_semaphore, #tpu.memory_space<semaphore_mem>>) src(%dma_wait3A_470 : memref<8x64xf32, #tpu.memory_space<hbm>>) dst(%dma_wait3A_467 : memref<8x64xf32, #tpu.memory_space<vmem>>)
        %mul3A_471 = arith.constant 16 : i32
        %mul3A_472 = arith.muli %scan3A_38, %mul3A_471 : i32
        %add3A_473 = arith.constant 12 : i32
        %add3A_474 = arith.addi %mul3A_472, %add3A_473 : i32
        %dma_wait3A_475 = arith.constant 0 : i32
        %dma_wait3A_476 = arith.constant 0 : i32
        %dma_wait3A_477 = tpu.memref_slice %arg11[%add3A_474, %dma_wait3A_475, %dma_wait3A_476] : memref<32x8x64xf32, #tpu.memory_space<vmem>> -> memref<1x8x64xf32, #tpu.memory_space<vmem>>
        %dma_wait3A_478 = tpu.memref_squeeze %dma_wait3A_477 : memref<1x8x64xf32, #tpu.memory_space<vmem>> -> memref<8x64xf32, #tpu.memory_space<vmem>>
        %dma_wait3A_479 = arith.constant 0 : i32
        %dma_wait3A_480 = arith.constant 0 : i32
        %dma_wait3A_481 = tpu.memref_slice %arg5[%dma_wait3A_479, %dma_wait3A_480] : memref<1000000x64xf32, #tpu.memory_space<hbm>> -> memref<8x64xf32, #tpu.memory_space<hbm>>
        %dma_wait3A_482 = arith.constant 0 : i32
        %dma_wait3A_483 = arith.constant 0 : i32
        %dma_wait3A_484 = tpu.memref_slice %arg11[%add3A_474, %dma_wait3A_482, %dma_wait3A_483] : memref<32x8x64xf32, #tpu.memory_space<vmem>> -> memref<1x8x64xf32, #tpu.memory_space<vmem>>
        %dma_wait3A_485 = tpu.memref_squeeze %dma_wait3A_484 : memref<1x8x64xf32, #tpu.memory_space<vmem>> -> memref<8x64xf32, #tpu.memory_space<vmem>>
        %dma_wait3A_486 = arith.constant 0 : i32
        %dma_wait3A_487 = arith.constant 0 : i32
        %dma_wait3A_488 = tpu.memref_slice %arg5[%dma_wait3A_486, %dma_wait3A_487] : memref<1000000x64xf32, #tpu.memory_space<hbm>> -> memref<8x64xf32, #tpu.memory_space<hbm>>
        tpu.wait_dma2 semaphore(%arg15 : memref<!tpu.dma_semaphore, #tpu.memory_space<semaphore_mem>>) src(%dma_wait3A_488 : memref<8x64xf32, #tpu.memory_space<hbm>>) dst(%dma_wait3A_485 : memref<8x64xf32, #tpu.memory_space<vmem>>)
        %mul3A_489 = arith.constant 16 : i32
        %mul3A_490 = arith.muli %scan3A_38, %mul3A_489 : i32
        %add3A_491 = arith.constant 12 : i32
        %add3A_492 = arith.addi %mul3A_490, %add3A_491 : i32
        %dma_wait3A_493 = arith.constant 0 : i32
        %dma_wait3A_494 = arith.constant 0 : i32
        %dma_wait3A_495 = tpu.memref_slice %arg12[%add3A_492, %dma_wait3A_493, %dma_wait3A_494] : memref<32x8x64xf32, #tpu.memory_space<vmem>> -> memref<1x8x64xf32, #tpu.memory_space<vmem>>
        %dma_wait3A_496 = tpu.memref_squeeze %dma_wait3A_495 : memref<1x8x64xf32, #tpu.memory_space<vmem>> -> memref<8x64xf32, #tpu.memory_space<vmem>>
        %dma_wait3A_497 = arith.constant 0 : i32
        %dma_wait3A_498 = arith.constant 0 : i32
        %dma_wait3A_499 = tpu.memref_slice %arg5[%dma_wait3A_497, %dma_wait3A_498] : memref<1000000x64xf32, #tpu.memory_space<hbm>> -> memref<8x64xf32, #tpu.memory_space<hbm>>
        %dma_wait3A_500 = arith.constant 0 : i32
        %dma_wait3A_501 = arith.constant 0 : i32
        %dma_wait3A_502 = tpu.memref_slice %arg12[%add3A_492, %dma_wait3A_500, %dma_wait3A_501] : memref<32x8x64xf32, #tpu.memory_space<vmem>> -> memref<1x8x64xf32, #tpu.memory_space<vmem>>
        %dma_wait3A_503 = tpu.memref_squeeze %dma_wait3A_502 : memref<1x8x64xf32, #tpu.memory_space<vmem>> -> memref<8x64xf32, #tpu.memory_space<vmem>>
        %dma_wait3A_504 = arith.constant 0 : i32
        %dma_wait3A_505 = arith.constant 0 : i32
        %dma_wait3A_506 = tpu.memref_slice %arg5[%dma_wait3A_504, %dma_wait3A_505] : memref<1000000x64xf32, #tpu.memory_space<hbm>> -> memref<8x64xf32, #tpu.memory_space<hbm>>
        tpu.wait_dma2 semaphore(%arg15 : memref<!tpu.dma_semaphore, #tpu.memory_space<semaphore_mem>>) src(%dma_wait3A_506 : memref<8x64xf32, #tpu.memory_space<hbm>>) dst(%dma_wait3A_503 : memref<8x64xf32, #tpu.memory_space<vmem>>)
        %mul3A_507 = arith.constant 16 : i32
        %mul3A_508 = arith.muli %scan3A_38, %mul3A_507 : i32
        %add3A_509 = arith.constant 13 : i32
        %add3A_510 = arith.addi %mul3A_508, %add3A_509 : i32
        %dma_wait3A_511 = arith.constant 0 : i32
        %dma_wait3A_512 = arith.constant 0 : i32
        %dma_wait3A_513 = tpu.memref_slice %arg11[%add3A_510, %dma_wait3A_511, %dma_wait3A_512] : memref<32x8x64xf32, #tpu.memory_space<vmem>> -> memref<1x8x64xf32, #tpu.memory_space<vmem>>
        %dma_wait3A_514 = tpu.memref_squeeze %dma_wait3A_513 : memref<1x8x64xf32, #tpu.memory_space<vmem>> -> memref<8x64xf32, #tpu.memory_space<vmem>>
        %dma_wait3A_515 = arith.constant 0 : i32
        %dma_wait3A_516 = arith.constant 0 : i32
        %dma_wait3A_517 = tpu.memref_slice %arg5[%dma_wait3A_515, %dma_wait3A_516] : memref<1000000x64xf32, #tpu.memory_space<hbm>> -> memref<8x64xf32, #tpu.memory_space<hbm>>
        %dma_wait3A_518 = arith.constant 0 : i32
        %dma_wait3A_519 = arith.constant 0 : i32
        %dma_wait3A_520 = tpu.memref_slice %arg11[%add3A_510, %dma_wait3A_518, %dma_wait3A_519] : memref<32x8x64xf32, #tpu.memory_space<vmem>> -> memref<1x8x64xf32, #tpu.memory_space<vmem>>
        %dma_wait3A_521 = tpu.memref_squeeze %dma_wait3A_520 : memref<1x8x64xf32, #tpu.memory_space<vmem>> -> memref<8x64xf32, #tpu.memory_space<vmem>>
        %dma_wait3A_522 = arith.constant 0 : i32
        %dma_wait3A_523 = arith.constant 0 : i32
        %dma_wait3A_524 = tpu.memref_slice %arg5[%dma_wait3A_522, %dma_wait3A_523] : memref<1000000x64xf32, #tpu.memory_space<hbm>> -> memref<8x64xf32, #tpu.memory_space<hbm>>
        tpu.wait_dma2 semaphore(%arg15 : memref<!tpu.dma_semaphore, #tpu.memory_space<semaphore_mem>>) src(%dma_wait3A_524 : memref<8x64xf32, #tpu.memory_space<hbm>>) dst(%dma_wait3A_521 : memref<8x64xf32, #tpu.memory_space<vmem>>)
        %mul3A_525 = arith.constant 16 : i32
        %mul3A_526 = arith.muli %scan3A_38, %mul3A_525 : i32
        %add3A_527 = arith.constant 13 : i32
        %add3A_528 = arith.addi %mul3A_526, %add3A_527 : i32
        %dma_wait3A_529 = arith.constant 0 : i32
        %dma_wait3A_530 = arith.constant 0 : i32
        %dma_wait3A_531 = tpu.memref_slice %arg12[%add3A_528, %dma_wait3A_529, %dma_wait3A_530] : memref<32x8x64xf32, #tpu.memory_space<vmem>> -> memref<1x8x64xf32, #tpu.memory_space<vmem>>
        %dma_wait3A_532 = tpu.memref_squeeze %dma_wait3A_531 : memref<1x8x64xf32, #tpu.memory_space<vmem>> -> memref<8x64xf32, #tpu.memory_space<vmem>>
        %dma_wait3A_533 = arith.constant 0 : i32
        %dma_wait3A_534 = arith.constant 0 : i32
        %dma_wait3A_535 = tpu.memref_slice %arg5[%dma_wait3A_533, %dma_wait3A_534] : memref<1000000x64xf32, #tpu.memory_space<hbm>> -> memref<8x64xf32, #tpu.memory_space<hbm>>
        %dma_wait3A_536 = arith.constant 0 : i32
        %dma_wait3A_537 = arith.constant 0 : i32
        %dma_wait3A_538 = tpu.memref_slice %arg12[%add3A_528, %dma_wait3A_536, %dma_wait3A_537] : memref<32x8x64xf32, #tpu.memory_space<vmem>> -> memref<1x8x64xf32, #tpu.memory_space<vmem>>
        %dma_wait3A_539 = tpu.memref_squeeze %dma_wait3A_538 : memref<1x8x64xf32, #tpu.memory_space<vmem>> -> memref<8x64xf32, #tpu.memory_space<vmem>>
        %dma_wait3A_540 = arith.constant 0 : i32
        %dma_wait3A_541 = arith.constant 0 : i32
        %dma_wait3A_542 = tpu.memref_slice %arg5[%dma_wait3A_540, %dma_wait3A_541] : memref<1000000x64xf32, #tpu.memory_space<hbm>> -> memref<8x64xf32, #tpu.memory_space<hbm>>
        tpu.wait_dma2 semaphore(%arg15 : memref<!tpu.dma_semaphore, #tpu.memory_space<semaphore_mem>>) src(%dma_wait3A_542 : memref<8x64xf32, #tpu.memory_space<hbm>>) dst(%dma_wait3A_539 : memref<8x64xf32, #tpu.memory_space<vmem>>)
        %mul3A_543 = arith.constant 16 : i32
        %mul3A_544 = arith.muli %scan3A_38, %mul3A_543 : i32
        %add3A_545 = arith.constant 14 : i32
        %add3A_546 = arith.addi %mul3A_544, %add3A_545 : i32
        %dma_wait3A_547 = arith.constant 0 : i32
        %dma_wait3A_548 = arith.constant 0 : i32
        %dma_wait3A_549 = tpu.memref_slice %arg11[%add3A_546, %dma_wait3A_547, %dma_wait3A_548] : memref<32x8x64xf32, #tpu.memory_space<vmem>> -> memref<1x8x64xf32, #tpu.memory_space<vmem>>
        %dma_wait3A_550 = tpu.memref_squeeze %dma_wait3A_549 : memref<1x8x64xf32, #tpu.memory_space<vmem>> -> memref<8x64xf32, #tpu.memory_space<vmem>>
        %dma_wait3A_551 = arith.constant 0 : i32
        %dma_wait3A_552 = arith.constant 0 : i32
        %dma_wait3A_553 = tpu.memref_slice %arg5[%dma_wait3A_551, %dma_wait3A_552] : memref<1000000x64xf32, #tpu.memory_space<hbm>> -> memref<8x64xf32, #tpu.memory_space<hbm>>
        %dma_wait3A_554 = arith.constant 0 : i32
        %dma_wait3A_555 = arith.constant 0 : i32
        %dma_wait3A_556 = tpu.memref_slice %arg11[%add3A_546, %dma_wait3A_554, %dma_wait3A_555] : memref<32x8x64xf32, #tpu.memory_space<vmem>> -> memref<1x8x64xf32, #tpu.memory_space<vmem>>
        %dma_wait3A_557 = tpu.memref_squeeze %dma_wait3A_556 : memref<1x8x64xf32, #tpu.memory_space<vmem>> -> memref<8x64xf32, #tpu.memory_space<vmem>>
        %dma_wait3A_558 = arith.constant 0 : i32
        %dma_wait3A_559 = arith.constant 0 : i32
        %dma_wait3A_560 = tpu.memref_slice %arg5[%dma_wait3A_558, %dma_wait3A_559] : memref<1000000x64xf32, #tpu.memory_space<hbm>> -> memref<8x64xf32, #tpu.memory_space<hbm>>
        tpu.wait_dma2 semaphore(%arg15 : memref<!tpu.dma_semaphore, #tpu.memory_space<semaphore_mem>>) src(%dma_wait3A_560 : memref<8x64xf32, #tpu.memory_space<hbm>>) dst(%dma_wait3A_557 : memref<8x64xf32, #tpu.memory_space<vmem>>)
        %mul3A_561 = arith.constant 16 : i32
        %mul3A_562 = arith.muli %scan3A_38, %mul3A_561 : i32
        %add3A_563 = arith.constant 14 : i32
        %add3A_564 = arith.addi %mul3A_562, %add3A_563 : i32
        %dma_wait3A_565 = arith.constant 0 : i32
        %dma_wait3A_566 = arith.constant 0 : i32
        %dma_wait3A_567 = tpu.memref_slice %arg12[%add3A_564, %dma_wait3A_565, %dma_wait3A_566] : memref<32x8x64xf32, #tpu.memory_space<vmem>> -> memref<1x8x64xf32, #tpu.memory_space<vmem>>
        %dma_wait3A_568 = tpu.memref_squeeze %dma_wait3A_567 : memref<1x8x64xf32, #tpu.memory_space<vmem>> -> memref<8x64xf32, #tpu.memory_space<vmem>>
        %dma_wait3A_569 = arith.constant 0 : i32
        %dma_wait3A_570 = arith.constant 0 : i32
        %dma_wait3A_571 = tpu.memref_slice %arg5[%dma_wait3A_569, %dma_wait3A_570] : memref<1000000x64xf32, #tpu.memory_space<hbm>> -> memref<8x64xf32, #tpu.memory_space<hbm>>
        %dma_wait3A_572 = arith.constant 0 : i32
        %dma_wait3A_573 = arith.constant 0 : i32
        %dma_wait3A_574 = tpu.memref_slice %arg12[%add3A_564, %dma_wait3A_572, %dma_wait3A_573] : memref<32x8x64xf32, #tpu.memory_space<vmem>> -> memref<1x8x64xf32, #tpu.memory_space<vmem>>
        %dma_wait3A_575 = tpu.memref_squeeze %dma_wait3A_574 : memref<1x8x64xf32, #tpu.memory_space<vmem>> -> memref<8x64xf32, #tpu.memory_space<vmem>>
        %dma_wait3A_576 = arith.constant 0 : i32
        %dma_wait3A_577 = arith.constant 0 : i32
        %dma_wait3A_578 = tpu.memref_slice %arg5[%dma_wait3A_576, %dma_wait3A_577] : memref<1000000x64xf32, #tpu.memory_space<hbm>> -> memref<8x64xf32, #tpu.memory_space<hbm>>
        tpu.wait_dma2 semaphore(%arg15 : memref<!tpu.dma_semaphore, #tpu.memory_space<semaphore_mem>>) src(%dma_wait3A_578 : memref<8x64xf32, #tpu.memory_space<hbm>>) dst(%dma_wait3A_575 : memref<8x64xf32, #tpu.memory_space<vmem>>)
        %mul3A_579 = arith.constant 16 : i32
        %mul3A_580 = arith.muli %scan3A_38, %mul3A_579 : i32
        %add3A_581 = arith.constant 15 : i32
        %add3A_582 = arith.addi %mul3A_580, %add3A_581 : i32
        %dma_wait3A_583 = arith.constant 0 : i32
        %dma_wait3A_584 = arith.constant 0 : i32
        %dma_wait3A_585 = tpu.memref_slice %arg11[%add3A_582, %dma_wait3A_583, %dma_wait3A_584] : memref<32x8x64xf32, #tpu.memory_space<vmem>> -> memref<1x8x64xf32, #tpu.memory_space<vmem>>
        %dma_wait3A_586 = tpu.memref_squeeze %dma_wait3A_585 : memref<1x8x64xf32, #tpu.memory_space<vmem>> -> memref<8x64xf32, #tpu.memory_space<vmem>>
        %dma_wait3A_587 = arith.constant 0 : i32
        %dma_wait3A_588 = arith.constant 0 : i32
        %dma_wait3A_589 = tpu.memref_slice %arg5[%dma_wait3A_587, %dma_wait3A_588] : memref<1000000x64xf32, #tpu.memory_space<hbm>> -> memref<8x64xf32, #tpu.memory_space<hbm>>
        %dma_wait3A_590 = arith.constant 0 : i32
        %dma_wait3A_591 = arith.constant 0 : i32
        %dma_wait3A_592 = tpu.memref_slice %arg11[%add3A_582, %dma_wait3A_590, %dma_wait3A_591] : memref<32x8x64xf32, #tpu.memory_space<vmem>> -> memref<1x8x64xf32, #tpu.memory_space<vmem>>
        %dma_wait3A_593 = tpu.memref_squeeze %dma_wait3A_592 : memref<1x8x64xf32, #tpu.memory_space<vmem>> -> memref<8x64xf32, #tpu.memory_space<vmem>>
        %dma_wait3A_594 = arith.constant 0 : i32
        %dma_wait3A_595 = arith.constant 0 : i32
        %dma_wait3A_596 = tpu.memref_slice %arg5[%dma_wait3A_594, %dma_wait3A_595] : memref<1000000x64xf32, #tpu.memory_space<hbm>> -> memref<8x64xf32, #tpu.memory_space<hbm>>
        tpu.wait_dma2 semaphore(%arg15 : memref<!tpu.dma_semaphore, #tpu.memory_space<semaphore_mem>>) src(%dma_wait3A_596 : memref<8x64xf32, #tpu.memory_space<hbm>>) dst(%dma_wait3A_593 : memref<8x64xf32, #tpu.memory_space<vmem>>)
        %mul3A_597 = arith.constant 16 : i32
        %mul3A_598 = arith.muli %scan3A_38, %mul3A_597 : i32
        %add3A_599 = arith.constant 15 : i32
        %add3A_600 = arith.addi %mul3A_598, %add3A_599 : i32
        %dma_wait3A_601 = arith.constant 0 : i32
        %dma_wait3A_602 = arith.constant 0 : i32
        %dma_wait3A_603 = tpu.memref_slice %arg12[%add3A_600, %dma_wait3A_601, %dma_wait3A_602] : memref<32x8x64xf32, #tpu.memory_space<vmem>> -> memref<1x8x64xf32, #tpu.memory_space<vmem>>
        %dma_wait3A_604 = tpu.memref_squeeze %dma_wait3A_603 : memref<1x8x64xf32, #tpu.memory_space<vmem>> -> memref<8x64xf32, #tpu.memory_space<vmem>>
        %dma_wait3A_605 = arith.constant 0 : i32
        %dma_wait3A_606 = arith.constant 0 : i32
        %dma_wait3A_607 = tpu.memref_slice %arg5[%dma_wait3A_605, %dma_wait3A_606] : memref<1000000x64xf32, #tpu.memory_space<hbm>> -> memref<8x64xf32, #tpu.memory_space<hbm>>
        %dma_wait3A_608 = arith.constant 0 : i32
        %dma_wait3A_609 = arith.constant 0 : i32
        %dma_wait3A_610 = tpu.memref_slice %arg12[%add3A_600, %dma_wait3A_608, %dma_wait3A_609] : memref<32x8x64xf32, #tpu.memory_space<vmem>> -> memref<1x8x64xf32, #tpu.memory_space<vmem>>
        %dma_wait3A_611 = tpu.memref_squeeze %dma_wait3A_610 : memref<1x8x64xf32, #tpu.memory_space<vmem>> -> memref<8x64xf32, #tpu.memory_space<vmem>>
        %dma_wait3A_612 = arith.constant 0 : i32
        %dma_wait3A_613 = arith.constant 0 : i32
        %dma_wait3A_614 = tpu.memref_slice %arg5[%dma_wait3A_612, %dma_wait3A_613] : memref<1000000x64xf32, #tpu.memory_space<hbm>> -> memref<8x64xf32, #tpu.memory_space<hbm>>
        tpu.wait_dma2 semaphore(%arg15 : memref<!tpu.dma_semaphore, #tpu.memory_space<semaphore_mem>>) src(%dma_wait3A_614 : memref<8x64xf32, #tpu.memory_space<hbm>>) dst(%dma_wait3A_611 : memref<8x64xf32, #tpu.memory_space<vmem>>)
      }
      %scan3A_24 = arith.constant 2 : i32
      %dma_wait3A = arith.constant 0 : i32
      %dma_wait3A_25 = tpu.memref_slice %arg10[%scan3A_9, %dma_wait3A] : memref<16x32xi32, #tpu.memory_space<vmem>> -> memref<1x32xi32, #tpu.memory_space<vmem>>
      %dma_wait3A_26 = tpu.memref_squeeze %dma_wait3A_25 : memref<1x32xi32, #tpu.memory_space<vmem>> -> memref<32xi32, #tpu.memory_space<vmem>>
      %dma_wait3A_27 = arith.constant 0 : i32
      %dma_wait3A_28 = arith.constant 0 : i32
      %dma_wait3A_29 = tpu.memref_slice %arg6[%dma_wait3A_27, %dma_wait3A_28] : memref<1000x128xf32, #tpu.memory_space<hbm>> -> memref<1000x128xf32, #tpu.memory_space<hbm>>
      tpu.wait_indirect_dma semaphore(%arg16 : memref<!tpu.dma_semaphore, #tpu.memory_space<semaphore_mem>>) src(%dma_wait3A_29 : memref<1000x128xf32, #tpu.memory_space<hbm>>) dst(%arg13 : memref<32x128xf32, #tpu.memory_space<vmem>>)
      %scan3A_30 = arith.constant 0 : i32
      %scan3A_31 = arith.constant 2 : i32
      %scan3A_32 = arith.addi %scan3A_30, %scan3A_31 : i32
      %scan3A_33 = arith.constant 1 : i32
      scf.for %scan3A_38 = %scan3A_30 to %scan3A_32 step %scan3A_33  : i32 {
        %mul3A_39 = arith.constant 32 : i32
        %mul3A_40 = arith.muli %scan3A_9, %mul3A_39 : i32
        %mul3A_41 = arith.constant 16 : i32
        %mul3A_42 = arith.muli %scan3A_38, %mul3A_41 : i32
        %add3A_43 = arith.addi %mul3A_40, %mul3A_42 : i32
        %get3A = arith.index_cast %add3A_43 : i32 to index
        %get3A_44 = tpu.vector_load %arg8[%get3A] {strides = array<i32>} : memref<512xi32, #tpu.memory_space<vmem>>, vector<16xi32>,
        %get3A_45 = vector.shape_cast %get3A_44 : vector<16xi32> to vector<16xi32>
        %mul3A_46 = arith.constant 32 : i32
        %mul3A_47 = arith.muli %scan3A_9, %mul3A_46 : i32
        %mul3A_48 = arith.constant 16 : i32
        %mul3A_49 = arith.muli %scan3A_38, %mul3A_48 : i32
        %add3A_50 = arith.addi %mul3A_47, %mul3A_49 : i32
        %get3A_51 = arith.index_cast %add3A_50 : i32 to index
        %get3A_52 = tpu.vector_load %arg9[%get3A_51] {strides = array<i32>} : memref<512xi32, #tpu.memory_space<vmem>>, vector<16xi32>,
        %get3A_53 = vector.shape_cast %get3A_52 : vector<16xi32> to vector<16xi32>
        %mul3A_54 = arith.constant 16 : i32
        %mul3A_55 = arith.muli %scan3A_38, %mul3A_54 : i32
        %add3A_56 = arith.constant 0 : i32
        %add3A_57 = arith.addi %mul3A_55, %add3A_56 : i32
        %slice3A = vector.extract_strided_slice %get3A_45 {offsets = [0], sizes = [1], strides = [1]} : vector<16xi32> to vector<1xi32>
        %squeeze3A = vector.extract %slice3A[0] : i32 from vector<1xi32>
        %and3A = arith.constant 7 : i32
        %and3A_58 = arith.andi %squeeze3A, %and3A : i32
        %slice3A_59 = vector.extract_strided_slice %get3A_53 {offsets = [0], sizes = [1], strides = [1]} : vector<16xi32> to vector<1xi32>
        %squeeze3A_60 = vector.extract %slice3A_59[0] : i32 from vector<1xi32>
        %and3A_61 = arith.constant 7 : i32
        %and3A_62 = arith.andi %squeeze3A_60, %and3A_61 : i32
        %get3A_63 = arith.index_cast %add3A_57 : i32 to index
        %get3A_64 = arith.index_cast %and3A_58 : i32 to index
        %get3A_65 = arith.constant 0 : index
        %get3A_66 = tpu.vector_load %arg11[%get3A_63, %get3A_64, %get3A_65] {strides = array<i32>} : memref<32x8x64xf32, #tpu.memory_space<vmem>>, vector<1x1x16xf32>,
        %get3A_67 = vector.shape_cast %get3A_66 : vector<1x1x16xf32> to vector<16xf32>
        %get3A_68 = arith.index_cast %add3A_57 : i32 to index
        %get3A_69 = arith.constant 0 : index
        %get3A_70 = tpu.vector_load %arg13[%get3A_68, %get3A_69] {strides = array<i32>} : memref<32x128xf32, #tpu.memory_space<vmem>>, vector<1x16xf32>,
        %get3A_71 = vector.shape_cast %get3A_70 : vector<1x16xf32> to vector<16xf32>
        %add3A_72 = arith.addf %get3A_67, %get3A_71 : vector<16xf32>
        %get3A_73 = arith.index_cast %add3A_57 : i32 to index
        %get3A_74 = arith.index_cast %and3A_62 : i32 to index
        %get3A_75 = arith.constant 0 : index
        %get3A_76 = tpu.vector_load %arg12[%get3A_73, %get3A_74, %get3A_75] {strides = array<i32>} : memref<32x8x64xf32, #tpu.memory_space<vmem>>, vector<1x1x16xf32>,
        %get3A_77 = vector.shape_cast %get3A_76 : vector<1x1x16xf32> to vector<16xf32>
        %sub3A = arith.subf %add3A_72, %get3A_77 : vector<16xf32>
        %swap3A = arith.index_cast %add3A_57 : i32 to index
        %swap3A_78 = arith.constant 0 : index
        %swap3A_79 = tpu.vector_load %arg14[%swap3A, %swap3A_78] {strides = array<i32>} : memref<32x64xf32, #tpu.memory_space<vmem>>, vector<1x16xf32>,
        %swap3A_80 = vector.shape_cast %swap3A_79 : vector<1x16xf32> to vector<16xf32>
        %swap3A_81 = vector.shape_cast %sub3A : vector<16xf32> to vector<1x16xf32>
        tpu.vector_store %arg14[%swap3A, %swap3A_78], %swap3A_81 {strides = array<i32>} : memref<32x64xf32, #tpu.memory_space<vmem>>, vector<1x16xf32>,
        %get3A_82 = arith.index_cast %add3A_57 : i32 to index
        %get3A_83 = arith.index_cast %and3A_58 : i32 to index
        %get3A_84 = arith.constant 16 : index
        %get3A_85 = tpu.vector_load %arg11[%get3A_82, %get3A_83, %get3A_84] {strides = array<i32>} : memref<32x8x64xf32, #tpu.memory_space<vmem>>, vector<1x1x16xf32>,
        %get3A_86 = vector.shape_cast %get3A_85 : vector<1x1x16xf32> to vector<16xf32>
        %get3A_87 = arith.index_cast %add3A_57 : i32 to index
        %get3A_88 = arith.constant 16 : index
        %get3A_89 = tpu.vector_load %arg13[%get3A_87, %get3A_88] {strides = array<i32>} : memref<32x128xf32, #tpu.memory_space<vmem>>, vector<1x16xf32>,
        %get3A_90 = vector.shape_cast %get3A_89 : vector<1x16xf32> to vector<16xf32>
        %add3A_91 = arith.addf %get3A_86, %get3A_90 : vector<16xf32>
        %get3A_92 = arith.index_cast %add3A_57 : i32 to index
        %get3A_93 = arith.index_cast %and3A_62 : i32 to index
        %get3A_94 = arith.constant 16 : index
        %get3A_95 = tpu.vector_load %arg12[%get3A_92, %get3A_93, %get3A_94] {strides = array<i32>} : memref<32x8x64xf32, #tpu.memory_space<vmem>>, vector<1x1x16xf32>,
        %get3A_96 = vector.shape_cast %get3A_95 : vector<1x1x16xf32> to vector<16xf32>
        %sub3A_97 = arith.subf %add3A_91, %get3A_96 : vector<16xf32>
        %swap3A_98 = arith.index_cast %add3A_57 : i32 to index
        %swap3A_99 = arith.constant 16 : index
        %swap3A_100 = tpu.vector_load %arg14[%swap3A_98, %swap3A_99] {strides = array<i32>} : memref<32x64xf32, #tpu.memory_space<vmem>>, vector<1x16xf32>,
        %swap3A_101 = vector.shape_cast %swap3A_100 : vector<1x16xf32> to vector<16xf32>
        %swap3A_102 = vector.shape_cast %sub3A_97 : vector<16xf32> to vector<1x16xf32>
        tpu.vector_store %arg14[%swap3A_98, %swap3A_99], %swap3A_102 {strides = array<i32>} : memref<32x64xf32, #tpu.memory_space<vmem>>, vector<1x16xf32>,
        %get3A_103 = arith.index_cast %add3A_57 : i32 to index
        %get3A_104 = arith.index_cast %and3A_58 : i32 to index
        %get3A_105 = arith.constant 32 : index
        %get3A_106 = tpu.vector_load %arg11[%get3A_103, %get3A_104, %get3A_105] {strides = array<i32>} : memref<32x8x64xf32, #tpu.memory_space<vmem>>, vector<1x1x16xf32>,
        %get3A_107 = vector.shape_cast %get3A_106 : vector<1x1x16xf32> to vector<16xf32>
        %get3A_108 = arith.index_cast %add3A_57 : i32 to index
        %get3A_109 = arith.constant 32 : index
        %get3A_110 = tpu.vector_load %arg13[%get3A_108, %get3A_109] {strides = array<i32>} : memref<32x128xf32, #tpu.memory_space<vmem>>, vector<1x16xf32>,
        %get3A_111 = vector.shape_cast %get3A_110 : vector<1x16xf32> to vector<16xf32>
        %add3A_112 = arith.addf %get3A_107, %get3A_111 : vector<16xf32>
        %get3A_113 = arith.index_cast %add3A_57 : i32 to index
        %get3A_114 = arith.index_cast %and3A_62 : i32 to index
        %get3A_115 = arith.constant 32 : index
        %get3A_116 = tpu.vector_load %arg12[%get3A_113, %get3A_114, %get3A_115] {strides = array<i32>} : memref<32x8x64xf32, #tpu.memory_space<vmem>>, vector<1x1x16xf32>,
        %get3A_117 = vector.shape_cast %get3A_116 : vector<1x1x16xf32> to vector<16xf32>
        %sub3A_118 = arith.subf %add3A_112, %get3A_117 : vector<16xf32>
        %swap3A_119 = arith.index_cast %add3A_57 : i32 to index
        %swap3A_120 = arith.constant 32 : index
        %swap3A_121 = tpu.vector_load %arg14[%swap3A_119, %swap3A_120] {strides = array<i32>} : memref<32x64xf32, #tpu.memory_space<vmem>>, vector<1x16xf32>,
        %swap3A_122 = vector.shape_cast %swap3A_121 : vector<1x16xf32> to vector<16xf32>
        %swap3A_123 = vector.shape_cast %sub3A_118 : vector<16xf32> to vector<1x16xf32>
        tpu.vector_store %arg14[%swap3A_119, %swap3A_120], %swap3A_123 {strides = array<i32>} : memref<32x64xf32, #tpu.memory_space<vmem>>, vector<1x16xf32>,
        %get3A_124 = arith.index_cast %add3A_57 : i32 to index
        %get3A_125 = arith.index_cast %and3A_58 : i32 to index
        %get3A_126 = arith.constant 48 : index
        %get3A_127 = tpu.vector_load %arg11[%get3A_124, %get3A_125, %get3A_126] {strides = array<i32>} : memref<32x8x64xf32, #tpu.memory_space<vmem>>, vector<1x1x16xf32>,
        %get3A_128 = vector.shape_cast %get3A_127 : vector<1x1x16xf32> to vector<16xf32>
        %get3A_129 = arith.index_cast %add3A_57 : i32 to index
        %get3A_130 = arith.constant 48 : index
        %get3A_131 = tpu.vector_load %arg13[%get3A_129, %get3A_130] {strides = array<i32>} : memref<32x128xf32, #tpu.memory_space<vmem>>, vector<1x16xf32>,
        %get3A_132 = vector.shape_cast %get3A_131 : vector<1x16xf32> to vector<16xf32>
        %add3A_133 = arith.addf %get3A_128, %get3A_132 : vector<16xf32>
        %get3A_134 = arith.index_cast %add3A_57 : i32 to index
        %get3A_135 = arith.index_cast %and3A_62 : i32 to index
        %get3A_136 = arith.constant 48 : index
        %get3A_137 = tpu.vector_load %arg12[%get3A_134, %get3A_135, %get3A_136] {strides = array<i32>} : memref<32x8x64xf32, #tpu.memory_space<vmem>>, vector<1x1x16xf32>,
        %get3A_138 = vector.shape_cast %get3A_137 : vector<1x1x16xf32> to vector<16xf32>
        %sub3A_139 = arith.subf %add3A_133, %get3A_138 : vector<16xf32>
        %swap3A_140 = arith.index_cast %add3A_57 : i32 to index
        %swap3A_141 = arith.constant 48 : index
        %swap3A_142 = tpu.vector_load %arg14[%swap3A_140, %swap3A_141] {strides = array<i32>} : memref<32x64xf32, #tpu.memory_space<vmem>>, vector<1x16xf32>,
        %swap3A_143 = vector.shape_cast %swap3A_142 : vector<1x16xf32> to vector<16xf32>
        %swap3A_144 = vector.shape_cast %sub3A_139 : vector<16xf32> to vector<1x16xf32>
        tpu.vector_store %arg14[%swap3A_140, %swap3A_141], %swap3A_144 {strides = array<i32>} : memref<32x64xf32, #tpu.memory_space<vmem>>, vector<1x16xf32>,
        %mul3A_145 = arith.constant 16 : i32
        %mul3A_146 = arith.muli %scan3A_38, %mul3A_145 : i32
        %add3A_147 = arith.constant 1 : i32
        %add3A_148 = arith.addi %mul3A_146, %add3A_147 : i32
        %slice3A_149 = vector.extract_strided_slice %get3A_45 {offsets = [1], sizes = [1], strides = [1]} : vector<16xi32> to vector<1xi32>
        %squeeze3A_150 = vector.extract %slice3A_149[0] : i32 from vector<1xi32>
        %and3A_151 = arith.constant 7 : i32
        %and3A_152 = arith.andi %squeeze3A_150, %and3A_151 : i32
        %slice3A_153 = vector.extract_strided_slice %get3A_53 {offsets = [1], sizes = [1], strides = [1]} : vector<16xi32> to vector<1xi32>
        %squeeze3A_154 = vector.extract %slice3A_153[0] : i32 from vector<1xi32>
        %and3A_155 = arith.constant 7 : i32
        %and3A_156 = arith.andi %squeeze3A_154, %and3A_155 : i32
        %get3A_157 = arith.index_cast %add3A_148 : i32 to index
        %get3A_158 = arith.index_cast %and3A_152 : i32 to index
        %get3A_159 = arith.constant 0 : index
        %get3A_160 = tpu.vector_load %arg11[%get3A_157, %get3A_158, %get3A_159] {strides = array<i32>} : memref<32x8x64xf32, #tpu.memory_space<vmem>>, vector<1x1x16xf32>,
        %get3A_161 = vector.shape_cast %get3A_160 : vector<1x1x16xf32> to vector<16xf32>
        %get3A_162 = arith.index_cast %add3A_148 : i32 to index
        %get3A_163 = arith.constant 0 : index
        %get3A_164 = tpu.vector_load %arg13[%get3A_162, %get3A_163] {strides = array<i32>} : memref<32x128xf32, #tpu.memory_space<vmem>>, vector<1x16xf32>,
        %get3A_165 = vector.shape_cast %get3A_164 : vector<1x16xf32> to vector<16xf32>
        %add3A_166 = arith.addf %get3A_161, %get3A_165 : vector<16xf32>
        %get3A_167 = arith.index_cast %add3A_148 : i32 to index
        %get3A_168 = arith.index_cast %and3A_156 : i32 to index
        %get3A_169 = arith.constant 0 : index
        %get3A_170 = tpu.vector_load %arg12[%get3A_167, %get3A_168, %get3A_169] {strides = array<i32>} : memref<32x8x64xf32, #tpu.memory_space<vmem>>, vector<1x1x16xf32>,
        %get3A_171 = vector.shape_cast %get3A_170 : vector<1x1x16xf32> to vector<16xf32>
        %sub3A_172 = arith.subf %add3A_166, %get3A_171 : vector<16xf32>
        %swap3A_173 = arith.index_cast %add3A_148 : i32 to index
        %swap3A_174 = arith.constant 0 : index
        %swap3A_175 = tpu.vector_load %arg14[%swap3A_173, %swap3A_174] {strides = array<i32>} : memref<32x64xf32, #tpu.memory_space<vmem>>, vector<1x16xf32>,
        %swap3A_176 = vector.shape_cast %swap3A_175 : vector<1x16xf32> to vector<16xf32>
        %swap3A_177 = vector.shape_cast %sub3A_172 : vector<16xf32> to vector<1x16xf32>
        tpu.vector_store %arg14[%swap3A_173, %swap3A_174], %swap3A_177 {strides = array<i32>} : memref<32x64xf32, #tpu.memory_space<vmem>>, vector<1x16xf32>,
        %get3A_178 = arith.index_cast %add3A_148 : i32 to index
        %get3A_179 = arith.index_cast %and3A_152 : i32 to index
        %get3A_180 = arith.constant 16 : index
        %get3A_181 = tpu.vector_load %arg11[%get3A_178, %get3A_179, %get3A_180] {strides = array<i32>} : memref<32x8x64xf32, #tpu.memory_space<vmem>>, vector<1x1x16xf32>,
        %get3A_182 = vector.shape_cast %get3A_181 : vector<1x1x16xf32> to vector<16xf32>
        %get3A_183 = arith.index_cast %add3A_148 : i32 to index
        %get3A_184 = arith.constant 16 : index
        %get3A_185 = tpu.vector_load %arg13[%get3A_183, %get3A_184] {strides = array<i32>} : memref<32x128xf32, #tpu.memory_space<vmem>>, vector<1x16xf32>,
        %get3A_186 = vector.shape_cast %get3A_185 : vector<1x16xf32> to vector<16xf32>
        %add3A_187 = arith.addf %get3A_182, %get3A_186 : vector<16xf32>
        %get3A_188 = arith.index_cast %add3A_148 : i32 to index
        %get3A_189 = arith.index_cast %and3A_156 : i32 to index
        %get3A_190 = arith.constant 16 : index
        %get3A_191 = tpu.vector_load %arg12[%get3A_188, %get3A_189, %get3A_190] {strides = array<i32>} : memref<32x8x64xf32, #tpu.memory_space<vmem>>, vector<1x1x16xf32>,
        %get3A_192 = vector.shape_cast %get3A_191 : vector<1x1x16xf32> to vector<16xf32>
        %sub3A_193 = arith.subf %add3A_187, %get3A_192 : vector<16xf32>
        %swap3A_194 = arith.index_cast %add3A_148 : i32 to index
        %swap3A_195 = arith.constant 16 : index
        %swap3A_196 = tpu.vector_load %arg14[%swap3A_194, %swap3A_195] {strides = array<i32>} : memref<32x64xf32, #tpu.memory_space<vmem>>, vector<1x16xf32>,
        %swap3A_197 = vector.shape_cast %swap3A_196 : vector<1x16xf32> to vector<16xf32>
        %swap3A_198 = vector.shape_cast %sub3A_193 : vector<16xf32> to vector<1x16xf32>
        tpu.vector_store %arg14[%swap3A_194, %swap3A_195], %swap3A_198 {strides = array<i32>} : memref<32x64xf32, #tpu.memory_space<vmem>>, vector<1x16xf32>,
        %get3A_199 = arith.index_cast %add3A_148 : i32 to index
        %get3A_200 = arith.index_cast %and3A_152 : i32 to index
        %get3A_201 = arith.constant 32 : index
        %get3A_202 = tpu.vector_load %arg11[%get3A_199, %get3A_200, %get3A_201] {strides = array<i32>} : memref<32x8x64xf32, #tpu.memory_space<vmem>>, vector<1x1x16xf32>,
        %get3A_203 = vector.shape_cast %get3A_202 : vector<1x1x16xf32> to vector<16xf32>
        %get3A_204 = arith.index_cast %add3A_148 : i32 to index
        %get3A_205 = arith.constant 32 : index
        %get3A_206 = tpu.vector_load %arg13[%get3A_204, %get3A_205] {strides = array<i32>} : memref<32x128xf32, #tpu.memory_space<vmem>>, vector<1x16xf32>,
        %get3A_207 = vector.shape_cast %get3A_206 : vector<1x16xf32> to vector<16xf32>
        %add3A_208 = arith.addf %get3A_203, %get3A_207 : vector<16xf32>
        %get3A_209 = arith.index_cast %add3A_148 : i32 to index
        %get3A_210 = arith.index_cast %and3A_156 : i32 to index
        %get3A_211 = arith.constant 32 : index
        %get3A_212 = tpu.vector_load %arg12[%get3A_209, %get3A_210, %get3A_211] {strides = array<i32>} : memref<32x8x64xf32, #tpu.memory_space<vmem>>, vector<1x1x16xf32>,
        %get3A_213 = vector.shape_cast %get3A_212 : vector<1x1x16xf32> to vector<16xf32>
        %sub3A_214 = arith.subf %add3A_208, %get3A_213 : vector<16xf32>
        %swap3A_215 = arith.index_cast %add3A_148 : i32 to index
        %swap3A_216 = arith.constant 32 : index
        %swap3A_217 = tpu.vector_load %arg14[%swap3A_215, %swap3A_216] {strides = array<i32>} : memref<32x64xf32, #tpu.memory_space<vmem>>, vector<1x16xf32>,
        %swap3A_218 = vector.shape_cast %swap3A_217 : vector<1x16xf32> to vector<16xf32>
        %swap3A_219 = vector.shape_cast %sub3A_214 : vector<16xf32> to vector<1x16xf32>
        tpu.vector_store %arg14[%swap3A_215, %swap3A_216], %swap3A_219 {strides = array<i32>} : memref<32x64xf32, #tpu.memory_space<vmem>>, vector<1x16xf32>,
        %get3A_220 = arith.index_cast %add3A_148 : i32 to index
        %get3A_221 = arith.index_cast %and3A_152 : i32 to index
        %get3A_222 = arith.constant 48 : index
        %get3A_223 = tpu.vector_load %arg11[%get3A_220, %get3A_221, %get3A_222] {strides = array<i32>} : memref<32x8x64xf32, #tpu.memory_space<vmem>>, vector<1x1x16xf32>,
        %get3A_224 = vector.shape_cast %get3A_223 : vector<1x1x16xf32> to vector<16xf32>
        %get3A_225 = arith.index_cast %add3A_148 : i32 to index
        %get3A_226 = arith.constant 48 : index
        %get3A_227 = tpu.vector_load %arg13[%get3A_225, %get3A_226] {strides = array<i32>} : memref<32x128xf32, #tpu.memory_space<vmem>>, vector<1x16xf32>,
        %get3A_228 = vector.shape_cast %get3A_227 : vector<1x16xf32> to vector<16xf32>
        %add3A_229 = arith.addf %get3A_224, %get3A_228 : vector<16xf32>
        %get3A_230 = arith.index_cast %add3A_148 : i32 to index
        %get3A_231 = arith.index_cast %and3A_156 : i32 to index
        %get3A_232 = arith.constant 48 : index
        %get3A_233 = tpu.vector_load %arg12[%get3A_230, %get3A_231, %get3A_232] {strides = array<i32>} : memref<32x8x64xf32, #tpu.memory_space<vmem>>, vector<1x1x16xf32>,
        %get3A_234 = vector.shape_cast %get3A_233 : vector<1x1x16xf32> to vector<16xf32>
        %sub3A_235 = arith.subf %add3A_229, %get3A_234 : vector<16xf32>
        %swap3A_236 = arith.index_cast %add3A_148 : i32 to index
        %swap3A_237 = arith.constant 48 : index
        %swap3A_238 = tpu.vector_load %arg14[%swap3A_236, %swap3A_237] {strides = array<i32>} : memref<32x64xf32, #tpu.memory_space<vmem>>, vector<1x16xf32>,
        %swap3A_239 = vector.shape_cast %swap3A_238 : vector<1x16xf32> to vector<16xf32>
        %swap3A_240 = vector.shape_cast %sub3A_235 : vector<16xf32> to vector<1x16xf32>
        tpu.vector_store %arg14[%swap3A_236, %swap3A_237], %swap3A_240 {strides = array<i32>} : memref<32x64xf32, #tpu.memory_space<vmem>>, vector<1x16xf32>,
        %mul3A_241 = arith.constant 16 : i32
        %mul3A_242 = arith.muli %scan3A_38, %mul3A_241 : i32
        %add3A_243 = arith.constant 2 : i32
        %add3A_244 = arith.addi %mul3A_242, %add3A_243 : i32
        %slice3A_245 = vector.extract_strided_slice %get3A_45 {offsets = [2], sizes = [1], strides = [1]} : vector<16xi32> to vector<1xi32>
        %squeeze3A_246 = vector.extract %slice3A_245[0] : i32 from vector<1xi32>
        %and3A_247 = arith.constant 7 : i32
        %and3A_248 = arith.andi %squeeze3A_246, %and3A_247 : i32
        %slice3A_249 = vector.extract_strided_slice %get3A_53 {offsets = [2], sizes = [1], strides = [1]} : vector<16xi32> to vector<1xi32>
        %squeeze3A_250 = vector.extract %slice3A_249[0] : i32 from vector<1xi32>
        %and3A_251 = arith.constant 7 : i32
        %and3A_252 = arith.andi %squeeze3A_250, %and3A_251 : i32
        %get3A_253 = arith.index_cast %add3A_244 : i32 to index
        %get3A_254 = arith.index_cast %and3A_248 : i32 to index
        %get3A_255 = arith.constant 0 : index
        %get3A_256 = tpu.vector_load %arg11[%get3A_253, %get3A_254, %get3A_255] {strides = array<i32>} : memref<32x8x64xf32, #tpu.memory_space<vmem>>, vector<1x1x16xf32>,
        %get3A_257 = vector.shape_cast %get3A_256 : vector<1x1x16xf32> to vector<16xf32>
        %get3A_258 = arith.index_cast %add3A_244 : i32 to index
        %get3A_259 = arith.constant 0 : index
        %get3A_260 = tpu.vector_load %arg13[%get3A_258, %get3A_259] {strides = array<i32>} : memref<32x128xf32, #tpu.memory_space<vmem>>, vector<1x16xf32>,
        %get3A_261 = vector.shape_cast %get3A_260 : vector<1x16xf32> to vector<16xf32>
        %add3A_262 = arith.addf %get3A_257, %get3A_261 : vector<16xf32>
        %get3A_263 = arith.index_cast %add3A_244 : i32 to index
        %get3A_264 = arith.index_cast %and3A_252 : i32 to index
        %get3A_265 = arith.constant 0 : index
        %get3A_266 = tpu.vector_load %arg12[%get3A_263, %get3A_264, %get3A_265] {strides = array<i32>} : memref<32x8x64xf32, #tpu.memory_space<vmem>>, vector<1x1x16xf32>,
        %get3A_267 = vector.shape_cast %get3A_266 : vector<1x1x16xf32> to vector<16xf32>
        %sub3A_268 = arith.subf %add3A_262, %get3A_267 : vector<16xf32>
        %swap3A_269 = arith.index_cast %add3A_244 : i32 to index
        %swap3A_270 = arith.constant 0 : index
        %swap3A_271 = tpu.vector_load %arg14[%swap3A_269, %swap3A_270] {strides = array<i32>} : memref<32x64xf32, #tpu.memory_space<vmem>>, vector<1x16xf32>,
        %swap3A_272 = vector.shape_cast %swap3A_271 : vector<1x16xf32> to vector<16xf32>
        %swap3A_273 = vector.shape_cast %sub3A_268 : vector<16xf32> to vector<1x16xf32>
        tpu.vector_store %arg14[%swap3A_269, %swap3A_270], %swap3A_273 {strides = array<i32>} : memref<32x64xf32, #tpu.memory_space<vmem>>, vector<1x16xf32>,
        %get3A_274 = arith.index_cast %add3A_244 : i32 to index
        %get3A_275 = arith.index_cast %and3A_248 : i32 to index
        %get3A_276 = arith.constant 16 : index
        %get3A_277 = tpu.vector_load %arg11[%get3A_274, %get3A_275, %get3A_276] {strides = array<i32>} : memref<32x8x64xf32, #tpu.memory_space<vmem>>, vector<1x1x16xf32>,
        %get3A_278 = vector.shape_cast %get3A_277 : vector<1x1x16xf32> to vector<16xf32>
        %get3A_279 = arith.index_cast %add3A_244 : i32 to index
        %get3A_280 = arith.constant 16 : index
        %get3A_281 = tpu.vector_load %arg13[%get3A_279, %get3A_280] {strides = array<i32>} : memref<32x128xf32, #tpu.memory_space<vmem>>, vector<1x16xf32>,
        %get3A_282 = vector.shape_cast %get3A_281 : vector<1x16xf32> to vector<16xf32>
        %add3A_283 = arith.addf %get3A_278, %get3A_282 : vector<16xf32>
        %get3A_284 = arith.index_cast %add3A_244 : i32 to index
        %get3A_285 = arith.index_cast %and3A_252 : i32 to index
        %get3A_286 = arith.constant 16 : index
        %get3A_287 = tpu.vector_load %arg12[%get3A_284, %get3A_285, %get3A_286] {strides = array<i32>} : memref<32x8x64xf32, #tpu.memory_space<vmem>>, vector<1x1x16xf32>,
        %get3A_288 = vector.shape_cast %get3A_287 : vector<1x1x16xf32> to vector<16xf32>
        %sub3A_289 = arith.subf %add3A_283, %get3A_288 : vector<16xf32>
        %swap3A_290 = arith.index_cast %add3A_244 : i32 to index
        %swap3A_291 = arith.constant 16 : index
        %swap3A_292 = tpu.vector_load %arg14[%swap3A_290, %swap3A_291] {strides = array<i32>} : memref<32x64xf32, #tpu.memory_space<vmem>>, vector<1x16xf32>,
        %swap3A_293 = vector.shape_cast %swap3A_292 : vector<1x16xf32> to vector<16xf32>
        %swap3A_294 = vector.shape_cast %sub3A_289 : vector<16xf32> to vector<1x16xf32>
        tpu.vector_store %arg14[%swap3A_290, %swap3A_291], %swap3A_294 {strides = array<i32>} : memref<32x64xf32, #tpu.memory_space<vmem>>, vector<1x16xf32>,
        %get3A_295 = arith.index_cast %add3A_244 : i32 to index
        %get3A_296 = arith.index_cast %and3A_248 : i32 to index
        %get3A_297 = arith.constant 32 : index
        %get3A_298 = tpu.vector_load %arg11[%get3A_295, %get3A_296, %get3A_297] {strides = array<i32>} : memref<32x8x64xf32, #tpu.memory_space<vmem>>, vector<1x1x16xf32>,
        %get3A_299 = vector.shape_cast %get3A_298 : vector<1x1x16xf32> to vector<16xf32>
        %get3A_300 = arith.index_cast %add3A_244 : i32 to index
        %get3A_301 = arith.constant 32 : index
        %get3A_302 = tpu.vector_load %arg13[%get3A_300, %get3A_301] {strides = array<i32>} : memref<32x128xf32, #tpu.memory_space<vmem>>, vector<1x16xf32>,
        %get3A_303 = vector.shape_cast %get3A_302 : vector<1x16xf32> to vector<16xf32>
        %add3A_304 = arith.addf %get3A_299, %get3A_303 : vector<16xf32>
        %get3A_305 = arith.index_cast %add3A_244 : i32 to index
        %get3A_306 = arith.index_cast %and3A_252 : i32 to index
        %get3A_307 = arith.constant 32 : index
        %get3A_308 = tpu.vector_load %arg12[%get3A_305, %get3A_306, %get3A_307] {strides = array<i32>} : memref<32x8x64xf32, #tpu.memory_space<vmem>>, vector<1x1x16xf32>,
        %get3A_309 = vector.shape_cast %get3A_308 : vector<1x1x16xf32> to vector<16xf32>
        %sub3A_310 = arith.subf %add3A_304, %get3A_309 : vector<16xf32>
        %swap3A_311 = arith.index_cast %add3A_244 : i32 to index
        %swap3A_312 = arith.constant 32 : index
        %swap3A_313 = tpu.vector_load %arg14[%swap3A_311, %swap3A_312] {strides = array<i32>} : memref<32x64xf32, #tpu.memory_space<vmem>>, vector<1x16xf32>,
        %swap3A_314 = vector.shape_cast %swap3A_313 : vector<1x16xf32> to vector<16xf32>
        %swap3A_315 = vector.shape_cast %sub3A_310 : vector<16xf32> to vector<1x16xf32>
        tpu.vector_store %arg14[%swap3A_311, %swap3A_312], %swap3A_315 {strides = array<i32>} : memref<32x64xf32, #tpu.memory_space<vmem>>, vector<1x16xf32>,
        %get3A_316 = arith.index_cast %add3A_244 : i32 to index
        %get3A_317 = arith.index_cast %and3A_248 : i32 to index
        %get3A_318 = arith.constant 48 : index
        %get3A_319 = tpu.vector_load %arg11[%get3A_316, %get3A_317, %get3A_318] {strides = array<i32>} : memref<32x8x64xf32, #tpu.memory_space<vmem>>, vector<1x1x16xf32>,
        %get3A_320 = vector.shape_cast %get3A_319 : vector<1x1x16xf32> to vector<16xf32>
        %get3A_321 = arith.index_cast %add3A_244 : i32 to index
        %get3A_322 = arith.constant 48 : index
        %get3A_323 = tpu.vector_load %arg13[%get3A_321, %get3A_322] {strides = array<i32>} : memref<32x128xf32, #tpu.memory_space<vmem>>, vector<1x16xf32>,
        %get3A_324 = vector.shape_cast %get3A_323 : vector<1x16xf32> to vector<16xf32>
        %add3A_325 = arith.addf %get3A_320, %get3A_324 : vector<16xf32>
        %get3A_326 = arith.index_cast %add3A_244 : i32 to index
        %get3A_327 = arith.index_cast %and3A_252 : i32 to index
        %get3A_328 = arith.constant 48 : index
        %get3A_329 = tpu.vector_load %arg12[%get3A_326, %get3A_327, %get3A_328] {strides = array<i32>} : memref<32x8x64xf32, #tpu.memory_space<vmem>>, vector<1x1x16xf32>,
        %get3A_330 = vector.shape_cast %get3A_329 : vector<1x1x16xf32> to vector<16xf32>
        %sub3A_331 = arith.subf %add3A_325, %get3A_330 : vector<16xf32>
        %swap3A_332 = arith.index_cast %add3A_244 : i32 to index
        %swap3A_333 = arith.constant 48 : index
        %swap3A_334 = tpu.vector_load %arg14[%swap3A_332, %swap3A_333] {strides = array<i32>} : memref<32x64xf32, #tpu.memory_space<vmem>>, vector<1x16xf32>,
        %swap3A_335 = vector.shape_cast %swap3A_334 : vector<1x16xf32> to vector<16xf32>
        %swap3A_336 = vector.shape_cast %sub3A_331 : vector<16xf32> to vector<1x16xf32>
        tpu.vector_store %arg14[%swap3A_332, %swap3A_333], %swap3A_336 {strides = array<i32>} : memref<32x64xf32, #tpu.memory_space<vmem>>, vector<1x16xf32>,
        %mul3A_337 = arith.constant 16 : i32
        %mul3A_338 = arith.muli %scan3A_38, %mul3A_337 : i32
        %add3A_339 = arith.constant 3 : i32
        %add3A_340 = arith.addi %mul3A_338, %add3A_339 : i32
        %slice3A_341 = vector.extract_strided_slice %get3A_45 {offsets = [3], sizes = [1], strides = [1]} : vector<16xi32> to vector<1xi32>
        %squeeze3A_342 = vector.extract %slice3A_341[0] : i32 from vector<1xi32>
        %and3A_343 = arith.constant 7 : i32
        %and3A_344 = arith.andi %squeeze3A_342, %and3A_343 : i32
        %slice3A_345 = vector.extract_strided_slice %get3A_53 {offsets = [3], sizes = [1], strides = [1]} : vector<16xi32> to vector<1xi32>
        %squeeze3A_346 = vector.extract %slice3A_345[0] : i32 from vector<1xi32>
        %and3A_347 = arith.constant 7 : i32
        %and3A_348 = arith.andi %squeeze3A_346, %and3A_347 : i32
        %get3A_349 = arith.index_cast %add3A_340 : i32 to index
        %get3A_350 = arith.index_cast %and3A_344 : i32 to index
        %get3A_351 = arith.constant 0 : index
        %get3A_352 = tpu.vector_load %arg11[%get3A_349, %get3A_350, %get3A_351] {strides = array<i32>} : memref<32x8x64xf32, #tpu.memory_space<vmem>>, vector<1x1x16xf32>,
        %get3A_353 = vector.shape_cast %get3A_352 : vector<1x1x16xf32> to vector<16xf32>
        %get3A_354 = arith.index_cast %add3A_340 : i32 to index
        %get3A_355 = arith.constant 0 : index
        %get3A_356 = tpu.vector_load %arg13[%get3A_354, %get3A_355] {strides = array<i32>} : memref<32x128xf32, #tpu.memory_space<vmem>>, vector<1x16xf32>,
        %get3A_357 = vector.shape_cast %get3A_356 : vector<1x16xf32> to vector<16xf32>
        %add3A_358 = arith.addf %get3A_353, %get3A_357 : vector<16xf32>
        %get3A_359 = arith.index_cast %add3A_340 : i32 to index
        %get3A_360 = arith.index_cast %and3A_348 : i32 to index
        %get3A_361 = arith.constant 0 : index
        %get3A_362 = tpu.vector_load %arg12[%get3A_359, %get3A_360, %get3A_361] {strides = array<i32>} : memref<32x8x64xf32, #tpu.memory_space<vmem>>, vector<1x1x16xf32>,
        %get3A_363 = vector.shape_cast %get3A_362 : vector<1x1x16xf32> to vector<16xf32>
        %sub3A_364 = arith.subf %add3A_358, %get3A_363 : vector<16xf32>
        %swap3A_365 = arith.index_cast %add3A_340 : i32 to index
        %swap3A_366 = arith.constant 0 : index
        %swap3A_367 = tpu.vector_load %arg14[%swap3A_365, %swap3A_366] {strides = array<i32>} : memref<32x64xf32, #tpu.memory_space<vmem>>, vector<1x16xf32>,
        %swap3A_368 = vector.shape_cast %swap3A_367 : vector<1x16xf32> to vector<16xf32>
        %swap3A_369 = vector.shape_cast %sub3A_364 : vector<16xf32> to vector<1x16xf32>
        tpu.vector_store %arg14[%swap3A_365, %swap3A_366], %swap3A_369 {strides = array<i32>} : memref<32x64xf32, #tpu.memory_space<vmem>>, vector<1x16xf32>,
        %get3A_370 = arith.index_cast %add3A_340 : i32 to index
        %get3A_371 = arith.index_cast %and3A_344 : i32 to index
        %get3A_372 = arith.constant 16 : index
        %get3A_373 = tpu.vector_load %arg11[%get3A_370, %get3A_371, %get3A_372] {strides = array<i32>} : memref<32x8x64xf32, #tpu.memory_space<vmem>>, vector<1x1x16xf32>,
        %get3A_374 = vector.shape_cast %get3A_373 : vector<1x1x16xf32> to vector<16xf32>
        %get3A_375 = arith.index_cast %add3A_340 : i32 to index
        %get3A_376 = arith.constant 16 : index
        %get3A_377 = tpu.vector_load %arg13[%get3A_375, %get3A_376] {strides = array<i32>} : memref<32x128xf32, #tpu.memory_space<vmem>>, vector<1x16xf32>,
        %get3A_378 = vector.shape_cast %get3A_377 : vector<1x16xf32> to vector<16xf32>
        %add3A_379 = arith.addf %get3A_374, %get3A_378 : vector<16xf32>
        %get3A_380 = arith.index_cast %add3A_340 : i32 to index
        %get3A_381 = arith.index_cast %and3A_348 : i32 to index
        %get3A_382 = arith.constant 16 : index
        %get3A_383 = tpu.vector_load %arg12[%get3A_380, %get3A_381, %get3A_382] {strides = array<i32>} : memref<32x8x64xf32, #tpu.memory_space<vmem>>, vector<1x1x16xf32>,
        %get3A_384 = vector.shape_cast %get3A_383 : vector<1x1x16xf32> to vector<16xf32>
        %sub3A_385 = arith.subf %add3A_379, %get3A_384 : vector<16xf32>
        %swap3A_386 = arith.index_cast %add3A_340 : i32 to index
        %swap3A_387 = arith.constant 16 : index
        %swap3A_388 = tpu.vector_load %arg14[%swap3A_386, %swap3A_387] {strides = array<i32>} : memref<32x64xf32, #tpu.memory_space<vmem>>, vector<1x16xf32>,
        %swap3A_389 = vector.shape_cast %swap3A_388 : vector<1x16xf32> to vector<16xf32>
        %swap3A_390 = vector.shape_cast %sub3A_385 : vector<16xf32> to vector<1x16xf32>
        tpu.vector_store %arg14[%swap3A_386, %swap3A_387], %swap3A_390 {strides = array<i32>} : memref<32x64xf32, #tpu.memory_space<vmem>>, vector<1x16xf32>,
        %get3A_391 = arith.index_cast %add3A_340 : i32 to index
        %get3A_392 = arith.index_cast %and3A_344 : i32 to index
        %get3A_393 = arith.constant 32 : index
        %get3A_394 = tpu.vector_load %arg11[%get3A_391, %get3A_392, %get3A_393] {strides = array<i32>} : memref<32x8x64xf32, #tpu.memory_space<vmem>>, vector<1x1x16xf32>,
        %get3A_395 = vector.shape_cast %get3A_394 : vector<1x1x16xf32> to vector<16xf32>
        %get3A_396 = arith.index_cast %add3A_340 : i32 to index
        %get3A_397 = arith.constant 32 : index
        %get3A_398 = tpu.vector_load %arg13[%get3A_396, %get3A_397] {strides = array<i32>} : memref<32x128xf32, #tpu.memory_space<vmem>>, vector<1x16xf32>,
        %get3A_399 = vector.shape_cast %get3A_398 : vector<1x16xf32> to vector<16xf32>
        %add3A_400 = arith.addf %get3A_395, %get3A_399 : vector<16xf32>
        %get3A_401 = arith.index_cast %add3A_340 : i32 to index
        %get3A_402 = arith.index_cast %and3A_348 : i32 to index
        %get3A_403 = arith.constant 32 : index
        %get3A_404 = tpu.vector_load %arg12[%get3A_401, %get3A_402, %get3A_403] {strides = array<i32>} : memref<32x8x64xf32, #tpu.memory_space<vmem>>, vector<1x1x16xf32>,
        %get3A_405 = vector.shape_cast %get3A_404 : vector<1x1x16xf32> to vector<16xf32>
        %sub3A_406 = arith.subf %add3A_400, %get3A_405 : vector<16xf32>
        %swap3A_407 = arith.index_cast %add3A_340 : i32 to index
        %swap3A_408 = arith.constant 32 : index
        %swap3A_409 = tpu.vector_load %arg14[%swap3A_407, %swap3A_408] {strides = array<i32>} : memref<32x64xf32, #tpu.memory_space<vmem>>, vector<1x16xf32>,
        %swap3A_410 = vector.shape_cast %swap3A_409 : vector<1x16xf32> to vector<16xf32>
        %swap3A_411 = vector.shape_cast %sub3A_406 : vector<16xf32> to vector<1x16xf32>
        tpu.vector_store %arg14[%swap3A_407, %swap3A_408], %swap3A_411 {strides = array<i32>} : memref<32x64xf32, #tpu.memory_space<vmem>>, vector<1x16xf32>,
        %get3A_412 = arith.index_cast %add3A_340 : i32 to index
        %get3A_413 = arith.index_cast %and3A_344 : i32 to index
        %get3A_414 = arith.constant 48 : index
        %get3A_415 = tpu.vector_load %arg11[%get3A_412, %get3A_413, %get3A_414] {strides = array<i32>} : memref<32x8x64xf32, #tpu.memory_space<vmem>>, vector<1x1x16xf32>,
        %get3A_416 = vector.shape_cast %get3A_415 : vector<1x1x16xf32> to vector<16xf32>
        %get3A_417 = arith.index_cast %add3A_340 : i32 to index
        %get3A_418 = arith.constant 48 : index
        %get3A_419 = tpu.vector_load %arg13[%get3A_417, %get3A_418] {strides = array<i32>} : memref<32x128xf32, #tpu.memory_space<vmem>>, vector<1x16xf32>,
        %get3A_420 = vector.shape_cast %get3A_419 : vector<1x16xf32> to vector<16xf32>
        %add3A_421 = arith.addf %get3A_416, %get3A_420 : vector<16xf32>
        %get3A_422 = arith.index_cast %add3A_340 : i32 to index
        %get3A_423 = arith.index_cast %and3A_348 : i32 to index
        %get3A_424 = arith.constant 48 : index
        %get3A_425 = tpu.vector_load %arg12[%get3A_422, %get3A_423, %get3A_424] {strides = array<i32>} : memref<32x8x64xf32, #tpu.memory_space<vmem>>, vector<1x1x16xf32>,
        %get3A_426 = vector.shape_cast %get3A_425 : vector<1x1x16xf32> to vector<16xf32>
        %sub3A_427 = arith.subf %add3A_421, %get3A_426 : vector<16xf32>
        %swap3A_428 = arith.index_cast %add3A_340 : i32 to index
        %swap3A_429 = arith.constant 48 : index
        %swap3A_430 = tpu.vector_load %arg14[%swap3A_428, %swap3A_429] {strides = array<i32>} : memref<32x64xf32, #tpu.memory_space<vmem>>, vector<1x16xf32>,
        %swap3A_431 = vector.shape_cast %swap3A_430 : vector<1x16xf32> to vector<16xf32>
        %swap3A_432 = vector.shape_cast %sub3A_427 : vector<16xf32> to vector<1x16xf32>
        tpu.vector_store %arg14[%swap3A_428, %swap3A_429], %swap3A_432 {strides = array<i32>} : memref<32x64xf32, #tpu.memory_space<vmem>>, vector<1x16xf32>,
        %mul3A_433 = arith.constant 16 : i32
        %mul3A_434 = arith.muli %scan3A_38, %mul3A_433 : i32
        %add3A_435 = arith.constant 4 : i32
        %add3A_436 = arith.addi %mul3A_434, %add3A_435 : i32
        %slice3A_437 = vector.extract_strided_slice %get3A_45 {offsets = [4], sizes = [1], strides = [1]} : vector<16xi32> to vector<1xi32>
        %squeeze3A_438 = vector.extract %slice3A_437[0] : i32 from vector<1xi32>
        %and3A_439 = arith.constant 7 : i32
        %and3A_440 = arith.andi %squeeze3A_438, %and3A_439 : i32
        %slice3A_441 = vector.extract_strided_slice %get3A_53 {offsets = [4], sizes = [1], strides = [1]} : vector<16xi32> to vector<1xi32>
        %squeeze3A_442 = vector.extract %slice3A_441[0] : i32 from vector<1xi32>
        %and3A_443 = arith.constant 7 : i32
        %and3A_444 = arith.andi %squeeze3A_442, %and3A_443 : i32
        %get3A_445 = arith.index_cast %add3A_436 : i32 to index
        %get3A_446 = arith.index_cast %and3A_440 : i32 to index
        %get3A_447 = arith.constant 0 : index
        %get3A_448 = tpu.vector_load %arg11[%get3A_445, %get3A_446, %get3A_447] {strides = array<i32>} : memref<32x8x64xf32, #tpu.memory_space<vmem>>, vector<1x1x16xf32>,
        %get3A_449 = vector.shape_cast %get3A_448 : vector<1x1x16xf32> to vector<16xf32>
        %get3A_450 = arith.index_cast %add3A_436 : i32 to index
        %get3A_451 = arith.constant 0 : index
        %get3A_452 = tpu.vector_load %arg13[%get3A_450, %get3A_451] {strides = array<i32>} : memref<32x128xf32, #tpu.memory_space<vmem>>, vector<1x16xf32>,
        %get3A_453 = vector.shape_cast %get3A_452 : vector<1x16xf32> to vector<16xf32>
        %add3A_454 = arith.addf %get3A_449, %get3A_453 : vector<16xf32>
        %get3A_455 = arith.index_cast %add3A_436 : i32 to index
        %get3A_456 = arith.index_cast %and3A_444 : i32 to index
        %get3A_457 = arith.constant 0 : index
        %get3A_458 = tpu.vector_load %arg12[%get3A_455, %get3A_456, %get3A_457] {strides = array<i32>} : memref<32x8x64xf32, #tpu.memory_space<vmem>>, vector<1x1x16xf32>,
        %get3A_459 = vector.shape_cast %get3A_458 : vector<1x1x16xf32> to vector<16xf32>
        %sub3A_460 = arith.subf %add3A_454, %get3A_459 : vector<16xf32>
        %swap3A_461 = arith.index_cast %add3A_436 : i32 to index
        %swap3A_462 = arith.constant 0 : index
        %swap3A_463 = tpu.vector_load %arg14[%swap3A_461, %swap3A_462] {strides = array<i32>} : memref<32x64xf32, #tpu.memory_space<vmem>>, vector<1x16xf32>,
        %swap3A_464 = vector.shape_cast %swap3A_463 : vector<1x16xf32> to vector<16xf32>
        %swap3A_465 = vector.shape_cast %sub3A_460 : vector<16xf32> to vector<1x16xf32>
        tpu.vector_store %arg14[%swap3A_461, %swap3A_462], %swap3A_465 {strides = array<i32>} : memref<32x64xf32, #tpu.memory_space<vmem>>, vector<1x16xf32>,
        %get3A_466 = arith.index_cast %add3A_436 : i32 to index
        %get3A_467 = arith.index_cast %and3A_440 : i32 to index
        %get3A_468 = arith.constant 16 : index
        %get3A_469 = tpu.vector_load %arg11[%get3A_466, %get3A_467, %get3A_468] {strides = array<i32>} : memref<32x8x64xf32, #tpu.memory_space<vmem>>, vector<1x1x16xf32>,
        %get3A_470 = vector.shape_cast %get3A_469 : vector<1x1x16xf32> to vector<16xf32>
        %get3A_471 = arith.index_cast %add3A_436 : i32 to index
        %get3A_472 = arith.constant 16 : index
        %get3A_473 = tpu.vector_load %arg13[%get3A_471, %get3A_472] {strides = array<i32>} : memref<32x128xf32, #tpu.memory_space<vmem>>, vector<1x16xf32>,
        %get3A_474 = vector.shape_cast %get3A_473 : vector<1x16xf32> to vector<16xf32>
        %add3A_475 = arith.addf %get3A_470, %get3A_474 : vector<16xf32>
        %get3A_476 = arith.index_cast %add3A_436 : i32 to index
        %get3A_477 = arith.index_cast %and3A_444 : i32 to index
        %get3A_478 = arith.constant 16 : index
        %get3A_479 = tpu.vector_load %arg12[%get3A_476, %get3A_477, %get3A_478] {strides = array<i32>} : memref<32x8x64xf32, #tpu.memory_space<vmem>>, vector<1x1x16xf32>,
        %get3A_480 = vector.shape_cast %get3A_479 : vector<1x1x16xf32> to vector<16xf32>
        %sub3A_481 = arith.subf %add3A_475, %get3A_480 : vector<16xf32>
        %swap3A_482 = arith.index_cast %add3A_436 : i32 to index
        %swap3A_483 = arith.constant 16 : index
        %swap3A_484 = tpu.vector_load %arg14[%swap3A_482, %swap3A_483] {strides = array<i32>} : memref<32x64xf32, #tpu.memory_space<vmem>>, vector<1x16xf32>,
        %swap3A_485 = vector.shape_cast %swap3A_484 : vector<1x16xf32> to vector<16xf32>
        %swap3A_486 = vector.shape_cast %sub3A_481 : vector<16xf32> to vector<1x16xf32>
        tpu.vector_store %arg14[%swap3A_482, %swap3A_483], %swap3A_486 {strides = array<i32>} : memref<32x64xf32, #tpu.memory_space<vmem>>, vector<1x16xf32>,
        %get3A_487 = arith.index_cast %add3A_436 : i32 to index
        %get3A_488 = arith.index_cast %and3A_440 : i32 to index
        %get3A_489 = arith.constant 32 : index
        %get3A_490 = tpu.vector_load %arg11[%get3A_487, %get3A_488, %get3A_489] {strides = array<i32>} : memref<32x8x64xf32, #tpu.memory_space<vmem>>, vector<1x1x16xf32>,
        %get3A_491 = vector.shape_cast %get3A_490 : vector<1x1x16xf32> to vector<16xf32>
        %get3A_492 = arith.index_cast %add3A_436 : i32 to index
        %get3A_493 = arith.constant 32 : index
        %get3A_494 = tpu.vector_load %arg13[%get3A_492, %get3A_493] {strides = array<i32>} : memref<32x128xf32, #tpu.memory_space<vmem>>, vector<1x16xf32>,
        %get3A_495 = vector.shape_cast %get3A_494 : vector<1x16xf32> to vector<16xf32>
        %add3A_496 = arith.addf %get3A_491, %get3A_495 : vector<16xf32>
        %get3A_497 = arith.index_cast %add3A_436 : i32 to index
        %get3A_498 = arith.index_cast %and3A_444 : i32 to index
        %get3A_499 = arith.constant 32 : index
        %get3A_500 = tpu.vector_load %arg12[%get3A_497, %get3A_498, %get3A_499] {strides = array<i32>} : memref<32x8x64xf32, #tpu.memory_space<vmem>>, vector<1x1x16xf32>,
        %get3A_501 = vector.shape_cast %get3A_500 : vector<1x1x16xf32> to vector<16xf32>
        %sub3A_502 = arith.subf %add3A_496, %get3A_501 : vector<16xf32>
        %swap3A_503 = arith.index_cast %add3A_436 : i32 to index
        %swap3A_504 = arith.constant 32 : index
        %swap3A_505 = tpu.vector_load %arg14[%swap3A_503, %swap3A_504] {strides = array<i32>} : memref<32x64xf32, #tpu.memory_space<vmem>>, vector<1x16xf32>,
        %swap3A_506 = vector.shape_cast %swap3A_505 : vector<1x16xf32> to vector<16xf32>
        %swap3A_507 = vector.shape_cast %sub3A_502 : vector<16xf32> to vector<1x16xf32>
        tpu.vector_store %arg14[%swap3A_503, %swap3A_504], %swap3A_507 {strides = array<i32>} : memref<32x64xf32, #tpu.memory_space<vmem>>, vector<1x16xf32>,
        %get3A_508 = arith.index_cast %add3A_436 : i32 to index
        %get3A_509 = arith.index_cast %and3A_440 : i32 to index
        %get3A_510 = arith.constant 48 : index
        %get3A_511 = tpu.vector_load %arg11[%get3A_508, %get3A_509, %get3A_510] {strides = array<i32>} : memref<32x8x64xf32, #tpu.memory_space<vmem>>, vector<1x1x16xf32>,
        %get3A_512 = vector.shape_cast %get3A_511 : vector<1x1x16xf32> to vector<16xf32>
        %get3A_513 = arith.index_cast %add3A_436 : i32 to index
        %get3A_514 = arith.constant 48 : index
        %get3A_515 = tpu.vector_load %arg13[%get3A_513, %get3A_514] {strides = array<i32>} : memref<32x128xf32, #tpu.memory_space<vmem>>, vector<1x16xf32>,
        %get3A_516 = vector.shape_cast %get3A_515 : vector<1x16xf32> to vector<16xf32>
        %add3A_517 = arith.addf %get3A_512, %get3A_516 : vector<16xf32>
        %get3A_518 = arith.index_cast %add3A_436 : i32 to index
        %get3A_519 = arith.index_cast %and3A_444 : i32 to index
        %get3A_520 = arith.constant 48 : index
        %get3A_521 = tpu.vector_load %arg12[%get3A_518, %get3A_519, %get3A_520] {strides = array<i32>} : memref<32x8x64xf32, #tpu.memory_space<vmem>>, vector<1x1x16xf32>,
        %get3A_522 = vector.shape_cast %get3A_521 : vector<1x1x16xf32> to vector<16xf32>
        %sub3A_523 = arith.subf %add3A_517, %get3A_522 : vector<16xf32>
        %swap3A_524 = arith.index_cast %add3A_436 : i32 to index
        %swap3A_525 = arith.constant 48 : index
        %swap3A_526 = tpu.vector_load %arg14[%swap3A_524, %swap3A_525] {strides = array<i32>} : memref<32x64xf32, #tpu.memory_space<vmem>>, vector<1x16xf32>,
        %swap3A_527 = vector.shape_cast %swap3A_526 : vector<1x16xf32> to vector<16xf32>
        %swap3A_528 = vector.shape_cast %sub3A_523 : vector<16xf32> to vector<1x16xf32>
        tpu.vector_store %arg14[%swap3A_524, %swap3A_525], %swap3A_528 {strides = array<i32>} : memref<32x64xf32, #tpu.memory_space<vmem>>, vector<1x16xf32>,
        %mul3A_529 = arith.constant 16 : i32
        %mul3A_530 = arith.muli %scan3A_38, %mul3A_529 : i32
        %add3A_531 = arith.constant 5 : i32
        %add3A_532 = arith.addi %mul3A_530, %add3A_531 : i32
        %slice3A_533 = vector.extract_strided_slice %get3A_45 {offsets = [5], sizes = [1], strides = [1]} : vector<16xi32> to vector<1xi32>
        %squeeze3A_534 = vector.extract %slice3A_533[0] : i32 from vector<1xi32>
        %and3A_535 = arith.constant 7 : i32
        %and3A_536 = arith.andi %squeeze3A_534, %and3A_535 : i32
        %slice3A_537 = vector.extract_strided_slice %get3A_53 {offsets = [5], sizes = [1], strides = [1]} : vector<16xi32> to vector<1xi32>
        %squeeze3A_538 = vector.extract %slice3A_537[0] : i32 from vector<1xi32>
        %and3A_539 = arith.constant 7 : i32
        %and3A_540 = arith.andi %squeeze3A_538, %and3A_539 : i32
        %get3A_541 = arith.index_cast %add3A_532 : i32 to index
        %get3A_542 = arith.index_cast %and3A_536 : i32 to index
        %get3A_543 = arith.constant 0 : index
        %get3A_544 = tpu.vector_load %arg11[%get3A_541, %get3A_542, %get3A_543] {strides = array<i32>} : memref<32x8x64xf32, #tpu.memory_space<vmem>>, vector<1x1x16xf32>,
        %get3A_545 = vector.shape_cast %get3A_544 : vector<1x1x16xf32> to vector<16xf32>
        %get3A_546 = arith.index_cast %add3A_532 : i32 to index
        %get3A_547 = arith.constant 0 : index
        %get3A_548 = tpu.vector_load %arg13[%get3A_546, %get3A_547] {strides = array<i32>} : memref<32x128xf32, #tpu.memory_space<vmem>>, vector<1x16xf32>,
        %get3A_549 = vector.shape_cast %get3A_548 : vector<1x16xf32> to vector<16xf32>
        %add3A_550 = arith.addf %get3A_545, %get3A_549 : vector<16xf32>
        %get3A_551 = arith.index_cast %add3A_532 : i32 to index
        %get3A_552 = arith.index_cast %and3A_540 : i32 to index
        %get3A_553 = arith.constant 0 : index
        %get3A_554 = tpu.vector_load %arg12[%get3A_551, %get3A_552, %get3A_553] {strides = array<i32>} : memref<32x8x64xf32, #tpu.memory_space<vmem>>, vector<1x1x16xf32>,
        %get3A_555 = vector.shape_cast %get3A_554 : vector<1x1x16xf32> to vector<16xf32>
        %sub3A_556 = arith.subf %add3A_550, %get3A_555 : vector<16xf32>
        %swap3A_557 = arith.index_cast %add3A_532 : i32 to index
        %swap3A_558 = arith.constant 0 : index
        %swap3A_559 = tpu.vector_load %arg14[%swap3A_557, %swap3A_558] {strides = array<i32>} : memref<32x64xf32, #tpu.memory_space<vmem>>, vector<1x16xf32>,
        %swap3A_560 = vector.shape_cast %swap3A_559 : vector<1x16xf32> to vector<16xf32>
        %swap3A_561 = vector.shape_cast %sub3A_556 : vector<16xf32> to vector<1x16xf32>
        tpu.vector_store %arg14[%swap3A_557, %swap3A_558], %swap3A_561 {strides = array<i32>} : memref<32x64xf32, #tpu.memory_space<vmem>>, vector<1x16xf32>,
        %get3A_562 = arith.index_cast %add3A_532 : i32 to index
        %get3A_563 = arith.index_cast %and3A_536 : i32 to index
        %get3A_564 = arith.constant 16 : index
        %get3A_565 = tpu.vector_load %arg11[%get3A_562, %get3A_563, %get3A_564] {strides = array<i32>} : memref<32x8x64xf32, #tpu.memory_space<vmem>>, vector<1x1x16xf32>,
        %get3A_566 = vector.shape_cast %get3A_565 : vector<1x1x16xf32> to vector<16xf32>
        %get3A_567 = arith.index_cast %add3A_532 : i32 to index
        %get3A_568 = arith.constant 16 : index
        %get3A_569 = tpu.vector_load %arg13[%get3A_567, %get3A_568] {strides = array<i32>} : memref<32x128xf32, #tpu.memory_space<vmem>>, vector<1x16xf32>,
        %get3A_570 = vector.shape_cast %get3A_569 : vector<1x16xf32> to vector<16xf32>
        %add3A_571 = arith.addf %get3A_566, %get3A_570 : vector<16xf32>
        %get3A_572 = arith.index_cast %add3A_532 : i32 to index
        %get3A_573 = arith.index_cast %and3A_540 : i32 to index
        %get3A_574 = arith.constant 16 : index
        %get3A_575 = tpu.vector_load %arg12[%get3A_572, %get3A_573, %get3A_574] {strides = array<i32>} : memref<32x8x64xf32, #tpu.memory_space<vmem>>, vector<1x1x16xf32>,
        %get3A_576 = vector.shape_cast %get3A_575 : vector<1x1x16xf32> to vector<16xf32>
        %sub3A_577 = arith.subf %add3A_571, %get3A_576 : vector<16xf32>
        %swap3A_578 = arith.index_cast %add3A_532 : i32 to index
        %swap3A_579 = arith.constant 16 : index
        %swap3A_580 = tpu.vector_load %arg14[%swap3A_578, %swap3A_579] {strides = array<i32>} : memref<32x64xf32, #tpu.memory_space<vmem>>, vector<1x16xf32>,
        %swap3A_581 = vector.shape_cast %swap3A_580 : vector<1x16xf32> to vector<16xf32>
        %swap3A_582 = vector.shape_cast %sub3A_577 : vector<16xf32> to vector<1x16xf32>
        tpu.vector_store %arg14[%swap3A_578, %swap3A_579], %swap3A_582 {strides = array<i32>} : memref<32x64xf32, #tpu.memory_space<vmem>>, vector<1x16xf32>,
        %get3A_583 = arith.index_cast %add3A_532 : i32 to index
        %get3A_584 = arith.index_cast %and3A_536 : i32 to index
        %get3A_585 = arith.constant 32 : index
        %get3A_586 = tpu.vector_load %arg11[%get3A_583, %get3A_584, %get3A_585] {strides = array<i32>} : memref<32x8x64xf32, #tpu.memory_space<vmem>>, vector<1x1x16xf32>,
        %get3A_587 = vector.shape_cast %get3A_586 : vector<1x1x16xf32> to vector<16xf32>
        %get3A_588 = arith.index_cast %add3A_532 : i32 to index
        %get3A_589 = arith.constant 32 : index
        %get3A_590 = tpu.vector_load %arg13[%get3A_588, %get3A_589] {strides = array<i32>} : memref<32x128xf32, #tpu.memory_space<vmem>>, vector<1x16xf32>,
        %get3A_591 = vector.shape_cast %get3A_590 : vector<1x16xf32> to vector<16xf32>
        %add3A_592 = arith.addf %get3A_587, %get3A_591 : vector<16xf32>
        %get3A_593 = arith.index_cast %add3A_532 : i32 to index
        %get3A_594 = arith.index_cast %and3A_540 : i32 to index
        %get3A_595 = arith.constant 32 : index
        %get3A_596 = tpu.vector_load %arg12[%get3A_593, %get3A_594, %get3A_595] {strides = array<i32>} : memref<32x8x64xf32, #tpu.memory_space<vmem>>, vector<1x1x16xf32>,
        %get3A_597 = vector.shape_cast %get3A_596 : vector<1x1x16xf32> to vector<16xf32>
        %sub3A_598 = arith.subf %add3A_592, %get3A_597 : vector<16xf32>
        %swap3A_599 = arith.index_cast %add3A_532 : i32 to index
        %swap3A_600 = arith.constant 32 : index
        %swap3A_601 = tpu.vector_load %arg14[%swap3A_599, %swap3A_600] {strides = array<i32>} : memref<32x64xf32, #tpu.memory_space<vmem>>, vector<1x16xf32>,
        %swap3A_602 = vector.shape_cast %swap3A_601 : vector<1x16xf32> to vector<16xf32>
        %swap3A_603 = vector.shape_cast %sub3A_598 : vector<16xf32> to vector<1x16xf32>
        tpu.vector_store %arg14[%swap3A_599, %swap3A_600], %swap3A_603 {strides = array<i32>} : memref<32x64xf32, #tpu.memory_space<vmem>>, vector<1x16xf32>,
        %get3A_604 = arith.index_cast %add3A_532 : i32 to index
        %get3A_605 = arith.index_cast %and3A_536 : i32 to index
        %get3A_606 = arith.constant 48 : index
        %get3A_607 = tpu.vector_load %arg11[%get3A_604, %get3A_605, %get3A_606] {strides = array<i32>} : memref<32x8x64xf32, #tpu.memory_space<vmem>>, vector<1x1x16xf32>,
        %get3A_608 = vector.shape_cast %get3A_607 : vector<1x1x16xf32> to vector<16xf32>
        %get3A_609 = arith.index_cast %add3A_532 : i32 to index
        %get3A_610 = arith.constant 48 : index
        %get3A_611 = tpu.vector_load %arg13[%get3A_609, %get3A_610] {strides = array<i32>} : memref<32x128xf32, #tpu.memory_space<vmem>>, vector<1x16xf32>,
        %get3A_612 = vector.shape_cast %get3A_611 : vector<1x16xf32> to vector<16xf32>
        %add3A_613 = arith.addf %get3A_608, %get3A_612 : vector<16xf32>
        %get3A_614 = arith.index_cast %add3A_532 : i32 to index
        %get3A_615 = arith.index_cast %and3A_540 : i32 to index
        %get3A_616 = arith.constant 48 : index
        %get3A_617 = tpu.vector_load %arg12[%get3A_614, %get3A_615, %get3A_616] {strides = array<i32>} : memref<32x8x64xf32, #tpu.memory_space<vmem>>, vector<1x1x16xf32>,
        %get3A_618 = vector.shape_cast %get3A_617 : vector<1x1x16xf32> to vector<16xf32>
        %sub3A_619 = arith.subf %add3A_613, %get3A_618 : vector<16xf32>
        %swap3A_620 = arith.index_cast %add3A_532 : i32 to index
        %swap3A_621 = arith.constant 48 : index
        %swap3A_622 = tpu.vector_load %arg14[%swap3A_620, %swap3A_621] {strides = array<i32>} : memref<32x64xf32, #tpu.memory_space<vmem>>, vector<1x16xf32>,
        %swap3A_623 = vector.shape_cast %swap3A_622 : vector<1x16xf32> to vector<16xf32>
        %swap3A_624 = vector.shape_cast %sub3A_619 : vector<16xf32> to vector<1x16xf32>
        tpu.vector_store %arg14[%swap3A_620, %swap3A_621], %swap3A_624 {strides = array<i32>} : memref<32x64xf32, #tpu.memory_space<vmem>>, vector<1x16xf32>,
        %mul3A_625 = arith.constant 16 : i32
        %mul3A_626 = arith.muli %scan3A_38, %mul3A_625 : i32
        %add3A_627 = arith.constant 6 : i32
        %add3A_628 = arith.addi %mul3A_626, %add3A_627 : i32
        %slice3A_629 = vector.extract_strided_slice %get3A_45 {offsets = [6], sizes = [1], strides = [1]} : vector<16xi32> to vector<1xi32>
        %squeeze3A_630 = vector.extract %slice3A_629[0] : i32 from vector<1xi32>
        %and3A_631 = arith.constant 7 : i32
        %and3A_632 = arith.andi %squeeze3A_630, %and3A_631 : i32
        %slice3A_633 = vector.extract_strided_slice %get3A_53 {offsets = [6], sizes = [1], strides = [1]} : vector<16xi32> to vector<1xi32>
        %squeeze3A_634 = vector.extract %slice3A_633[0] : i32 from vector<1xi32>
        %and3A_635 = arith.constant 7 : i32
        %and3A_636 = arith.andi %squeeze3A_634, %and3A_635 : i32
        %get3A_637 = arith.index_cast %add3A_628 : i32 to index
        %get3A_638 = arith.index_cast %and3A_632 : i32 to index
        %get3A_639 = arith.constant 0 : index
        %get3A_640 = tpu.vector_load %arg11[%get3A_637, %get3A_638, %get3A_639] {strides = array<i32>} : memref<32x8x64xf32, #tpu.memory_space<vmem>>, vector<1x1x16xf32>,
        %get3A_641 = vector.shape_cast %get3A_640 : vector<1x1x16xf32> to vector<16xf32>
        %get3A_642 = arith.index_cast %add3A_628 : i32 to index
        %get3A_643 = arith.constant 0 : index
        %get3A_644 = tpu.vector_load %arg13[%get3A_642, %get3A_643] {strides = array<i32>} : memref<32x128xf32, #tpu.memory_space<vmem>>, vector<1x16xf32>,
        %get3A_645 = vector.shape_cast %get3A_644 : vector<1x16xf32> to vector<16xf32>
        %add3A_646 = arith.addf %get3A_641, %get3A_645 : vector<16xf32>
        %get3A_647 = arith.index_cast %add3A_628 : i32 to index
        %get3A_648 = arith.index_cast %and3A_636 : i32 to index
        %get3A_649 = arith.constant 0 : index
        %get3A_650 = tpu.vector_load %arg12[%get3A_647, %get3A_648, %get3A_649] {strides = array<i32>} : memref<32x8x64xf32, #tpu.memory_space<vmem>>, vector<1x1x16xf32>,
        %get3A_651 = vector.shape_cast %get3A_650 : vector<1x1x16xf32> to vector<16xf32>
        %sub3A_652 = arith.subf %add3A_646, %get3A_651 : vector<16xf32>
        %swap3A_653 = arith.index_cast %add3A_628 : i32 to index
        %swap3A_654 = arith.constant 0 : index
        %swap3A_655 = tpu.vector_load %arg14[%swap3A_653, %swap3A_654] {strides = array<i32>} : memref<32x64xf32, #tpu.memory_space<vmem>>, vector<1x16xf32>,
        %swap3A_656 = vector.shape_cast %swap3A_655 : vector<1x16xf32> to vector<16xf32>
        %swap3A_657 = vector.shape_cast %sub3A_652 : vector<16xf32> to vector<1x16xf32>
        tpu.vector_store %arg14[%swap3A_653, %swap3A_654], %swap3A_657 {strides = array<i32>} : memref<32x64xf32, #tpu.memory_space<vmem>>, vector<1x16xf32>,
        %get3A_658 = arith.index_cast %add3A_628 : i32 to index
        %get3A_659 = arith.index_cast %and3A_632 : i32 to index
        %get3A_660 = arith.constant 16 : index
        %get3A_661 = tpu.vector_load %arg11[%get3A_658, %get3A_659, %get3A_660] {strides = array<i32>} : memref<32x8x64xf32, #tpu.memory_space<vmem>>, vector<1x1x16xf32>,
        %get3A_662 = vector.shape_cast %get3A_661 : vector<1x1x16xf32> to vector<16xf32>
        %get3A_663 = arith.index_cast %add3A_628 : i32 to index
        %get3A_664 = arith.constant 16 : index
        %get3A_665 = tpu.vector_load %arg13[%get3A_663, %get3A_664] {strides = array<i32>} : memref<32x128xf32, #tpu.memory_space<vmem>>, vector<1x16xf32>,
        %get3A_666 = vector.shape_cast %get3A_665 : vector<1x16xf32> to vector<16xf32>
        %add3A_667 = arith.addf %get3A_662, %get3A_666 : vector<16xf32>
        %get3A_668 = arith.index_cast %add3A_628 : i32 to index
        %get3A_669 = arith.index_cast %and3A_636 : i32 to index
        %get3A_670 = arith.constant 16 : index
        %get3A_671 = tpu.vector_load %arg12[%get3A_668, %get3A_669, %get3A_670] {strides = array<i32>} : memref<32x8x64xf32, #tpu.memory_space<vmem>>, vector<1x1x16xf32>,
        %get3A_672 = vector.shape_cast %get3A_671 : vector<1x1x16xf32> to vector<16xf32>
        %sub3A_673 = arith.subf %add3A_667, %get3A_672 : vector<16xf32>
        %swap3A_674 = arith.index_cast %add3A_628 : i32 to index
        %swap3A_675 = arith.constant 16 : index
        %swap3A_676 = tpu.vector_load %arg14[%swap3A_674, %swap3A_675] {strides = array<i32>} : memref<32x64xf32, #tpu.memory_space<vmem>>, vector<1x16xf32>,
        %swap3A_677 = vector.shape_cast %swap3A_676 : vector<1x16xf32> to vector<16xf32>
        %swap3A_678 = vector.shape_cast %sub3A_673 : vector<16xf32> to vector<1x16xf32>
        tpu.vector_store %arg14[%swap3A_674, %swap3A_675], %swap3A_678 {strides = array<i32>} : memref<32x64xf32, #tpu.memory_space<vmem>>, vector<1x16xf32>,
        %get3A_679 = arith.index_cast %add3A_628 : i32 to index
        %get3A_680 = arith.index_cast %and3A_632 : i32 to index
        %get3A_681 = arith.constant 32 : index
        %get3A_682 = tpu.vector_load %arg11[%get3A_679, %get3A_680, %get3A_681] {strides = array<i32>} : memref<32x8x64xf32, #tpu.memory_space<vmem>>, vector<1x1x16xf32>,
        %get3A_683 = vector.shape_cast %get3A_682 : vector<1x1x16xf32> to vector<16xf32>
        %get3A_684 = arith.index_cast %add3A_628 : i32 to index
        %get3A_685 = arith.constant 32 : index
        %get3A_686 = tpu.vector_load %arg13[%get3A_684, %get3A_685] {strides = array<i32>} : memref<32x128xf32, #tpu.memory_space<vmem>>, vector<1x16xf32>,
        %get3A_687 = vector.shape_cast %get3A_686 : vector<1x16xf32> to vector<16xf32>
        %add3A_688 = arith.addf %get3A_683, %get3A_687 : vector<16xf32>
        %get3A_689 = arith.index_cast %add3A_628 : i32 to index
        %get3A_690 = arith.index_cast %and3A_636 : i32 to index
        %get3A_691 = arith.constant 32 : index
        %get3A_692 = tpu.vector_load %arg12[%get3A_689, %get3A_690, %get3A_691] {strides = array<i32>} : memref<32x8x64xf32, #tpu.memory_space<vmem>>, vector<1x1x16xf32>,
        %get3A_693 = vector.shape_cast %get3A_692 : vector<1x1x16xf32> to vector<16xf32>
        %sub3A_694 = arith.subf %add3A_688, %get3A_693 : vector<16xf32>
        %swap3A_695 = arith.index_cast %add3A_628 : i32 to index
        %swap3A_696 = arith.constant 32 : index
        %swap3A_697 = tpu.vector_load %arg14[%swap3A_695, %swap3A_696] {strides = array<i32>} : memref<32x64xf32, #tpu.memory_space<vmem>>, vector<1x16xf32>,
        %swap3A_698 = vector.shape_cast %swap3A_697 : vector<1x16xf32> to vector<16xf32>
        %swap3A_699 = vector.shape_cast %sub3A_694 : vector<16xf32> to vector<1x16xf32>
        tpu.vector_store %arg14[%swap3A_695, %swap3A_696], %swap3A_699 {strides = array<i32>} : memref<32x64xf32, #tpu.memory_space<vmem>>, vector<1x16xf32>,
        %get3A_700 = arith.index_cast %add3A_628 : i32 to index
        %get3A_701 = arith.index_cast %and3A_632 : i32 to index
        %get3A_702 = arith.constant 48 : index
        %get3A_703 = tpu.vector_load %arg11[%get3A_700, %get3A_701, %get3A_702] {strides = array<i32>} : memref<32x8x64xf32, #tpu.memory_space<vmem>>, vector<1x1x16xf32>,
        %get3A_704 = vector.shape_cast %get3A_703 : vector<1x1x16xf32> to vector<16xf32>
        %get3A_705 = arith.index_cast %add3A_628 : i32 to index
        %get3A_706 = arith.constant 48 : index
        %get3A_707 = tpu.vector_load %arg13[%get3A_705, %get3A_706] {strides = array<i32>} : memref<32x128xf32, #tpu.memory_space<vmem>>, vector<1x16xf32>,
        %get3A_708 = vector.shape_cast %get3A_707 : vector<1x16xf32> to vector<16xf32>
        %add3A_709 = arith.addf %get3A_704, %get3A_708 : vector<16xf32>
        %get3A_710 = arith.index_cast %add3A_628 : i32 to index
        %get3A_711 = arith.index_cast %and3A_636 : i32 to index
        %get3A_712 = arith.constant 48 : index
        %get3A_713 = tpu.vector_load %arg12[%get3A_710, %get3A_711, %get3A_712] {strides = array<i32>} : memref<32x8x64xf32, #tpu.memory_space<vmem>>, vector<1x1x16xf32>,
        %get3A_714 = vector.shape_cast %get3A_713 : vector<1x1x16xf32> to vector<16xf32>
        %sub3A_715 = arith.subf %add3A_709, %get3A_714 : vector<16xf32>
        %swap3A_716 = arith.index_cast %add3A_628 : i32 to index
        %swap3A_717 = arith.constant 48 : index
        %swap3A_718 = tpu.vector_load %arg14[%swap3A_716, %swap3A_717] {strides = array<i32>} : memref<32x64xf32, #tpu.memory_space<vmem>>, vector<1x16xf32>,
        %swap3A_719 = vector.shape_cast %swap3A_718 : vector<1x16xf32> to vector<16xf32>
        %swap3A_720 = vector.shape_cast %sub3A_715 : vector<16xf32> to vector<1x16xf32>
        tpu.vector_store %arg14[%swap3A_716, %swap3A_717], %swap3A_720 {strides = array<i32>} : memref<32x64xf32, #tpu.memory_space<vmem>>, vector<1x16xf32>,
        %mul3A_721 = arith.constant 16 : i32
        %mul3A_722 = arith.muli %scan3A_38, %mul3A_721 : i32
        %add3A_723 = arith.constant 7 : i32
        %add3A_724 = arith.addi %mul3A_722, %add3A_723 : i32
        %slice3A_725 = vector.extract_strided_slice %get3A_45 {offsets = [7], sizes = [1], strides = [1]} : vector<16xi32> to vector<1xi32>
        %squeeze3A_726 = vector.extract %slice3A_725[0] : i32 from vector<1xi32>
        %and3A_727 = arith.constant 7 : i32
        %and3A_728 = arith.andi %squeeze3A_726, %and3A_727 : i32
        %slice3A_729 = vector.extract_strided_slice %get3A_53 {offsets = [7], sizes = [1], strides = [1]} : vector<16xi32> to vector<1xi32>
        %squeeze3A_730 = vector.extract %slice3A_729[0] : i32 from vector<1xi32>
        %and3A_731 = arith.constant 7 : i32
        %and3A_732 = arith.andi %squeeze3A_730, %and3A_731 : i32
        %get3A_733 = arith.index_cast %add3A_724 : i32 to index
        %get3A_734 = arith.index_cast %and3A_728 : i32 to index
        %get3A_735 = arith.constant 0 : index
        %get3A_736 = tpu.vector_load %arg11[%get3A_733, %get3A_734, %get3A_735] {strides = array<i32>} : memref<32x8x64xf32, #tpu.memory_space<vmem>>, vector<1x1x16xf32>,
        %get3A_737 = vector.shape_cast %get3A_736 : vector<1x1x16xf32> to vector<16xf32>
        %get3A_738 = arith.index_cast %add3A_724 : i32 to index
        %get3A_739 = arith.constant 0 : index
        %get3A_740 = tpu.vector_load %arg13[%get3A_738, %get3A_739] {strides = array<i32>} : memref<32x128xf32, #tpu.memory_space<vmem>>, vector<1x16xf32>,
        %get3A_741 = vector.shape_cast %get3A_740 : vector<1x16xf32> to vector<16xf32>
        %add3A_742 = arith.addf %get3A_737, %get3A_741 : vector<16xf32>
        %get3A_743 = arith.index_cast %add3A_724 : i32 to index
        %get3A_744 = arith.index_cast %and3A_732 : i32 to index
        %get3A_745 = arith.constant 0 : index
        %get3A_746 = tpu.vector_load %arg12[%get3A_743, %get3A_744, %get3A_745] {strides = array<i32>} : memref<32x8x64xf32, #tpu.memory_space<vmem>>, vector<1x1x16xf32>,
        %get3A_747 = vector.shape_cast %get3A_746 : vector<1x1x16xf32> to vector<16xf32>
        %sub3A_748 = arith.subf %add3A_742, %get3A_747 : vector<16xf32>
        %swap3A_749 = arith.index_cast %add3A_724 : i32 to index
        %swap3A_750 = arith.constant 0 : index
        %swap3A_751 = tpu.vector_load %arg14[%swap3A_749, %swap3A_750] {strides = array<i32>} : memref<32x64xf32, #tpu.memory_space<vmem>>, vector<1x16xf32>,
        %swap3A_752 = vector.shape_cast %swap3A_751 : vector<1x16xf32> to vector<16xf32>
        %swap3A_753 = vector.shape_cast %sub3A_748 : vector<16xf32> to vector<1x16xf32>
        tpu.vector_store %arg14[%swap3A_749, %swap3A_750], %swap3A_753 {strides = array<i32>} : memref<32x64xf32, #tpu.memory_space<vmem>>, vector<1x16xf32>,
        %get3A_754 = arith.index_cast %add3A_724 : i32 to index
        %get3A_755 = arith.index_cast %and3A_728 : i32 to index
        %get3A_756 = arith.constant 16 : index
        %get3A_757 = tpu.vector_load %arg11[%get3A_754, %get3A_755, %get3A_756] {strides = array<i32>} : memref<32x8x64xf32, #tpu.memory_space<vmem>>, vector<1x1x16xf32>,
        %get3A_758 = vector.shape_cast %get3A_757 : vector<1x1x16xf32> to vector<16xf32>
        %get3A_759 = arith.index_cast %add3A_724 : i32 to index
        %get3A_760 = arith.constant 16 : index
        %get3A_761 = tpu.vector_load %arg13[%get3A_759, %get3A_760] {strides = array<i32>} : memref<32x128xf32, #tpu.memory_space<vmem>>, vector<1x16xf32>,
        %get3A_762 = vector.shape_cast %get3A_761 : vector<1x16xf32> to vector<16xf32>
        %add3A_763 = arith.addf %get3A_758, %get3A_762 : vector<16xf32>
        %get3A_764 = arith.index_cast %add3A_724 : i32 to index
        %get3A_765 = arith.index_cast %and3A_732 : i32 to index
        %get3A_766 = arith.constant 16 : index
        %get3A_767 = tpu.vector_load %arg12[%get3A_764, %get3A_765, %get3A_766] {strides = array<i32>} : memref<32x8x64xf32, #tpu.memory_space<vmem>>, vector<1x1x16xf32>,
        %get3A_768 = vector.shape_cast %get3A_767 : vector<1x1x16xf32> to vector<16xf32>
        %sub3A_769 = arith.subf %add3A_763, %get3A_768 : vector<16xf32>
        %swap3A_770 = arith.index_cast %add3A_724 : i32 to index
        %swap3A_771 = arith.constant 16 : index
        %swap3A_772 = tpu.vector_load %arg14[%swap3A_770, %swap3A_771] {strides = array<i32>} : memref<32x64xf32, #tpu.memory_space<vmem>>, vector<1x16xf32>,
        %swap3A_773 = vector.shape_cast %swap3A_772 : vector<1x16xf32> to vector<16xf32>
        %swap3A_774 = vector.shape_cast %sub3A_769 : vector<16xf32> to vector<1x16xf32>
        tpu.vector_store %arg14[%swap3A_770, %swap3A_771], %swap3A_774 {strides = array<i32>} : memref<32x64xf32, #tpu.memory_space<vmem>>, vector<1x16xf32>,
        %get3A_775 = arith.index_cast %add3A_724 : i32 to index
        %get3A_776 = arith.index_cast %and3A_728 : i32 to index
        %get3A_777 = arith.constant 32 : index
        %get3A_778 = tpu.vector_load %arg11[%get3A_775, %get3A_776, %get3A_777] {strides = array<i32>} : memref<32x8x64xf32, #tpu.memory_space<vmem>>, vector<1x1x16xf32>,
        %get3A_779 = vector.shape_cast %get3A_778 : vector<1x1x16xf32> to vector<16xf32>
        %get3A_780 = arith.index_cast %add3A_724 : i32 to index
        %get3A_781 = arith.constant 32 : index
        %get3A_782 = tpu.vector_load %arg13[%get3A_780, %get3A_781] {strides = array<i32>} : memref<32x128xf32, #tpu.memory_space<vmem>>, vector<1x16xf32>,
        %get3A_783 = vector.shape_cast %get3A_782 : vector<1x16xf32> to vector<16xf32>
        %add3A_784 = arith.addf %get3A_779, %get3A_783 : vector<16xf32>
        %get3A_785 = arith.index_cast %add3A_724 : i32 to index
        %get3A_786 = arith.index_cast %and3A_732 : i32 to index
        %get3A_787 = arith.constant 32 : index
        %get3A_788 = tpu.vector_load %arg12[%get3A_785, %get3A_786, %get3A_787] {strides = array<i32>} : memref<32x8x64xf32, #tpu.memory_space<vmem>>, vector<1x1x16xf32>,
        %get3A_789 = vector.shape_cast %get3A_788 : vector<1x1x16xf32> to vector<16xf32>
        %sub3A_790 = arith.subf %add3A_784, %get3A_789 : vector<16xf32>
        %swap3A_791 = arith.index_cast %add3A_724 : i32 to index
        %swap3A_792 = arith.constant 32 : index
        %swap3A_793 = tpu.vector_load %arg14[%swap3A_791, %swap3A_792] {strides = array<i32>} : memref<32x64xf32, #tpu.memory_space<vmem>>, vector<1x16xf32>,
        %swap3A_794 = vector.shape_cast %swap3A_793 : vector<1x16xf32> to vector<16xf32>
        %swap3A_795 = vector.shape_cast %sub3A_790 : vector<16xf32> to vector<1x16xf32>
        tpu.vector_store %arg14[%swap3A_791, %swap3A_792], %swap3A_795 {strides = array<i32>} : memref<32x64xf32, #tpu.memory_space<vmem>>, vector<1x16xf32>,
        %get3A_796 = arith.index_cast %add3A_724 : i32 to index
        %get3A_797 = arith.index_cast %and3A_728 : i32 to index
        %get3A_798 = arith.constant 48 : index
        %get3A_799 = tpu.vector_load %arg11[%get3A_796, %get3A_797, %get3A_798] {strides = array<i32>} : memref<32x8x64xf32, #tpu.memory_space<vmem>>, vector<1x1x16xf32>,
        %get3A_800 = vector.shape_cast %get3A_799 : vector<1x1x16xf32> to vector<16xf32>
        %get3A_801 = arith.index_cast %add3A_724 : i32 to index
        %get3A_802 = arith.constant 48 : index
        %get3A_803 = tpu.vector_load %arg13[%get3A_801, %get3A_802] {strides = array<i32>} : memref<32x128xf32, #tpu.memory_space<vmem>>, vector<1x16xf32>,
        %get3A_804 = vector.shape_cast %get3A_803 : vector<1x16xf32> to vector<16xf32>
        %add3A_805 = arith.addf %get3A_800, %get3A_804 : vector<16xf32>
        %get3A_806 = arith.index_cast %add3A_724 : i32 to index
        %get3A_807 = arith.index_cast %and3A_732 : i32 to index
        %get3A_808 = arith.constant 48 : index
        %get3A_809 = tpu.vector_load %arg12[%get3A_806, %get3A_807, %get3A_808] {strides = array<i32>} : memref<32x8x64xf32, #tpu.memory_space<vmem>>, vector<1x1x16xf32>,
        %get3A_810 = vector.shape_cast %get3A_809 : vector<1x1x16xf32> to vector<16xf32>
        %sub3A_811 = arith.subf %add3A_805, %get3A_810 : vector<16xf32>
        %swap3A_812 = arith.index_cast %add3A_724 : i32 to index
        %swap3A_813 = arith.constant 48 : index
        %swap3A_814 = tpu.vector_load %arg14[%swap3A_812, %swap3A_813] {strides = array<i32>} : memref<32x64xf32, #tpu.memory_space<vmem>>, vector<1x16xf32>,
        %swap3A_815 = vector.shape_cast %swap3A_814 : vector<1x16xf32> to vector<16xf32>
        %swap3A_816 = vector.shape_cast %sub3A_811 : vector<16xf32> to vector<1x16xf32>
        tpu.vector_store %arg14[%swap3A_812, %swap3A_813], %swap3A_816 {strides = array<i32>} : memref<32x64xf32, #tpu.memory_space<vmem>>, vector<1x16xf32>,
        %mul3A_817 = arith.constant 16 : i32
        %mul3A_818 = arith.muli %scan3A_38, %mul3A_817 : i32
        %add3A_819 = arith.constant 8 : i32
        %add3A_820 = arith.addi %mul3A_818, %add3A_819 : i32
        %slice3A_821 = vector.extract_strided_slice %get3A_45 {offsets = [8], sizes = [1], strides = [1]} : vector<16xi32> to vector<1xi32>
        %squeeze3A_822 = vector.extract %slice3A_821[0] : i32 from vector<1xi32>
        %and3A_823 = arith.constant 7 : i32
        %and3A_824 = arith.andi %squeeze3A_822, %and3A_823 : i32
        %slice3A_825 = vector.extract_strided_slice %get3A_53 {offsets = [8], sizes = [1], strides = [1]} : vector<16xi32> to vector<1xi32>
        %squeeze3A_826 = vector.extract %slice3A_825[0] : i32 from vector<1xi32>
        %and3A_827 = arith.constant 7 : i32
        %and3A_828 = arith.andi %squeeze3A_826, %and3A_827 : i32
        %get3A_829 = arith.index_cast %add3A_820 : i32 to index
        %get3A_830 = arith.index_cast %and3A_824 : i32 to index
        %get3A_831 = arith.constant 0 : index
        %get3A_832 = tpu.vector_load %arg11[%get3A_829, %get3A_830, %get3A_831] {strides = array<i32>} : memref<32x8x64xf32, #tpu.memory_space<vmem>>, vector<1x1x16xf32>,
        %get3A_833 = vector.shape_cast %get3A_832 : vector<1x1x16xf32> to vector<16xf32>
        %get3A_834 = arith.index_cast %add3A_820 : i32 to index
        %get3A_835 = arith.constant 0 : index
        %get3A_836 = tpu.vector_load %arg13[%get3A_834, %get3A_835] {strides = array<i32>} : memref<32x128xf32, #tpu.memory_space<vmem>>, vector<1x16xf32>,
        %get3A_837 = vector.shape_cast %get3A_836 : vector<1x16xf32> to vector<16xf32>
        %add3A_838 = arith.addf %get3A_833, %get3A_837 : vector<16xf32>
        %get3A_839 = arith.index_cast %add3A_820 : i32 to index
        %get3A_840 = arith.index_cast %and3A_828 : i32 to index
        %get3A_841 = arith.constant 0 : index
        %get3A_842 = tpu.vector_load %arg12[%get3A_839, %get3A_840, %get3A_841] {strides = array<i32>} : memref<32x8x64xf32, #tpu.memory_space<vmem>>, vector<1x1x16xf32>,
        %get3A_843 = vector.shape_cast %get3A_842 : vector<1x1x16xf32> to vector<16xf32>
        %sub3A_844 = arith.subf %add3A_838, %get3A_843 : vector<16xf32>
        %swap3A_845 = arith.index_cast %add3A_820 : i32 to index
        %swap3A_846 = arith.constant 0 : index
        %swap3A_847 = tpu.vector_load %arg14[%swap3A_845, %swap3A_846] {strides = array<i32>} : memref<32x64xf32, #tpu.memory_space<vmem>>, vector<1x16xf32>,
        %swap3A_848 = vector.shape_cast %swap3A_847 : vector<1x16xf32> to vector<16xf32>
        %swap3A_849 = vector.shape_cast %sub3A_844 : vector<16xf32> to vector<1x16xf32>
        tpu.vector_store %arg14[%swap3A_845, %swap3A_846], %swap3A_849 {strides = array<i32>} : memref<32x64xf32, #tpu.memory_space<vmem>>, vector<1x16xf32>,
        %get3A_850 = arith.index_cast %add3A_820 : i32 to index
        %get3A_851 = arith.index_cast %and3A_824 : i32 to index
        %get3A_852 = arith.constant 16 : index
        %get3A_853 = tpu.vector_load %arg11[%get3A_850, %get3A_851, %get3A_852] {strides = array<i32>} : memref<32x8x64xf32, #tpu.memory_space<vmem>>, vector<1x1x16xf32>,
        %get3A_854 = vector.shape_cast %get3A_853 : vector<1x1x16xf32> to vector<16xf32>
        %get3A_855 = arith.index_cast %add3A_820 : i32 to index
        %get3A_856 = arith.constant 16 : index
        %get3A_857 = tpu.vector_load %arg13[%get3A_855, %get3A_856] {strides = array<i32>} : memref<32x128xf32, #tpu.memory_space<vmem>>, vector<1x16xf32>,
        %get3A_858 = vector.shape_cast %get3A_857 : vector<1x16xf32> to vector<16xf32>
        %add3A_859 = arith.addf %get3A_854, %get3A_858 : vector<16xf32>
        %get3A_860 = arith.index_cast %add3A_820 : i32 to index
        %get3A_861 = arith.index_cast %and3A_828 : i32 to index
        %get3A_862 = arith.constant 16 : index
        %get3A_863 = tpu.vector_load %arg12[%get3A_860, %get3A_861, %get3A_862] {strides = array<i32>} : memref<32x8x64xf32, #tpu.memory_space<vmem>>, vector<1x1x16xf32>,
        %get3A_864 = vector.shape_cast %get3A_863 : vector<1x1x16xf32> to vector<16xf32>
        %sub3A_865 = arith.subf %add3A_859, %get3A_864 : vector<16xf32>
        %swap3A_866 = arith.index_cast %add3A_820 : i32 to index
        %swap3A_867 = arith.constant 16 : index
        %swap3A_868 = tpu.vector_load %arg14[%swap3A_866, %swap3A_867] {strides = array<i32>} : memref<32x64xf32, #tpu.memory_space<vmem>>, vector<1x16xf32>,
        %swap3A_869 = vector.shape_cast %swap3A_868 : vector<1x16xf32> to vector<16xf32>
        %swap3A_870 = vector.shape_cast %sub3A_865 : vector<16xf32> to vector<1x16xf32>
        tpu.vector_store %arg14[%swap3A_866, %swap3A_867], %swap3A_870 {strides = array<i32>} : memref<32x64xf32, #tpu.memory_space<vmem>>, vector<1x16xf32>,
        %get3A_871 = arith.index_cast %add3A_820 : i32 to index
        %get3A_872 = arith.index_cast %and3A_824 : i32 to index
        %get3A_873 = arith.constant 32 : index
        %get3A_874 = tpu.vector_load %arg11[%get3A_871, %get3A_872, %get3A_873] {strides = array<i32>} : memref<32x8x64xf32, #tpu.memory_space<vmem>>, vector<1x1x16xf32>,
        %get3A_875 = vector.shape_cast %get3A_874 : vector<1x1x16xf32> to vector<16xf32>
        %get3A_876 = arith.index_cast %add3A_820 : i32 to index
        %get3A_877 = arith.constant 32 : index
        %get3A_878 = tpu.vector_load %arg13[%get3A_876, %get3A_877] {strides = array<i32>} : memref<32x128xf32, #tpu.memory_space<vmem>>, vector<1x16xf32>,
        %get3A_879 = vector.shape_cast %get3A_878 : vector<1x16xf32> to vector<16xf32>
        %add3A_880 = arith.addf %get3A_875, %get3A_879 : vector<16xf32>
        %get3A_881 = arith.index_cast %add3A_820 : i32 to index
        %get3A_882 = arith.index_cast %and3A_828 : i32 to index
        %get3A_883 = arith.constant 32 : index
        %get3A_884 = tpu.vector_load %arg12[%get3A_881, %get3A_882, %get3A_883] {strides = array<i32>} : memref<32x8x64xf32, #tpu.memory_space<vmem>>, vector<1x1x16xf32>,
        %get3A_885 = vector.shape_cast %get3A_884 : vector<1x1x16xf32> to vector<16xf32>
        %sub3A_886 = arith.subf %add3A_880, %get3A_885 : vector<16xf32>
        %swap3A_887 = arith.index_cast %add3A_820 : i32 to index
        %swap3A_888 = arith.constant 32 : index
        %swap3A_889 = tpu.vector_load %arg14[%swap3A_887, %swap3A_888] {strides = array<i32>} : memref<32x64xf32, #tpu.memory_space<vmem>>, vector<1x16xf32>,
        %swap3A_890 = vector.shape_cast %swap3A_889 : vector<1x16xf32> to vector<16xf32>
        %swap3A_891 = vector.shape_cast %sub3A_886 : vector<16xf32> to vector<1x16xf32>
        tpu.vector_store %arg14[%swap3A_887, %swap3A_888], %swap3A_891 {strides = array<i32>} : memref<32x64xf32, #tpu.memory_space<vmem>>, vector<1x16xf32>,
        %get3A_892 = arith.index_cast %add3A_820 : i32 to index
        %get3A_893 = arith.index_cast %and3A_824 : i32 to index
        %get3A_894 = arith.constant 48 : index
        %get3A_895 = tpu.vector_load %arg11[%get3A_892, %get3A_893, %get3A_894] {strides = array<i32>} : memref<32x8x64xf32, #tpu.memory_space<vmem>>, vector<1x1x16xf32>,
        %get3A_896 = vector.shape_cast %get3A_895 : vector<1x1x16xf32> to vector<16xf32>
        %get3A_897 = arith.index_cast %add3A_820 : i32 to index
        %get3A_898 = arith.constant 48 : index
        %get3A_899 = tpu.vector_load %arg13[%get3A_897, %get3A_898] {strides = array<i32>} : memref<32x128xf32, #tpu.memory_space<vmem>>, vector<1x16xf32>,
        %get3A_900 = vector.shape_cast %get3A_899 : vector<1x16xf32> to vector<16xf32>
        %add3A_901 = arith.addf %get3A_896, %get3A_900 : vector<16xf32>
        %get3A_902 = arith.index_cast %add3A_820 : i32 to index
        %get3A_903 = arith.index_cast %and3A_828 : i32 to index
        %get3A_904 = arith.constant 48 : index
        %get3A_905 = tpu.vector_load %arg12[%get3A_902, %get3A_903, %get3A_904] {strides = array<i32>} : memref<32x8x64xf32, #tpu.memory_space<vmem>>, vector<1x1x16xf32>,
        %get3A_906 = vector.shape_cast %get3A_905 : vector<1x1x16xf32> to vector<16xf32>
        %sub3A_907 = arith.subf %add3A_901, %get3A_906 : vector<16xf32>
        %swap3A_908 = arith.index_cast %add3A_820 : i32 to index
        %swap3A_909 = arith.constant 48 : index
        %swap3A_910 = tpu.vector_load %arg14[%swap3A_908, %swap3A_909] {strides = array<i32>} : memref<32x64xf32, #tpu.memory_space<vmem>>, vector<1x16xf32>,
        %swap3A_911 = vector.shape_cast %swap3A_910 : vector<1x16xf32> to vector<16xf32>
        %swap3A_912 = vector.shape_cast %sub3A_907 : vector<16xf32> to vector<1x16xf32>
        tpu.vector_store %arg14[%swap3A_908, %swap3A_909], %swap3A_912 {strides = array<i32>} : memref<32x64xf32, #tpu.memory_space<vmem>>, vector<1x16xf32>,
        %mul3A_913 = arith.constant 16 : i32
        %mul3A_914 = arith.muli %scan3A_38, %mul3A_913 : i32
        %add3A_915 = arith.constant 9 : i32
        %add3A_916 = arith.addi %mul3A_914, %add3A_915 : i32
        %slice3A_917 = vector.extract_strided_slice %get3A_45 {offsets = [9], sizes = [1], strides = [1]} : vector<16xi32> to vector<1xi32>
        %squeeze3A_918 = vector.extract %slice3A_917[0] : i32 from vector<1xi32>
        %and3A_919 = arith.constant 7 : i32
        %and3A_920 = arith.andi %squeeze3A_918, %and3A_919 : i32
        %slice3A_921 = vector.extract_strided_slice %get3A_53 {offsets = [9], sizes = [1], strides = [1]} : vector<16xi32> to vector<1xi32>
        %squeeze3A_922 = vector.extract %slice3A_921[0] : i32 from vector<1xi32>
        %and3A_923 = arith.constant 7 : i32
        %and3A_924 = arith.andi %squeeze3A_922, %and3A_923 : i32
        %get3A_925 = arith.index_cast %add3A_916 : i32 to index
        %get3A_926 = arith.index_cast %and3A_920 : i32 to index
        %get3A_927 = arith.constant 0 : index
        %get3A_928 = tpu.vector_load %arg11[%get3A_925, %get3A_926, %get3A_927] {strides = array<i32>} : memref<32x8x64xf32, #tpu.memory_space<vmem>>, vector<1x1x16xf32>,
        %get3A_929 = vector.shape_cast %get3A_928 : vector<1x1x16xf32> to vector<16xf32>
        %get3A_930 = arith.index_cast %add3A_916 : i32 to index
        %get3A_931 = arith.constant 0 : index
        %get3A_932 = tpu.vector_load %arg13[%get3A_930, %get3A_931] {strides = array<i32>} : memref<32x128xf32, #tpu.memory_space<vmem>>, vector<1x16xf32>,
        %get3A_933 = vector.shape_cast %get3A_932 : vector<1x16xf32> to vector<16xf32>
        %add3A_934 = arith.addf %get3A_929, %get3A_933 : vector<16xf32>
        %get3A_935 = arith.index_cast %add3A_916 : i32 to index
        %get3A_936 = arith.index_cast %and3A_924 : i32 to index
        %get3A_937 = arith.constant 0 : index
        %get3A_938 = tpu.vector_load %arg12[%get3A_935, %get3A_936, %get3A_937] {strides = array<i32>} : memref<32x8x64xf32, #tpu.memory_space<vmem>>, vector<1x1x16xf32>,
        %get3A_939 = vector.shape_cast %get3A_938 : vector<1x1x16xf32> to vector<16xf32>
        %sub3A_940 = arith.subf %add3A_934, %get3A_939 : vector<16xf32>
        %swap3A_941 = arith.index_cast %add3A_916 : i32 to index
        %swap3A_942 = arith.constant 0 : index
        %swap3A_943 = tpu.vector_load %arg14[%swap3A_941, %swap3A_942] {strides = array<i32>} : memref<32x64xf32, #tpu.memory_space<vmem>>, vector<1x16xf32>,
        %swap3A_944 = vector.shape_cast %swap3A_943 : vector<1x16xf32> to vector<16xf32>
        %swap3A_945 = vector.shape_cast %sub3A_940 : vector<16xf32> to vector<1x16xf32>
        tpu.vector_store %arg14[%swap3A_941, %swap3A_942], %swap3A_945 {strides = array<i32>} : memref<32x64xf32, #tpu.memory_space<vmem>>, vector<1x16xf32>,
        %get3A_946 = arith.index_cast %add3A_916 : i32 to index
        %get3A_947 = arith.index_cast %and3A_920 : i32 to index
        %get3A_948 = arith.constant 16 : index
        %get3A_949 = tpu.vector_load %arg11[%get3A_946, %get3A_947, %get3A_948] {strides = array<i32>} : memref<32x8x64xf32, #tpu.memory_space<vmem>>, vector<1x1x16xf32>,
        %get3A_950 = vector.shape_cast %get3A_949 : vector<1x1x16xf32> to vector<16xf32>
        %get3A_951 = arith.index_cast %add3A_916 : i32 to index
        %get3A_952 = arith.constant 16 : index
        %get3A_953 = tpu.vector_load %arg13[%get3A_951, %get3A_952] {strides = array<i32>} : memref<32x128xf32, #tpu.memory_space<vmem>>, vector<1x16xf32>,
        %get3A_954 = vector.shape_cast %get3A_953 : vector<1x16xf32> to vector<16xf32>
        %add3A_955 = arith.addf %get3A_950, %get3A_954 : vector<16xf32>
        %get3A_956 = arith.index_cast %add3A_916 : i32 to index
        %get3A_957 = arith.index_cast %and3A_924 : i32 to index
        %get3A_958 = arith.constant 16 : index
        %get3A_959 = tpu.vector_load %arg12[%get3A_956, %get3A_957, %get3A_958] {strides = array<i32>} : memref<32x8x64xf32, #tpu.memory_space<vmem>>, vector<1x1x16xf32>,
        %get3A_960 = vector.shape_cast %get3A_959 : vector<1x1x16xf32> to vector<16xf32>
        %sub3A_961 = arith.subf %add3A_955, %get3A_960 : vector<16xf32>
        %swap3A_962 = arith.index_cast %add3A_916 : i32 to index
        %swap3A_963 = arith.constant 16 : index
        %swap3A_964 = tpu.vector_load %arg14[%swap3A_962, %swap3A_963] {strides = array<i32>} : memref<32x64xf32, #tpu.memory_space<vmem>>, vector<1x16xf32>,
        %swap3A_965 = vector.shape_cast %swap3A_964 : vector<1x16xf32> to vector<16xf32>
        %swap3A_966 = vector.shape_cast %sub3A_961 : vector<16xf32> to vector<1x16xf32>
        tpu.vector_store %arg14[%swap3A_962, %swap3A_963], %swap3A_966 {strides = array<i32>} : memref<32x64xf32, #tpu.memory_space<vmem>>, vector<1x16xf32>,
        %get3A_967 = arith.index_cast %add3A_916 : i32 to index
        %get3A_968 = arith.index_cast %and3A_920 : i32 to index
        %get3A_969 = arith.constant 32 : index
        %get3A_970 = tpu.vector_load %arg11[%get3A_967, %get3A_968, %get3A_969] {strides = array<i32>} : memref<32x8x64xf32, #tpu.memory_space<vmem>>, vector<1x1x16xf32>,
        %get3A_971 = vector.shape_cast %get3A_970 : vector<1x1x16xf32> to vector<16xf32>
        %get3A_972 = arith.index_cast %add3A_916 : i32 to index
        %get3A_973 = arith.constant 32 : index
        %get3A_974 = tpu.vector_load %arg13[%get3A_972, %get3A_973] {strides = array<i32>} : memref<32x128xf32, #tpu.memory_space<vmem>>, vector<1x16xf32>,
        %get3A_975 = vector.shape_cast %get3A_974 : vector<1x16xf32> to vector<16xf32>
        %add3A_976 = arith.addf %get3A_971, %get3A_975 : vector<16xf32>
        %get3A_977 = arith.index_cast %add3A_916 : i32 to index
        %get3A_978 = arith.index_cast %and3A_924 : i32 to index
        %get3A_979 = arith.constant 32 : index
        %get3A_980 = tpu.vector_load %arg12[%get3A_977, %get3A_978, %get3A_979] {strides = array<i32>} : memref<32x8x64xf32, #tpu.memory_space<vmem>>, vector<1x1x16xf32>,
        %get3A_981 = vector.shape_cast %get3A_980 : vector<1x1x16xf32> to vector<16xf32>
        %sub3A_982 = arith.subf %add3A_976, %get3A_981 : vector<16xf32>
        %swap3A_983 = arith.index_cast %add3A_916 : i32 to index
        %swap3A_984 = arith.constant 32 : index
        %swap3A_985 = tpu.vector_load %arg14[%swap3A_983, %swap3A_984] {strides = array<i32>} : memref<32x64xf32, #tpu.memory_space<vmem>>, vector<1x16xf32>,
        %swap3A_986 = vector.shape_cast %swap3A_985 : vector<1x16xf32> to vector<16xf32>
        %swap3A_987 = vector.shape_cast %sub3A_982 : vector<16xf32> to vector<1x16xf32>
        tpu.vector_store %arg14[%swap3A_983, %swap3A_984], %swap3A_987 {strides = array<i32>} : memref<32x64xf32, #tpu.memory_space<vmem>>, vector<1x16xf32>,
        %get3A_988 = arith.index_cast %add3A_916 : i32 to index
        %get3A_989 = arith.index_cast %and3A_920 : i32 to index
        %get3A_990 = arith.constant 48 : index
        %get3A_991 = tpu.vector_load %arg11[%get3A_988, %get3A_989, %get3A_990] {strides = array<i32>} : memref<32x8x64xf32, #tpu.memory_space<vmem>>, vector<1x1x16xf32>,
        %get3A_992 = vector.shape_cast %get3A_991 : vector<1x1x16xf32> to vector<16xf32>
        %get3A_993 = arith.index_cast %add3A_916 : i32 to index
        %get3A_994 = arith.constant 48 : index
        %get3A_995 = tpu.vector_load %arg13[%get3A_993, %get3A_994] {strides = array<i32>} : memref<32x128xf32, #tpu.memory_space<vmem>>, vector<1x16xf32>,
        %get3A_996 = vector.shape_cast %get3A_995 : vector<1x16xf32> to vector<16xf32>
        %add3A_997 = arith.addf %get3A_992, %get3A_996 : vector<16xf32>
        %get3A_998 = arith.index_cast %add3A_916 : i32 to index
        %get3A_999 = arith.index_cast %and3A_924 : i32 to index
        %get3A_1000 = arith.constant 48 : index
        %get3A_1001 = tpu.vector_load %arg12[%get3A_998, %get3A_999, %get3A_1000] {strides = array<i32>} : memref<32x8x64xf32, #tpu.memory_space<vmem>>, vector<1x1x16xf32>,
        %get3A_1002 = vector.shape_cast %get3A_1001 : vector<1x1x16xf32> to vector<16xf32>
        %sub3A_1003 = arith.subf %add3A_997, %get3A_1002 : vector<16xf32>
        %swap3A_1004 = arith.index_cast %add3A_916 : i32 to index
        %swap3A_1005 = arith.constant 48 : index
        %swap3A_1006 = tpu.vector_load %arg14[%swap3A_1004, %swap3A_1005] {strides = array<i32>} : memref<32x64xf32, #tpu.memory_space<vmem>>, vector<1x16xf32>,
        %swap3A_1007 = vector.shape_cast %swap3A_1006 : vector<1x16xf32> to vector<16xf32>
        %swap3A_1008 = vector.shape_cast %sub3A_1003 : vector<16xf32> to vector<1x16xf32>
        tpu.vector_store %arg14[%swap3A_1004, %swap3A_1005], %swap3A_1008 {strides = array<i32>} : memref<32x64xf32, #tpu.memory_space<vmem>>, vector<1x16xf32>,
        %mul3A_1009 = arith.constant 16 : i32
        %mul3A_1010 = arith.muli %scan3A_38, %mul3A_1009 : i32
        %add3A_1011 = arith.constant 10 : i32
        %add3A_1012 = arith.addi %mul3A_1010, %add3A_1011 : i32
        %slice3A_1013 = vector.extract_strided_slice %get3A_45 {offsets = [10], sizes = [1], strides = [1]} : vector<16xi32> to vector<1xi32>
        %squeeze3A_1014 = vector.extract %slice3A_1013[0] : i32 from vector<1xi32>
        %and3A_1015 = arith.constant 7 : i32
        %and3A_1016 = arith.andi %squeeze3A_1014, %and3A_1015 : i32
        %slice3A_1017 = vector.extract_strided_slice %get3A_53 {offsets = [10], sizes = [1], strides = [1]} : vector<16xi32> to vector<1xi32>
        %squeeze3A_1018 = vector.extract %slice3A_1017[0] : i32 from vector<1xi32>
        %and3A_1019 = arith.constant 7 : i32
        %and3A_1020 = arith.andi %squeeze3A_1018, %and3A_1019 : i32
        %get3A_1021 = arith.index_cast %add3A_1012 : i32 to index
        %get3A_1022 = arith.index_cast %and3A_1016 : i32 to index
        %get3A_1023 = arith.constant 0 : index
        %get3A_1024 = tpu.vector_load %arg11[%get3A_1021, %get3A_1022, %get3A_1023] {strides = array<i32>} : memref<32x8x64xf32, #tpu.memory_space<vmem>>, vector<1x1x16xf32>,
        %get3A_1025 = vector.shape_cast %get3A_1024 : vector<1x1x16xf32> to vector<16xf32>
        %get3A_1026 = arith.index_cast %add3A_1012 : i32 to index
        %get3A_1027 = arith.constant 0 : index
        %get3A_1028 = tpu.vector_load %arg13[%get3A_1026, %get3A_1027] {strides = array<i32>} : memref<32x128xf32, #tpu.memory_space<vmem>>, vector<1x16xf32>,
        %get3A_1029 = vector.shape_cast %get3A_1028 : vector<1x16xf32> to vector<16xf32>
        %add3A_1030 = arith.addf %get3A_1025, %get3A_1029 : vector<16xf32>
        %get3A_1031 = arith.index_cast %add3A_1012 : i32 to index
        %get3A_1032 = arith.index_cast %and3A_1020 : i32 to index
        %get3A_1033 = arith.constant 0 : index
        %get3A_1034 = tpu.vector_load %arg12[%get3A_1031, %get3A_1032, %get3A_1033] {strides = array<i32>} : memref<32x8x64xf32, #tpu.memory_space<vmem>>, vector<1x1x16xf32>,
        %get3A_1035 = vector.shape_cast %get3A_1034 : vector<1x1x16xf32> to vector<16xf32>
        %sub3A_1036 = arith.subf %add3A_1030, %get3A_1035 : vector<16xf32>
        %swap3A_1037 = arith.index_cast %add3A_1012 : i32 to index
        %swap3A_1038 = arith.constant 0 : index
        %swap3A_1039 = tpu.vector_load %arg14[%swap3A_1037, %swap3A_1038] {strides = array<i32>} : memref<32x64xf32, #tpu.memory_space<vmem>>, vector<1x16xf32>,
        %swap3A_1040 = vector.shape_cast %swap3A_1039 : vector<1x16xf32> to vector<16xf32>
        %swap3A_1041 = vector.shape_cast %sub3A_1036 : vector<16xf32> to vector<1x16xf32>
        tpu.vector_store %arg14[%swap3A_1037, %swap3A_1038], %swap3A_1041 {strides = array<i32>} : memref<32x64xf32, #tpu.memory_space<vmem>>, vector<1x16xf32>,
        %get3A_1042 = arith.index_cast %add3A_1012 : i32 to index
        %get3A_1043 = arith.index_cast %and3A_1016 : i32 to index
        %get3A_1044 = arith.constant 16 : index
        %get3A_1045 = tpu.vector_load %arg11[%get3A_1042, %get3A_1043, %get3A_1044] {strides = array<i32>} : memref<32x8x64xf32, #tpu.memory_space<vmem>>, vector<1x1x16xf32>,
        %get3A_1046 = vector.shape_cast %get3A_1045 : vector<1x1x16xf32> to vector<16xf32>
        %get3A_1047 = arith.index_cast %add3A_1012 : i32 to index
        %get3A_1048 = arith.constant 16 : index
        %get3A_1049 = tpu.vector_load %arg13[%get3A_1047, %get3A_1048] {strides = array<i32>} : memref<32x128xf32, #tpu.memory_space<vmem>>, vector<1x16xf32>,
        %get3A_1050 = vector.shape_cast %get3A_1049 : vector<1x16xf32> to vector<16xf32>
        %add3A_1051 = arith.addf %get3A_1046, %get3A_1050 : vector<16xf32>
        %get3A_1052 = arith.index_cast %add3A_1012 : i32 to index
        %get3A_1053 = arith.index_cast %and3A_1020 : i32 to index
        %get3A_1054 = arith.constant 16 : index
        %get3A_1055 = tpu.vector_load %arg12[%get3A_1052, %get3A_1053, %get3A_1054] {strides = array<i32>} : memref<32x8x64xf32, #tpu.memory_space<vmem>>, vector<1x1x16xf32>,
        %get3A_1056 = vector.shape_cast %get3A_1055 : vector<1x1x16xf32> to vector<16xf32>
        %sub3A_1057 = arith.subf %add3A_1051, %get3A_1056 : vector<16xf32>
        %swap3A_1058 = arith.index_cast %add3A_1012 : i32 to index
        %swap3A_1059 = arith.constant 16 : index
        %swap3A_1060 = tpu.vector_load %arg14[%swap3A_1058, %swap3A_1059] {strides = array<i32>} : memref<32x64xf32, #tpu.memory_space<vmem>>, vector<1x16xf32>,
        %swap3A_1061 = vector.shape_cast %swap3A_1060 : vector<1x16xf32> to vector<16xf32>
        %swap3A_1062 = vector.shape_cast %sub3A_1057 : vector<16xf32> to vector<1x16xf32>
        tpu.vector_store %arg14[%swap3A_1058, %swap3A_1059], %swap3A_1062 {strides = array<i32>} : memref<32x64xf32, #tpu.memory_space<vmem>>, vector<1x16xf32>,
        %get3A_1063 = arith.index_cast %add3A_1012 : i32 to index
        %get3A_1064 = arith.index_cast %and3A_1016 : i32 to index
        %get3A_1065 = arith.constant 32 : index
        %get3A_1066 = tpu.vector_load %arg11[%get3A_1063, %get3A_1064, %get3A_1065] {strides = array<i32>} : memref<32x8x64xf32, #tpu.memory_space<vmem>>, vector<1x1x16xf32>,
        %get3A_1067 = vector.shape_cast %get3A_1066 : vector<1x1x16xf32> to vector<16xf32>
        %get3A_1068 = arith.index_cast %add3A_1012 : i32 to index
        %get3A_1069 = arith.constant 32 : index
        %get3A_1070 = tpu.vector_load %arg13[%get3A_1068, %get3A_1069] {strides = array<i32>} : memref<32x128xf32, #tpu.memory_space<vmem>>, vector<1x16xf32>,
        %get3A_1071 = vector.shape_cast %get3A_1070 : vector<1x16xf32> to vector<16xf32>
        %add3A_1072 = arith.addf %get3A_1067, %get3A_1071 : vector<16xf32>
        %get3A_1073 = arith.index_cast %add3A_1012 : i32 to index
        %get3A_1074 = arith.index_cast %and3A_1020 : i32 to index
        %get3A_1075 = arith.constant 32 : index
        %get3A_1076 = tpu.vector_load %arg12[%get3A_1073, %get3A_1074, %get3A_1075] {strides = array<i32>} : memref<32x8x64xf32, #tpu.memory_space<vmem>>, vector<1x1x16xf32>,
        %get3A_1077 = vector.shape_cast %get3A_1076 : vector<1x1x16xf32> to vector<16xf32>
        %sub3A_1078 = arith.subf %add3A_1072, %get3A_1077 : vector<16xf32>
        %swap3A_1079 = arith.index_cast %add3A_1012 : i32 to index
        %swap3A_1080 = arith.constant 32 : index
        %swap3A_1081 = tpu.vector_load %arg14[%swap3A_1079, %swap3A_1080] {strides = array<i32>} : memref<32x64xf32, #tpu.memory_space<vmem>>, vector<1x16xf32>,
        %swap3A_1082 = vector.shape_cast %swap3A_1081 : vector<1x16xf32> to vector<16xf32>
        %swap3A_1083 = vector.shape_cast %sub3A_1078 : vector<16xf32> to vector<1x16xf32>
        tpu.vector_store %arg14[%swap3A_1079, %swap3A_1080], %swap3A_1083 {strides = array<i32>} : memref<32x64xf32, #tpu.memory_space<vmem>>, vector<1x16xf32>,
        %get3A_1084 = arith.index_cast %add3A_1012 : i32 to index
        %get3A_1085 = arith.index_cast %and3A_1016 : i32 to index
        %get3A_1086 = arith.constant 48 : index
        %get3A_1087 = tpu.vector_load %arg11[%get3A_1084, %get3A_1085, %get3A_1086] {strides = array<i32>} : memref<32x8x64xf32, #tpu.memory_space<vmem>>, vector<1x1x16xf32>,
        %get3A_1088 = vector.shape_cast %get3A_1087 : vector<1x1x16xf32> to vector<16xf32>
        %get3A_1089 = arith.index_cast %add3A_1012 : i32 to index
        %get3A_1090 = arith.constant 48 : index
        %get3A_1091 = tpu.vector_load %arg13[%get3A_1089, %get3A_1090] {strides = array<i32>} : memref<32x128xf32, #tpu.memory_space<vmem>>, vector<1x16xf32>,
        %get3A_1092 = vector.shape_cast %get3A_1091 : vector<1x16xf32> to vector<16xf32>
        %add3A_1093 = arith.addf %get3A_1088, %get3A_1092 : vector<16xf32>
        %get3A_1094 = arith.index_cast %add3A_1012 : i32 to index
        %get3A_1095 = arith.index_cast %and3A_1020 : i32 to index
        %get3A_1096 = arith.constant 48 : index
        %get3A_1097 = tpu.vector_load %arg12[%get3A_1094, %get3A_1095, %get3A_1096] {strides = array<i32>} : memref<32x8x64xf32, #tpu.memory_space<vmem>>, vector<1x1x16xf32>,
        %get3A_1098 = vector.shape_cast %get3A_1097 : vector<1x1x16xf32> to vector<16xf32>
        %sub3A_1099 = arith.subf %add3A_1093, %get3A_1098 : vector<16xf32>
        %swap3A_1100 = arith.index_cast %add3A_1012 : i32 to index
        %swap3A_1101 = arith.constant 48 : index
        %swap3A_1102 = tpu.vector_load %arg14[%swap3A_1100, %swap3A_1101] {strides = array<i32>} : memref<32x64xf32, #tpu.memory_space<vmem>>, vector<1x16xf32>,
        %swap3A_1103 = vector.shape_cast %swap3A_1102 : vector<1x16xf32> to vector<16xf32>
        %swap3A_1104 = vector.shape_cast %sub3A_1099 : vector<16xf32> to vector<1x16xf32>
        tpu.vector_store %arg14[%swap3A_1100, %swap3A_1101], %swap3A_1104 {strides = array<i32>} : memref<32x64xf32, #tpu.memory_space<vmem>>, vector<1x16xf32>,
        %mul3A_1105 = arith.constant 16 : i32
        %mul3A_1106 = arith.muli %scan3A_38, %mul3A_1105 : i32
        %add3A_1107 = arith.constant 11 : i32
        %add3A_1108 = arith.addi %mul3A_1106, %add3A_1107 : i32
        %slice3A_1109 = vector.extract_strided_slice %get3A_45 {offsets = [11], sizes = [1], strides = [1]} : vector<16xi32> to vector<1xi32>
        %squeeze3A_1110 = vector.extract %slice3A_1109[0] : i32 from vector<1xi32>
        %and3A_1111 = arith.constant 7 : i32
        %and3A_1112 = arith.andi %squeeze3A_1110, %and3A_1111 : i32
        %slice3A_1113 = vector.extract_strided_slice %get3A_53 {offsets = [11], sizes = [1], strides = [1]} : vector<16xi32> to vector<1xi32>
        %squeeze3A_1114 = vector.extract %slice3A_1113[0] : i32 from vector<1xi32>
        %and3A_1115 = arith.constant 7 : i32
        %and3A_1116 = arith.andi %squeeze3A_1114, %and3A_1115 : i32
        %get3A_1117 = arith.index_cast %add3A_1108 : i32 to index
        %get3A_1118 = arith.index_cast %and3A_1112 : i32 to index
        %get3A_1119 = arith.constant 0 : index
        %get3A_1120 = tpu.vector_load %arg11[%get3A_1117, %get3A_1118, %get3A_1119] {strides = array<i32>} : memref<32x8x64xf32, #tpu.memory_space<vmem>>, vector<1x1x16xf32>,
        %get3A_1121 = vector.shape_cast %get3A_1120 : vector<1x1x16xf32> to vector<16xf32>
        %get3A_1122 = arith.index_cast %add3A_1108 : i32 to index
        %get3A_1123 = arith.constant 0 : index
        %get3A_1124 = tpu.vector_load %arg13[%get3A_1122, %get3A_1123] {strides = array<i32>} : memref<32x128xf32, #tpu.memory_space<vmem>>, vector<1x16xf32>,
        %get3A_1125 = vector.shape_cast %get3A_1124 : vector<1x16xf32> to vector<16xf32>
        %add3A_1126 = arith.addf %get3A_1121, %get3A_1125 : vector<16xf32>
        %get3A_1127 = arith.index_cast %add3A_1108 : i32 to index
        %get3A_1128 = arith.index_cast %and3A_1116 : i32 to index
        %get3A_1129 = arith.constant 0 : index
        %get3A_1130 = tpu.vector_load %arg12[%get3A_1127, %get3A_1128, %get3A_1129] {strides = array<i32>} : memref<32x8x64xf32, #tpu.memory_space<vmem>>, vector<1x1x16xf32>,
        %get3A_1131 = vector.shape_cast %get3A_1130 : vector<1x1x16xf32> to vector<16xf32>
        %sub3A_1132 = arith.subf %add3A_1126, %get3A_1131 : vector<16xf32>
        %swap3A_1133 = arith.index_cast %add3A_1108 : i32 to index
        %swap3A_1134 = arith.constant 0 : index
        %swap3A_1135 = tpu.vector_load %arg14[%swap3A_1133, %swap3A_1134] {strides = array<i32>} : memref<32x64xf32, #tpu.memory_space<vmem>>, vector<1x16xf32>,
        %swap3A_1136 = vector.shape_cast %swap3A_1135 : vector<1x16xf32> to vector<16xf32>
        %swap3A_1137 = vector.shape_cast %sub3A_1132 : vector<16xf32> to vector<1x16xf32>
        tpu.vector_store %arg14[%swap3A_1133, %swap3A_1134], %swap3A_1137 {strides = array<i32>} : memref<32x64xf32, #tpu.memory_space<vmem>>, vector<1x16xf32>,
        %get3A_1138 = arith.index_cast %add3A_1108 : i32 to index
        %get3A_1139 = arith.index_cast %and3A_1112 : i32 to index
        %get3A_1140 = arith.constant 16 : index
        %get3A_1141 = tpu.vector_load %arg11[%get3A_1138, %get3A_1139, %get3A_1140] {strides = array<i32>} : memref<32x8x64xf32, #tpu.memory_space<vmem>>, vector<1x1x16xf32>,
        %get3A_1142 = vector.shape_cast %get3A_1141 : vector<1x1x16xf32> to vector<16xf32>
        %get3A_1143 = arith.index_cast %add3A_1108 : i32 to index
        %get3A_1144 = arith.constant 16 : index
        %get3A_1145 = tpu.vector_load %arg13[%get3A_1143, %get3A_1144] {strides = array<i32>} : memref<32x128xf32, #tpu.memory_space<vmem>>, vector<1x16xf32>,
        %get3A_1146 = vector.shape_cast %get3A_1145 : vector<1x16xf32> to vector<16xf32>
        %add3A_1147 = arith.addf %get3A_1142, %get3A_1146 : vector<16xf32>
        %get3A_1148 = arith.index_cast %add3A_1108 : i32 to index
        %get3A_1149 = arith.index_cast %and3A_1116 : i32 to index
        %get3A_1150 = arith.constant 16 : index
        %get3A_1151 = tpu.vector_load %arg12[%get3A_1148, %get3A_1149, %get3A_1150] {strides = array<i32>} : memref<32x8x64xf32, #tpu.memory_space<vmem>>, vector<1x1x16xf32>,
        %get3A_1152 = vector.shape_cast %get3A_1151 : vector<1x1x16xf32> to vector<16xf32>
        %sub3A_1153 = arith.subf %add3A_1147, %get3A_1152 : vector<16xf32>
        %swap3A_1154 = arith.index_cast %add3A_1108 : i32 to index
        %swap3A_1155 = arith.constant 16 : index
        %swap3A_1156 = tpu.vector_load %arg14[%swap3A_1154, %swap3A_1155] {strides = array<i32>} : memref<32x64xf32, #tpu.memory_space<vmem>>, vector<1x16xf32>,
        %swap3A_1157 = vector.shape_cast %swap3A_1156 : vector<1x16xf32> to vector<16xf32>
        %swap3A_1158 = vector.shape_cast %sub3A_1153 : vector<16xf32> to vector<1x16xf32>
        tpu.vector_store %arg14[%swap3A_1154, %swap3A_1155], %swap3A_1158 {strides = array<i32>} : memref<32x64xf32, #tpu.memory_space<vmem>>, vector<1x16xf32>,
        %get3A_1159 = arith.index_cast %add3A_1108 : i32 to index
        %get3A_1160 = arith.index_cast %and3A_1112 : i32 to index
        %get3A_1161 = arith.constant 32 : index
        %get3A_1162 = tpu.vector_load %arg11[%get3A_1159, %get3A_1160, %get3A_1161] {strides = array<i32>} : memref<32x8x64xf32, #tpu.memory_space<vmem>>, vector<1x1x16xf32>,
        %get3A_1163 = vector.shape_cast %get3A_1162 : vector<1x1x16xf32> to vector<16xf32>
        %get3A_1164 = arith.index_cast %add3A_1108 : i32 to index
        %get3A_1165 = arith.constant 32 : index
        %get3A_1166 = tpu.vector_load %arg13[%get3A_1164, %get3A_1165] {strides = array<i32>} : memref<32x128xf32, #tpu.memory_space<vmem>>, vector<1x16xf32>,
        %get3A_1167 = vector.shape_cast %get3A_1166 : vector<1x16xf32> to vector<16xf32>
        %add3A_1168 = arith.addf %get3A_1163, %get3A_1167 : vector<16xf32>
        %get3A_1169 = arith.index_cast %add3A_1108 : i32 to index
        %get3A_1170 = arith.index_cast %and3A_1116 : i32 to index
        %get3A_1171 = arith.constant 32 : index
        %get3A_1172 = tpu.vector_load %arg12[%get3A_1169, %get3A_1170, %get3A_1171] {strides = array<i32>} : memref<32x8x64xf32, #tpu.memory_space<vmem>>, vector<1x1x16xf32>,
        %get3A_1173 = vector.shape_cast %get3A_1172 : vector<1x1x16xf32> to vector<16xf32>
        %sub3A_1174 = arith.subf %add3A_1168, %get3A_1173 : vector<16xf32>
        %swap3A_1175 = arith.index_cast %add3A_1108 : i32 to index
        %swap3A_1176 = arith.constant 32 : index
        %swap3A_1177 = tpu.vector_load %arg14[%swap3A_1175, %swap3A_1176] {strides = array<i32>} : memref<32x64xf32, #tpu.memory_space<vmem>>, vector<1x16xf32>,
        %swap3A_1178 = vector.shape_cast %swap3A_1177 : vector<1x16xf32> to vector<16xf32>
        %swap3A_1179 = vector.shape_cast %sub3A_1174 : vector<16xf32> to vector<1x16xf32>
        tpu.vector_store %arg14[%swap3A_1175, %swap3A_1176], %swap3A_1179 {strides = array<i32>} : memref<32x64xf32, #tpu.memory_space<vmem>>, vector<1x16xf32>,
        %get3A_1180 = arith.index_cast %add3A_1108 : i32 to index
        %get3A_1181 = arith.index_cast %and3A_1112 : i32 to index
        %get3A_1182 = arith.constant 48 : index
        %get3A_1183 = tpu.vector_load %arg11[%get3A_1180, %get3A_1181, %get3A_1182] {strides = array<i32>} : memref<32x8x64xf32, #tpu.memory_space<vmem>>, vector<1x1x16xf32>,
        %get3A_1184 = vector.shape_cast %get3A_1183 : vector<1x1x16xf32> to vector<16xf32>
        %get3A_1185 = arith.index_cast %add3A_1108 : i32 to index
        %get3A_1186 = arith.constant 48 : index
        %get3A_1187 = tpu.vector_load %arg13[%get3A_1185, %get3A_1186] {strides = array<i32>} : memref<32x128xf32, #tpu.memory_space<vmem>>, vector<1x16xf32>,
        %get3A_1188 = vector.shape_cast %get3A_1187 : vector<1x16xf32> to vector<16xf32>
        %add3A_1189 = arith.addf %get3A_1184, %get3A_1188 : vector<16xf32>
        %get3A_1190 = arith.index_cast %add3A_1108 : i32 to index
        %get3A_1191 = arith.index_cast %and3A_1116 : i32 to index
        %get3A_1192 = arith.constant 48 : index
        %get3A_1193 = tpu.vector_load %arg12[%get3A_1190, %get3A_1191, %get3A_1192] {strides = array<i32>} : memref<32x8x64xf32, #tpu.memory_space<vmem>>, vector<1x1x16xf32>,
        %get3A_1194 = vector.shape_cast %get3A_1193 : vector<1x1x16xf32> to vector<16xf32>
        %sub3A_1195 = arith.subf %add3A_1189, %get3A_1194 : vector<16xf32>
        %swap3A_1196 = arith.index_cast %add3A_1108 : i32 to index
        %swap3A_1197 = arith.constant 48 : index
        %swap3A_1198 = tpu.vector_load %arg14[%swap3A_1196, %swap3A_1197] {strides = array<i32>} : memref<32x64xf32, #tpu.memory_space<vmem>>, vector<1x16xf32>,
        %swap3A_1199 = vector.shape_cast %swap3A_1198 : vector<1x16xf32> to vector<16xf32>
        %swap3A_1200 = vector.shape_cast %sub3A_1195 : vector<16xf32> to vector<1x16xf32>
        tpu.vector_store %arg14[%swap3A_1196, %swap3A_1197], %swap3A_1200 {strides = array<i32>} : memref<32x64xf32, #tpu.memory_space<vmem>>, vector<1x16xf32>,
        %mul3A_1201 = arith.constant 16 : i32
        %mul3A_1202 = arith.muli %scan3A_38, %mul3A_1201 : i32
        %add3A_1203 = arith.constant 12 : i32
        %add3A_1204 = arith.addi %mul3A_1202, %add3A_1203 : i32
        %slice3A_1205 = vector.extract_strided_slice %get3A_45 {offsets = [12], sizes = [1], strides = [1]} : vector<16xi32> to vector<1xi32>
        %squeeze3A_1206 = vector.extract %slice3A_1205[0] : i32 from vector<1xi32>
        %and3A_1207 = arith.constant 7 : i32
        %and3A_1208 = arith.andi %squeeze3A_1206, %and3A_1207 : i32
        %slice3A_1209 = vector.extract_strided_slice %get3A_53 {offsets = [12], sizes = [1], strides = [1]} : vector<16xi32> to vector<1xi32>
        %squeeze3A_1210 = vector.extract %slice3A_1209[0] : i32 from vector<1xi32>
        %and3A_1211 = arith.constant 7 : i32
        %and3A_1212 = arith.andi %squeeze3A_1210, %and3A_1211 : i32
        %get3A_1213 = arith.index_cast %add3A_1204 : i32 to index
        %get3A_1214 = arith.index_cast %and3A_1208 : i32 to index
        %get3A_1215 = arith.constant 0 : index
        %get3A_1216 = tpu.vector_load %arg11[%get3A_1213, %get3A_1214, %get3A_1215] {strides = array<i32>} : memref<32x8x64xf32, #tpu.memory_space<vmem>>, vector<1x1x16xf32>,
        %get3A_1217 = vector.shape_cast %get3A_1216 : vector<1x1x16xf32> to vector<16xf32>
        %get3A_1218 = arith.index_cast %add3A_1204 : i32 to index
        %get3A_1219 = arith.constant 0 : index
        %get3A_1220 = tpu.vector_load %arg13[%get3A_1218, %get3A_1219] {strides = array<i32>} : memref<32x128xf32, #tpu.memory_space<vmem>>, vector<1x16xf32>,
        %get3A_1221 = vector.shape_cast %get3A_1220 : vector<1x16xf32> to vector<16xf32>
        %add3A_1222 = arith.addf %get3A_1217, %get3A_1221 : vector<16xf32>
        %get3A_1223 = arith.index_cast %add3A_1204 : i32 to index
        %get3A_1224 = arith.index_cast %and3A_1212 : i32 to index
        %get3A_1225 = arith.constant 0 : index
        %get3A_1226 = tpu.vector_load %arg12[%get3A_1223, %get3A_1224, %get3A_1225] {strides = array<i32>} : memref<32x8x64xf32, #tpu.memory_space<vmem>>, vector<1x1x16xf32>,
        %get3A_1227 = vector.shape_cast %get3A_1226 : vector<1x1x16xf32> to vector<16xf32>
        %sub3A_1228 = arith.subf %add3A_1222, %get3A_1227 : vector<16xf32>
        %swap3A_1229 = arith.index_cast %add3A_1204 : i32 to index
        %swap3A_1230 = arith.constant 0 : index
        %swap3A_1231 = tpu.vector_load %arg14[%swap3A_1229, %swap3A_1230] {strides = array<i32>} : memref<32x64xf32, #tpu.memory_space<vmem>>, vector<1x16xf32>,
        %swap3A_1232 = vector.shape_cast %swap3A_1231 : vector<1x16xf32> to vector<16xf32>
        %swap3A_1233 = vector.shape_cast %sub3A_1228 : vector<16xf32> to vector<1x16xf32>
        tpu.vector_store %arg14[%swap3A_1229, %swap3A_1230], %swap3A_1233 {strides = array<i32>} : memref<32x64xf32, #tpu.memory_space<vmem>>, vector<1x16xf32>,
        %get3A_1234 = arith.index_cast %add3A_1204 : i32 to index
        %get3A_1235 = arith.index_cast %and3A_1208 : i32 to index
        %get3A_1236 = arith.constant 16 : index
        %get3A_1237 = tpu.vector_load %arg11[%get3A_1234, %get3A_1235, %get3A_1236] {strides = array<i32>} : memref<32x8x64xf32, #tpu.memory_space<vmem>>, vector<1x1x16xf32>,
        %get3A_1238 = vector.shape_cast %get3A_1237 : vector<1x1x16xf32> to vector<16xf32>
        %get3A_1239 = arith.index_cast %add3A_1204 : i32 to index
        %get3A_1240 = arith.constant 16 : index
        %get3A_1241 = tpu.vector_load %arg13[%get3A_1239, %get3A_1240] {strides = array<i32>} : memref<32x128xf32, #tpu.memory_space<vmem>>, vector<1x16xf32>,
        %get3A_1242 = vector.shape_cast %get3A_1241 : vector<1x16xf32> to vector<16xf32>
        %add3A_1243 = arith.addf %get3A_1238, %get3A_1242 : vector<16xf32>
        %get3A_1244 = arith.index_cast %add3A_1204 : i32 to index
        %get3A_1245 = arith.index_cast %and3A_1212 : i32 to index
        %get3A_1246 = arith.constant 16 : index
        %get3A_1247 = tpu.vector_load %arg12[%get3A_1244, %get3A_1245, %get3A_1246] {strides = array<i32>} : memref<32x8x64xf32, #tpu.memory_space<vmem>>, vector<1x1x16xf32>,
        %get3A_1248 = vector.shape_cast %get3A_1247 : vector<1x1x16xf32> to vector<16xf32>
        %sub3A_1249 = arith.subf %add3A_1243, %get3A_1248 : vector<16xf32>
        %swap3A_1250 = arith.index_cast %add3A_1204 : i32 to index
        %swap3A_1251 = arith.constant 16 : index
        %swap3A_1252 = tpu.vector_load %arg14[%swap3A_1250, %swap3A_1251] {strides = array<i32>} : memref<32x64xf32, #tpu.memory_space<vmem>>, vector<1x16xf32>,
        %swap3A_1253 = vector.shape_cast %swap3A_1252 : vector<1x16xf32> to vector<16xf32>
        %swap3A_1254 = vector.shape_cast %sub3A_1249 : vector<16xf32> to vector<1x16xf32>
        tpu.vector_store %arg14[%swap3A_1250, %swap3A_1251], %swap3A_1254 {strides = array<i32>} : memref<32x64xf32, #tpu.memory_space<vmem>>, vector<1x16xf32>,
        %get3A_1255 = arith.index_cast %add3A_1204 : i32 to index
        %get3A_1256 = arith.index_cast %and3A_1208 : i32 to index
        %get3A_1257 = arith.constant 32 : index
        %get3A_1258 = tpu.vector_load %arg11[%get3A_1255, %get3A_1256, %get3A_1257] {strides = array<i32>} : memref<32x8x64xf32, #tpu.memory_space<vmem>>, vector<1x1x16xf32>,
        %get3A_1259 = vector.shape_cast %get3A_1258 : vector<1x1x16xf32> to vector<16xf32>
        %get3A_1260 = arith.index_cast %add3A_1204 : i32 to index
        %get3A_1261 = arith.constant 32 : index
        %get3A_1262 = tpu.vector_load %arg13[%get3A_1260, %get3A_1261] {strides = array<i32>} : memref<32x128xf32, #tpu.memory_space<vmem>>, vector<1x16xf32>,
        %get3A_1263 = vector.shape_cast %get3A_1262 : vector<1x16xf32> to vector<16xf32>
        %add3A_1264 = arith.addf %get3A_1259, %get3A_1263 : vector<16xf32>
        %get3A_1265 = arith.index_cast %add3A_1204 : i32 to index
        %get3A_1266 = arith.index_cast %and3A_1212 : i32 to index
        %get3A_1267 = arith.constant 32 : index
        %get3A_1268 = tpu.vector_load %arg12[%get3A_1265, %get3A_1266, %get3A_1267] {strides = array<i32>} : memref<32x8x64xf32, #tpu.memory_space<vmem>>, vector<1x1x16xf32>,
        %get3A_1269 = vector.shape_cast %get3A_1268 : vector<1x1x16xf32> to vector<16xf32>
        %sub3A_1270 = arith.subf %add3A_1264, %get3A_1269 : vector<16xf32>
        %swap3A_1271 = arith.index_cast %add3A_1204 : i32 to index
        %swap3A_1272 = arith.constant 32 : index
        %swap3A_1273 = tpu.vector_load %arg14[%swap3A_1271, %swap3A_1272] {strides = array<i32>} : memref<32x64xf32, #tpu.memory_space<vmem>>, vector<1x16xf32>,
        %swap3A_1274 = vector.shape_cast %swap3A_1273 : vector<1x16xf32> to vector<16xf32>
        %swap3A_1275 = vector.shape_cast %sub3A_1270 : vector<16xf32> to vector<1x16xf32>
        tpu.vector_store %arg14[%swap3A_1271, %swap3A_1272], %swap3A_1275 {strides = array<i32>} : memref<32x64xf32, #tpu.memory_space<vmem>>, vector<1x16xf32>,
        %get3A_1276 = arith.index_cast %add3A_1204 : i32 to index
        %get3A_1277 = arith.index_cast %and3A_1208 : i32 to index
        %get3A_1278 = arith.constant 48 : index
        %get3A_1279 = tpu.vector_load %arg11[%get3A_1276, %get3A_1277, %get3A_1278] {strides = array<i32>} : memref<32x8x64xf32, #tpu.memory_space<vmem>>, vector<1x1x16xf32>,
        %get3A_1280 = vector.shape_cast %get3A_1279 : vector<1x1x16xf32> to vector<16xf32>
        %get3A_1281 = arith.index_cast %add3A_1204 : i32 to index
        %get3A_1282 = arith.constant 48 : index
        %get3A_1283 = tpu.vector_load %arg13[%get3A_1281, %get3A_1282] {strides = array<i32>} : memref<32x128xf32, #tpu.memory_space<vmem>>, vector<1x16xf32>,
        %get3A_1284 = vector.shape_cast %get3A_1283 : vector<1x16xf32> to vector<16xf32>
        %add3A_1285 = arith.addf %get3A_1280, %get3A_1284 : vector<16xf32>
        %get3A_1286 = arith.index_cast %add3A_1204 : i32 to index
        %get3A_1287 = arith.index_cast %and3A_1212 : i32 to index
        %get3A_1288 = arith.constant 48 : index
        %get3A_1289 = tpu.vector_load %arg12[%get3A_1286, %get3A_1287, %get3A_1288] {strides = array<i32>} : memref<32x8x64xf32, #tpu.memory_space<vmem>>, vector<1x1x16xf32>,
        %get3A_1290 = vector.shape_cast %get3A_1289 : vector<1x1x16xf32> to vector<16xf32>
        %sub3A_1291 = arith.subf %add3A_1285, %get3A_1290 : vector<16xf32>
        %swap3A_1292 = arith.index_cast %add3A_1204 : i32 to index
        %swap3A_1293 = arith.constant 48 : index
        %swap3A_1294 = tpu.vector_load %arg14[%swap3A_1292, %swap3A_1293] {strides = array<i32>} : memref<32x64xf32, #tpu.memory_space<vmem>>, vector<1x16xf32>,
        %swap3A_1295 = vector.shape_cast %swap3A_1294 : vector<1x16xf32> to vector<16xf32>
        %swap3A_1296 = vector.shape_cast %sub3A_1291 : vector<16xf32> to vector<1x16xf32>
        tpu.vector_store %arg14[%swap3A_1292, %swap3A_1293], %swap3A_1296 {strides = array<i32>} : memref<32x64xf32, #tpu.memory_space<vmem>>, vector<1x16xf32>,
        %mul3A_1297 = arith.constant 16 : i32
        %mul3A_1298 = arith.muli %scan3A_38, %mul3A_1297 : i32
        %add3A_1299 = arith.constant 13 : i32
        %add3A_1300 = arith.addi %mul3A_1298, %add3A_1299 : i32
        %slice3A_1301 = vector.extract_strided_slice %get3A_45 {offsets = [13], sizes = [1], strides = [1]} : vector<16xi32> to vector<1xi32>
        %squeeze3A_1302 = vector.extract %slice3A_1301[0] : i32 from vector<1xi32>
        %and3A_1303 = arith.constant 7 : i32
        %and3A_1304 = arith.andi %squeeze3A_1302, %and3A_1303 : i32
        %slice3A_1305 = vector.extract_strided_slice %get3A_53 {offsets = [13], sizes = [1], strides = [1]} : vector<16xi32> to vector<1xi32>
        %squeeze3A_1306 = vector.extract %slice3A_1305[0] : i32 from vector<1xi32>
        %and3A_1307 = arith.constant 7 : i32
        %and3A_1308 = arith.andi %squeeze3A_1306, %and3A_1307 : i32
        %get3A_1309 = arith.index_cast %add3A_1300 : i32 to index
        %get3A_1310 = arith.index_cast %and3A_1304 : i32 to index
        %get3A_1311 = arith.constant 0 : index
        %get3A_1312 = tpu.vector_load %arg11[%get3A_1309, %get3A_1310, %get3A_1311] {strides = array<i32>} : memref<32x8x64xf32, #tpu.memory_space<vmem>>, vector<1x1x16xf32>,
        %get3A_1313 = vector.shape_cast %get3A_1312 : vector<1x1x16xf32> to vector<16xf32>
        %get3A_1314 = arith.index_cast %add3A_1300 : i32 to index
        %get3A_1315 = arith.constant 0 : index
        %get3A_1316 = tpu.vector_load %arg13[%get3A_1314, %get3A_1315] {strides = array<i32>} : memref<32x128xf32, #tpu.memory_space<vmem>>, vector<1x16xf32>,
        %get3A_1317 = vector.shape_cast %get3A_1316 : vector<1x16xf32> to vector<16xf32>
        %add3A_1318 = arith.addf %get3A_1313, %get3A_1317 : vector<16xf32>
        %get3A_1319 = arith.index_cast %add3A_1300 : i32 to index
        %get3A_1320 = arith.index_cast %and3A_1308 : i32 to index
        %get3A_1321 = arith.constant 0 : index
        %get3A_1322 = tpu.vector_load %arg12[%get3A_1319, %get3A_1320, %get3A_1321] {strides = array<i32>} : memref<32x8x64xf32, #tpu.memory_space<vmem>>, vector<1x1x16xf32>,
        %get3A_1323 = vector.shape_cast %get3A_1322 : vector<1x1x16xf32> to vector<16xf32>
        %sub3A_1324 = arith.subf %add3A_1318, %get3A_1323 : vector<16xf32>
        %swap3A_1325 = arith.index_cast %add3A_1300 : i32 to index
        %swap3A_1326 = arith.constant 0 : index
        %swap3A_1327 = tpu.vector_load %arg14[%swap3A_1325, %swap3A_1326] {strides = array<i32>} : memref<32x64xf32, #tpu.memory_space<vmem>>, vector<1x16xf32>,
        %swap3A_1328 = vector.shape_cast %swap3A_1327 : vector<1x16xf32> to vector<16xf32>
        %swap3A_1329 = vector.shape_cast %sub3A_1324 : vector<16xf32> to vector<1x16xf32>
        tpu.vector_store %arg14[%swap3A_1325, %swap3A_1326], %swap3A_1329 {strides = array<i32>} : memref<32x64xf32, #tpu.memory_space<vmem>>, vector<1x16xf32>,
        %get3A_1330 = arith.index_cast %add3A_1300 : i32 to index
        %get3A_1331 = arith.index_cast %and3A_1304 : i32 to index
        %get3A_1332 = arith.constant 16 : index
        %get3A_1333 = tpu.vector_load %arg11[%get3A_1330, %get3A_1331, %get3A_1332] {strides = array<i32>} : memref<32x8x64xf32, #tpu.memory_space<vmem>>, vector<1x1x16xf32>,
        %get3A_1334 = vector.shape_cast %get3A_1333 : vector<1x1x16xf32> to vector<16xf32>
        %get3A_1335 = arith.index_cast %add3A_1300 : i32 to index
        %get3A_1336 = arith.constant 16 : index
        %get3A_1337 = tpu.vector_load %arg13[%get3A_1335, %get3A_1336] {strides = array<i32>} : memref<32x128xf32, #tpu.memory_space<vmem>>, vector<1x16xf32>,
        %get3A_1338 = vector.shape_cast %get3A_1337 : vector<1x16xf32> to vector<16xf32>
        %add3A_1339 = arith.addf %get3A_1334, %get3A_1338 : vector<16xf32>
        %get3A_1340 = arith.index_cast %add3A_1300 : i32 to index
        %get3A_1341 = arith.index_cast %and3A_1308 : i32 to index
        %get3A_1342 = arith.constant 16 : index
        %get3A_1343 = tpu.vector_load %arg12[%get3A_1340, %get3A_1341, %get3A_1342] {strides = array<i32>} : memref<32x8x64xf32, #tpu.memory_space<vmem>>, vector<1x1x16xf32>,
        %get3A_1344 = vector.shape_cast %get3A_1343 : vector<1x1x16xf32> to vector<16xf32>
        %sub3A_1345 = arith.subf %add3A_1339, %get3A_1344 : vector<16xf32>
        %swap3A_1346 = arith.index_cast %add3A_1300 : i32 to index
        %swap3A_1347 = arith.constant 16 : index
        %swap3A_1348 = tpu.vector_load %arg14[%swap3A_1346, %swap3A_1347] {strides = array<i32>} : memref<32x64xf32, #tpu.memory_space<vmem>>, vector<1x16xf32>,
        %swap3A_1349 = vector.shape_cast %swap3A_1348 : vector<1x16xf32> to vector<16xf32>
        %swap3A_1350 = vector.shape_cast %sub3A_1345 : vector<16xf32> to vector<1x16xf32>
        tpu.vector_store %arg14[%swap3A_1346, %swap3A_1347], %swap3A_1350 {strides = array<i32>} : memref<32x64xf32, #tpu.memory_space<vmem>>, vector<1x16xf32>,
        %get3A_1351 = arith.index_cast %add3A_1300 : i32 to index
        %get3A_1352 = arith.index_cast %and3A_1304 : i32 to index
        %get3A_1353 = arith.constant 32 : index
        %get3A_1354 = tpu.vector_load %arg11[%get3A_1351, %get3A_1352, %get3A_1353] {strides = array<i32>} : memref<32x8x64xf32, #tpu.memory_space<vmem>>, vector<1x1x16xf32>,
        %get3A_1355 = vector.shape_cast %get3A_1354 : vector<1x1x16xf32> to vector<16xf32>
        %get3A_1356 = arith.index_cast %add3A_1300 : i32 to index
        %get3A_1357 = arith.constant 32 : index
        %get3A_1358 = tpu.vector_load %arg13[%get3A_1356, %get3A_1357] {strides = array<i32>} : memref<32x128xf32, #tpu.memory_space<vmem>>, vector<1x16xf32>,
        %get3A_1359 = vector.shape_cast %get3A_1358 : vector<1x16xf32> to vector<16xf32>
        %add3A_1360 = arith.addf %get3A_1355, %get3A_1359 : vector<16xf32>
        %get3A_1361 = arith.index_cast %add3A_1300 : i32 to index
        %get3A_1362 = arith.index_cast %and3A_1308 : i32 to index
        %get3A_1363 = arith.constant 32 : index
        %get3A_1364 = tpu.vector_load %arg12[%get3A_1361, %get3A_1362, %get3A_1363] {strides = array<i32>} : memref<32x8x64xf32, #tpu.memory_space<vmem>>, vector<1x1x16xf32>,
        %get3A_1365 = vector.shape_cast %get3A_1364 : vector<1x1x16xf32> to vector<16xf32>
        %sub3A_1366 = arith.subf %add3A_1360, %get3A_1365 : vector<16xf32>
        %swap3A_1367 = arith.index_cast %add3A_1300 : i32 to index
        %swap3A_1368 = arith.constant 32 : index
        %swap3A_1369 = tpu.vector_load %arg14[%swap3A_1367, %swap3A_1368] {strides = array<i32>} : memref<32x64xf32, #tpu.memory_space<vmem>>, vector<1x16xf32>,
        %swap3A_1370 = vector.shape_cast %swap3A_1369 : vector<1x16xf32> to vector<16xf32>
        %swap3A_1371 = vector.shape_cast %sub3A_1366 : vector<16xf32> to vector<1x16xf32>
        tpu.vector_store %arg14[%swap3A_1367, %swap3A_1368], %swap3A_1371 {strides = array<i32>} : memref<32x64xf32, #tpu.memory_space<vmem>>, vector<1x16xf32>,
        %get3A_1372 = arith.index_cast %add3A_1300 : i32 to index
        %get3A_1373 = arith.index_cast %and3A_1304 : i32 to index
        %get3A_1374 = arith.constant 48 : index
        %get3A_1375 = tpu.vector_load %arg11[%get3A_1372, %get3A_1373, %get3A_1374] {strides = array<i32>} : memref<32x8x64xf32, #tpu.memory_space<vmem>>, vector<1x1x16xf32>,
        %get3A_1376 = vector.shape_cast %get3A_1375 : vector<1x1x16xf32> to vector<16xf32>
        %get3A_1377 = arith.index_cast %add3A_1300 : i32 to index
        %get3A_1378 = arith.constant 48 : index
        %get3A_1379 = tpu.vector_load %arg13[%get3A_1377, %get3A_1378] {strides = array<i32>} : memref<32x128xf32, #tpu.memory_space<vmem>>, vector<1x16xf32>,
        %get3A_1380 = vector.shape_cast %get3A_1379 : vector<1x16xf32> to vector<16xf32>
        %add3A_1381 = arith.addf %get3A_1376, %get3A_1380 : vector<16xf32>
        %get3A_1382 = arith.index_cast %add3A_1300 : i32 to index
        %get3A_1383 = arith.index_cast %and3A_1308 : i32 to index
        %get3A_1384 = arith.constant 48 : index
        %get3A_1385 = tpu.vector_load %arg12[%get3A_1382, %get3A_1383, %get3A_1384] {strides = array<i32>} : memref<32x8x64xf32, #tpu.memory_space<vmem>>, vector<1x1x16xf32>,
        %get3A_1386 = vector.shape_cast %get3A_1385 : vector<1x1x16xf32> to vector<16xf32>
        %sub3A_1387 = arith.subf %add3A_1381, %get3A_1386 : vector<16xf32>
        %swap3A_1388 = arith.index_cast %add3A_1300 : i32 to index
        %swap3A_1389 = arith.constant 48 : index
        %swap3A_1390 = tpu.vector_load %arg14[%swap3A_1388, %swap3A_1389] {strides = array<i32>} : memref<32x64xf32, #tpu.memory_space<vmem>>, vector<1x16xf32>,
        %swap3A_1391 = vector.shape_cast %swap3A_1390 : vector<1x16xf32> to vector<16xf32>
        %swap3A_1392 = vector.shape_cast %sub3A_1387 : vector<16xf32> to vector<1x16xf32>
        tpu.vector_store %arg14[%swap3A_1388, %swap3A_1389], %swap3A_1392 {strides = array<i32>} : memref<32x64xf32, #tpu.memory_space<vmem>>, vector<1x16xf32>,
        %mul3A_1393 = arith.constant 16 : i32
        %mul3A_1394 = arith.muli %scan3A_38, %mul3A_1393 : i32
        %add3A_1395 = arith.constant 14 : i32
        %add3A_1396 = arith.addi %mul3A_1394, %add3A_1395 : i32
        %slice3A_1397 = vector.extract_strided_slice %get3A_45 {offsets = [14], sizes = [1], strides = [1]} : vector<16xi32> to vector<1xi32>
        %squeeze3A_1398 = vector.extract %slice3A_1397[0] : i32 from vector<1xi32>
        %and3A_1399 = arith.constant 7 : i32
        %and3A_1400 = arith.andi %squeeze3A_1398, %and3A_1399 : i32
        %slice3A_1401 = vector.extract_strided_slice %get3A_53 {offsets = [14], sizes = [1], strides = [1]} : vector<16xi32> to vector<1xi32>
        %squeeze3A_1402 = vector.extract %slice3A_1401[0] : i32 from vector<1xi32>
        %and3A_1403 = arith.constant 7 : i32
        %and3A_1404 = arith.andi %squeeze3A_1402, %and3A_1403 : i32
        %get3A_1405 = arith.index_cast %add3A_1396 : i32 to index
        %get3A_1406 = arith.index_cast %and3A_1400 : i32 to index
        %get3A_1407 = arith.constant 0 : index
        %get3A_1408 = tpu.vector_load %arg11[%get3A_1405, %get3A_1406, %get3A_1407] {strides = array<i32>} : memref<32x8x64xf32, #tpu.memory_space<vmem>>, vector<1x1x16xf32>,
        %get3A_1409 = vector.shape_cast %get3A_1408 : vector<1x1x16xf32> to vector<16xf32>
        %get3A_1410 = arith.index_cast %add3A_1396 : i32 to index
        %get3A_1411 = arith.constant 0 : index
        %get3A_1412 = tpu.vector_load %arg13[%get3A_1410, %get3A_1411] {strides = array<i32>} : memref<32x128xf32, #tpu.memory_space<vmem>>, vector<1x16xf32>,
        %get3A_1413 = vector.shape_cast %get3A_1412 : vector<1x16xf32> to vector<16xf32>
        %add3A_1414 = arith.addf %get3A_1409, %get3A_1413 : vector<16xf32>
        %get3A_1415 = arith.index_cast %add3A_1396 : i32 to index
        %get3A_1416 = arith.index_cast %and3A_1404 : i32 to index
        %get3A_1417 = arith.constant 0 : index
        %get3A_1418 = tpu.vector_load %arg12[%get3A_1415, %get3A_1416, %get3A_1417] {strides = array<i32>} : memref<32x8x64xf32, #tpu.memory_space<vmem>>, vector<1x1x16xf32>,
        %get3A_1419 = vector.shape_cast %get3A_1418 : vector<1x1x16xf32> to vector<16xf32>
        %sub3A_1420 = arith.subf %add3A_1414, %get3A_1419 : vector<16xf32>
        %swap3A_1421 = arith.index_cast %add3A_1396 : i32 to index
        %swap3A_1422 = arith.constant 0 : index
        %swap3A_1423 = tpu.vector_load %arg14[%swap3A_1421, %swap3A_1422] {strides = array<i32>} : memref<32x64xf32, #tpu.memory_space<vmem>>, vector<1x16xf32>,
        %swap3A_1424 = vector.shape_cast %swap3A_1423 : vector<1x16xf32> to vector<16xf32>
        %swap3A_1425 = vector.shape_cast %sub3A_1420 : vector<16xf32> to vector<1x16xf32>
        tpu.vector_store %arg14[%swap3A_1421, %swap3A_1422], %swap3A_1425 {strides = array<i32>} : memref<32x64xf32, #tpu.memory_space<vmem>>, vector<1x16xf32>,
        %get3A_1426 = arith.index_cast %add3A_1396 : i32 to index
        %get3A_1427 = arith.index_cast %and3A_1400 : i32 to index
        %get3A_1428 = arith.constant 16 : index
        %get3A_1429 = tpu.vector_load %arg11[%get3A_1426, %get3A_1427, %get3A_1428] {strides = array<i32>} : memref<32x8x64xf32, #tpu.memory_space<vmem>>, vector<1x1x16xf32>,
        %get3A_1430 = vector.shape_cast %get3A_1429 : vector<1x1x16xf32> to vector<16xf32>
        %get3A_1431 = arith.index_cast %add3A_1396 : i32 to index
        %get3A_1432 = arith.constant 16 : index
        %get3A_1433 = tpu.vector_load %arg13[%get3A_1431, %get3A_1432] {strides = array<i32>} : memref<32x128xf32, #tpu.memory_space<vmem>>, vector<1x16xf32>,
        %get3A_1434 = vector.shape_cast %get3A_1433 : vector<1x16xf32> to vector<16xf32>
        %add3A_1435 = arith.addf %get3A_1430, %get3A_1434 : vector<16xf32>
        %get3A_1436 = arith.index_cast %add3A_1396 : i32 to index
        %get3A_1437 = arith.index_cast %and3A_1404 : i32 to index
        %get3A_1438 = arith.constant 16 : index
        %get3A_1439 = tpu.vector_load %arg12[%get3A_1436, %get3A_1437, %get3A_1438] {strides = array<i32>} : memref<32x8x64xf32, #tpu.memory_space<vmem>>, vector<1x1x16xf32>,
        %get3A_1440 = vector.shape_cast %get3A_1439 : vector<1x1x16xf32> to vector<16xf32>
        %sub3A_1441 = arith.subf %add3A_1435, %get3A_1440 : vector<16xf32>
        %swap3A_1442 = arith.index_cast %add3A_1396 : i32 to index
        %swap3A_1443 = arith.constant 16 : index
        %swap3A_1444 = tpu.vector_load %arg14[%swap3A_1442, %swap3A_1443] {strides = array<i32>} : memref<32x64xf32, #tpu.memory_space<vmem>>, vector<1x16xf32>,
        %swap3A_1445 = vector.shape_cast %swap3A_1444 : vector<1x16xf32> to vector<16xf32>
        %swap3A_1446 = vector.shape_cast %sub3A_1441 : vector<16xf32> to vector<1x16xf32>
        tpu.vector_store %arg14[%swap3A_1442, %swap3A_1443], %swap3A_1446 {strides = array<i32>} : memref<32x64xf32, #tpu.memory_space<vmem>>, vector<1x16xf32>,
        %get3A_1447 = arith.index_cast %add3A_1396 : i32 to index
        %get3A_1448 = arith.index_cast %and3A_1400 : i32 to index
        %get3A_1449 = arith.constant 32 : index
        %get3A_1450 = tpu.vector_load %arg11[%get3A_1447, %get3A_1448, %get3A_1449] {strides = array<i32>} : memref<32x8x64xf32, #tpu.memory_space<vmem>>, vector<1x1x16xf32>,
        %get3A_1451 = vector.shape_cast %get3A_1450 : vector<1x1x16xf32> to vector<16xf32>
        %get3A_1452 = arith.index_cast %add3A_1396 : i32 to index
        %get3A_1453 = arith.constant 32 : index
        %get3A_1454 = tpu.vector_load %arg13[%get3A_1452, %get3A_1453] {strides = array<i32>} : memref<32x128xf32, #tpu.memory_space<vmem>>, vector<1x16xf32>,
        %get3A_1455 = vector.shape_cast %get3A_1454 : vector<1x16xf32> to vector<16xf32>
        %add3A_1456 = arith.addf %get3A_1451, %get3A_1455 : vector<16xf32>
        %get3A_1457 = arith.index_cast %add3A_1396 : i32 to index
        %get3A_1458 = arith.index_cast %and3A_1404 : i32 to index
        %get3A_1459 = arith.constant 32 : index
        %get3A_1460 = tpu.vector_load %arg12[%get3A_1457, %get3A_1458, %get3A_1459] {strides = array<i32>} : memref<32x8x64xf32, #tpu.memory_space<vmem>>, vector<1x1x16xf32>,
        %get3A_1461 = vector.shape_cast %get3A_1460 : vector<1x1x16xf32> to vector<16xf32>
        %sub3A_1462 = arith.subf %add3A_1456, %get3A_1461 : vector<16xf32>
        %swap3A_1463 = arith.index_cast %add3A_1396 : i32 to index
        %swap3A_1464 = arith.constant 32 : index
        %swap3A_1465 = tpu.vector_load %arg14[%swap3A_1463, %swap3A_1464] {strides = array<i32>} : memref<32x64xf32, #tpu.memory_space<vmem>>, vector<1x16xf32>,
        %swap3A_1466 = vector.shape_cast %swap3A_1465 : vector<1x16xf32> to vector<16xf32>
        %swap3A_1467 = vector.shape_cast %sub3A_1462 : vector<16xf32> to vector<1x16xf32>
        tpu.vector_store %arg14[%swap3A_1463, %swap3A_1464], %swap3A_1467 {strides = array<i32>} : memref<32x64xf32, #tpu.memory_space<vmem>>, vector<1x16xf32>,
        %get3A_1468 = arith.index_cast %add3A_1396 : i32 to index
        %get3A_1469 = arith.index_cast %and3A_1400 : i32 to index
        %get3A_1470 = arith.constant 48 : index
        %get3A_1471 = tpu.vector_load %arg11[%get3A_1468, %get3A_1469, %get3A_1470] {strides = array<i32>} : memref<32x8x64xf32, #tpu.memory_space<vmem>>, vector<1x1x16xf32>,
        %get3A_1472 = vector.shape_cast %get3A_1471 : vector<1x1x16xf32> to vector<16xf32>
        %get3A_1473 = arith.index_cast %add3A_1396 : i32 to index
        %get3A_1474 = arith.constant 48 : index
        %get3A_1475 = tpu.vector_load %arg13[%get3A_1473, %get3A_1474] {strides = array<i32>} : memref<32x128xf32, #tpu.memory_space<vmem>>, vector<1x16xf32>,
        %get3A_1476 = vector.shape_cast %get3A_1475 : vector<1x16xf32> to vector<16xf32>
        %add3A_1477 = arith.addf %get3A_1472, %get3A_1476 : vector<16xf32>
        %get3A_1478 = arith.index_cast %add3A_1396 : i32 to index
        %get3A_1479 = arith.index_cast %and3A_1404 : i32 to index
        %get3A_1480 = arith.constant 48 : index
        %get3A_1481 = tpu.vector_load %arg12[%get3A_1478, %get3A_1479, %get3A_1480] {strides = array<i32>} : memref<32x8x64xf32, #tpu.memory_space<vmem>>, vector<1x1x16xf32>,
        %get3A_1482 = vector.shape_cast %get3A_1481 : vector<1x1x16xf32> to vector<16xf32>
        %sub3A_1483 = arith.subf %add3A_1477, %get3A_1482 : vector<16xf32>
        %swap3A_1484 = arith.index_cast %add3A_1396 : i32 to index
        %swap3A_1485 = arith.constant 48 : index
        %swap3A_1486 = tpu.vector_load %arg14[%swap3A_1484, %swap3A_1485] {strides = array<i32>} : memref<32x64xf32, #tpu.memory_space<vmem>>, vector<1x16xf32>,
        %swap3A_1487 = vector.shape_cast %swap3A_1486 : vector<1x16xf32> to vector<16xf32>
        %swap3A_1488 = vector.shape_cast %sub3A_1483 : vector<16xf32> to vector<1x16xf32>
        tpu.vector_store %arg14[%swap3A_1484, %swap3A_1485], %swap3A_1488 {strides = array<i32>} : memref<32x64xf32, #tpu.memory_space<vmem>>, vector<1x16xf32>,
        %mul3A_1489 = arith.constant 16 : i32
        %mul3A_1490 = arith.muli %scan3A_38, %mul3A_1489 : i32
        %add3A_1491 = arith.constant 15 : i32
        %add3A_1492 = arith.addi %mul3A_1490, %add3A_1491 : i32
        %slice3A_1493 = vector.extract_strided_slice %get3A_45 {offsets = [15], sizes = [1], strides = [1]} : vector<16xi32> to vector<1xi32>
        %squeeze3A_1494 = vector.extract %slice3A_1493[0] : i32 from vector<1xi32>
        %and3A_1495 = arith.constant 7 : i32
        %and3A_1496 = arith.andi %squeeze3A_1494, %and3A_1495 : i32
        %slice3A_1497 = vector.extract_strided_slice %get3A_53 {offsets = [15], sizes = [1], strides = [1]} : vector<16xi32> to vector<1xi32>
        %squeeze3A_1498 = vector.extract %slice3A_1497[0] : i32 from vector<1xi32>
        %and3A_1499 = arith.constant 7 : i32
        %and3A_1500 = arith.andi %squeeze3A_1498, %and3A_1499 : i32
        %get3A_1501 = arith.index_cast %add3A_1492 : i32 to index
        %get3A_1502 = arith.index_cast %and3A_1496 : i32 to index
        %get3A_1503 = arith.constant 0 : index
        %get3A_1504 = tpu.vector_load %arg11[%get3A_1501, %get3A_1502, %get3A_1503] {strides = array<i32>} : memref<32x8x64xf32, #tpu.memory_space<vmem>>, vector<1x1x16xf32>,
        %get3A_1505 = vector.shape_cast %get3A_1504 : vector<1x1x16xf32> to vector<16xf32>
        %get3A_1506 = arith.index_cast %add3A_1492 : i32 to index
        %get3A_1507 = arith.constant 0 : index
        %get3A_1508 = tpu.vector_load %arg13[%get3A_1506, %get3A_1507] {strides = array<i32>} : memref<32x128xf32, #tpu.memory_space<vmem>>, vector<1x16xf32>,
        %get3A_1509 = vector.shape_cast %get3A_1508 : vector<1x16xf32> to vector<16xf32>
        %add3A_1510 = arith.addf %get3A_1505, %get3A_1509 : vector<16xf32>
        %get3A_1511 = arith.index_cast %add3A_1492 : i32 to index
        %get3A_1512 = arith.index_cast %and3A_1500 : i32 to index
        %get3A_1513 = arith.constant 0 : index
        %get3A_1514 = tpu.vector_load %arg12[%get3A_1511, %get3A_1512, %get3A_1513] {strides = array<i32>} : memref<32x8x64xf32, #tpu.memory_space<vmem>>, vector<1x1x16xf32>,
        %get3A_1515 = vector.shape_cast %get3A_1514 : vector<1x1x16xf32> to vector<16xf32>
        %sub3A_1516 = arith.subf %add3A_1510, %get3A_1515 : vector<16xf32>
        %swap3A_1517 = arith.index_cast %add3A_1492 : i32 to index
        %swap3A_1518 = arith.constant 0 : index
        %swap3A_1519 = tpu.vector_load %arg14[%swap3A_1517, %swap3A_1518] {strides = array<i32>} : memref<32x64xf32, #tpu.memory_space<vmem>>, vector<1x16xf32>,
        %swap3A_1520 = vector.shape_cast %swap3A_1519 : vector<1x16xf32> to vector<16xf32>
        %swap3A_1521 = vector.shape_cast %sub3A_1516 : vector<16xf32> to vector<1x16xf32>
        tpu.vector_store %arg14[%swap3A_1517, %swap3A_1518], %swap3A_1521 {strides = array<i32>} : memref<32x64xf32, #tpu.memory_space<vmem>>, vector<1x16xf32>,
        %get3A_1522 = arith.index_cast %add3A_1492 : i32 to index
        %get3A_1523 = arith.index_cast %and3A_1496 : i32 to index
        %get3A_1524 = arith.constant 16 : index
        %get3A_1525 = tpu.vector_load %arg11[%get3A_1522, %get3A_1523, %get3A_1524] {strides = array<i32>} : memref<32x8x64xf32, #tpu.memory_space<vmem>>, vector<1x1x16xf32>,
        %get3A_1526 = vector.shape_cast %get3A_1525 : vector<1x1x16xf32> to vector<16xf32>
        %get3A_1527 = arith.index_cast %add3A_1492 : i32 to index
        %get3A_1528 = arith.constant 16 : index
        %get3A_1529 = tpu.vector_load %arg13[%get3A_1527, %get3A_1528] {strides = array<i32>} : memref<32x128xf32, #tpu.memory_space<vmem>>, vector<1x16xf32>,
        %get3A_1530 = vector.shape_cast %get3A_1529 : vector<1x16xf32> to vector<16xf32>
        %add3A_1531 = arith.addf %get3A_1526, %get3A_1530 : vector<16xf32>
        %get3A_1532 = arith.index_cast %add3A_1492 : i32 to index
        %get3A_1533 = arith.index_cast %and3A_1500 : i32 to index
        %get3A_1534 = arith.constant 16 : index
        %get3A_1535 = tpu.vector_load %arg12[%get3A_1532, %get3A_1533, %get3A_1534] {strides = array<i32>} : memref<32x8x64xf32, #tpu.memory_space<vmem>>, vector<1x1x16xf32>,
        %get3A_1536 = vector.shape_cast %get3A_1535 : vector<1x1x16xf32> to vector<16xf32>
        %sub3A_1537 = arith.subf %add3A_1531, %get3A_1536 : vector<16xf32>
        %swap3A_1538 = arith.index_cast %add3A_1492 : i32 to index
        %swap3A_1539 = arith.constant 16 : index
        %swap3A_1540 = tpu.vector_load %arg14[%swap3A_1538, %swap3A_1539] {strides = array<i32>} : memref<32x64xf32, #tpu.memory_space<vmem>>, vector<1x16xf32>,
        %swap3A_1541 = vector.shape_cast %swap3A_1540 : vector<1x16xf32> to vector<16xf32>
        %swap3A_1542 = vector.shape_cast %sub3A_1537 : vector<16xf32> to vector<1x16xf32>
        tpu.vector_store %arg14[%swap3A_1538, %swap3A_1539], %swap3A_1542 {strides = array<i32>} : memref<32x64xf32, #tpu.memory_space<vmem>>, vector<1x16xf32>,
        %get3A_1543 = arith.index_cast %add3A_1492 : i32 to index
        %get3A_1544 = arith.index_cast %and3A_1496 : i32 to index
        %get3A_1545 = arith.constant 32 : index
        %get3A_1546 = tpu.vector_load %arg11[%get3A_1543, %get3A_1544, %get3A_1545] {strides = array<i32>} : memref<32x8x64xf32, #tpu.memory_space<vmem>>, vector<1x1x16xf32>,
        %get3A_1547 = vector.shape_cast %get3A_1546 : vector<1x1x16xf32> to vector<16xf32>
        %get3A_1548 = arith.index_cast %add3A_1492 : i32 to index
        %get3A_1549 = arith.constant 32 : index
        %get3A_1550 = tpu.vector_load %arg13[%get3A_1548, %get3A_1549] {strides = array<i32>} : memref<32x128xf32, #tpu.memory_space<vmem>>, vector<1x16xf32>,
        %get3A_1551 = vector.shape_cast %get3A_1550 : vector<1x16xf32> to vector<16xf32>
        %add3A_1552 = arith.addf %get3A_1547, %get3A_1551 : vector<16xf32>
        %get3A_1553 = arith.index_cast %add3A_1492 : i32 to index
        %get3A_1554 = arith.index_cast %and3A_1500 : i32 to index
        %get3A_1555 = arith.constant 32 : index
        %get3A_1556 = tpu.vector_load %arg12[%get3A_1553, %get3A_1554, %get3A_1555] {strides = array<i32>} : memref<32x8x64xf32, #tpu.memory_space<vmem>>, vector<1x1x16xf32>,
        %get3A_1557 = vector.shape_cast %get3A_1556 : vector<1x1x16xf32> to vector<16xf32>
        %sub3A_1558 = arith.subf %add3A_1552, %get3A_1557 : vector<16xf32>
        %swap3A_1559 = arith.index_cast %add3A_1492 : i32 to index
        %swap3A_1560 = arith.constant 32 : index
        %swap3A_1561 = tpu.vector_load %arg14[%swap3A_1559, %swap3A_1560] {strides = array<i32>} : memref<32x64xf32, #tpu.memory_space<vmem>>, vector<1x16xf32>,
        %swap3A_1562 = vector.shape_cast %swap3A_1561 : vector<1x16xf32> to vector<16xf32>
        %swap3A_1563 = vector.shape_cast %sub3A_1558 : vector<16xf32> to vector<1x16xf32>
        tpu.vector_store %arg14[%swap3A_1559, %swap3A_1560], %swap3A_1563 {strides = array<i32>} : memref<32x64xf32, #tpu.memory_space<vmem>>, vector<1x16xf32>,
        %get3A_1564 = arith.index_cast %add3A_1492 : i32 to index
        %get3A_1565 = arith.index_cast %and3A_1496 : i32 to index
        %get3A_1566 = arith.constant 48 : index
        %get3A_1567 = tpu.vector_load %arg11[%get3A_1564, %get3A_1565, %get3A_1566] {strides = array<i32>} : memref<32x8x64xf32, #tpu.memory_space<vmem>>, vector<1x1x16xf32>,
        %get3A_1568 = vector.shape_cast %get3A_1567 : vector<1x1x16xf32> to vector<16xf32>
        %get3A_1569 = arith.index_cast %add3A_1492 : i32 to index
        %get3A_1570 = arith.constant 48 : index
        %get3A_1571 = tpu.vector_load %arg13[%get3A_1569, %get3A_1570] {strides = array<i32>} : memref<32x128xf32, #tpu.memory_space<vmem>>, vector<1x16xf32>,
        %get3A_1572 = vector.shape_cast %get3A_1571 : vector<1x16xf32> to vector<16xf32>
        %add3A_1573 = arith.addf %get3A_1568, %get3A_1572 : vector<16xf32>
        %get3A_1574 = arith.index_cast %add3A_1492 : i32 to index
        %get3A_1575 = arith.index_cast %and3A_1500 : i32 to index
        %get3A_1576 = arith.constant 48 : index
        %get3A_1577 = tpu.vector_load %arg12[%get3A_1574, %get3A_1575, %get3A_1576] {strides = array<i32>} : memref<32x8x64xf32, #tpu.memory_space<vmem>>, vector<1x1x16xf32>,
        %get3A_1578 = vector.shape_cast %get3A_1577 : vector<1x1x16xf32> to vector<16xf32>
        %sub3A_1579 = arith.subf %add3A_1573, %get3A_1578 : vector<16xf32>
        %swap3A_1580 = arith.index_cast %add3A_1492 : i32 to index
        %swap3A_1581 = arith.constant 48 : index
        %swap3A_1582 = tpu.vector_load %arg14[%swap3A_1580, %swap3A_1581] {strides = array<i32>} : memref<32x64xf32, #tpu.memory_space<vmem>>, vector<1x16xf32>,
        %swap3A_1583 = vector.shape_cast %swap3A_1582 : vector<1x16xf32> to vector<16xf32>
        %swap3A_1584 = vector.shape_cast %sub3A_1579 : vector<16xf32> to vector<1x16xf32>
        tpu.vector_store %arg14[%swap3A_1580, %swap3A_1581], %swap3A_1584 {strides = array<i32>} : memref<32x64xf32, #tpu.memory_space<vmem>>, vector<1x16xf32>,
      }
      %scan3A_34 = arith.constant 2 : i32
      %mul3A_35 = arith.constant 32 : i32
      %mul3A_36 = arith.muli %scan3A_9, %mul3A_35 : i32
      %add3A_37 = arith.addi %mul3A_2, %mul3A_36 : i32
      "tpu.region"() ({
        %run_scoped3A = tpu.sem_alloc : memref<!tpu.dma_semaphore, #tpu.memory_space<semaphore_mem>>
        %dma_start3A_38 = arith.constant 0 : i32
        %dma_start3A_39 = tpu.memref_slice %arg7[%add3A_37, %dma_start3A_38] : memref<16384x64xf32, #tpu.memory_space<hbm>> -> memref<32x64xf32, #tpu.memory_space<hbm>>
        %dma_start3A_40 = arith.constant 0 : i32
        %dma_start3A_41 = tpu.memref_slice %arg7[%add3A_37, %dma_start3A_40] : memref<16384x64xf32, #tpu.memory_space<hbm>> -> memref<32x64xf32, #tpu.memory_space<hbm>>
        tpu.enqueue_dma source(%arg14 : memref<32x64xf32, #tpu.memory_space<vmem>>) target(%dma_start3A_41 : memref<32x64xf32, #tpu.memory_space<hbm>>) target_semaphore(%run_scoped3A : memref<!tpu.dma_semaphore, #tpu.memory_space<semaphore_mem>>)
        %dma_wait3A_42 = arith.constant 0 : i32
        %dma_wait3A_43 = tpu.memref_slice %arg7[%add3A_37, %dma_wait3A_42] : memref<16384x64xf32, #tpu.memory_space<hbm>> -> memref<32x64xf32, #tpu.memory_space<hbm>>
        %dma_wait3A_44 = arith.constant 0 : i32
        %dma_wait3A_45 = tpu.memref_slice %arg7[%add3A_37, %dma_wait3A_44] : memref<16384x64xf32, #tpu.memory_space<hbm>> -> memref<32x64xf32, #tpu.memory_space<hbm>>
        tpu.wait_dma2 semaphore(%run_scoped3A : memref<!tpu.dma_semaphore, #tpu.memory_space<semaphore_mem>>) src(%arg14 : memref<32x64xf32, #tpu.memory_space<vmem>>) dst(%dma_wait3A_45 : memref<32x64xf32, #tpu.memory_space<hbm>>)
        tpu.yield
      }) : () -> ()
    }
    %scan3A_8 = arith.constant 16 : i32
    return
  }
}

</mosaic_0001>

<sc_bundles>
// kernel: kernel.3.cloned.1.call-start
scs
__scs_entry_jumppad:
0x0: {  	(pc) =	sbr.rel $0x88, $3  }
0x1: {  	(tag) =	ssettag $0x0;
	lr =	simm.s32 $0x1  }
0x2: {  	[smem:$0x3F9C] =	sst lr;
	_ =	strace $0xD0000000  }
0x3: {  	_ = 	snop  }
0x4: {  	_ = 	snop  }
0x5: {  	_ = 	snop  }
0x6: {  	_ = 	snop  }
0x7: {  	_ = 	snop  }
__scs_overlays_trampoline_lowered:
0x8: {  	[smem:$0x3FAB] =	sst s0  }
0x9: {  	[smem:$0x3FAC] =	sst s1  }
0xa: {  	[smem:$0x3FAD] =	sst s2  }
0xb: {  	[smem:$0x3FAE] =	sst s3  }
0xc: {  	[smem:$0x3FAF] =	sst s4  }
0xd: {  	[smem:$0x3FB0] =	sst s5  }
0xe: {  	[smem:$0x3FB1] =	sst s6  }
0xf: {  	[smem:$0x3FB2] =	sst s7  }
0x10: {  	[smem:$0x3FB3] =	sst s8  }
0x11: {  	[smem:$0x3FB4] =	sst s9;
	s0 =	simm.s32 @!p0 $0x0  }
0x12: {  	s1 =	sld [smem:$0x3F9A];
	s0 =	simm.s32 @p0 $0x1  }
0x13: {  	[smem:$0x3FB5] =	sst s0;
	s0 =	simm.s32 @!p1 $0x0  }
0x14: {  	s2 =	sld [smem:$0x3F99];
	s0 =	simm.s32 @p1 $0x1  }
0x15: {  	[smem:$0x3FB6] =	sst s0;
	s0 =	simm.s32 @!p2 $0x0  }
0x16: {  	s3 =	sld [smem:$0x3FDB];
	s0 =	simm.s32 @p2 $0x1  }
0x17: {  	s4 =	simm.s32 $0x1BF5;
	[smem:$0x3FB8] =	sst s0  }
0x18: {  	s0 =	sld [smem:$0x3F9B];
	_ =	swait.ge [sflag:s4], $0x0  }
0x19: {  	s7 =	sld [smem:$0x3F9C]  }
0x1a: {  	s8 =	sadd.s32 $0xFFFFE003, lr  }
0x1b: {  	s9 =	sadd.s32 $0xFFFFFEF7, lr;
	s5 =	simm.s32 $0xFFFFFFFF;
	p2 =	slt.u32 s8, $0xFFFFF086  }
0x1c: {  	p1 =	slt.u32 s9, $0xF7A;
	s5 =	simm.s32 @!p2 $0x0  }
0x1d: {  	s5 =	simm.s32 @p1 $0x1;
	p0 =	seq.s32 s7, s2  }
0x1e: {  	s7 =	smul.u32 @!p0 $0xF7A, s2;
	p2 =	seq.s32 @!p0 s5, $0x0  }
0x1f: {  	s9 =	smul.u32 $0xF7A, s1;
	s8 =	simm.s32 @!p0 $0x1BF5;
	p2 =	por !p2, p0  }
0x20: {  	[sflag:s8] =	ssyncset.s32 @!p0 $0xFFFFF086;
	s6 =	sadd.s32 @!p0 s3, s7;
	s7 =	simm.s32 @!p0 $0x108  }
0x21: {  	s3 =	sadd.s32 s3, s9;
	s6 =	sadd.s32 @!p0 $0x88, s6;
	s7 =	simm.s32 @p2 $0x1082  }
0x22: {  	[simem:s7], [sflag:s8] =	dma.local @!p0 [hbm:s6], $0xF7A  }
0x23: {  	s9 =	sor.u32 $0xD0000000, s2;
	s6 =	simm.s32 $0x108;
	_ =	swait.ge @!p0 [sflag:s8], $0x0  }
0x24: {  	s3 =	sadd.s32 $0x88, s3;
	s6 =	simm.s32 @!p1 $0x1082;
	[sflag:s4] =	ssyncset.s32 $0xFFFFF086  }
0x25: {  	[simem:s6], [sflag:s4] =	dma.local [hbm:s3], $0xF7A  }
0x26: {  	[smem:$0x3F9C] =	sst s1;
	(tag) =	ssettag s2;
	_ =	strace s9  }
0x27: {  	s1 =	sld [smem:$0x3FAC]  }
0x28: {  	s2 =	sld [smem:$0x3FAD]  }
0x29: {  	s4 =	sld [smem:$0x3FAF]  }
0x2a: {  	p0 =	seq.s32 s5, $0x0;
	s5 =	sld [smem:$0x3FB0]  }
0x2b: {  	s6 =	sld [smem:$0x3FB1]  }
0x2c: {  	s7 =	sld [smem:$0x3FB2]  }
0x2d: {  	s3 =	simm.s32 $0x108;
	s8 =	sld [smem:$0x3FB3]  }
0x2e: {  	s3 =	simm.s32 @!p0 $0x1082;
	s9 =	sld [smem:$0x3FB4]  }
0x2f: {  	lr =	sadd.s32 s0, s3;
	s0 =	sld [smem:$0x3FAB]  }
0x30: {  	s3 =	sld [smem:$0x3FAE]  }
0x31: {  	[smem:$0x3FB7] =	sst s10  }
0x32: {  	s10 =	sld [smem:$0x3FB5];
	_ =	sdelay $0x3  }
0x33: {  	p0 =	seq.s32 s10, $0x1;
	s10 =	sld [smem:$0x3FB7];
	_ =	sdelay $0x3  }
0x34: {  	[smem:$0x3FB7] =	sst s10  }
0x35: {  	s10 =	sld [smem:$0x3FB6];
	_ =	sdelay $0x3  }
0x36: {  	p1 =	seq.s32 s10, $0x1;
	s10 =	sld [smem:$0x3FB7];
	_ =	sdelay $0x3  }
0x37: {  	[smem:$0x3FB7] =	sst s10  }
0x38: {  	s10 =	sld [smem:$0x3FB8]  }
0x39: {  	_ = 	snop;
	(pc) =	sbr.ind lr, $3  }
0x3a: {  	_ = 	snop  }
0x3b: {  	_ = 	snop  }
0x3c: {  	p2 =	seq.s32 s10, $0x1;
	s10 =	sld [smem:$0x3FB7]  }
0x3d: {  	_ =	shalt  }
0x3e: {  	_ =	shalt  }
0x3f: {  	_ =	shalt  }
0x40: {  	_ =	shalt  }
0x41: {  	_ =	shalt  }
0x42: {  	_ =	shalt  }
0x43: {  	_ =	shalt  }
0x44: {  	_ =	shalt  }
0x45: {  	_ =	shalt  }
0x46: {  	_ =	shalt  }
0x47: {  	_ =	shalt  }
0x48: {  	_ =	shalt  }
0x49: {  	_ =	shalt  }
0x4a: {  	_ =	shalt  }
0x4b: {  	_ =	shalt  }
0x4c: {  	_ =	shalt  }
0x4d: {  	_ =	shalt  }
0x4e: {  	_ =	shalt  }
0x4f: {  	_ =	shalt  }
0x50: {  	_ =	shalt  }
0x51: {  	_ =	shalt  }
0x52: {  	_ =	shalt  }
0x53: {  	_ =	shalt  }
0x54: {  	_ =	shalt  }
0x55: {  	_ =	shalt  }
0x56: {  	_ =	shalt  }
0x57: {  	_ =	shalt  }
0x58: {  	_ =	shalt  }
0x59: {  	_ =	shalt  }
0x5a: {  	_ =	shalt  }
0x5b: {  	_ =	shalt  }
0x5c: {  	_ =	shalt  }
0x5d: {  	_ =	shalt  }
0x5e: {  	_ =	shalt  }
0x5f: {  	_ =	shalt  }
0x60: {  	_ =	shalt  }
0x61: {  	_ =	shalt  }
0x62: {  	_ =	shalt  }
0x63: {  	_ =	shalt  }
0x64: {  	_ =	shalt  }
0x65: {  	_ =	shalt  }
0x66: {  	_ =	shalt  }
0x67: {  	_ =	shalt  }
0x68: {  	_ =	shalt  }
0x69: {  	_ =	shalt  }
0x6a: {  	_ =	shalt  }
0x6b: {  	_ =	shalt  }
0x6c: {  	_ =	shalt  }
0x6d: {  	_ =	shalt  }
0x6e: {  	_ =	shalt  }
0x6f: {  	_ =	shalt  }
0x70: {  	_ =	shalt  }
0x71: {  	_ =	shalt  }
0x72: {  	_ =	shalt  }
0x73: {  	_ =	shalt  }
0x74: {  	_ =	shalt  }
0x75: {  	_ =	shalt  }
0x76: {  	_ =	shalt  }
0x77: {  	_ =	shalt  }
0x78: {  	_ =	shalt  }
0x79: {  	_ =	shalt  }
0x7a: {  	_ =	shalt  }
0x7b: {  	_ =	shalt  }
0x7c: {  	_ =	shalt  }
0x7d: {  	_ =	shalt  }
0x7e: {  	_ =	shalt  }
0x7f: {  	_ =	shalt  }
0x80: {  	_ =	shalt  }
0x81: {  	_ =	shalt  }
0x82: {  	_ =	shalt  }
0x83: {  	_ =	shalt  }
0x84: {  	_ =	shalt  }
0x85: {  	_ =	shalt  }
0x86: {  	_ =	shalt  }
0x87: {  	_ =	shalt  }
.Lfunc_end0:
.L_simem_size_0:
called_computation_lowered:
.L_overlay_start_0:
0x88: {  	s2 =	sld [smem:$0x3FD9]  }
0x89: {  	s3 =	sld [smem:$0x3FFE];
	_ =	sdelay $0x1  }
0x8a: {  	s1 =	srdreg.scid  }
0x8b: {  	s0 =	sand.u32 $0x1, s1  }
0x8c: {  	s17 =	sshll.u32 s0, $0xA;
	s2 =	sadd.s32 s3, s2  }
0x8d: {  	s2 =	sadd.s32 s2, s17  }
0x8e: {  	[smem:$0x3FC3] =	sst s2  }
0x8f: {  	_ = 	snop  }
0x90: {  	s2 =	sld [smem:$0x3FC9]  }
0x91: {  	s18 =	sld [smem:$0x3FC7]  }
0x92: {  	s4 =	sld [smem:$0x3FD0];
	(tm) =	ssettm $0x1  }
0x93: {  	s5 =	sld [smem:$0x3FFB];
	_ =	sdelay $0x3  }
0x94: {  	_ =	strace s5  }
0x95: {  	s5 =	sld [smem:$0x3FFC];
	_ =	sdelay $0x3  }
0x96: {  	_ =	strace s5  }
0x97: {  	s5 =	sld [smem:$0x3FFD];
	_ =	sdelay $0x3  }
0x98: {  	_ =	strace s5  }
0x99: {  	_ =	strace $0x8FFFFFFF  }
0x9a: {  	s19 =	sld [smem:$0x3FDB];
	_ =	sdelay $0x1  }
0x9b: {  	s6 =	simm.s32 $_scs_section_size  }
0x9c: {  	s7 =	simm.s32 $_size__tile_overlayer_lowered;
	s8 =	simm.s32 $_tile_overlayer_lowered  }
0x9d: {  	s22 =	simm.s32 $0x1BFF;
	s21 =	sshll.u32 s8, $0x1;
	s5 =	sadd.s32 s6, s19  }
0x9e: {  	s9 =	simm.s32 $0x0;
	s20 =	sshll.u32 s7, $0x1;
	s7 =	sadd.s32 s21, s5  }
0x9f: {  	[timem:s9], [sflag:s22] =	dma.local [hbm:s7], s20  }
0xa0: {  	_ =	swait.ge [sflag:s22], s20  }
0xa1: {  	s6 =	ssub.s32 $0x0, s20;
	[sflag:s22] =	ssyncset.done $0x0  }
0xa2: {  	[sflag:s22] =	ssyncadd.s32 s6;
	_ =	sdelay $0x1  }
0xa3: {  	s23 =	simm.s32 $0x1B8B  }
0xa4: {  	_ =	swait.ge [sflag:s23], $0x1  }
0xa5: {  	[sflag:s23] =	ssyncset.done $0x0  }
0xa6: {  	s25 =	simm.s32 $0x1B8E;
	s24 =	sld [smem:$0x3FFE];
	[sflag:s23] =	ssyncadd.s32 $0xFFFFFFFF  }
0xa7: {  	s26 =	simm.s32 $execute0_lowered;
	[smem:$0x3FD2] =	sst s25  }
0xa8: {  	s7 =	sshll.u32 s26, $0x1;
	_ =	strace $0x80000046;
	[dreg:$0x1] =	wrdreg $0xFFFFFFFF  }
0xa9: {  	s28 =	simm.s32 $_size_execute0_lowered;
	s5 =	sadd.s32 s5, s7;
	[dreg:$0x0] =	wrdreg $0x0  }
0xaa: {  	s7 =	sshll.u32 s28, $0x1;
	[dreg:$0x2] =	wrdreg s5  }
0xab: {  	[dreg:$0x3] =	wrdreg s7  }
0xac: {  	[dreg:$0x4] =	wrdreg $0xC0  }
0xad: {  	_ =	task [dreg:s9], $0x5FFFF  }
0xae: {  	[dreg:$0x1] =	wrdreg $0xFFFFFFFF  }
0xaf: {  	[dreg:$0x0] =	wrdreg $0x60  }
0xb0: {  	[dreg:$0x2] =	wrdreg s2  }
0xb1: {  	[dreg:$0x3] =	wrdreg s24  }
0xb2: {  	[dreg:$0x4] =	wrdreg s18  }
0xb3: {  	[dreg:$0x5] =	wrdreg s4  }
0xb4: {  	[dreg:$0x6] =	wrdreg $0x9  }
0xb5: {  	_ =	task.clear_ibuf [dreg:s9], $0x7FFFF;
	_ =	strace $0x90000046  }
0xb6: {  	s29 =	simm.s32 $0x9;
	_ =	strace $0x80000048  }
0xb7: {  	_ =	swait.ge [sflag:s29], $0x1  }
0xb8: {  	[sflag:s29] =	ssyncadd.s32 $0xFFFFFFFF  }
0xb9: {  	_ =	strace $0x90000048  }
0xba: {  	_ =	sfence  }
0xbb: {  	s30 =	sld [smem:$0x0];
	_ =	sdelay $0x2  }
0xbc: {  	s31 =	sshll.u32 s1, $0xD;
	s1 =	sshrl.u32 s1, $0x2  }
0xbd: {  	s3 =	sand.u32 $0x4000, s31;
	s1 =	sadd.s32 s1, s30  }
0xbe: {  	s0 =	sor.u32 s3, s0;
	s1 =	sshll.u32 s1, $0x11  }
0xbf: {  	s0 =	sor.u32 s1, s0  }
0xc0: {  	s0 =	sadd.s32 $0x8F2B, s0  }
0xc1: {  	[sflag:s0] =	ssyncadd.remote.s32 $0x1  }
0xc2: {  	_ =	sfence.sel $0xFFFF  }
0xc3: {  	[dreg:$0x0] =	wrdreg $0xFFFFFFFF;
	(pc) =	sbr.abs _section_cstart, $3  }
0xc4: {  	[dreg:$0x1] =	wrdreg $0xFFFFFFFF  }
0xc5: {  	_ =	task.clear_ibuf [dreg:s9], $0x2FFFF;
	_ =	strace $0x9FFFFFFF  }
0xc6: {  	(tm) =	ssettm $0x7FFFFFFF  }
0xc7: {  	_ =	shalt  }
tec
execute0_lowered:
.L_overlay_start_1:
0x0: {  	(tag) =	ssettag $0x1  }
0x1: {  	s5 =	rddreg [dreg:$0x0]  }
0x2: {  	s6 =	rddreg [dreg:$0x1]  }
0x3: {  	s0 =	srdreg.scid;
	s7 =	rddreg [dreg:$0x2]  }
0x4: {  	s2 =	rddreg [dreg:$0x3];
	s1 =	stileid.u32  }
0x5: {  	s3 =	simm.s32 $0x0;
	s13 =	simm.s32 $0x20;
	s14 =	simm.s32 $0x10C00  }
0x6: {  	s15 =	simm.s32 $0x1;
	s16 =	simm.s32 $0x2;
	s17 =	simm.s32 $0x11C00  }
0x7: {  	s18 =	simm.s32 $0x0;
	s8 =	sand.u32 $0x1, s0;
	s0 =	rddreg [dreg:$0x4]  }
0x8: {  	[smem:$0x7FF] =	sst s3;
	s4 =	sshll.u32 s8, $0x4;
	s8 =	ssub.s32 $0x2, s8  }
0x9: {  	_ =	strace $0x80000047;
	s9 =	sor.u32 s1, s4;
	s31 =	sshrl.u32 s8, $0x1  }
0xa: {  	s4 =	sshll.u32 s9, $0x8;
	s11 =	sshll.u32 s9, $0xD;
	s9 =	sshll.u32 s9, $0x6  }
0xb: {  	s12 =	ssub.s32 s8, s31;
	s10 =	sadd.s32 s4, s6;
	s4 =	sadd.s32 $0x2600, s6  }
0xc: {  	s11 =	sadd.s32 s11, s6;
	s5 =	sadd.s32 s5, s9;
	s6 =	sadd.s32 s7, s9  }
0xd: {  	s9 =	smax.u32 s12, $0x1;
	s12 =	simm.s32 $0x400;
	s7 =	sadd.s32 $0x600, s10  }
0xe: {  	s8 =	sadd.s32 $0xF44A00, s11;
	s10 =	simm.s32 $0x3;
	s11 =	simm.s32 $0x200  }
.LBB2_1:
0xf: {  	[tilespmem:s3], [sflag:$0x3] =	stream.linear.gather [hbm4b:s5+s3], $0x200, $0x38;
	[tilespmem:$0x12C00] =	vst v63  }
0x10: {  	_ =	swait.ge [sflag:s10], $0x200  }
0x11: {  	[sflag:s10] =	ssyncset.done $0x0  }
0x12: {  	[sflag:s10] =	ssyncadd.s32 $0xFFFFFE00  }
0x13: {  	[tilespmem:s11], [sflag:$0x3] =	stream.linear.gather [hbm4b:s6+s3], $0x200, $0x38;
	[tilespmem:$0x12C00] =	vst v63  }
0x14: {  	_ =	swait.ge [sflag:s10], $0x200  }
0x15: {  	[sflag:s10] =	ssyncset.done $0x0  }
0x16: {  	[sflag:s10] =	ssyncadd.s32 $0xFFFFFE00  }
0x17: {  	[tilespmem:s12], [sflag:$0x3] =	stream.linear.gather [hbm4b:s7+s3], $0x800, $0x38;
	[tilespmem:$0x12C00] =	vst v63  }
0x18: {  	_ =	swait.ge [sflag:s10], $0x800  }
0x19: {  	[sflag:s10] =	ssyncset.done $0x0  }
0x1a: {  	s19 =	simm.s32 $0x0;
	[sflag:s10] =	ssyncadd.s32 $0xFFFFF800  }
.LBB2_2:
0x1b: {  	s20 =	sshll.u32 s19, $0x9  }
0x1c: {  	s21 =	sshrl.u32 s20, $0x2  }
0x1d: {  	s22 =	simm.s32 $0x0;
	s21 =	sadd.s32 $0x400, s21  }
0x1e: {  	[tilespmem:s14], [sflag:$0x2] =	stream.indirect.gather [hbm4b:s2+s13], $0x80, s21, s13, $0xb8;
	[tilespmem:$0x12C00] =	vst v63  }
0x1f: {  	p0 =	por $0x1, $0x1;
	p1 =	por $0x1, $0x1;
	s21 =	sshll.u32 s19, $0x5  }
.LBB2_3:
0x20: {  	s23 =	sshll.u32 s22, $0x4  }
0x21: {  	s23 =	sor.u32 s21, s23  }
0x22: {  	v0 =	vld [tilespmem:s23+$0x0];
	_ =	sdelay $0x1  }
0x23: {  	v1 =	vld [tilespmem:s23+$0x200];
	_ =	sdelay $0x2  }
0x24: {  	v0 =	vand.u32 $0xFFFFFFF8, v0  }
0x25: {  	v0 =	vshll.u32 v0, $0x4  }
0x26: {  	v1 =	vand.u32 $0xFFFFFFF8, v1;
	v0 =	vadd.s32 s4, v0  }
0x27: {  	v1 =	vshll.u32 v1, $0x4;
	(v2sf) =	vpush v0, $0x0  }
0x28: {  	v1 =	vadd.s32 s4, v1  }
0x29: {  	(v2sf) =	vpush v1, $0x0;
	_ =	sdelay $0x1  }
0x2a: {  	(v2sf) =	vpush v0, $0x1;
	_ =	sdelay $0x1  }
0x2b: {  	(v2sf) =	vpush v1, $0x1;
	_ =	sdelay $0x1  }
0x2c: {  	(v2sf) =	vpush v0, $0x2;
	_ =	sdelay $0x1  }
0x2d: {  	(v2sf) =	vpush v1, $0x2;
	_ =	sdelay $0x1  }
0x2e: {  	(v2sf) =	vpush v0, $0x3;
	_ =	sdelay $0x1  }
0x2f: {  	s22 =	sshll.u32 s22, $0xE;
	(v2sf) =	vpush v1, $0x3  }
0x30: {  	s31 =	sor.u32 $0xC00, s22;
	s24 =	spop (v2sf)  }
0x31: {  	(v2sf) =	vpush v0, $0x4;
	[tilespmem:s31], [sflag:$0x1] =	stream.linear.gather [hbm4b:s24+s3], $0x400, $0x38;
	[tilespmem:$0x12C00] =	vst v63  }
0x32: {  	s25 =	sadd.s32 $0x8C00, s22;
	s26 =	spop (v2sf)  }
0x33: {  	(v2sf) =	vpush v1, $0x4;
	[tilespmem:s25], [sflag:$0x1] =	stream.linear.gather [hbm4b:s26+s3], $0x400, $0x38;
	[tilespmem:$0x12C00] =	vst v63  }
0x34: {  	s28 =	sor.u32 $0x1000, s22;
	s29 =	spop (v2sf)  }
0x35: {  	(v2sf) =	vpush v0, $0x5;
	[tilespmem:s28], [sflag:$0x1] =	stream.linear.gather [hbm4b:s29+s3], $0x400, $0x38;
	[tilespmem:$0x12C00] =	vst v63  }
0x36: {  	s30 =	sadd.s32 $0x9000, s22;
	s31 =	spop (v2sf)  }
0x37: {  	(v2sf) =	vpush v1, $0x5;
	[tilespmem:s30], [sflag:$0x1] =	stream.linear.gather [hbm4b:s31+s3], $0x400, $0x38;
	[tilespmem:$0x12C00] =	vst v63  }
0x38: {  	s25 =	sor.u32 $0x1400, s22;
	s26 =	spop (v2sf)  }
0x39: {  	(v2sf) =	vpush v0, $0x6;
	[tilespmem:s25], [sflag:$0x1] =	stream.linear.gather [hbm4b:s26+s3], $0x400, $0x38;
	[tilespmem:$0x12C00] =	vst v63  }
0x3a: {  	s28 =	sadd.s32 $0x9400, s22;
	s29 =	spop (v2sf)  }
0x3b: {  	(v2sf) =	vpush v1, $0x6;
	[tilespmem:s28], [sflag:$0x1] =	stream.linear.gather [hbm4b:s29+s3], $0x400, $0x38;
	[tilespmem:$0x12C00] =	vst v63  }
0x3c: {  	s30 =	sor.u32 $0x1800, s22;
	s31 =	spop (v2sf)  }
0x3d: {  	(v2sf) =	vpush v0, $0x7;
	[tilespmem:s30], [sflag:$0x1] =	stream.linear.gather [hbm4b:s31+s3], $0x400, $0x38;
	[tilespmem:$0x12C00] =	vst v63  }
0x3e: {  	s25 =	sadd.s32 $0x9800, s22;
	s26 =	spop (v2sf)  }
0x3f: {  	(v2sf) =	vpush v1, $0x7;
	[tilespmem:s25], [sflag:$0x1] =	stream.linear.gather [hbm4b:s26+s3], $0x400, $0x38;
	[tilespmem:$0x12C00] =	vst v63  }
0x40: {  	s28 =	sor.u32 $0x1C00, s22;
	s29 =	spop (v2sf)  }
0x41: {  	(v2sf) =	vpush v0, $0x8;
	[tilespmem:s28], [sflag:$0x1] =	stream.linear.gather [hbm4b:s29+s3], $0x400, $0x38;
	[tilespmem:$0x12C00] =	vst v63  }
0x42: {  	s30 =	sadd.s32 $0x9C00, s22;
	s31 =	spop (v2sf)  }
0x43: {  	(v2sf) =	vpush v1, $0x8;
	[tilespmem:s30], [sflag:$0x1] =	stream.linear.gather [hbm4b:s31+s3], $0x400, $0x38;
	[tilespmem:$0x12C00] =	vst v63  }
0x44: {  	s25 =	sor.u32 $0x2000, s22;
	s26 =	spop (v2sf)  }
0x45: {  	(v2sf) =	vpush v0, $0x9;
	[tilespmem:s25], [sflag:$0x1] =	stream.linear.gather [hbm4b:s26+s3], $0x400, $0x38;
	[tilespmem:$0x12C00] =	vst v63  }
0x46: {  	s28 =	sadd.s32 $0xA000, s22;
	s29 =	spop (v2sf)  }
0x47: {  	(v2sf) =	vpush v1, $0x9;
	[tilespmem:s28], [sflag:$0x1] =	stream.linear.gather [hbm4b:s29+s3], $0x400, $0x38;
	[tilespmem:$0x12C00] =	vst v63  }
0x48: {  	s30 =	sor.u32 $0x2400, s22;
	s31 =	spop (v2sf)  }
0x49: {  	(v2sf) =	vpush v0, $0xA;
	[tilespmem:s30], [sflag:$0x1] =	stream.linear.gather [hbm4b:s31+s3], $0x400, $0x38;
	[tilespmem:$0x12C00] =	vst v63  }
0x4a: {  	s25 =	sadd.s32 $0xA400, s22;
	s26 =	spop (v2sf)  }
0x4b: {  	(v2sf) =	vpush v1, $0xA;
	[tilespmem:s25], [sflag:$0x1] =	stream.linear.gather [hbm4b:s26+s3], $0x400, $0x38;
	[tilespmem:$0x12C00] =	vst v63  }
0x4c: {  	s28 =	sor.u32 $0x2800, s22;
	s29 =	spop (v2sf)  }
0x4d: {  	(v2sf) =	vpush v0, $0xB;
	[tilespmem:s28], [sflag:$0x1] =	stream.linear.gather [hbm4b:s29+s3], $0x400, $0x38;
	[tilespmem:$0x12C00] =	vst v63  }
0x4e: {  	s30 =	sadd.s32 $0xA800, s22;
	s31 =	spop (v2sf)  }
0x4f: {  	(v2sf) =	vpush v1, $0xB;
	[tilespmem:s30], [sflag:$0x1] =	stream.linear.gather [hbm4b:s31+s3], $0x400, $0x38;
	[tilespmem:$0x12C00] =	vst v63  }
0x50: {  	s25 =	sor.u32 $0x2C00, s22;
	s26 =	spop (v2sf)  }
0x51: {  	(v2sf) =	vpush v0, $0xC;
	[tilespmem:s25], [sflag:$0x1] =	stream.linear.gather [hbm4b:s26+s3], $0x400, $0x38;
	[tilespmem:$0x12C00] =	vst v63  }
0x52: {  	s28 =	sadd.s32 $0xAC00, s22;
	s29 =	spop (v2sf)  }
0x53: {  	(v2sf) =	vpush v1, $0xC;
	[tilespmem:s28], [sflag:$0x1] =	stream.linear.gather [hbm4b:s29+s3], $0x400, $0x38;
	[tilespmem:$0x12C00] =	vst v63  }
0x54: {  	s30 =	sor.u32 $0x3000, s22;
	s31 =	spop (v2sf)  }
0x55: {  	(v2sf) =	vpush v0, $0xD;
	[tilespmem:s30], [sflag:$0x1] =	stream.linear.gather [hbm4b:s31+s3], $0x400, $0x38;
	[tilespmem:$0x12C00] =	vst v63  }
0x56: {  	s25 =	sadd.s32 $0xB000, s22;
	s26 =	spop (v2sf)  }
0x57: {  	(v2sf) =	vpush v1, $0xD;
	[tilespmem:s25], [sflag:$0x1] =	stream.linear.gather [hbm4b:s26+s3], $0x400, $0x38;
	[tilespmem:$0x12C00] =	vst v63  }
0x58: {  	s28 =	sor.u32 $0x3400, s22;
	s29 =	spop (v2sf)  }
0x59: {  	(v2sf) =	vpush v0, $0xE;
	[tilespmem:s28], [sflag:$0x1] =	stream.linear.gather [hbm4b:s29+s3], $0x400, $0x38;
	[tilespmem:$0x12C00] =	vst v63  }
0x5a: {  	s30 =	sadd.s32 $0xB400, s22;
	s31 =	spop (v2sf)  }
0x5b: {  	(v2sf) =	vpush v1, $0xE;
	[tilespmem:s30], [sflag:$0x1] =	stream.linear.gather [hbm4b:s31+s3], $0x400, $0x38;
	[tilespmem:$0x12C00] =	vst v63  }
0x5c: {  	s25 =	sor.u32 $0x3800, s22;
	s26 =	spop (v2sf)  }
0x5d: {  	(v2sf) =	vpush v0, $0xF;
	[tilespmem:s25], [sflag:$0x1] =	stream.linear.gather [hbm4b:s26+s3], $0x400, $0x38;
	[tilespmem:$0x12C00] =	vst v63  }
0x5e: {  	s28 =	sadd.s32 $0xB800, s22;
	s29 =	spop (v2sf)  }
0x5f: {  	(v2sf) =	vpush v1, $0xF;
	[tilespmem:s28], [sflag:$0x1] =	stream.linear.gather [hbm4b:s29+s3], $0x400, $0x38;
	[tilespmem:$0x12C00] =	vst v63  }
0x60: {  	s31 =	sor.u32 $0x3C00, s22;
	s30 =	spop (v2sf)  }
0x61: {  	[tilespmem:s31], [sflag:$0x1] =	stream.linear.gather [hbm4b:s30+s3], $0x400, $0x38;
	[tilespmem:$0x12C00] =	vst v63  }
0x62: {  	s26 =	sadd.s32 $0xBC00, s22;
	s25 =	spop (v2sf)  }
0x63: {  	[tilespmem:s26], [sflag:$0x1] =	stream.linear.gather [hbm4b:s25+s3], $0x400, $0x38;
	[tilespmem:$0x12C00] =	vst v63  }
0x64: {  	s28 =	spop (v2sf);
	s29 =	sadd.s32 $0x4000, s22  }
0x65: {  	[tilespmem:s29], [sflag:$0x1] =	stream.linear.gather [hbm4b:s28+s3], $0x400, $0x38;
	[tilespmem:$0x12C00] =	vst v63  }
0x66: {  	s30 =	spop (v2sf);
	s31 =	sadd.s32 $0xC000, s22  }
0x67: {  	[tilespmem:s31], [sflag:$0x1] =	stream.linear.gather [hbm4b:s30+s3], $0x400, $0x38;
	[tilespmem:$0x12C00] =	vst v63  }
0x68: {  	s24 =	spop (v2sf);
	s25 =	sadd.s32 $0x4400, s22  }
0x69: {  	[tilespmem:s25], [sflag:$0x1] =	stream.linear.gather [hbm4b:s24+s3], $0x400, $0x38;
	[tilespmem:$0x12C00] =	vst v63  }
0x6a: {  	p2 =	por p1, p1;
	s26 =	spop (v2sf);
	s28 =	sadd.s32 $0xC400, s22  }
0x6b: {  	[tilespmem:s28], [sflag:$0x1] =	stream.linear.gather [hbm4b:s26+s3], $0x400, $0x38;
	[tilespmem:$0x12C00] =	vst v63  }
.Ltmp0:
0x6c: {  	s29 =	spop (v2sf);
	s30 =	sadd.s32 $0x4800, s22;
	(pc) =	sbr.rel @p2 .LBB2_3-.Ltmp0, $4  }
0x6d: {  	[tilespmem:s30], [sflag:$0x1] =	stream.linear.gather [hbm4b:s29+s3], $0x400, $0x38;
	[tilespmem:$0x12C00] =	vst v63  }
0x6e: {  	s22 =	sadd.s32 $0xC800, s22;
	s31 =	spop (v2sf)  }
0x6f: {  	[tilespmem:s22], [sflag:$0x1] =	stream.linear.gather [hbm4b:s31+s3], $0x400, $0x38;
	[tilespmem:$0x12C00] =	vst v63  }
0x70: {  	p1 =	por $0x0, $0x0;
	s22 =	simm.s32 $0x1  }
.LBB2_4:
0x71: {  	_ =	swait.ge [sflag:s15], $0x400  }
0x72: {  	[sflag:s15] =	ssyncset.done $0x0  }
0x73: {  	[sflag:s15] =	ssyncadd.s32 $0xFFFFFC00  }
0x74: {  	_ =	swait.ge [sflag:s15], $0x400  }
0x75: {  	[sflag:s15] =	ssyncset.done $0x0  }
0x76: {  	[sflag:s15] =	ssyncadd.s32 $0xFFFFFC00  }
0x77: {  	_ =	swait.ge [sflag:s15], $0x400  }
0x78: {  	[sflag:s15] =	ssyncset.done $0x0  }
0x79: {  	[sflag:s15] =	ssyncadd.s32 $0xFFFFFC00  }
0x7a: {  	_ =	swait.ge [sflag:s15], $0x400  }
0x7b: {  	[sflag:s15] =	ssyncset.done $0x0  }
0x7c: {  	[sflag:s15] =	ssyncadd.s32 $0xFFFFFC00  }
0x7d: {  	_ =	swait.ge [sflag:s15], $0x400  }
0x7e: {  	[sflag:s15] =	ssyncset.done $0x0  }
0x7f: {  	[sflag:s15] =	ssyncadd.s32 $0xFFFFFC00  }
0x80: {  	_ =	swait.ge [sflag:s15], $0x400  }
0x81: {  	[sflag:s15] =	ssyncset.done $0x0  }
0x82: {  	[sflag:s15] =	ssyncadd.s32 $0xFFFFFC00  }
0x83: {  	_ =	swait.ge [sflag:s15], $0x400  }
0x84: {  	[sflag:s15] =	ssyncset.done $0x0  }
0x85: {  	[sflag:s15] =	ssyncadd.s32 $0xFFFFFC00  }
0x86: {  	_ =	swait.ge [sflag:s15], $0x400  }
0x87: {  	[sflag:s15] =	ssyncset.done $0x0  }
0x88: {  	[sflag:s15] =	ssyncadd.s32 $0xFFFFFC00  }
0x89: {  	_ =	swait.ge [sflag:s15], $0x400  }
0x8a: {  	[sflag:s15] =	ssyncset.done $0x0  }
0x8b: {  	[sflag:s15] =	ssyncadd.s32 $0xFFFFFC00  }
0x8c: {  	_ =	swait.ge [sflag:s15], $0x400  }
0x8d: {  	[sflag:s15] =	ssyncset.done $0x0  }
0x8e: {  	[sflag:s15] =	ssyncadd.s32 $0xFFFFFC00  }
0x8f: {  	_ =	swait.ge [sflag:s15], $0x400  }
0x90: {  	[sflag:s15] =	ssyncset.done $0x0  }
0x91: {  	[sflag:s15] =	ssyncadd.s32 $0xFFFFFC00  }
0x92: {  	_ =	swait.ge [sflag:s15], $0x400  }
0x93: {  	[sflag:s15] =	ssyncset.done $0x0  }
0x94: {  	[sflag:s15] =	ssyncadd.s32 $0xFFFFFC00  }
0x95: {  	_ =	swait.ge [sflag:s15], $0x400  }
0x96: {  	[sflag:s15] =	ssyncset.done $0x0  }
0x97: {  	[sflag:s15] =	ssyncadd.s32 $0xFFFFFC00  }
0x98: {  	_ =	swait.ge [sflag:s15], $0x400  }
0x99: {  	[sflag:s15] =	ssyncset.done $0x0  }
0x9a: {  	[sflag:s15] =	ssyncadd.s32 $0xFFFFFC00  }
0x9b: {  	_ =	swait.ge [sflag:s15], $0x400  }
0x9c: {  	[sflag:s15] =	ssyncset.done $0x0  }
0x9d: {  	[sflag:s15] =	ssyncadd.s32 $0xFFFFFC00  }
0x9e: {  	_ =	swait.ge [sflag:s15], $0x400  }
0x9f: {  	[sflag:s15] =	ssyncset.done $0x0  }
0xa0: {  	[sflag:s15] =	ssyncadd.s32 $0xFFFFFC00  }
0xa1: {  	_ =	swait.ge [sflag:s15], $0x400  }
0xa2: {  	[sflag:s15] =	ssyncset.done $0x0  }
0xa3: {  	[sflag:s15] =	ssyncadd.s32 $0xFFFFFC00  }
0xa4: {  	_ =	swait.ge [sflag:s15], $0x400  }
0xa5: {  	[sflag:s15] =	ssyncset.done $0x0  }
0xa6: {  	[sflag:s15] =	ssyncadd.s32 $0xFFFFFC00  }
0xa7: {  	_ =	swait.ge [sflag:s15], $0x400  }
0xa8: {  	[sflag:s15] =	ssyncset.done $0x0  }
0xa9: {  	[sflag:s15] =	ssyncadd.s32 $0xFFFFFC00  }
0xaa: {  	_ =	swait.ge [sflag:s15], $0x400  }
0xab: {  	[sflag:s15] =	ssyncset.done $0x0  }
0xac: {  	[sflag:s15] =	ssyncadd.s32 $0xFFFFFC00  }
0xad: {  	_ =	swait.ge [sflag:s15], $0x400  }
0xae: {  	[sflag:s15] =	ssyncset.done $0x0  }
0xaf: {  	[sflag:s15] =	ssyncadd.s32 $0xFFFFFC00  }
0xb0: {  	_ =	swait.ge [sflag:s15], $0x400  }
0xb1: {  	[sflag:s15] =	ssyncset.done $0x0  }
0xb2: {  	[sflag:s15] =	ssyncadd.s32 $0xFFFFFC00  }
0xb3: {  	_ =	swait.ge [sflag:s15], $0x400  }
0xb4: {  	[sflag:s15] =	ssyncset.done $0x0  }
0xb5: {  	[sflag:s15] =	ssyncadd.s32 $0xFFFFFC00  }
0xb6: {  	_ =	swait.ge [sflag:s15], $0x400  }
0xb7: {  	[sflag:s15] =	ssyncset.done $0x0  }
0xb8: {  	[sflag:s15] =	ssyncadd.s32 $0xFFFFFC00  }
0xb9: {  	_ =	swait.ge [sflag:s15], $0x400  }
0xba: {  	[sflag:s15] =	ssyncset.done $0x0  }
0xbb: {  	[sflag:s15] =	ssyncadd.s32 $0xFFFFFC00  }
0xbc: {  	_ =	swait.ge [sflag:s15], $0x400  }
0xbd: {  	[sflag:s15] =	ssyncset.done $0x0  }
0xbe: {  	[sflag:s15] =	ssyncadd.s32 $0xFFFFFC00  }
0xbf: {  	_ =	swait.ge [sflag:s15], $0x400  }
0xc0: {  	[sflag:s15] =	ssyncset.done $0x0  }
0xc1: {  	[sflag:s15] =	ssyncadd.s32 $0xFFFFFC00  }
0xc2: {  	_ =	swait.ge [sflag:s15], $0x400  }
0xc3: {  	[sflag:s15] =	ssyncset.done $0x0  }
0xc4: {  	[sflag:s15] =	ssyncadd.s32 $0xFFFFFC00  }
0xc5: {  	_ =	swait.ge [sflag:s15], $0x400  }
0xc6: {  	[sflag:s15] =	ssyncset.done $0x0  }
0xc7: {  	[sflag:s15] =	ssyncadd.s32 $0xFFFFFC00  }
0xc8: {  	_ =	swait.ge [sflag:s15], $0x400  }
0xc9: {  	[sflag:s15] =	ssyncset.done $0x0  }
0xca: {  	[sflag:s15] =	ssyncadd.s32 $0xFFFFFC00  }
0xcb: {  	p1 =	por p0, p0;
	_ =	swait.ge [sflag:s15], $0x400  }
.Ltmp1:
0xcc: {  	[sflag:s15] =	ssyncset.done $0x0;
	(pc) =	sbr.rel @p1 .LBB2_4-.Ltmp1, $4  }
0xcd: {  	[sflag:s15] =	ssyncadd.s32 $0xFFFFFC00  }
0xce: {  	_ =	swait.ge [sflag:s15], $0x400  }
0xcf: {  	[sflag:s15] =	ssyncset.done $0x0  }
0xd0: {  	p0 =	por $0x0, $0x0;
	[sflag:s15] =	ssyncadd.s32 $0xFFFFFC00  }
0xd1: {  	_ =	swait.ge [sflag:s16], $0x1000  }
0xd2: {  	[sflag:s16] =	ssyncset.done $0x0  }
0xd3: {  	s22 =	simm.s32 $0x0;
	p0 =	por $0x1, $0x1;
	[sflag:s16] =	ssyncadd.s32 $0xFFFFF000  }
.LBB2_6:
0xd4: {  	s23 =	sshll.u32 s22, $0x4  }
0xd5: {  	s24 =	sor.u32 s21, s23  }
0xd6: {  	v0 =	vld [tilespmem:s24+$0x0];
	_ =	sdelay $0x1  }
0xd7: {  	v1 =	vld [tilespmem:s24+$0x200];
	_ =	sdelay $0x2  }
0xd8: {  	v0 =	vshll.u32 v0, $0x7  }
0xd9: {  	(v2sf) =	vpush v0, $0x0  }
0xda: {  	v1 =	vshll.u32 v1, $0x7  }
0xdb: {  	(v2sf) =	vpush v1, $0x0;
	_ =	sdelay $0xc  }
0xdc: {  	s30 =	spop (v2sf)  }
0xdd: {  	s25 =	sshll.u32 s22, $0xE;
	s26 =	sshll.u32 s22, $0xB;
	s24 =	sand.u32 $0x380, s30  }
0xde: {  	v3 =	vld [tilespmem:s26+$0x10C00];
	s28 =	spop (v2sf);
	s24 =	sor.u32 s24, s25  }
0xdf: {  	s28 =	sand.u32 $0x380, s28;
	v2 =	vld [tilespmem:s24+$0xC00]  }
0xe0: {  	s25 =	sor.u32 s28, s25  }
0xe1: {  	v4 =	vld [tilespmem:s25+$0x8C00];
	_ =	sdelay $0x2  }
0xe2: {  	v2 =	vadd.f32 v3, v2;
	_ =	sdelay $0x1  }
0xe3: {  	v2 =	vsub.f32 v2, v4;
	_ =	sdelay $0x1  }
0xe4: {  	v49 =	vld [tilespmem:s26+$0x10C10];
	[tilespmem:s26+$0x11C00] =	vst v2  }
0xe5: {  	v2 =	vld [tilespmem:s24+$0xC10];
	_ =	sdelay $0x1  }
0xe6: {  	v50 =	vld [tilespmem:s25+$0x8C10];
	_ =	sdelay $0x2  }
0xe7: {  	v2 =	vadd.f32 v49, v2;
	_ =	sdelay $0x1  }
0xe8: {  	v2 =	vsub.f32 v2, v50;
	_ =	sdelay $0x1  }
0xe9: {  	v51 =	vld [tilespmem:s26+$0x10C20];
	[tilespmem:s26+$0x11C10] =	vst v2  }
0xea: {  	v2 =	vld [tilespmem:s24+$0xC20];
	_ =	sdelay $0x1  }
0xeb: {  	(v2sf) =	vpush v0, $0x1;
	v52 =	vld [tilespmem:s25+$0x8C20];
	_ =	sdelay $0x2  }
0xec: {  	(v2sf) =	vpush v1, $0x1;
	v2 =	vadd.f32 v51, v2;
	_ =	sdelay $0x1  }
0xed: {  	v2 =	vsub.f32 v2, v52;
	_ =	sdelay $0x1  }
0xee: {  	v53 =	vld [tilespmem:s26+$0x10C30];
	[tilespmem:s26+$0x11C20] =	vst v2  }
0xef: {  	v2 =	vld [tilespmem:s24+$0xC30];
	_ =	sdelay $0x1  }
0xf0: {  	v54 =	vld [tilespmem:s25+$0x8C30];
	_ =	sdelay $0x2  }
0xf1: {  	v2 =	vadd.f32 v53, v2;
	_ =	sdelay $0x1  }
0xf2: {  	s31 =	sor.u32 $0x1, s23;
	s29 =	spop (v2sf);
	v2 =	vsub.f32 v2, v54  }
0xf3: {  	s30 =	sshll.u32 s31, $0xA;
	s25 =	sand.u32 $0x380, s29  }
0xf4: {  	s25 =	sor.u32 s25, s30;
	[tilespmem:s26+$0x11C30] =	vst v2  }
0xf5: {  	s24 =	sshll.u32 s31, $0x7;
	s31 =	spop (v2sf);
	v2 =	vld [tilespmem:s25+$0xC00]  }
0xf6: {  	s26 =	sand.u32 $0x380, s31;
	v55 =	vld [tilespmem:s24+$0x10C00]  }
0xf7: {  	s26 =	sor.u32 s26, s30  }
0xf8: {  	v56 =	vld [tilespmem:s26+$0x8C00];
	_ =	sdelay $0x2  }
0xf9: {  	v2 =	vadd.f32 v55, v2;
	_ =	sdelay $0x1  }
0xfa: {  	v2 =	vsub.f32 v2, v56;
	_ =	sdelay $0x1  }
0xfb: {  	v57 =	vld [tilespmem:s24+$0x10C10];
	[tilespmem:s24+$0x11C00] =	vst v2  }
0xfc: {  	v2 =	vld [tilespmem:s25+$0xC10];
	_ =	sdelay $0x1  }
0xfd: {  	v58 =	vld [tilespmem:s26+$0x8C10];
	_ =	sdelay $0x2  }
0xfe: {  	v2 =	vadd.f32 v57, v2;
	_ =	sdelay $0x1  }
0xff: {  	v2 =	vsub.f32 v2, v58;
	_ =	sdelay $0x1  }
0x100: {  	v59 =	vld [tilespmem:s24+$0x10C20];
	[tilespmem:s24+$0x11C10] =	vst v2  }
0x101: {  	v2 =	vld [tilespmem:s25+$0xC20];
	_ =	sdelay $0x1  }
0x102: {  	(v2sf) =	vpush v0, $0x2;
	v60 =	vld [tilespmem:s26+$0x8C20];
	_ =	sdelay $0x2  }
0x103: {  	(v2sf) =	vpush v1, $0x2;
	v2 =	vadd.f32 v59, v2;
	_ =	sdelay $0x1  }
0x104: {  	v2 =	vsub.f32 v2, v60;
	_ =	sdelay $0x1  }
0x105: {  	v61 =	vld [tilespmem:s24+$0x10C30];
	[tilespmem:s24+$0x11C20] =	vst v2  }
0x106: {  	v2 =	vld [tilespmem:s25+$0xC30];
	_ =	sdelay $0x1  }
0x107: {  	v62 =	vld [tilespmem:s26+$0x8C30];
	_ =	sdelay $0x2  }
0x108: {  	v2 =	vadd.f32 v61, v2;
	_ =	sdelay $0x1  }
0x109: {  	s29 =	spop (v2sf);
	s25 =	sor.u32 $0x2, s23;
	v2 =	vsub.f32 v2, v62  }
0x10a: {  	s26 =	sand.u32 $0x380, s29;
	s30 =	sshll.u32 s25, $0xA  }
0x10b: {  	s31 =	sor.u32 s26, s30;
	[tilespmem:s24+$0x11C30] =	vst v2  }
0x10c: {  	s29 =	spop (v2sf);
	s25 =	sshll.u32 s25, $0x7;
	v2 =	vld [tilespmem:s31+$0xC00]  }
0x10d: {  	s26 =	sand.u32 $0x380, s29;
	v63 =	vld [tilespmem:s25+$0x10C00]  }
0x10e: {  	s26 =	sor.u32 s26, s30  }
0x10f: {  	v8 =	vld [tilespmem:s26+$0x8C00];
	_ =	sdelay $0x2  }
0x110: {  	v2 =	vadd.f32 v63, v2;
	_ =	sdelay $0x1  }
0x111: {  	v2 =	vsub.f32 v2, v8;
	_ =	sdelay $0x1  }
0x112: {  	v9 =	vld [tilespmem:s25+$0x10C10];
	[tilespmem:s25+$0x11C00] =	vst v2  }
0x113: {  	v2 =	vld [tilespmem:s31+$0xC10];
	_ =	sdelay $0x1  }
0x114: {  	v10 =	vld [tilespmem:s26+$0x8C10];
	_ =	sdelay $0x2  }
0x115: {  	v2 =	vadd.f32 v9, v2;
	_ =	sdelay $0x1  }
0x116: {  	v2 =	vsub.f32 v2, v10;
	_ =	sdelay $0x1  }
0x117: {  	v11 =	vld [tilespmem:s25+$0x10C20];
	[tilespmem:s25+$0x11C10] =	vst v2  }
0x118: {  	v2 =	vld [tilespmem:s31+$0xC20];
	_ =	sdelay $0x1  }
0x119: {  	(v2sf) =	vpush v0, $0x3;
	v12 =	vld [tilespmem:s26+$0x8C20];
	_ =	sdelay $0x2  }
0x11a: {  	(v2sf) =	vpush v1, $0x3;
	v2 =	vadd.f32 v11, v2;
	_ =	sdelay $0x1  }
0x11b: {  	v2 =	vsub.f32 v2, v12;
	_ =	sdelay $0x1  }
0x11c: {  	v13 =	vld [tilespmem:s25+$0x10C30];
	[tilespmem:s25+$0x11C20] =	vst v2  }
0x11d: {  	v2 =	vld [tilespmem:s31+$0xC30];
	_ =	sdelay $0x1  }
0x11e: {  	v14 =	vld [tilespmem:s26+$0x8C30];
	_ =	sdelay $0x2  }
0x11f: {  	v2 =	vadd.f32 v13, v2;
	_ =	sdelay $0x1  }
0x120: {  	s30 =	spop (v2sf);
	s24 =	sor.u32 $0x3, s23;
	v2 =	vsub.f32 v2, v14  }
0x121: {  	s31 =	sshll.u32 s24, $0xA;
	s26 =	sand.u32 $0x380, s30  }
0x122: {  	s29 =	sor.u32 s26, s31;
	[tilespmem:s25+$0x11C30] =	vst v2  }
0x123: {  	s24 =	sshll.u32 s24, $0x7;
	s30 =	spop (v2sf);
	v2 =	vld [tilespmem:s29+$0xC00]  }
0x124: {  	s26 =	sand.u32 $0x380, s30;
	v15 =	vld [tilespmem:s24+$0x10C00]  }
0x125: {  	s26 =	sor.u32 s26, s31  }
0x126: {  	v16 =	vld [tilespmem:s26+$0x8C00];
	_ =	sdelay $0x2  }
0x127: {  	v2 =	vadd.f32 v15, v2;
	_ =	sdelay $0x1  }
0x128: {  	v2 =	vsub.f32 v2, v16;
	_ =	sdelay $0x1  }
0x129: {  	v17 =	vld [tilespmem:s24+$0x10C10];
	[tilespmem:s24+$0x11C00] =	vst v2  }
0x12a: {  	v2 =	vld [tilespmem:s29+$0xC10];
	_ =	sdelay $0x1  }
0x12b: {  	v18 =	vld [tilespmem:s26+$0x8C10];
	_ =	sdelay $0x2  }
0x12c: {  	v2 =	vadd.f32 v17, v2;
	_ =	sdelay $0x1  }
0x12d: {  	v2 =	vsub.f32 v2, v18;
	_ =	sdelay $0x1  }
0x12e: {  	v19 =	vld [tilespmem:s24+$0x10C20];
	[tilespmem:s24+$0x11C10] =	vst v2  }
0x12f: {  	v2 =	vld [tilespmem:s29+$0xC20];
	_ =	sdelay $0x1  }
0x130: {  	(v2sf) =	vpush v0, $0x4;
	v20 =	vld [tilespmem:s26+$0x8C20];
	_ =	sdelay $0x2  }
0x131: {  	(v2sf) =	vpush v1, $0x4;
	v2 =	vadd.f32 v19, v2;
	_ =	sdelay $0x1  }
0x132: {  	v2 =	vsub.f32 v2, v20;
	_ =	sdelay $0x1  }
0x133: {  	v21 =	vld [tilespmem:s24+$0x10C30];
	[tilespmem:s24+$0x11C20] =	vst v2  }
0x134: {  	v2 =	vld [tilespmem:s29+$0xC30];
	_ =	sdelay $0x1  }
0x135: {  	v22 =	vld [tilespmem:s26+$0x8C30];
	_ =	sdelay $0x2  }
0x136: {  	v2 =	vadd.f32 v21, v2;
	_ =	sdelay $0x1  }
0x137: {  	s31 =	spop (v2sf);
	s25 =	sor.u32 $0x4, s23;
	v2 =	vsub.f32 v2, v22  }
0x138: {  	s29 =	sshll.u32 s25, $0xA;
	s26 =	sand.u32 $0x380, s31  }
0x139: {  	s30 =	sor.u32 s26, s29;
	[tilespmem:s24+$0x11C30] =	vst v2  }
0x13a: {  	s25 =	sshll.u32 s25, $0x7;
	s31 =	spop (v2sf);
	v2 =	vld [tilespmem:s30+$0xC00]  }
0x13b: {  	s26 =	sand.u32 $0x380, s31;
	v23 =	vld [tilespmem:s25+$0x10C00]  }
0x13c: {  	s26 =	sor.u32 s26, s29  }
0x13d: {  	v24 =	vld [tilespmem:s26+$0x8C00];
	_ =	sdelay $0x2  }
0x13e: {  	v2 =	vadd.f32 v23, v2;
	_ =	sdelay $0x1  }
0x13f: {  	v2 =	vsub.f32 v2, v24;
	_ =	sdelay $0x1  }
0x140: {  	v25 =	vld [tilespmem:s25+$0x10C10];
	[tilespmem:s25+$0x11C00] =	vst v2  }
0x141: {  	v2 =	vld [tilespmem:s30+$0xC10];
	_ =	sdelay $0x1  }
0x142: {  	v26 =	vld [tilespmem:s26+$0x8C10];
	_ =	sdelay $0x2  }
0x143: {  	v2 =	vadd.f32 v25, v2;
	_ =	sdelay $0x1  }
0x144: {  	v2 =	vsub.f32 v2, v26;
	_ =	sdelay $0x1  }
0x145: {  	v27 =	vld [tilespmem:s25+$0x10C20];
	[tilespmem:s25+$0x11C10] =	vst v2  }
0x146: {  	v2 =	vld [tilespmem:s30+$0xC20];
	_ =	sdelay $0x1  }
0x147: {  	(v2sf) =	vpush v0, $0x5;
	v28 =	vld [tilespmem:s26+$0x8C20];
	_ =	sdelay $0x2  }
0x148: {  	(v2sf) =	vpush v1, $0x5;
	v2 =	vadd.f32 v27, v2;
	_ =	sdelay $0x1  }
0x149: {  	v2 =	vsub.f32 v2, v28;
	_ =	sdelay $0x1  }
0x14a: {  	v29 =	vld [tilespmem:s25+$0x10C30];
	[tilespmem:s25+$0x11C20] =	vst v2  }
0x14b: {  	v2 =	vld [tilespmem:s30+$0xC30];
	_ =	sdelay $0x1  }
0x14c: {  	v30 =	vld [tilespmem:s26+$0x8C30];
	_ =	sdelay $0x2  }
0x14d: {  	v2 =	vadd.f32 v29, v2;
	_ =	sdelay $0x1  }
0x14e: {  	s29 =	spop (v2sf);
	s24 =	sor.u32 $0x5, s23;
	v2 =	vsub.f32 v2, v30  }
0x14f: {  	s30 =	sshll.u32 s24, $0xA;
	s26 =	sand.u32 $0x380, s29  }
0x150: {  	s31 =	sor.u32 s26, s30;
	[tilespmem:s25+$0x11C30] =	vst v2  }
0x151: {  	s24 =	sshll.u32 s24, $0x7;
	s29 =	spop (v2sf);
	v2 =	vld [tilespmem:s31+$0xC00]  }
0x152: {  	s26 =	sand.u32 $0x380, s29;
	v31 =	vld [tilespmem:s24+$0x10C00]  }
0x153: {  	s26 =	sor.u32 s26, s30  }
0x154: {  	v32 =	vld [tilespmem:s26+$0x8C00];
	_ =	sdelay $0x2  }
0x155: {  	v2 =	vadd.f32 v31, v2;
	_ =	sdelay $0x1  }
0x156: {  	v2 =	vsub.f32 v2, v32;
	_ =	sdelay $0x1  }
0x157: {  	v33 =	vld [tilespmem:s24+$0x10C10];
	[tilespmem:s24+$0x11C00] =	vst v2  }
0x158: {  	v2 =	vld [tilespmem:s31+$0xC10];
	_ =	sdelay $0x1  }
0x159: {  	v34 =	vld [tilespmem:s26+$0x8C10];
	_ =	sdelay $0x2  }
0x15a: {  	v2 =	vadd.f32 v33, v2;
	_ =	sdelay $0x1  }
0x15b: {  	v2 =	vsub.f32 v2, v34;
	_ =	sdelay $0x1  }
0x15c: {  	v35 =	vld [tilespmem:s24+$0x10C20];
	[tilespmem:s24+$0x11C10] =	vst v2  }
0x15d: {  	v2 =	vld [tilespmem:s31+$0xC20];
	_ =	sdelay $0x1  }
0x15e: {  	(v2sf) =	vpush v0, $0x6;
	v36 =	vld [tilespmem:s26+$0x8C20];
	_ =	sdelay $0x2  }
0x15f: {  	(v2sf) =	vpush v1, $0x6;
	v2 =	vadd.f32 v35, v2;
	_ =	sdelay $0x1  }
0x160: {  	v2 =	vsub.f32 v2, v36;
	_ =	sdelay $0x1  }
0x161: {  	v37 =	vld [tilespmem:s24+$0x10C30];
	[tilespmem:s24+$0x11C20] =	vst v2  }
0x162: {  	v2 =	vld [tilespmem:s31+$0xC30];
	_ =	sdelay $0x1  }
0x163: {  	v38 =	vld [tilespmem:s26+$0x8C30];
	_ =	sdelay $0x2  }
0x164: {  	v2 =	vadd.f32 v37, v2;
	_ =	sdelay $0x1  }
0x165: {  	s30 =	spop (v2sf);
	s25 =	sor.u32 $0x6, s23;
	v2 =	vsub.f32 v2, v38  }
0x166: {  	s31 =	sshll.u32 s25, $0xA;
	s26 =	sand.u32 $0x380, s30  }
0x167: {  	s29 =	sor.u32 s26, s31;
	[tilespmem:s24+$0x11C30] =	vst v2  }
0x168: {  	s25 =	sshll.u32 s25, $0x7;
	s30 =	spop (v2sf);
	v2 =	vld [tilespmem:s29+$0xC00]  }
0x169: {  	s26 =	sand.u32 $0x380, s30;
	v39 =	vld [tilespmem:s25+$0x10C00]  }
0x16a: {  	s26 =	sor.u32 s26, s31  }
0x16b: {  	v40 =	vld [tilespmem:s26+$0x8C00];
	_ =	sdelay $0x2  }
0x16c: {  	v2 =	vadd.f32 v39, v2;
	_ =	sdelay $0x1  }
0x16d: {  	v2 =	vsub.f32 v2, v40;
	_ =	sdelay $0x1  }
0x16e: {  	v41 =	vld [tilespmem:s25+$0x10C10];
	[tilespmem:s25+$0x11C00] =	vst v2  }
0x16f: {  	v2 =	vld [tilespmem:s29+$0xC10];
	_ =	sdelay $0x1  }
0x170: {  	v42 =	vld [tilespmem:s26+$0x8C10];
	_ =	sdelay $0x2  }
0x171: {  	v2 =	vadd.f32 v41, v2;
	_ =	sdelay $0x1  }
0x172: {  	v2 =	vsub.f32 v2, v42;
	_ =	sdelay $0x1  }
0x173: {  	v43 =	vld [tilespmem:s25+$0x10C20];
	[tilespmem:s25+$0x11C10] =	vst v2  }
0x174: {  	v2 =	vld [tilespmem:s29+$0xC20];
	_ =	sdelay $0x1  }
0x175: {  	(v2sf) =	vpush v0, $0x7;
	v44 =	vld [tilespmem:s26+$0x8C20];
	_ =	sdelay $0x2  }
0x176: {  	(v2sf) =	vpush v1, $0x7;
	v2 =	vadd.f32 v43, v2;
	_ =	sdelay $0x1  }
0x177: {  	v2 =	vsub.f32 v2, v44;
	_ =	sdelay $0x1  }
0x178: {  	v45 =	vld [tilespmem:s25+$0x10C30];
	[tilespmem:s25+$0x11C20] =	vst v2  }
0x179: {  	v2 =	vld [tilespmem:s29+$0xC30];
	_ =	sdelay $0x1  }
0x17a: {  	v46 =	vld [tilespmem:s26+$0x8C30];
	_ =	sdelay $0x2  }
0x17b: {  	v2 =	vadd.f32 v45, v2;
	_ =	sdelay $0x1  }
0x17c: {  	s31 =	spop (v2sf);
	s24 =	sor.u32 $0x7, s23;
	v2 =	vsub.f32 v2, v46  }
0x17d: {  	s29 =	sshll.u32 s24, $0xA;
	s26 =	sand.u32 $0x380, s31  }
0x17e: {  	s30 =	sor.u32 s26, s29;
	[tilespmem:s25+$0x11C30] =	vst v2  }
0x17f: {  	s24 =	sshll.u32 s24, $0x7;
	s31 =	spop (v2sf);
	v2 =	vld [tilespmem:s30+$0xC00]  }
0x180: {  	s26 =	sand.u32 $0x380, s31;
	v47 =	vld [tilespmem:s24+$0x10C00]  }
0x181: {  	s26 =	sor.u32 s26, s29  }
0x182: {  	v48 =	vld [tilespmem:s26+$0x8C00];
	_ =	sdelay $0x2  }
0x183: {  	v2 =	vadd.f32 v47, v2;
	_ =	sdelay $0x1  }
0x184: {  	v2 =	vsub.f32 v2, v48;
	_ =	sdelay $0x1  }
0x185: {  	v49 =	vld [tilespmem:s24+$0x10C10];
	[tilespmem:s24+$0x11C00] =	vst v2  }
0x186: {  	v2 =	vld [tilespmem:s30+$0xC10];
	_ =	sdelay $0x1  }
0x187: {  	v50 =	vld [tilespmem:s26+$0x8C10];
	_ =	sdelay $0x2  }
0x188: {  	v2 =	vadd.f32 v49, v2;
	_ =	sdelay $0x1  }
0x189: {  	v2 =	vsub.f32 v2, v50;
	_ =	sdelay $0x1  }
0x18a: {  	v51 =	vld [tilespmem:s24+$0x10C20];
	[tilespmem:s24+$0x11C10] =	vst v2  }
0x18b: {  	v2 =	vld [tilespmem:s30+$0xC20];
	_ =	sdelay $0x1  }
0x18c: {  	(v2sf) =	vpush v0, $0x8;
	v52 =	vld [tilespmem:s26+$0x8C20];
	_ =	sdelay $0x2  }
0x18d: {  	(v2sf) =	vpush v1, $0x8;
	v2 =	vadd.f32 v51, v2;
	_ =	sdelay $0x1  }
0x18e: {  	v2 =	vsub.f32 v2, v52;
	_ =	sdelay $0x1  }
0x18f: {  	v53 =	vld [tilespmem:s24+$0x10C30];
	[tilespmem:s24+$0x11C20] =	vst v2  }
0x190: {  	v2 =	vld [tilespmem:s30+$0xC30];
	_ =	sdelay $0x1  }
0x191: {  	v54 =	vld [tilespmem:s26+$0x8C30];
	_ =	sdelay $0x2  }
0x192: {  	v2 =	vadd.f32 v53, v2;
	_ =	sdelay $0x1  }
0x193: {  	s29 =	spop (v2sf);
	s25 =	sor.u32 $0x8, s23;
	v2 =	vsub.f32 v2, v54  }
0x194: {  	s30 =	sshll.u32 s25, $0xA;
	s26 =	sand.u32 $0x380, s29  }
0x195: {  	s31 =	sor.u32 s26, s30;
	[tilespmem:s24+$0x11C30] =	vst v2  }
0x196: {  	s25 =	sshll.u32 s25, $0x7;
	s29 =	spop (v2sf);
	v2 =	vld [tilespmem:s31+$0xC00]  }
0x197: {  	s26 =	sand.u32 $0x380, s29;
	v55 =	vld [tilespmem:s25+$0x10C00]  }
0x198: {  	s26 =	sor.u32 s26, s30  }
0x199: {  	v56 =	vld [tilespmem:s26+$0x8C00];
	_ =	sdelay $0x2  }
0x19a: {  	v2 =	vadd.f32 v55, v2;
	_ =	sdelay $0x1  }
0x19b: {  	v2 =	vsub.f32 v2, v56;
	_ =	sdelay $0x1  }
0x19c: {  	v57 =	vld [tilespmem:s25+$0x10C10];
	[tilespmem:s25+$0x11C00] =	vst v2  }
0x19d: {  	v2 =	vld [tilespmem:s31+$0xC10];
	_ =	sdelay $0x1  }
0x19e: {  	v58 =	vld [tilespmem:s26+$0x8C10];
	_ =	sdelay $0x2  }
0x19f: {  	v2 =	vadd.f32 v57, v2;
	_ =	sdelay $0x1  }
0x1a0: {  	v2 =	vsub.f32 v2, v58;
	_ =	sdelay $0x1  }
0x1a1: {  	v59 =	vld [tilespmem:s25+$0x10C20];
	[tilespmem:s25+$0x11C10] =	vst v2  }
0x1a2: {  	v2 =	vld [tilespmem:s31+$0xC20];
	_ =	sdelay $0x1  }
0x1a3: {  	(v2sf) =	vpush v0, $0x9;
	v60 =	vld [tilespmem:s26+$0x8C20];
	_ =	sdelay $0x2  }
0x1a4: {  	(v2sf) =	vpush v1, $0x9;
	v2 =	vadd.f32 v59, v2;
	_ =	sdelay $0x1  }
0x1a5: {  	v2 =	vsub.f32 v2, v60;
	_ =	sdelay $0x1  }
0x1a6: {  	v61 =	vld [tilespmem:s25+$0x10C30];
	[tilespmem:s25+$0x11C20] =	vst v2  }
0x1a7: {  	v2 =	vld [tilespmem:s31+$0xC30];
	_ =	sdelay $0x1  }
0x1a8: {  	v62 =	vld [tilespmem:s26+$0x8C30];
	_ =	sdelay $0x2  }
0x1a9: {  	v2 =	vadd.f32 v61, v2;
	_ =	sdelay $0x1  }
0x1aa: {  	s30 =	spop (v2sf);
	s24 =	sor.u32 $0x9, s23;
	v2 =	vsub.f32 v2, v62  }
0x1ab: {  	s31 =	sshll.u32 s24, $0xA;
	s26 =	sand.u32 $0x380, s30  }
0x1ac: {  	s29 =	sor.u32 s26, s31;
	[tilespmem:s25+$0x11C30] =	vst v2  }
0x1ad: {  	s24 =	sshll.u32 s24, $0x7;
	s30 =	spop (v2sf);
	v2 =	vld [tilespmem:s29+$0xC00]  }
0x1ae: {  	s26 =	sand.u32 $0x380, s30;
	v63 =	vld [tilespmem:s24+$0x10C00]  }
0x1af: {  	s26 =	sor.u32 s26, s31  }
0x1b0: {  	v8 =	vld [tilespmem:s26+$0x8C00];
	_ =	sdelay $0x2  }
0x1b1: {  	v2 =	vadd.f32 v63, v2;
	_ =	sdelay $0x1  }
0x1b2: {  	v2 =	vsub.f32 v2, v8;
	_ =	sdelay $0x1  }
0x1b3: {  	v9 =	vld [tilespmem:s24+$0x10C10];
	[tilespmem:s24+$0x11C00] =	vst v2  }
0x1b4: {  	v2 =	vld [tilespmem:s29+$0xC10];
	_ =	sdelay $0x1  }
0x1b5: {  	v10 =	vld [tilespmem:s26+$0x8C10];
	_ =	sdelay $0x2  }
0x1b6: {  	v2 =	vadd.f32 v9, v2;
	_ =	sdelay $0x1  }
0x1b7: {  	v2 =	vsub.f32 v2, v10;
	_ =	sdelay $0x1  }
0x1b8: {  	v11 =	vld [tilespmem:s24+$0x10C20];
	[tilespmem:s24+$0x11C10] =	vst v2  }
0x1b9: {  	v2 =	vld [tilespmem:s29+$0xC20];
	_ =	sdelay $0x1  }
0x1ba: {  	(v2sf) =	vpush v0, $0xA;
	v12 =	vld [tilespmem:s26+$0x8C20];
	_ =	sdelay $0x2  }
0x1bb: {  	(v2sf) =	vpush v1, $0xA;
	v2 =	vadd.f32 v11, v2;
	_ =	sdelay $0x1  }
0x1bc: {  	v2 =	vsub.f32 v2, v12;
	_ =	sdelay $0x1  }
0x1bd: {  	v13 =	vld [tilespmem:s24+$0x10C30];
	[tilespmem:s24+$0x11C20] =	vst v2  }
0x1be: {  	v2 =	vld [tilespmem:s29+$0xC30];
	_ =	sdelay $0x1  }
0x1bf: {  	v14 =	vld [tilespmem:s26+$0x8C30];
	_ =	sdelay $0x2  }
0x1c0: {  	v2 =	vadd.f32 v13, v2;
	_ =	sdelay $0x1  }
0x1c1: {  	s31 =	spop (v2sf);
	s25 =	sor.u32 $0xA, s23;
	v2 =	vsub.f32 v2, v14  }
0x1c2: {  	s29 =	sshll.u32 s25, $0xA;
	s26 =	sand.u32 $0x380, s31  }
0x1c3: {  	s30 =	sor.u32 s26, s29;
	[tilespmem:s24+$0x11C30] =	vst v2  }
0x1c4: {  	s25 =	sshll.u32 s25, $0x7;
	s31 =	spop (v2sf);
	v2 =	vld [tilespmem:s30+$0xC00]  }
0x1c5: {  	s26 =	sand.u32 $0x380, s31;
	v15 =	vld [tilespmem:s25+$0x10C00]  }
0x1c6: {  	s26 =	sor.u32 s26, s29  }
0x1c7: {  	v16 =	vld [tilespmem:s26+$0x8C00];
	_ =	sdelay $0x2  }
0x1c8: {  	v2 =	vadd.f32 v15, v2;
	_ =	sdelay $0x1  }
0x1c9: {  	v2 =	vsub.f32 v2, v16;
	_ =	sdelay $0x1  }
0x1ca: {  	v17 =	vld [tilespmem:s25+$0x10C10];
	[tilespmem:s25+$0x11C00] =	vst v2  }
0x1cb: {  	v2 =	vld [tilespmem:s30+$0xC10];
	_ =	sdelay $0x1  }
0x1cc: {  	v18 =	vld [tilespmem:s26+$0x8C10];
	_ =	sdelay $0x2  }
0x1cd: {  	v2 =	vadd.f32 v17, v2;
	_ =	sdelay $0x1  }
0x1ce: {  	v2 =	vsub.f32 v2, v18;
	_ =	sdelay $0x1  }
0x1cf: {  	v19 =	vld [tilespmem:s25+$0x10C20];
	[tilespmem:s25+$0x11C10] =	vst v2  }
0x1d0: {  	v2 =	vld [tilespmem:s30+$0xC20];
	_ =	sdelay $0x1  }
0x1d1: {  	(v2sf) =	vpush v0, $0xB;
	v20 =	vld [tilespmem:s26+$0x8C20];
	_ =	sdelay $0x2  }
0x1d2: {  	(v2sf) =	vpush v1, $0xB;
	v2 =	vadd.f32 v19, v2;
	_ =	sdelay $0x1  }
0x1d3: {  	v2 =	vsub.f32 v2, v20;
	_ =	sdelay $0x1  }
0x1d4: {  	v21 =	vld [tilespmem:s25+$0x10C30];
	[tilespmem:s25+$0x11C20] =	vst v2  }
0x1d5: {  	v2 =	vld [tilespmem:s30+$0xC30];
	_ =	sdelay $0x1  }
0x1d6: {  	v22 =	vld [tilespmem:s26+$0x8C30];
	_ =	sdelay $0x2  }
0x1d7: {  	v2 =	vadd.f32 v21, v2;
	_ =	sdelay $0x1  }
0x1d8: {  	s29 =	spop (v2sf);
	s24 =	sor.u32 $0xB, s23;
	v2 =	vsub.f32 v2, v22  }
0x1d9: {  	s30 =	sshll.u32 s24, $0xA;
	s26 =	sand.u32 $0x380, s29  }
0x1da: {  	s31 =	sor.u32 s26, s30;
	[tilespmem:s25+$0x11C30] =	vst v2  }
0x1db: {  	s24 =	sshll.u32 s24, $0x7;
	s29 =	spop (v2sf);
	v2 =	vld [tilespmem:s31+$0xC00]  }
0x1dc: {  	s26 =	sand.u32 $0x380, s29;
	v23 =	vld [tilespmem:s24+$0x10C00]  }
0x1dd: {  	s26 =	sor.u32 s26, s30  }
0x1de: {  	v24 =	vld [tilespmem:s26+$0x8C00];
	_ =	sdelay $0x2  }
0x1df: {  	v2 =	vadd.f32 v23, v2;
	_ =	sdelay $0x1  }
0x1e0: {  	v2 =	vsub.f32 v2, v24;
	_ =	sdelay $0x1  }
0x1e1: {  	v25 =	vld [tilespmem:s24+$0x10C10];
	[tilespmem:s24+$0x11C00] =	vst v2  }
0x1e2: {  	v2 =	vld [tilespmem:s31+$0xC10];
	_ =	sdelay $0x1  }
0x1e3: {  	v26 =	vld [tilespmem:s26+$0x8C10];
	_ =	sdelay $0x2  }
0x1e4: {  	v2 =	vadd.f32 v25, v2;
	_ =	sdelay $0x1  }
0x1e5: {  	v2 =	vsub.f32 v2, v26;
	_ =	sdelay $0x1  }
0x1e6: {  	v27 =	vld [tilespmem:s24+$0x10C20];
	[tilespmem:s24+$0x11C10] =	vst v2  }
0x1e7: {  	v2 =	vld [tilespmem:s31+$0xC20];
	_ =	sdelay $0x1  }
0x1e8: {  	(v2sf) =	vpush v0, $0xC;
	v28 =	vld [tilespmem:s26+$0x8C20];
	_ =	sdelay $0x2  }
0x1e9: {  	(v2sf) =	vpush v1, $0xC;
	v2 =	vadd.f32 v27, v2;
	_ =	sdelay $0x1  }
0x1ea: {  	v2 =	vsub.f32 v2, v28;
	_ =	sdelay $0x1  }
0x1eb: {  	v29 =	vld [tilespmem:s24+$0x10C30];
	[tilespmem:s24+$0x11C20] =	vst v2  }
0x1ec: {  	v2 =	vld [tilespmem:s31+$0xC30];
	_ =	sdelay $0x1  }
0x1ed: {  	v30 =	vld [tilespmem:s26+$0x8C30];
	_ =	sdelay $0x2  }
0x1ee: {  	v2 =	vadd.f32 v29, v2;
	_ =	sdelay $0x1  }
0x1ef: {  	s30 =	spop (v2sf);
	s25 =	sor.u32 $0xC, s23;
	v2 =	vsub.f32 v2, v30  }
0x1f0: {  	s31 =	sshll.u32 s25, $0xA;
	s26 =	sand.u32 $0x380, s30  }
0x1f1: {  	s29 =	sor.u32 s26, s31;
	[tilespmem:s24+$0x11C30] =	vst v2  }
0x1f2: {  	s25 =	sshll.u32 s25, $0x7;
	s30 =	spop (v2sf);
	v2 =	vld [tilespmem:s29+$0xC00]  }
0x1f3: {  	s26 =	sand.u32 $0x380, s30;
	v31 =	vld [tilespmem:s25+$0x10C00]  }
0x1f4: {  	s26 =	sor.u32 s26, s31  }
0x1f5: {  	v32 =	vld [tilespmem:s26+$0x8C00];
	_ =	sdelay $0x2  }
0x1f6: {  	v2 =	vadd.f32 v31, v2;
	_ =	sdelay $0x1  }
0x1f7: {  	v2 =	vsub.f32 v2, v32;
	_ =	sdelay $0x1  }
0x1f8: {  	v33 =	vld [tilespmem:s25+$0x10C10];
	[tilespmem:s25+$0x11C00] =	vst v2  }
0x1f9: {  	v2 =	vld [tilespmem:s29+$0xC10];
	_ =	sdelay $0x1  }
0x1fa: {  	v34 =	vld [tilespmem:s26+$0x8C10];
	_ =	sdelay $0x2  }
0x1fb: {  	v2 =	vadd.f32 v33, v2;
	_ =	sdelay $0x1  }
0x1fc: {  	v2 =	vsub.f32 v2, v34;
	_ =	sdelay $0x1  }
0x1fd: {  	v35 =	vld [tilespmem:s25+$0x10C20];
	[tilespmem:s25+$0x11C10] =	vst v2  }
0x1fe: {  	v2 =	vld [tilespmem:s29+$0xC20];
	_ =	sdelay $0x1  }
0x1ff: {  	(v2sf) =	vpush v0, $0xD;
	v36 =	vld [tilespmem:s26+$0x8C20];
	_ =	sdelay $0x2  }
0x200: {  	(v2sf) =	vpush v1, $0xD;
	v2 =	vadd.f32 v35, v2;
	_ =	sdelay $0x1  }
0x201: {  	v2 =	vsub.f32 v2, v36;
	_ =	sdelay $0x1  }
0x202: {  	v37 =	vld [tilespmem:s25+$0x10C30];
	[tilespmem:s25+$0x11C20] =	vst v2  }
0x203: {  	v2 =	vld [tilespmem:s29+$0xC30];
	_ =	sdelay $0x1  }
0x204: {  	v38 =	vld [tilespmem:s26+$0x8C30];
	_ =	sdelay $0x2  }
0x205: {  	v2 =	vadd.f32 v37, v2;
	_ =	sdelay $0x1  }
0x206: {  	s31 =	spop (v2sf);
	s24 =	sor.u32 $0xD, s23;
	v2 =	vsub.f32 v2, v38  }
0x207: {  	s29 =	sshll.u32 s24, $0xA;
	s26 =	sand.u32 $0x380, s31  }
0x208: {  	s30 =	sor.u32 s26, s29;
	[tilespmem:s25+$0x11C30] =	vst v2  }
0x209: {  	s24 =	sshll.u32 s24, $0x7;
	s31 =	spop (v2sf);
	v2 =	vld [tilespmem:s30+$0xC00]  }
0x20a: {  	s26 =	sand.u32 $0x380, s31;
	v39 =	vld [tilespmem:s24+$0x10C00]  }
0x20b: {  	s26 =	sor.u32 s26, s29  }
0x20c: {  	v40 =	vld [tilespmem:s26+$0x8C00];
	_ =	sdelay $0x2  }
0x20d: {  	v2 =	vadd.f32 v39, v2;
	_ =	sdelay $0x1  }
0x20e: {  	v2 =	vsub.f32 v2, v40;
	_ =	sdelay $0x1  }
0x20f: {  	v41 =	vld [tilespmem:s24+$0x10C10];
	[tilespmem:s24+$0x11C00] =	vst v2  }
0x210: {  	v2 =	vld [tilespmem:s30+$0xC10];
	_ =	sdelay $0x1  }
0x211: {  	v42 =	vld [tilespmem:s26+$0x8C10];
	_ =	sdelay $0x2  }
0x212: {  	v2 =	vadd.f32 v41, v2;
	_ =	sdelay $0x1  }
0x213: {  	v2 =	vsub.f32 v2, v42;
	_ =	sdelay $0x1  }
0x214: {  	v43 =	vld [tilespmem:s24+$0x10C20];
	[tilespmem:s24+$0x11C10] =	vst v2  }
0x215: {  	v2 =	vld [tilespmem:s30+$0xC20];
	_ =	sdelay $0x1  }
0x216: {  	(v2sf) =	vpush v0, $0xE;
	v44 =	vld [tilespmem:s26+$0x8C20];
	_ =	sdelay $0x2  }
0x217: {  	(v2sf) =	vpush v1, $0xE;
	v2 =	vadd.f32 v43, v2;
	_ =	sdelay $0x1  }
0x218: {  	v2 =	vsub.f32 v2, v44;
	_ =	sdelay $0x1  }
0x219: {  	v45 =	vld [tilespmem:s24+$0x10C30];
	[tilespmem:s24+$0x11C20] =	vst v2  }
0x21a: {  	v2 =	vld [tilespmem:s30+$0xC30];
	_ =	sdelay $0x1  }
0x21b: {  	v46 =	vld [tilespmem:s26+$0x8C30];
	_ =	sdelay $0x2  }
0x21c: {  	v2 =	vadd.f32 v45, v2;
	_ =	sdelay $0x1  }
0x21d: {  	s23 =	sor.u32 $0xE, s23;
	s28 =	spop (v2sf);
	v2 =	vsub.f32 v2, v46  }
0x21e: {  	s29 =	sshll.u32 s23, $0xA;
	s25 =	sand.u32 $0x380, s28  }
0x21f: {  	s30 =	sor.u32 s25, s29;
	[tilespmem:s24+$0x11C30] =	vst v2  }
0x220: {  	s23 =	sshll.u32 s23, $0x7;
	s31 =	spop (v2sf);
	v2 =	vld [tilespmem:s30+$0xC00]  }
0x221: {  	s25 =	sand.u32 $0x380, s31;
	v47 =	vld [tilespmem:s23+$0x10C00]  }
0x222: {  	s25 =	sor.u32 s25, s29  }
0x223: {  	v48 =	vld [tilespmem:s25+$0x8C00];
	_ =	sdelay $0x2  }
0x224: {  	v2 =	vadd.f32 v47, v2;
	_ =	sdelay $0x1  }
0x225: {  	v2 =	vsub.f32 v2, v48;
	_ =	sdelay $0x1  }
0x226: {  	v49 =	vld [tilespmem:s23+$0x10C10];
	[tilespmem:s23+$0x11C00] =	vst v2  }
0x227: {  	v2 =	vld [tilespmem:s30+$0xC10];
	_ =	sdelay $0x1  }
0x228: {  	v50 =	vld [tilespmem:s25+$0x8C10];
	_ =	sdelay $0x2  }
0x229: {  	v2 =	vadd.f32 v49, v2;
	_ =	sdelay $0x1  }
0x22a: {  	v2 =	vsub.f32 v2, v50;
	_ =	sdelay $0x1  }
0x22b: {  	v51 =	vld [tilespmem:s23+$0x10C20];
	[tilespmem:s23+$0x11C10] =	vst v2  }
0x22c: {  	v2 =	vld [tilespmem:s30+$0xC20];
	_ =	sdelay $0x1  }
0x22d: {  	(v2sf) =	vpush v0, $0xF;
	v52 =	vld [tilespmem:s25+$0x8C20];
	_ =	sdelay $0x2  }
0x22e: {  	(v2sf) =	vpush v1, $0xF;
	v53 =	vadd.f32 v51, v2;
	_ =	sdelay $0x1  }
0x22f: {  	v0 =	vsub.f32 v53, v52;
	_ =	sdelay $0x1  }
0x230: {  	v54 =	vld [tilespmem:s23+$0x10C30];
	[tilespmem:s23+$0x11C20] =	vst v0  }
0x231: {  	v0 =	vld [tilespmem:s30+$0xC30];
	_ =	sdelay $0x1  }
0x232: {  	v55 =	vld [tilespmem:s25+$0x8C30];
	_ =	sdelay $0x2  }
0x233: {  	v0 =	vadd.f32 v54, v0;
	_ =	sdelay $0x1  }
0x234: {  	s28 =	sshllo.u32 s22, $0x4;
	s26 =	spop (v2sf);
	v0 =	vsub.f32 v0, v55  }
0x235: {  	s29 =	sshll.u32 s28, $0xA;
	s24 =	sand.u32 $0x380, s26  }
0x236: {  	s30 =	sor.u32 s24, s29;
	[tilespmem:s23+$0x11C30] =	vst v0  }
0x237: {  	s22 =	sshll.u32 s28, $0x7;
	s31 =	spop (v2sf);
	v0 =	vld [tilespmem:s30+$0xC00]  }
0x238: {  	s24 =	sand.u32 $0x380, s31;
	v56 =	vld [tilespmem:s22+$0x10C00]  }
0x239: {  	s24 =	sor.u32 s24, s29  }
0x23a: {  	v57 =	vld [tilespmem:s24+$0x8C00];
	_ =	sdelay $0x2  }
0x23b: {  	v0 =	vadd.f32 v56, v0;
	_ =	sdelay $0x1  }
0x23c: {  	v0 =	vsub.f32 v0, v57;
	_ =	sdelay $0x1  }
0x23d: {  	v58 =	vld [tilespmem:s22+$0x10C10];
	[tilespmem:s22+$0x11C00] =	vst v0  }
0x23e: {  	v0 =	vld [tilespmem:s30+$0xC10];
	_ =	sdelay $0x1  }
0x23f: {  	v59 =	vld [tilespmem:s24+$0x8C10];
	_ =	sdelay $0x2  }
0x240: {  	v0 =	vadd.f32 v58, v0;
	_ =	sdelay $0x1  }
0x241: {  	v0 =	vsub.f32 v0, v59;
	_ =	sdelay $0x1  }
0x242: {  	v60 =	vld [tilespmem:s22+$0x10C20];
	[tilespmem:s22+$0x11C10] =	vst v0  }
0x243: {  	v0 =	vld [tilespmem:s30+$0xC20];
	_ =	sdelay $0x1  }
0x244: {  	v61 =	vld [tilespmem:s24+$0x8C20];
	_ =	sdelay $0x2  }
0x245: {  	v0 =	vadd.f32 v60, v0;
	_ =	sdelay $0x1  }
0x246: {  	v0 =	vsub.f32 v0, v61;
	_ =	sdelay $0x1  }
0x247: {  	v62 =	vld [tilespmem:s22+$0x10C30];
	[tilespmem:s22+$0x11C20] =	vst v0  }
0x248: {  	v0 =	vld [tilespmem:s30+$0xC30];
	_ =	sdelay $0x1  }
0x249: {  	v63 =	vld [tilespmem:s24+$0x8C30];
	_ =	sdelay $0x1  }
0x24a: {  	p1 =	por p0, p0  }
.Ltmp2:
0x24b: {  	v0 =	vadd.f32 v62, v0;
	(pc) =	sbr.rel @p1 .LBB2_6-.Ltmp2, $3  }
0x24c: {  	_ = 	snop  }
0x24d: {  	v0 =	vsub.f32 v0, v63;
	_ =	sdelay $0x1  }
0x24e: {  	p0 =	por $0x0, $0x0;
	[tilespmem:s22+$0x11C30] =	vst v0;
	s22 =	simm.s32 $0x1  }
0x24f: {  	s19 =	sadd.s32 $0x1, s19  }
0x250: {  	p0 =	sne.s32 s19, $0x10  }
.Ltmp3:
0x251: {  	s20 =	sadd.s32 s20, s8;
	(pc) =	sbr.rel @p0 .LBB2_2-.Ltmp3, $4  }
0x252: {  	[hbm4b:s20+s3] =	stream.linear.scatter [tilespmem:s17], [sflag:$0x3], $0x1000, $0x38;
	[tilespmem:$0x12C00] =	vst v63  }
0x253: {  	_ =	swait.ge [sflag:s10], $0x1000  }
0x254: {  	[sflag:s10] =	ssyncset.done $0x0  }
0x255: {  	[sflag:s10] =	ssyncadd.s32 $0xFFFFF000  }
0x256: {  	s18 =	sadd.s32 $0x1, s18  }
0x257: {  	p0 =	sne.s32 s18, s9  }
.Ltmp4:
0x258: {  	_ = 	snop;
	(pc) =	sbr.rel @p0 .LBB2_1-.Ltmp4, $1  }
0x259: {  	_ =	sdelay $0x3  }
0x25a: {  	_ =	sfence.sel $0x180000  }
0x25b: {  	[bflag:$0x0] =	sbarrier.arrive $0xFFFF  }
0x25c: {  	p0 =	sne.s32 s1, $0x0;
	_ =	strace $0x90000047  }
0x25d: {  	s0 =	sadd.s32 @!p0 $0x100000, s0;
	[bflag:$0x2] =	sbarrier.arrive $0xFFFF  }
0x25e: {  	[sflag:s0] =	ssyncadd.tile.s32 @!p0 $0x1;
	_ =	shalt  }
.Lfunc_end2:
_tile_overlayer_lowered:
.L_overlay_start_2:
0x25f: {  	(tag) =	ssettag $0x2  }
0x260: {  	s0 =	rddreg [dreg:$0x0];
	s2 =	stileid.u32  }
0x261: {  	s1 =	rddreg [dreg:$0x1];
	p0 =	sne.s32 s2, $0x0  }
0x262: {  	s3 =	rddreg [dreg:$0x2];
	[bflag:$0x3] =	sbarrier.arrive $0xFFFF;
	s2 =	simm.s32 @!p0 $0x1C03  }
0x263: {  	[timem:s3], [sflag:s2] =	dma.local @!p0 [hbm:s0], s1  }
0x264: {  	s0 =	simm.s32 @!p0 $0x3  }
0x265: {  	_ =	swait.ge @!p0 [sflag:s0], s1  }
0x266: {  	s1 =	ssub.s32 @!p0 $0x0, s1;
	[sflag:s0] =	ssyncset.done @!p0 $0x0  }
0x267: {  	[sflag:s0] =	ssyncadd.s32 @!p0 s1  }
0x268: {  	[bflag:$0x3] =	sbarrier.arrive $0xFFFF  }
0x269: {  	_ =	shalt  }

</sc_bundles>
